<compile_context>
chip_gen: v7x
topology: tpu7x:2x2x1
jax: 0.10.2.dev20260603
libtpu: 0.0.44.dev20260713+nightly
codegen_flags: <defaults>
</compile_context>

<pallas_src>
import functools

import jax
import jax.numpy as jnp
from jax import lax
from jax.experimental import pallas as pl
from jax.experimental.pallas import tpu as pltpu
from jax.experimental.pallas import tpu_sc as plsc

N = 10000
D = 128
E = 320000
NC = 2
NS = 16
NW = NC * NS
EPT = E // NW
K = 80
NSEG = 5
RS = (EPT // K) // NSEG
NROW = 10240
ROWS_PT = NROW // NS
ZCH = 128
NPAD = 10240
DEG_CH = NPAD // NS

_SC_MESH = plsc.VectorSubcoreMesh(core_axis_name="c", subcore_axis_name="s")


@functools.partial(
    pl.kernel,
    out_type=jax.ShapeDtypeStruct((NC, NPAD), jnp.float32),
    mesh=_SC_MESH,
    scratch_types=[
        pltpu.VMEM((RS, K), jnp.int32),
        pltpu.VMEM((K,), jnp.float32),
        pltpu.VMEM((DEG_CH,), jnp.float32),
        pltpu.SemaphoreType.DMA,
        pltpu.VMEM_SHARED((NPAD,), jnp.float32),
    ],
)
def _deg_kernel(dst_hbm, out_hbm, dst_v, ones_v, zeros_v, ssem, deg_sh):
    cid = lax.axis_index("c")
    sid = lax.axis_index("s")

    for i in range(K // 16):
        ones_v[pl.ds(i * 16, 16)] = jnp.ones((16,), jnp.float32)

    def _zb(i, carry):
        zeros_v[pl.ds(i * 16, 16)] = jnp.zeros((16,), jnp.float32)
        return carry

    lax.fori_loop(0, DEG_CH // 16, _zb, 0)
    pltpu.sync_copy(zeros_v, deg_sh.at[pl.ds(sid * DEG_CH, DEG_CH)])
    plsc.subcore_barrier()

    def _fire(j, carry):
        pltpu.async_copy(ones_v, deg_sh.at[dst_v.at[j]], ssem, add=True)
        return carry

    def _drain(j, carry):
        pltpu.make_async_copy(ones_v, deg_sh.at[dst_v.at[0]], ssem).wait()
        return carry

    for seg in range(NSEG):
        pltpu.sync_copy(dst_hbm.at[cid, sid, seg], dst_v)
        lax.fori_loop(0, RS, _fire, 0)
        lax.fori_loop(0, RS, _drain, 0)
    plsc.subcore_barrier()
    pltpu.sync_copy(
        deg_sh.at[pl.ds(sid * DEG_CH, DEG_CH)],
        out_hbm.at[cid, pl.ds(sid * DEG_CH, DEG_CH)],
    )


@functools.partial(
    pl.kernel,
    out_type=jax.ShapeDtypeStruct((NC, NROW, D), jnp.float32),
    mesh=_SC_MESH,
    scratch_types=[
        pltpu.VMEM((RS, K), jnp.int32),
        pltpu.VMEM((RS, K), jnp.int32),
        pltpu.VMEM((K, D), jnp.float32),
        pltpu.VMEM((K, D), jnp.float32),
        pltpu.SemaphoreType.DMA,
        pltpu.SemaphoreType.DMA,
        pltpu.VMEM_SHARED((NROW, D), jnp.float32),
    ],
)
def _edge_kernel(src_hbm, dst_hbm, g_hbm, out_hbm,
                 src_v, dst_v, rows0, rows1, sem0, sem1, acc_sh):
    cid = lax.axis_index("c")
    sid = lax.axis_index("s")

    def _zb(i, carry):
        rows0[i // 8, pl.ds((i % 8) * 16, 16)] = jnp.zeros((16,), jnp.float32)
        return carry

    lax.fori_loop(0, K * (D // 16), _zb, 0)
    for c in range(ROWS_PT // 80):
        pltpu.sync_copy(rows0.at[pl.ds(0, 80)],
                        acc_sh.at[pl.ds(sid * ROWS_PT + c * 80, 80)])
    plsc.subcore_barrier()

    rows = (rows0, rows1)
    sems = (sem0, sem1)
    for seg in range(NSEG):
        pltpu.sync_copy(src_hbm.at[cid, sid, seg], src_v)
        pltpu.sync_copy(dst_hbm.at[cid, sid, seg], dst_v)
        pltpu.async_copy(g_hbm.at[src_v.at[0]], rows0, sem0)
        pltpu.async_copy(g_hbm.at[src_v.at[1]], rows1, sem1)

        def _pair(j2, carry):
            j = j2 * 2
            for b in range(2):
                jb = j + b
                pltpu.make_async_copy(
                    g_hbm.at[src_v.at[jb]], rows[b], sems[b]).wait()
                pltpu.sync_copy(rows[b], acc_sh.at[dst_v.at[jb]], add=True)

                @pl.when(jb + 2 < RS)
                def _():
                    pltpu.async_copy(
                        g_hbm.at[src_v.at[jb + 2]], rows[b], sems[b])
            return carry

        lax.fori_loop(0, RS // 2, _pair, 0)
        if RS % 2:
            pltpu.make_async_copy(
                g_hbm.at[src_v.at[RS - 1]], rows0, sem0).wait()
            pltpu.sync_copy(rows0, acc_sh.at[dst_v.at[RS - 1]], add=True)
    plsc.subcore_barrier()
    for c in range(ROWS_PT // ZCH):
        off = sid * ROWS_PT + c * ZCH
        pltpu.sync_copy(acc_sh.at[pl.ds(off, ZCH)],
                        out_hbm.at[cid, pl.ds(off, ZCH)])


def _mmscale_body(degt_ref, x_ref, w_ref, g_ref, dinv_ref):
    deg = degt_ref[:, 0:1] + degt_ref[:, 1:2] + 1.0
    dinv = lax.rsqrt(deg)
    dinv_ref[...] = dinv
    h = lax.dot_general(
        x_ref[...], w_ref[...], (((1,), (1,)), ((), ())),
        preferred_element_type=jnp.float32)
    g_ref[...] = dinv * h


def _final_body(acc_ref, g_ref, dinv_ref, b_ref, o_ref):
    o_ref[...] = dinv_ref[...] * (acc_ref[0] + acc_ref[1] + g_ref[...]) \
        + b_ref[...]


_RB = 1000
_GRID = N // _RB


def kernel(x, edge_index, W, b):
    src = edge_index[0].reshape(NC, NS, NSEG, RS, K)
    dst = edge_index[1].reshape(NC, NS, NSEG, RS, K)

    degp = _deg_kernel(dst)
    degt = degp[:, :N].T

    g, dinv = pl.pallas_call(
        _mmscale_body,
        grid=(_GRID,),
        in_specs=[
            pl.BlockSpec((_RB, 2), lambda i: (i, 0)),
            pl.BlockSpec((_RB, D), lambda i: (i, 0)),
            pl.BlockSpec((D, D), lambda i: (0, 0)),
        ],
        out_specs=[
            pl.BlockSpec((_RB, D), lambda i: (i, 0)),
            pl.BlockSpec((_RB, 1), lambda i: (i, 0)),
        ],
        out_shape=[
            jax.ShapeDtypeStruct((N, D), jnp.float32),
            jax.ShapeDtypeStruct((N, 1), jnp.float32),
        ],
    )(degt, x, W)

    acc = _edge_kernel(src, dst, g)

    out = pl.pallas_call(
        _final_body,
        grid=(_GRID,),
        in_specs=[
            pl.BlockSpec((NC, _RB, D), lambda i: (0, i, 0)),
            pl.BlockSpec((_RB, D), lambda i: (i, 0)),
            pl.BlockSpec((_RB, 1), lambda i: (i, 0)),
            pl.BlockSpec((1, D), lambda i: (0, 0)),
        ],
        out_specs=pl.BlockSpec((_RB, D), lambda i: (i, 0)),
        out_shape=jax.ShapeDtypeStruct((N, D), jnp.float32),
    )(acc, g, dinv, b.reshape(1, D))

    return out

# --- scband reference (transcript-rebuilt; emitter-appended) ---
"""Pipeline reference for scband-gaeenc-73933567033762 (READ-ONLY COPY).

The authoritative reference and input builder live on the scoring server;
editing this copy changes nothing except your own understanding.
"""

import jax, jax.numpy as jnp
import numpy as np

N = 10000
E = 320000
D_IN = 128
D_OUT = 128

def setup_inputs(seed: int = 0):
    key = jax.random.key(seed)
    k1, k2, k3 = jax.random.split(key, 3)
    x = jax.random.normal(k1, (N, D_IN), dtype=jnp.float32)
    edge_index = jax.random.randint(k2, (2, E), 0, N, dtype=jnp.int32)
    # GCNConv linear weight (PyG stores as [out_features, in_features]) and bias
    W = jax.random.normal(k3, (D_OUT, D_IN), dtype=jnp.float32) * (1.0 / np.sqrt(D_IN))
    b = jnp.zeros((D_OUT,), dtype=jnp.float32)
    return {"x": x, "edge_index": edge_index, "W": W, "b": b}

def reference(x, edge_index, W, b):
    # Faithful GCNConv forward (self-loops + symmetric normalization):
    # out[i] = sum_{j in N(i) u {i}} deg^{-1/2}[i] * deg^{-1/2}[j] * (x[j] @ W.T) + b
    n = x.shape[0]
    loop = jnp.arange(n, dtype=edge_index.dtype)
    src = jnp.concatenate([edge_index[0], loop])
    dst = jnp.concatenate([edge_index[1], loop])
    deg = jnp.zeros((n,), dtype=x.dtype).at[dst].add(1.0)
    deg_inv_sqrt = jnp.where(deg > 0, jax.lax.rsqrt(jnp.maximum(deg, 1e-12)), 0.0)
    norm = deg_inv_sqrt[src] * deg_inv_sqrt[dst]
    h = x @ W.T
    msg = h[src] * norm[:, None]
    out = jnp.zeros((n, W.shape[0]), dtype=x.dtype).at[dst].add(msg)
    return out + b

if __name__ == "__main__":
    import jax
    _d = setup_inputs()
    print(jax.jit(kernel)(*tuple(_d.values())))

</pallas_src>

<mosaic_0001>
#map = affine_map<(d0, d1) -> (0, 0, 0, 0, 0)>
#map1 = affine_map<(d0, d1) -> (0, 0)>
module attributes {stable_mosaic.version = 14 : i64} {
  func.func @_deg_kernel(%arg0: i32, %arg1: i32, %arg2: memref<2x16x5x25x80xi32, #tpu.memory_space<hbm>>, %arg3: memref<2x10240xf32, #tpu.memory_space<hbm>>, %arg4: memref<25x80xi32, #tpu.memory_space<vmem>>, %arg5: memref<80xf32, #tpu.memory_space<vmem>>, %arg6: memref<640xf32, #tpu.memory_space<vmem>>, %arg7: memref<!tpu.dma_semaphore, #tpu.memory_space<semaphore_mem>>, %arg8: memref<10240xf32, #tpu.memory_space<vmem_shared>>) attributes {dimension_semantics = [#tpu.dimension_semantics<core_parallel>, #tpu.dimension_semantics<subcore_parallel>], iteration_bounds = array<i64: 2, 16>, scalar_prefetch = 0 : i64, scratch_operands = 5 : i64, tpu.core_type = #tpu.core_type<sc_vector_subcore>, window_params = [{transform_indices = #map}, {transform_indices = #map1}]} {
    %broadcast_in_dim3A = arith.constant 1.000000e+00 : f32
    %broadcast_in_dim3A_0 = vector.broadcast %broadcast_in_dim3A : f32 to vector<16xf32>
    %swap3A = arith.constant 0 : index
    %swap3A_1 = tpu.vector_load %arg5[%swap3A] {strides = array<i32>} : memref<80xf32, #tpu.memory_space<vmem>>, vector<16xf32>,
    %swap3A_2 = vector.shape_cast %swap3A_1 : vector<16xf32> to vector<16xf32>
    %swap3A_3 = vector.shape_cast %broadcast_in_dim3A_0 : vector<16xf32> to vector<16xf32>
    tpu.vector_store %arg5[%swap3A], %swap3A_3 {strides = array<i32>} : memref<80xf32, #tpu.memory_space<vmem>>, vector<16xf32>,
    %broadcast_in_dim3A_4 = arith.constant 1.000000e+00 : f32
    %broadcast_in_dim3A_5 = vector.broadcast %broadcast_in_dim3A_4 : f32 to vector<16xf32>
    %swap3A_6 = arith.constant 16 : index
    %swap3A_7 = tpu.vector_load %arg5[%swap3A_6] {strides = array<i32>} : memref<80xf32, #tpu.memory_space<vmem>>, vector<16xf32>,
    %swap3A_8 = vector.shape_cast %swap3A_7 : vector<16xf32> to vector<16xf32>
    %swap3A_9 = vector.shape_cast %broadcast_in_dim3A_5 : vector<16xf32> to vector<16xf32>
    tpu.vector_store %arg5[%swap3A_6], %swap3A_9 {strides = array<i32>} : memref<80xf32, #tpu.memory_space<vmem>>, vector<16xf32>,
    %broadcast_in_dim3A_10 = arith.constant 1.000000e+00 : f32
    %broadcast_in_dim3A_11 = vector.broadcast %broadcast_in_dim3A_10 : f32 to vector<16xf32>
    %swap3A_12 = arith.constant 32 : index
    %swap3A_13 = tpu.vector_load %arg5[%swap3A_12] {strides = array<i32>} : memref<80xf32, #tpu.memory_space<vmem>>, vector<16xf32>,
    %swap3A_14 = vector.shape_cast %swap3A_13 : vector<16xf32> to vector<16xf32>
    %swap3A_15 = vector.shape_cast %broadcast_in_dim3A_11 : vector<16xf32> to vector<16xf32>
    tpu.vector_store %arg5[%swap3A_12], %swap3A_15 {strides = array<i32>} : memref<80xf32, #tpu.memory_space<vmem>>, vector<16xf32>,
    %broadcast_in_dim3A_16 = arith.constant 1.000000e+00 : f32
    %broadcast_in_dim3A_17 = vector.broadcast %broadcast_in_dim3A_16 : f32 to vector<16xf32>
    %swap3A_18 = arith.constant 48 : index
    %swap3A_19 = tpu.vector_load %arg5[%swap3A_18] {strides = array<i32>} : memref<80xf32, #tpu.memory_space<vmem>>, vector<16xf32>,
    %swap3A_20 = vector.shape_cast %swap3A_19 : vector<16xf32> to vector<16xf32>
    %swap3A_21 = vector.shape_cast %broadcast_in_dim3A_17 : vector<16xf32> to vector<16xf32>
    tpu.vector_store %arg5[%swap3A_18], %swap3A_21 {strides = array<i32>} : memref<80xf32, #tpu.memory_space<vmem>>, vector<16xf32>,
    %broadcast_in_dim3A_22 = arith.constant 1.000000e+00 : f32
    %broadcast_in_dim3A_23 = vector.broadcast %broadcast_in_dim3A_22 : f32 to vector<16xf32>
    %swap3A_24 = arith.constant 64 : index
    %swap3A_25 = tpu.vector_load %arg5[%swap3A_24] {strides = array<i32>} : memref<80xf32, #tpu.memory_space<vmem>>, vector<16xf32>,
    %swap3A_26 = vector.shape_cast %swap3A_25 : vector<16xf32> to vector<16xf32>
    %swap3A_27 = vector.shape_cast %broadcast_in_dim3A_23 : vector<16xf32> to vector<16xf32>
    tpu.vector_store %arg5[%swap3A_24], %swap3A_27 {strides = array<i32>} : memref<80xf32, #tpu.memory_space<vmem>>, vector<16xf32>,
    %scan3A = arith.constant 0 : i32
    %scan3A_28 = arith.constant 0 : i32
    %scan3A_29 = arith.constant 40 : i32
    %scan3A_30 = arith.addi %scan3A_28, %scan3A_29 : i32
    %scan3A_31 = arith.constant 1 : i32
    scf.for %scan3A_103 = %scan3A_28 to %scan3A_30 step %scan3A_31  : i32 {
      %broadcast_in_dim3A_104 = arith.constant 0.000000e+00 : f32
      %broadcast_in_dim3A_105 = vector.broadcast %broadcast_in_dim3A_104 : f32 to vector<16xf32>
      %mul3A_106 = arith.constant 16 : i32
      %mul3A_107 = arith.muli %scan3A_103, %mul3A_106 : i32
      %swap3A_108 = arith.index_cast %mul3A_107 : i32 to index
      %swap3A_109 = tpu.vector_load %arg6[%swap3A_108] {strides = array<i32>} : memref<640xf32, #tpu.memory_space<vmem>>, vector<16xf32>,
      %swap3A_110 = vector.shape_cast %swap3A_109 : vector<16xf32> to vector<16xf32>
      %swap3A_111 = vector.shape_cast %broadcast_in_dim3A_105 : vector<16xf32> to vector<16xf32>
      tpu.vector_store %arg6[%swap3A_108], %swap3A_111 {strides = array<i32>} : memref<640xf32, #tpu.memory_space<vmem>>, vector<16xf32>,
    }
    %scan3A_32 = arith.constant 40 : i32
    %mul3A = arith.constant 640 : i32
    %mul3A_33 = arith.muli %arg1, %mul3A : i32
    "tpu.region"() ({
      %run_scoped3A_103 = tpu.sem_alloc : memref<!tpu.dma_semaphore, #tpu.memory_space<semaphore_mem>>
      %dma_start3A = tpu.memref_slice %arg8[%mul3A_33] : memref<10240xf32, #tpu.memory_space<vmem_shared>> -> memref<640xf32, #tpu.memory_space<vmem_shared>>
      %dma_start3A_104 = tpu.memref_slice %arg8[%mul3A_33] : memref<10240xf32, #tpu.memory_space<vmem_shared>> -> memref<640xf32, #tpu.memory_space<vmem_shared>>
      tpu.enqueue_dma source(%arg6 : memref<640xf32, #tpu.memory_space<vmem>>) target(%dma_start3A_104 : memref<640xf32, #tpu.memory_space<vmem_shared>>) target_semaphore(%run_scoped3A_103 : memref<!tpu.dma_semaphore, #tpu.memory_space<semaphore_mem>>)
      %dma_wait3A = tpu.memref_slice %arg8[%mul3A_33] : memref<10240xf32, #tpu.memory_space<vmem_shared>> -> memref<640xf32, #tpu.memory_space<vmem_shared>>
      %dma_wait3A_105 = tpu.memref_slice %arg8[%mul3A_33] : memref<10240xf32, #tpu.memory_space<vmem_shared>> -> memref<640xf32, #tpu.memory_space<vmem_shared>>
      tpu.wait_dma2 semaphore(%run_scoped3A_103 : memref<!tpu.dma_semaphore, #tpu.memory_space<semaphore_mem>>) src(%arg6 : memref<640xf32, #tpu.memory_space<vmem>>) dst(%dma_wait3A_105 : memref<640xf32, #tpu.memory_space<vmem_shared>>)
      tpu.yield
    }) : () -> ()
    %barrier3A = arith.constant 0 : index
    tpu.barrier barrier_id(%barrier3A)
    %run_scoped3A = arith.constant 0 : i32
    "tpu.region"() ({
      %run_scoped3A_103 = tpu.sem_alloc : memref<!tpu.dma_semaphore, #tpu.memory_space<semaphore_mem>>
      %dma_start3A = arith.constant 0 : i32
      %dma_start3A_104 = arith.constant 0 : i32
      %dma_start3A_105 = tpu.memref_slice %arg2[%arg0, %arg1, %run_scoped3A, %dma_start3A, %dma_start3A_104] : memref<2x16x5x25x80xi32, #tpu.memory_space<hbm>> -> memref<1x1x1x25x80xi32, #tpu.memory_space<hbm>>
      %dma_start3A_106 = tpu.memref_squeeze %dma_start3A_105 : memref<1x1x1x25x80xi32, #tpu.memory_space<hbm>> -> memref<25x80xi32, #tpu.memory_space<hbm>>
      %dma_start3A_107 = arith.constant 0 : i32
      %dma_start3A_108 = arith.constant 0 : i32
      %dma_start3A_109 = tpu.memref_slice %arg2[%arg0, %arg1, %run_scoped3A, %dma_start3A_107, %dma_start3A_108] : memref<2x16x5x25x80xi32, #tpu.memory_space<hbm>> -> memref<1x1x1x25x80xi32, #tpu.memory_space<hbm>>
      %dma_start3A_110 = tpu.memref_squeeze %dma_start3A_109 : memref<1x1x1x25x80xi32, #tpu.memory_space<hbm>> -> memref<25x80xi32, #tpu.memory_space<hbm>>
      tpu.enqueue_dma source(%dma_start3A_110 : memref<25x80xi32, #tpu.memory_space<hbm>>) target(%arg4 : memref<25x80xi32, #tpu.memory_space<vmem>>) target_semaphore(%run_scoped3A_103 : memref<!tpu.dma_semaphore, #tpu.memory_space<semaphore_mem>>)
      %dma_wait3A = arith.constant 0 : i32
      %dma_wait3A_111 = arith.constant 0 : i32
      %dma_wait3A_112 = tpu.memref_slice %arg2[%arg0, %arg1, %run_scoped3A, %dma_wait3A, %dma_wait3A_111] : memref<2x16x5x25x80xi32, #tpu.memory_space<hbm>> -> memref<1x1x1x25x80xi32, #tpu.memory_space<hbm>>
      %dma_wait3A_113 = tpu.memref_squeeze %dma_wait3A_112 : memref<1x1x1x25x80xi32, #tpu.memory_space<hbm>> -> memref<25x80xi32, #tpu.memory_space<hbm>>
      %dma_wait3A_114 = arith.constant 0 : i32
      %dma_wait3A_115 = arith.constant 0 : i32
      %dma_wait3A_116 = tpu.memref_slice %arg2[%arg0, %arg1, %run_scoped3A, %dma_wait3A_114, %dma_wait3A_115] : memref<2x16x5x25x80xi32, #tpu.memory_space<hbm>> -> memref<1x1x1x25x80xi32, #tpu.memory_space<hbm>>
      %dma_wait3A_117 = tpu.memref_squeeze %dma_wait3A_116 : memref<1x1x1x25x80xi32, #tpu.memory_space<hbm>> -> memref<25x80xi32, #tpu.memory_space<hbm>>
      tpu.wait_dma2 semaphore(%run_scoped3A_103 : memref<!tpu.dma_semaphore, #tpu.memory_space<semaphore_mem>>) src(%dma_wait3A_117 : memref<25x80xi32, #tpu.memory_space<hbm>>) dst(%arg4 : memref<25x80xi32, #tpu.memory_space<vmem>>)
      tpu.yield
    }) : () -> ()
    %scan3A_34 = arith.constant 0 : i32
    %scan3A_35 = arith.constant 0 : i32
    %scan3A_36 = arith.constant 25 : i32
    %scan3A_37 = arith.addi %scan3A_35, %scan3A_36 : i32
    %scan3A_38 = arith.constant 1 : i32
    scf.for %scan3A_103 = %scan3A_35 to %scan3A_37 step %scan3A_38  : i32 {
      %dma_start3A = arith.constant 0 : i32
      %dma_start3A_104 = tpu.memref_slice %arg4[%scan3A_103, %dma_start3A] : memref<25x80xi32, #tpu.memory_space<vmem>> -> memref<1x80xi32, #tpu.memory_space<vmem>>
      %dma_start3A_105 = tpu.memref_squeeze %dma_start3A_104 : memref<1x80xi32, #tpu.memory_space<vmem>> -> memref<80xi32, #tpu.memory_space<vmem>>
      %dma_start3A_106 = arith.constant 0 : i32
      %dma_start3A_107 = tpu.memref_slice %arg8[%dma_start3A_106] : memref<10240xf32, #tpu.memory_space<vmem_shared>> -> memref<10240xf32, #tpu.memory_space<vmem_shared>>
      tpu.enqueue_indirect_dma source(%arg5 : memref<80xf32, #tpu.memory_space<vmem>>) target(%dma_start3A_107 : memref<10240xf32, #tpu.memory_space<vmem_shared>>) offsets(%dma_start3A_105 : memref<80xi32, #tpu.memory_space<vmem>>) semaphore(%arg7 : memref<!tpu.dma_semaphore, #tpu.memory_space<semaphore_mem>>) {add = true}
    }
    %scan3A_39 = arith.constant 25 : i32
    %scan3A_40 = arith.constant 0 : i32
    %scan3A_41 = arith.constant 0 : i32
    %scan3A_42 = arith.constant 25 : i32
    %scan3A_43 = arith.addi %scan3A_41, %scan3A_42 : i32
    %scan3A_44 = arith.constant 1 : i32
    scf.for %scan3A_103 = %scan3A_41 to %scan3A_43 step %scan3A_44  : i32 {
      %dma_wait3A = arith.constant 0 : i32
      %dma_wait3A_104 = arith.constant 0 : i32
      %dma_wait3A_105 = tpu.memref_slice %arg4[%dma_wait3A, %dma_wait3A_104] : memref<25x80xi32, #tpu.memory_space<vmem>> -> memref<1x80xi32, #tpu.memory_space<vmem>>
      %dma_wait3A_106 = tpu.memref_squeeze %dma_wait3A_105 : memref<1x80xi32, #tpu.memory_space<vmem>> -> memref<80xi32, #tpu.memory_space<vmem>>
      %dma_wait3A_107 = arith.constant 0 : i32
      %dma_wait3A_108 = tpu.memref_slice %arg8[%dma_wait3A_107] : memref<10240xf32, #tpu.memory_space<vmem_shared>> -> memref<10240xf32, #tpu.memory_space<vmem_shared>>
      tpu.wait_indirect_dma semaphore(%arg7 : memref<!tpu.dma_semaphore, #tpu.memory_space<semaphore_mem>>) src(%arg5 : memref<80xf32, #tpu.memory_space<vmem>>) dst(%dma_wait3A_108 : memref<10240xf32, #tpu.memory_space<vmem_shared>>)
    }
    %scan3A_45 = arith.constant 25 : i32
    %run_scoped3A_46 = arith.constant 1 : i32
    "tpu.region"() ({
      %run_scoped3A_103 = tpu.sem_alloc : memref<!tpu.dma_semaphore, #tpu.memory_space<semaphore_mem>>
      %dma_start3A = arith.constant 0 : i32
      %dma_start3A_104 = arith.constant 0 : i32
      %dma_start3A_105 = tpu.memref_slice %arg2[%arg0, %arg1, %run_scoped3A_46, %dma_start3A, %dma_start3A_104] : memref<2x16x5x25x80xi32, #tpu.memory_space<hbm>> -> memref<1x1x1x25x80xi32, #tpu.memory_space<hbm>>
      %dma_start3A_106 = tpu.memref_squeeze %dma_start3A_105 : memref<1x1x1x25x80xi32, #tpu.memory_space<hbm>> -> memref<25x80xi32, #tpu.memory_space<hbm>>
      %dma_start3A_107 = arith.constant 0 : i32
      %dma_start3A_108 = arith.constant 0 : i32
      %dma_start3A_109 = tpu.memref_slice %arg2[%arg0, %arg1, %run_scoped3A_46, %dma_start3A_107, %dma_start3A_108] : memref<2x16x5x25x80xi32, #tpu.memory_space<hbm>> -> memref<1x1x1x25x80xi32, #tpu.memory_space<hbm>>
      %dma_start3A_110 = tpu.memref_squeeze %dma_start3A_109 : memref<1x1x1x25x80xi32, #tpu.memory_space<hbm>> -> memref<25x80xi32, #tpu.memory_space<hbm>>
      tpu.enqueue_dma source(%dma_start3A_110 : memref<25x80xi32, #tpu.memory_space<hbm>>) target(%arg4 : memref<25x80xi32, #tpu.memory_space<vmem>>) target_semaphore(%run_scoped3A_103 : memref<!tpu.dma_semaphore, #tpu.memory_space<semaphore_mem>>)
      %dma_wait3A = arith.constant 0 : i32
      %dma_wait3A_111 = arith.constant 0 : i32
      %dma_wait3A_112 = tpu.memref_slice %arg2[%arg0, %arg1, %run_scoped3A_46, %dma_wait3A, %dma_wait3A_111] : memref<2x16x5x25x80xi32, #tpu.memory_space<hbm>> -> memref<1x1x1x25x80xi32, #tpu.memory_space<hbm>>
      %dma_wait3A_113 = tpu.memref_squeeze %dma_wait3A_112 : memref<1x1x1x25x80xi32, #tpu.memory_space<hbm>> -> memref<25x80xi32, #tpu.memory_space<hbm>>
      %dma_wait3A_114 = arith.constant 0 : i32
      %dma_wait3A_115 = arith.constant 0 : i32
      %dma_wait3A_116 = tpu.memref_slice %arg2[%arg0, %arg1, %run_scoped3A_46, %dma_wait3A_114, %dma_wait3A_115] : memref<2x16x5x25x80xi32, #tpu.memory_space<hbm>> -> memref<1x1x1x25x80xi32, #tpu.memory_space<hbm>>
      %dma_wait3A_117 = tpu.memref_squeeze %dma_wait3A_116 : memref<1x1x1x25x80xi32, #tpu.memory_space<hbm>> -> memref<25x80xi32, #tpu.memory_space<hbm>>
      tpu.wait_dma2 semaphore(%run_scoped3A_103 : memref<!tpu.dma_semaphore, #tpu.memory_space<semaphore_mem>>) src(%dma_wait3A_117 : memref<25x80xi32, #tpu.memory_space<hbm>>) dst(%arg4 : memref<25x80xi32, #tpu.memory_space<vmem>>)
      tpu.yield
    }) : () -> ()
    %scan3A_47 = arith.constant 0 : i32
    %scan3A_48 = arith.constant 0 : i32
    %scan3A_49 = arith.constant 25 : i32
    %scan3A_50 = arith.addi %scan3A_48, %scan3A_49 : i32
    %scan3A_51 = arith.constant 1 : i32
    scf.for %scan3A_103 = %scan3A_48 to %scan3A_50 step %scan3A_51  : i32 {
      %dma_start3A = arith.constant 0 : i32
      %dma_start3A_104 = tpu.memref_slice %arg4[%scan3A_103, %dma_start3A] : memref<25x80xi32, #tpu.memory_space<vmem>> -> memref<1x80xi32, #tpu.memory_space<vmem>>
      %dma_start3A_105 = tpu.memref_squeeze %dma_start3A_104 : memref<1x80xi32, #tpu.memory_space<vmem>> -> memref<80xi32, #tpu.memory_space<vmem>>
      %dma_start3A_106 = arith.constant 0 : i32
      %dma_start3A_107 = tpu.memref_slice %arg8[%dma_start3A_106] : memref<10240xf32, #tpu.memory_space<vmem_shared>> -> memref<10240xf32, #tpu.memory_space<vmem_shared>>
      tpu.enqueue_indirect_dma source(%arg5 : memref<80xf32, #tpu.memory_space<vmem>>) target(%dma_start3A_107 : memref<10240xf32, #tpu.memory_space<vmem_shared>>) offsets(%dma_start3A_105 : memref<80xi32, #tpu.memory_space<vmem>>) semaphore(%arg7 : memref<!tpu.dma_semaphore, #tpu.memory_space<semaphore_mem>>) {add = true}
    }
    %scan3A_52 = arith.constant 25 : i32
    %scan3A_53 = arith.constant 0 : i32
    %scan3A_54 = arith.constant 0 : i32
    %scan3A_55 = arith.constant 25 : i32
    %scan3A_56 = arith.addi %scan3A_54, %scan3A_55 : i32
    %scan3A_57 = arith.constant 1 : i32
    scf.for %scan3A_103 = %scan3A_54 to %scan3A_56 step %scan3A_57  : i32 {
      %dma_wait3A = arith.constant 0 : i32
      %dma_wait3A_104 = arith.constant 0 : i32
      %dma_wait3A_105 = tpu.memref_slice %arg4[%dma_wait3A, %dma_wait3A_104] : memref<25x80xi32, #tpu.memory_space<vmem>> -> memref<1x80xi32, #tpu.memory_space<vmem>>
      %dma_wait3A_106 = tpu.memref_squeeze %dma_wait3A_105 : memref<1x80xi32, #tpu.memory_space<vmem>> -> memref<80xi32, #tpu.memory_space<vmem>>
      %dma_wait3A_107 = arith.constant 0 : i32
      %dma_wait3A_108 = tpu.memref_slice %arg8[%dma_wait3A_107] : memref<10240xf32, #tpu.memory_space<vmem_shared>> -> memref<10240xf32, #tpu.memory_space<vmem_shared>>
      tpu.wait_indirect_dma semaphore(%arg7 : memref<!tpu.dma_semaphore, #tpu.memory_space<semaphore_mem>>) src(%arg5 : memref<80xf32, #tpu.memory_space<vmem>>) dst(%dma_wait3A_108 : memref<10240xf32, #tpu.memory_space<vmem_shared>>)
    }
    %scan3A_58 = arith.constant 25 : i32
    %run_scoped3A_59 = arith.constant 2 : i32
    "tpu.region"() ({
      %run_scoped3A_103 = tpu.sem_alloc : memref<!tpu.dma_semaphore, #tpu.memory_space<semaphore_mem>>
      %dma_start3A = arith.constant 0 : i32
      %dma_start3A_104 = arith.constant 0 : i32
      %dma_start3A_105 = tpu.memref_slice %arg2[%arg0, %arg1, %run_scoped3A_59, %dma_start3A, %dma_start3A_104] : memref<2x16x5x25x80xi32, #tpu.memory_space<hbm>> -> memref<1x1x1x25x80xi32, #tpu.memory_space<hbm>>
      %dma_start3A_106 = tpu.memref_squeeze %dma_start3A_105 : memref<1x1x1x25x80xi32, #tpu.memory_space<hbm>> -> memref<25x80xi32, #tpu.memory_space<hbm>>
      %dma_start3A_107 = arith.constant 0 : i32
      %dma_start3A_108 = arith.constant 0 : i32
      %dma_start3A_109 = tpu.memref_slice %arg2[%arg0, %arg1, %run_scoped3A_59, %dma_start3A_107, %dma_start3A_108] : memref<2x16x5x25x80xi32, #tpu.memory_space<hbm>> -> memref<1x1x1x25x80xi32, #tpu.memory_space<hbm>>
      %dma_start3A_110 = tpu.memref_squeeze %dma_start3A_109 : memref<1x1x1x25x80xi32, #tpu.memory_space<hbm>> -> memref<25x80xi32, #tpu.memory_space<hbm>>
      tpu.enqueue_dma source(%dma_start3A_110 : memref<25x80xi32, #tpu.memory_space<hbm>>) target(%arg4 : memref<25x80xi32, #tpu.memory_space<vmem>>) target_semaphore(%run_scoped3A_103 : memref<!tpu.dma_semaphore, #tpu.memory_space<semaphore_mem>>)
      %dma_wait3A = arith.constant 0 : i32
      %dma_wait3A_111 = arith.constant 0 : i32
      %dma_wait3A_112 = tpu.memref_slice %arg2[%arg0, %arg1, %run_scoped3A_59, %dma_wait3A, %dma_wait3A_111] : memref<2x16x5x25x80xi32, #tpu.memory_space<hbm>> -> memref<1x1x1x25x80xi32, #tpu.memory_space<hbm>>
      %dma_wait3A_113 = tpu.memref_squeeze %dma_wait3A_112 : memref<1x1x1x25x80xi32, #tpu.memory_space<hbm>> -> memref<25x80xi32, #tpu.memory_space<hbm>>
      %dma_wait3A_114 = arith.constant 0 : i32
      %dma_wait3A_115 = arith.constant 0 : i32
      %dma_wait3A_116 = tpu.memref_slice %arg2[%arg0, %arg1, %run_scoped3A_59, %dma_wait3A_114, %dma_wait3A_115] : memref<2x16x5x25x80xi32, #tpu.memory_space<hbm>> -> memref<1x1x1x25x80xi32, #tpu.memory_space<hbm>>
      %dma_wait3A_117 = tpu.memref_squeeze %dma_wait3A_116 : memref<1x1x1x25x80xi32, #tpu.memory_space<hbm>> -> memref<25x80xi32, #tpu.memory_space<hbm>>
      tpu.wait_dma2 semaphore(%run_scoped3A_103 : memref<!tpu.dma_semaphore, #tpu.memory_space<semaphore_mem>>) src(%dma_wait3A_117 : memref<25x80xi32, #tpu.memory_space<hbm>>) dst(%arg4 : memref<25x80xi32, #tpu.memory_space<vmem>>)
      tpu.yield
    }) : () -> ()
    %scan3A_60 = arith.constant 0 : i32
    %scan3A_61 = arith.constant 0 : i32
    %scan3A_62 = arith.constant 25 : i32
    %scan3A_63 = arith.addi %scan3A_61, %scan3A_62 : i32
    %scan3A_64 = arith.constant 1 : i32
    scf.for %scan3A_103 = %scan3A_61 to %scan3A_63 step %scan3A_64  : i32 {
      %dma_start3A = arith.constant 0 : i32
      %dma_start3A_104 = tpu.memref_slice %arg4[%scan3A_103, %dma_start3A] : memref<25x80xi32, #tpu.memory_space<vmem>> -> memref<1x80xi32, #tpu.memory_space<vmem>>
      %dma_start3A_105 = tpu.memref_squeeze %dma_start3A_104 : memref<1x80xi32, #tpu.memory_space<vmem>> -> memref<80xi32, #tpu.memory_space<vmem>>
      %dma_start3A_106 = arith.constant 0 : i32
      %dma_start3A_107 = tpu.memref_slice %arg8[%dma_start3A_106] : memref<10240xf32, #tpu.memory_space<vmem_shared>> -> memref<10240xf32, #tpu.memory_space<vmem_shared>>
      tpu.enqueue_indirect_dma source(%arg5 : memref<80xf32, #tpu.memory_space<vmem>>) target(%dma_start3A_107 : memref<10240xf32, #tpu.memory_space<vmem_shared>>) offsets(%dma_start3A_105 : memref<80xi32, #tpu.memory_space<vmem>>) semaphore(%arg7 : memref<!tpu.dma_semaphore, #tpu.memory_space<semaphore_mem>>) {add = true}
    }
    %scan3A_65 = arith.constant 25 : i32
    %scan3A_66 = arith.constant 0 : i32
    %scan3A_67 = arith.constant 0 : i32
    %scan3A_68 = arith.constant 25 : i32
    %scan3A_69 = arith.addi %scan3A_67, %scan3A_68 : i32
    %scan3A_70 = arith.constant 1 : i32
    scf.for %scan3A_103 = %scan3A_67 to %scan3A_69 step %scan3A_70  : i32 {
      %dma_wait3A = arith.constant 0 : i32
      %dma_wait3A_104 = arith.constant 0 : i32
      %dma_wait3A_105 = tpu.memref_slice %arg4[%dma_wait3A, %dma_wait3A_104] : memref<25x80xi32, #tpu.memory_space<vmem>> -> memref<1x80xi32, #tpu.memory_space<vmem>>
      %dma_wait3A_106 = tpu.memref_squeeze %dma_wait3A_105 : memref<1x80xi32, #tpu.memory_space<vmem>> -> memref<80xi32, #tpu.memory_space<vmem>>
      %dma_wait3A_107 = arith.constant 0 : i32
      %dma_wait3A_108 = tpu.memref_slice %arg8[%dma_wait3A_107] : memref<10240xf32, #tpu.memory_space<vmem_shared>> -> memref<10240xf32, #tpu.memory_space<vmem_shared>>
      tpu.wait_indirect_dma semaphore(%arg7 : memref<!tpu.dma_semaphore, #tpu.memory_space<semaphore_mem>>) src(%arg5 : memref<80xf32, #tpu.memory_space<vmem>>) dst(%dma_wait3A_108 : memref<10240xf32, #tpu.memory_space<vmem_shared>>)
    }
    %scan3A_71 = arith.constant 25 : i32
    %run_scoped3A_72 = arith.constant 3 : i32
    "tpu.region"() ({
      %run_scoped3A_103 = tpu.sem_alloc : memref<!tpu.dma_semaphore, #tpu.memory_space<semaphore_mem>>
      %dma_start3A = arith.constant 0 : i32
      %dma_start3A_104 = arith.constant 0 : i32
      %dma_start3A_105 = tpu.memref_slice %arg2[%arg0, %arg1, %run_scoped3A_72, %dma_start3A, %dma_start3A_104] : memref<2x16x5x25x80xi32, #tpu.memory_space<hbm>> -> memref<1x1x1x25x80xi32, #tpu.memory_space<hbm>>
      %dma_start3A_106 = tpu.memref_squeeze %dma_start3A_105 : memref<1x1x1x25x80xi32, #tpu.memory_space<hbm>> -> memref<25x80xi32, #tpu.memory_space<hbm>>
      %dma_start3A_107 = arith.constant 0 : i32
      %dma_start3A_108 = arith.constant 0 : i32
      %dma_start3A_109 = tpu.memref_slice %arg2[%arg0, %arg1, %run_scoped3A_72, %dma_start3A_107, %dma_start3A_108] : memref<2x16x5x25x80xi32, #tpu.memory_space<hbm>> -> memref<1x1x1x25x80xi32, #tpu.memory_space<hbm>>
      %dma_start3A_110 = tpu.memref_squeeze %dma_start3A_109 : memref<1x1x1x25x80xi32, #tpu.memory_space<hbm>> -> memref<25x80xi32, #tpu.memory_space<hbm>>
      tpu.enqueue_dma source(%dma_start3A_110 : memref<25x80xi32, #tpu.memory_space<hbm>>) target(%arg4 : memref<25x80xi32, #tpu.memory_space<vmem>>) target_semaphore(%run_scoped3A_103 : memref<!tpu.dma_semaphore, #tpu.memory_space<semaphore_mem>>)
      %dma_wait3A = arith.constant 0 : i32
      %dma_wait3A_111 = arith.constant 0 : i32
      %dma_wait3A_112 = tpu.memref_slice %arg2[%arg0, %arg1, %run_scoped3A_72, %dma_wait3A, %dma_wait3A_111] : memref<2x16x5x25x80xi32, #tpu.memory_space<hbm>> -> memref<1x1x1x25x80xi32, #tpu.memory_space<hbm>>
      %dma_wait3A_113 = tpu.memref_squeeze %dma_wait3A_112 : memref<1x1x1x25x80xi32, #tpu.memory_space<hbm>> -> memref<25x80xi32, #tpu.memory_space<hbm>>
      %dma_wait3A_114 = arith.constant 0 : i32
      %dma_wait3A_115 = arith.constant 0 : i32
      %dma_wait3A_116 = tpu.memref_slice %arg2[%arg0, %arg1, %run_scoped3A_72, %dma_wait3A_114, %dma_wait3A_115] : memref<2x16x5x25x80xi32, #tpu.memory_space<hbm>> -> memref<1x1x1x25x80xi32, #tpu.memory_space<hbm>>
      %dma_wait3A_117 = tpu.memref_squeeze %dma_wait3A_116 : memref<1x1x1x25x80xi32, #tpu.memory_space<hbm>> -> memref<25x80xi32, #tpu.memory_space<hbm>>
      tpu.wait_dma2 semaphore(%run_scoped3A_103 : memref<!tpu.dma_semaphore, #tpu.memory_space<semaphore_mem>>) src(%dma_wait3A_117 : memref<25x80xi32, #tpu.memory_space<hbm>>) dst(%arg4 : memref<25x80xi32, #tpu.memory_space<vmem>>)
      tpu.yield
    }) : () -> ()
    %scan3A_73 = arith.constant 0 : i32
    %scan3A_74 = arith.constant 0 : i32
    %scan3A_75 = arith.constant 25 : i32
    %scan3A_76 = arith.addi %scan3A_74, %scan3A_75 : i32
    %scan3A_77 = arith.constant 1 : i32
    scf.for %scan3A_103 = %scan3A_74 to %scan3A_76 step %scan3A_77  : i32 {
      %dma_start3A = arith.constant 0 : i32
      %dma_start3A_104 = tpu.memref_slice %arg4[%scan3A_103, %dma_start3A] : memref<25x80xi32, #tpu.memory_space<vmem>> -> memref<1x80xi32, #tpu.memory_space<vmem>>
      %dma_start3A_105 = tpu.memref_squeeze %dma_start3A_104 : memref<1x80xi32, #tpu.memory_space<vmem>> -> memref<80xi32, #tpu.memory_space<vmem>>
      %dma_start3A_106 = arith.constant 0 : i32
      %dma_start3A_107 = tpu.memref_slice %arg8[%dma_start3A_106] : memref<10240xf32, #tpu.memory_space<vmem_shared>> -> memref<10240xf32, #tpu.memory_space<vmem_shared>>
      tpu.enqueue_indirect_dma source(%arg5 : memref<80xf32, #tpu.memory_space<vmem>>) target(%dma_start3A_107 : memref<10240xf32, #tpu.memory_space<vmem_shared>>) offsets(%dma_start3A_105 : memref<80xi32, #tpu.memory_space<vmem>>) semaphore(%arg7 : memref<!tpu.dma_semaphore, #tpu.memory_space<semaphore_mem>>) {add = true}
    }
    %scan3A_78 = arith.constant 25 : i32
    %scan3A_79 = arith.constant 0 : i32
    %scan3A_80 = arith.constant 0 : i32
    %scan3A_81 = arith.constant 25 : i32
    %scan3A_82 = arith.addi %scan3A_80, %scan3A_81 : i32
    %scan3A_83 = arith.constant 1 : i32
    scf.for %scan3A_103 = %scan3A_80 to %scan3A_82 step %scan3A_83  : i32 {
      %dma_wait3A = arith.constant 0 : i32
      %dma_wait3A_104 = arith.constant 0 : i32
      %dma_wait3A_105 = tpu.memref_slice %arg4[%dma_wait3A, %dma_wait3A_104] : memref<25x80xi32, #tpu.memory_space<vmem>> -> memref<1x80xi32, #tpu.memory_space<vmem>>
      %dma_wait3A_106 = tpu.memref_squeeze %dma_wait3A_105 : memref<1x80xi32, #tpu.memory_space<vmem>> -> memref<80xi32, #tpu.memory_space<vmem>>
      %dma_wait3A_107 = arith.constant 0 : i32
      %dma_wait3A_108 = tpu.memref_slice %arg8[%dma_wait3A_107] : memref<10240xf32, #tpu.memory_space<vmem_shared>> -> memref<10240xf32, #tpu.memory_space<vmem_shared>>
      tpu.wait_indirect_dma semaphore(%arg7 : memref<!tpu.dma_semaphore, #tpu.memory_space<semaphore_mem>>) src(%arg5 : memref<80xf32, #tpu.memory_space<vmem>>) dst(%dma_wait3A_108 : memref<10240xf32, #tpu.memory_space<vmem_shared>>)
    }
    %scan3A_84 = arith.constant 25 : i32
    %run_scoped3A_85 = arith.constant 4 : i32
    "tpu.region"() ({
      %run_scoped3A_103 = tpu.sem_alloc : memref<!tpu.dma_semaphore, #tpu.memory_space<semaphore_mem>>
      %dma_start3A = arith.constant 0 : i32
      %dma_start3A_104 = arith.constant 0 : i32
      %dma_start3A_105 = tpu.memref_slice %arg2[%arg0, %arg1, %run_scoped3A_85, %dma_start3A, %dma_start3A_104] : memref<2x16x5x25x80xi32, #tpu.memory_space<hbm>> -> memref<1x1x1x25x80xi32, #tpu.memory_space<hbm>>
      %dma_start3A_106 = tpu.memref_squeeze %dma_start3A_105 : memref<1x1x1x25x80xi32, #tpu.memory_space<hbm>> -> memref<25x80xi32, #tpu.memory_space<hbm>>
      %dma_start3A_107 = arith.constant 0 : i32
      %dma_start3A_108 = arith.constant 0 : i32
      %dma_start3A_109 = tpu.memref_slice %arg2[%arg0, %arg1, %run_scoped3A_85, %dma_start3A_107, %dma_start3A_108] : memref<2x16x5x25x80xi32, #tpu.memory_space<hbm>> -> memref<1x1x1x25x80xi32, #tpu.memory_space<hbm>>
      %dma_start3A_110 = tpu.memref_squeeze %dma_start3A_109 : memref<1x1x1x25x80xi32, #tpu.memory_space<hbm>> -> memref<25x80xi32, #tpu.memory_space<hbm>>
      tpu.enqueue_dma source(%dma_start3A_110 : memref<25x80xi32, #tpu.memory_space<hbm>>) target(%arg4 : memref<25x80xi32, #tpu.memory_space<vmem>>) target_semaphore(%run_scoped3A_103 : memref<!tpu.dma_semaphore, #tpu.memory_space<semaphore_mem>>)
      %dma_wait3A = arith.constant 0 : i32
      %dma_wait3A_111 = arith.constant 0 : i32
      %dma_wait3A_112 = tpu.memref_slice %arg2[%arg0, %arg1, %run_scoped3A_85, %dma_wait3A, %dma_wait3A_111] : memref<2x16x5x25x80xi32, #tpu.memory_space<hbm>> -> memref<1x1x1x25x80xi32, #tpu.memory_space<hbm>>
      %dma_wait3A_113 = tpu.memref_squeeze %dma_wait3A_112 : memref<1x1x1x25x80xi32, #tpu.memory_space<hbm>> -> memref<25x80xi32, #tpu.memory_space<hbm>>
      %dma_wait3A_114 = arith.constant 0 : i32
      %dma_wait3A_115 = arith.constant 0 : i32
      %dma_wait3A_116 = tpu.memref_slice %arg2[%arg0, %arg1, %run_scoped3A_85, %dma_wait3A_114, %dma_wait3A_115] : memref<2x16x5x25x80xi32, #tpu.memory_space<hbm>> -> memref<1x1x1x25x80xi32, #tpu.memory_space<hbm>>
      %dma_wait3A_117 = tpu.memref_squeeze %dma_wait3A_116 : memref<1x1x1x25x80xi32, #tpu.memory_space<hbm>> -> memref<25x80xi32, #tpu.memory_space<hbm>>
      tpu.wait_dma2 semaphore(%run_scoped3A_103 : memref<!tpu.dma_semaphore, #tpu.memory_space<semaphore_mem>>) src(%dma_wait3A_117 : memref<25x80xi32, #tpu.memory_space<hbm>>) dst(%arg4 : memref<25x80xi32, #tpu.memory_space<vmem>>)
      tpu.yield
    }) : () -> ()
    %scan3A_86 = arith.constant 0 : i32
    %scan3A_87 = arith.constant 0 : i32
    %scan3A_88 = arith.constant 25 : i32
    %scan3A_89 = arith.addi %scan3A_87, %scan3A_88 : i32
    %scan3A_90 = arith.constant 1 : i32
    scf.for %scan3A_103 = %scan3A_87 to %scan3A_89 step %scan3A_90  : i32 {
      %dma_start3A = arith.constant 0 : i32
      %dma_start3A_104 = tpu.memref_slice %arg4[%scan3A_103, %dma_start3A] : memref<25x80xi32, #tpu.memory_space<vmem>> -> memref<1x80xi32, #tpu.memory_space<vmem>>
      %dma_start3A_105 = tpu.memref_squeeze %dma_start3A_104 : memref<1x80xi32, #tpu.memory_space<vmem>> -> memref<80xi32, #tpu.memory_space<vmem>>
      %dma_start3A_106 = arith.constant 0 : i32
      %dma_start3A_107 = tpu.memref_slice %arg8[%dma_start3A_106] : memref<10240xf32, #tpu.memory_space<vmem_shared>> -> memref<10240xf32, #tpu.memory_space<vmem_shared>>
      tpu.enqueue_indirect_dma source(%arg5 : memref<80xf32, #tpu.memory_space<vmem>>) target(%dma_start3A_107 : memref<10240xf32, #tpu.memory_space<vmem_shared>>) offsets(%dma_start3A_105 : memref<80xi32, #tpu.memory_space<vmem>>) semaphore(%arg7 : memref<!tpu.dma_semaphore, #tpu.memory_space<semaphore_mem>>) {add = true}
    }
    %scan3A_91 = arith.constant 25 : i32
    %scan3A_92 = arith.constant 0 : i32
    %scan3A_93 = arith.constant 0 : i32
    %scan3A_94 = arith.constant 25 : i32
    %scan3A_95 = arith.addi %scan3A_93, %scan3A_94 : i32
    %scan3A_96 = arith.constant 1 : i32
    scf.for %scan3A_103 = %scan3A_93 to %scan3A_95 step %scan3A_96  : i32 {
      %dma_wait3A = arith.constant 0 : i32
      %dma_wait3A_104 = arith.constant 0 : i32
      %dma_wait3A_105 = tpu.memref_slice %arg4[%dma_wait3A, %dma_wait3A_104] : memref<25x80xi32, #tpu.memory_space<vmem>> -> memref<1x80xi32, #tpu.memory_space<vmem>>
      %dma_wait3A_106 = tpu.memref_squeeze %dma_wait3A_105 : memref<1x80xi32, #tpu.memory_space<vmem>> -> memref<80xi32, #tpu.memory_space<vmem>>
      %dma_wait3A_107 = arith.constant 0 : i32
      %dma_wait3A_108 = tpu.memref_slice %arg8[%dma_wait3A_107] : memref<10240xf32, #tpu.memory_space<vmem_shared>> -> memref<10240xf32, #tpu.memory_space<vmem_shared>>
      tpu.wait_indirect_dma semaphore(%arg7 : memref<!tpu.dma_semaphore, #tpu.memory_space<semaphore_mem>>) src(%arg5 : memref<80xf32, #tpu.memory_space<vmem>>) dst(%dma_wait3A_108 : memref<10240xf32, #tpu.memory_space<vmem_shared>>)
    }
    %scan3A_97 = arith.constant 25 : i32
    %barrier3A_98 = arith.constant 0 : index
    tpu.barrier barrier_id(%barrier3A_98)
    %mul3A_99 = arith.constant 640 : i32
    %mul3A_100 = arith.muli %arg1, %mul3A_99 : i32
    %mul3A_101 = arith.constant 640 : i32
    %mul3A_102 = arith.muli %arg1, %mul3A_101 : i32
    "tpu.region"() ({
      %run_scoped3A_103 = tpu.sem_alloc : memref<!tpu.dma_semaphore, #tpu.memory_space<semaphore_mem>>
      %dma_start3A = tpu.memref_slice %arg3[%arg0, %mul3A_102] : memref<2x10240xf32, #tpu.memory_space<hbm>> -> memref<1x640xf32, #tpu.memory_space<hbm>>
      %dma_start3A_104 = tpu.memref_squeeze %dma_start3A : memref<1x640xf32, #tpu.memory_space<hbm>> -> memref<640xf32, #tpu.memory_space<hbm>>
      %dma_start3A_105 = tpu.memref_slice %arg8[%mul3A_100] : memref<10240xf32, #tpu.memory_space<vmem_shared>> -> memref<640xf32, #tpu.memory_space<vmem_shared>>
      tpu.enqueue_dma source(%dma_start3A_105 : memref<640xf32, #tpu.memory_space<vmem_shared>>) target(%dma_start3A_104 : memref<640xf32, #tpu.memory_space<hbm>>) target_semaphore(%run_scoped3A_103 : memref<!tpu.dma_semaphore, #tpu.memory_space<semaphore_mem>>)
      %dma_wait3A = tpu.memref_slice %arg3[%arg0, %mul3A_102] : memref<2x10240xf32, #tpu.memory_space<hbm>> -> memref<1x640xf32, #tpu.memory_space<hbm>>
      %dma_wait3A_106 = tpu.memref_squeeze %dma_wait3A : memref<1x640xf32, #tpu.memory_space<hbm>> -> memref<640xf32, #tpu.memory_space<hbm>>
      %dma_wait3A_107 = tpu.memref_slice %arg8[%mul3A_100] : memref<10240xf32, #tpu.memory_space<vmem_shared>> -> memref<640xf32, #tpu.memory_space<vmem_shared>>
      tpu.wait_dma2 semaphore(%run_scoped3A_103 : memref<!tpu.dma_semaphore, #tpu.memory_space<semaphore_mem>>) src(%dma_wait3A_107 : memref<640xf32, #tpu.memory_space<vmem_shared>>) dst(%dma_wait3A_106 : memref<640xf32, #tpu.memory_space<hbm>>)
      tpu.yield
    }) : () -> ()
    return
  }
}

#map = affine_map<(d0, d1) -> (0, 0, 0, 0, 0)>
#map1 = affine_map<(d0, d1) -> (0, 0)>
#map2 = affine_map<(d0, d1) -> (0, 0, 0)>
module attributes {stable_mosaic.version = 14 : i64} {
  func.func @_edge_kernel(%arg0: i32, %arg1: i32, %arg2: memref<2x16x5x25x80xi32, #tpu.memory_space<hbm>>, %arg3: memref<2x16x5x25x80xi32, #tpu.memory_space<hbm>>, %arg4: memref<10000x128xf32, #tpu.memory_space<hbm>>, %arg5: memref<2x10240x128xf32, #tpu.memory_space<hbm>>, %arg6: memref<25x80xi32, #tpu.memory_space<vmem>>, %arg7: memref<25x80xi32, #tpu.memory_space<vmem>>, %arg8: memref<80x128xf32, #tpu.memory_space<vmem>>, %arg9: memref<80x128xf32, #tpu.memory_space<vmem>>, %arg10: memref<!tpu.dma_semaphore, #tpu.memory_space<semaphore_mem>>, %arg11: memref<!tpu.dma_semaphore, #tpu.memory_space<semaphore_mem>>, %arg12: memref<10240x128xf32, #tpu.memory_space<vmem_shared>>) attributes {dimension_semantics = [#tpu.dimension_semantics<core_parallel>, #tpu.dimension_semantics<subcore_parallel>], iteration_bounds = array<i64: 2, 16>, scalar_prefetch = 0 : i64, scratch_operands = 7 : i64, tpu.core_type = #tpu.core_type<sc_vector_subcore>, window_params = [{transform_indices = #map}, {transform_indices = #map}, {transform_indices = #map1}, {transform_indices = #map2}]} {
    %scan3A = arith.constant 0 : i32
    %scan3A_0 = arith.constant 0 : i32
    %scan3A_1 = arith.constant 640 : i32
    %scan3A_2 = arith.addi %scan3A_0, %scan3A_1 : i32
    %scan3A_3 = arith.constant 1 : i32
    scf.for %scan3A_203 = %scan3A_0 to %scan3A_2 step %scan3A_3  : i32 {
      %broadcast_in_dim3A = arith.constant 0.000000e+00 : f32
      %broadcast_in_dim3A_204 = vector.broadcast %broadcast_in_dim3A : f32 to vector<16xf32>
      %jit3A = arith.constant 8 : i32
      %div3A = arith.divsi %scan3A_203, %jit3A : i32
      %sign3A = arith.constant 0 : i32
      %sign3A_205 = arith.cmpi sgt, %scan3A_203, %sign3A : i32
      %sign3A_206 = arith.extui %sign3A_205 : i1 to i32
      %sign3A_207 = arith.constant 0 : i32
      %sign3A_208 = arith.cmpi slt, %scan3A_203, %sign3A_207 : i32
      %sign3A_209 = arith.extui %sign3A_208 : i1 to i32
      %sign3A_210 = arith.subi %sign3A_206, %sign3A_209 : i32
      %sign3A_211 = arith.constant 0 : i32
      %sign3A_212 = arith.cmpi sgt, %jit3A, %sign3A_211 : i32
      %sign3A_213 = arith.extui %sign3A_212 : i1 to i32
      %sign3A_214 = arith.constant 0 : i32
      %sign3A_215 = arith.cmpi slt, %jit3A, %sign3A_214 : i32
      %sign3A_216 = arith.extui %sign3A_215 : i1 to i32
      %sign3A_217 = arith.subi %sign3A_213, %sign3A_216 : i32
      %ne3A = arith.cmpi ne, %sign3A_210, %sign3A_217 : i32
      %rem3A = arith.remsi %scan3A_203, %jit3A : i32
      %ne3A_218 = arith.constant 0 : i32
      %ne3A_219 = arith.cmpi ne, %rem3A, %ne3A_218 : i32
      %and3A = arith.andi %ne3A, %ne3A_219 : i1
      %sub3A = arith.constant 1 : i32
      %sub3A_220 = arith.subi %div3A, %sub3A : i32
      %select_n3A = arith.select %and3A, %sub3A_220, %div3A : i32
      %jit3A_221 = arith.constant 8 : i32
      %eq3A = arith.constant 0 : i32
      %eq3A_222 = arith.cmpi eq, %jit3A_221, %eq3A : i32
      %jit3A_223 = arith.constant 1 : i32
      %select_n3A_224 = arith.select %eq3A_222, %jit3A_223, %jit3A_221 : i32
      %rem3A_225 = arith.remsi %scan3A_203, %select_n3A_224 : i32
      %ne3A_226 = arith.constant 0 : i32
      %ne3A_227 = arith.cmpi ne, %rem3A_225, %ne3A_226 : i32
      %lt3A = arith.constant 0 : i32
      %lt3A_228 = arith.cmpi slt, %rem3A_225, %lt3A : i32
      %lt3A_229 = arith.constant 0 : i32
      %lt3A_230 = arith.cmpi slt, %select_n3A_224, %lt3A_229 : i32
      %ne3A_231 = arith.xori %lt3A_228, %lt3A_230 : i1
      %and3A_232 = arith.andi %ne3A_231, %ne3A_227 : i1
      %add3A_233 = arith.addi %rem3A_225, %select_n3A_224 : i32
      %select_n3A_234 = arith.select %and3A_232, %add3A_233, %rem3A_225 : i32
      %mul3A_235 = arith.constant 16 : i32
      %mul3A_236 = arith.muli %select_n3A_234, %mul3A_235 : i32
      %swap3A = arith.index_cast %select_n3A : i32 to index
      %swap3A_237 = arith.index_cast %mul3A_236 : i32 to index
      %swap3A_238 = tpu.vector_load %arg8[%swap3A, %swap3A_237] {strides = array<i32>} : memref<80x128xf32, #tpu.memory_space<vmem>>, vector<1x16xf32>,
      %swap3A_239 = vector.shape_cast %swap3A_238 : vector<1x16xf32> to vector<16xf32>
      %swap3A_240 = vector.shape_cast %broadcast_in_dim3A_204 : vector<16xf32> to vector<1x16xf32>
      tpu.vector_store %arg8[%swap3A, %swap3A_237], %swap3A_240 {strides = array<i32>} : memref<80x128xf32, #tpu.memory_space<vmem>>, vector<1x16xf32>,
    }
    %scan3A_4 = arith.constant 640 : i32
    %mul3A = arith.constant 640 : i32
    %mul3A_5 = arith.muli %arg1, %mul3A : i32
    %add3A = arith.constant 0 : i32
    %add3A_6 = arith.addi %mul3A_5, %add3A : i32
    "tpu.region"() ({
      %run_scoped3A_203 = tpu.sem_alloc : memref<!tpu.dma_semaphore, #tpu.memory_space<semaphore_mem>>
      %dma_start3A_204 = arith.constant 0 : i32
      %dma_start3A_205 = arith.constant 0 : i32
      %dma_start3A_206 = tpu.memref_slice %arg8[%dma_start3A_204, %dma_start3A_205] : memref<80x128xf32, #tpu.memory_space<vmem>> -> memref<80x128xf32, #tpu.memory_space<vmem>>
      %dma_start3A_207 = arith.constant 0 : i32
      %dma_start3A_208 = tpu.memref_slice %arg12[%add3A_6, %dma_start3A_207] : memref<10240x128xf32, #tpu.memory_space<vmem_shared>> -> memref<80x128xf32, #tpu.memory_space<vmem_shared>>
      %dma_start3A_209 = arith.constant 0 : i32
      %dma_start3A_210 = tpu.memref_slice %arg12[%add3A_6, %dma_start3A_209] : memref<10240x128xf32, #tpu.memory_space<vmem_shared>> -> memref<80x128xf32, #tpu.memory_space<vmem_shared>>
      %dma_start3A_211 = arith.constant 0 : i32
      %dma_start3A_212 = arith.constant 0 : i32
      %dma_start3A_213 = tpu.memref_slice %arg8[%dma_start3A_211, %dma_start3A_212] : memref<80x128xf32, #tpu.memory_space<vmem>> -> memref<80x128xf32, #tpu.memory_space<vmem>>
      tpu.enqueue_dma source(%dma_start3A_213 : memref<80x128xf32, #tpu.memory_space<vmem>>) target(%dma_start3A_210 : memref<80x128xf32, #tpu.memory_space<vmem_shared>>) target_semaphore(%run_scoped3A_203 : memref<!tpu.dma_semaphore, #tpu.memory_space<semaphore_mem>>)
      %dma_wait3A_214 = arith.constant 0 : i32
      %dma_wait3A_215 = arith.constant 0 : i32
      %dma_wait3A_216 = tpu.memref_slice %arg8[%dma_wait3A_214, %dma_wait3A_215] : memref<80x128xf32, #tpu.memory_space<vmem>> -> memref<80x128xf32, #tpu.memory_space<vmem>>
      %dma_wait3A_217 = arith.constant 0 : i32
      %dma_wait3A_218 = tpu.memref_slice %arg12[%add3A_6, %dma_wait3A_217] : memref<10240x128xf32, #tpu.memory_space<vmem_shared>> -> memref<80x128xf32, #tpu.memory_space<vmem_shared>>
      %dma_wait3A_219 = arith.constant 0 : i32
      %dma_wait3A_220 = tpu.memref_slice %arg12[%add3A_6, %dma_wait3A_219] : memref<10240x128xf32, #tpu.memory_space<vmem_shared>> -> memref<80x128xf32, #tpu.memory_space<vmem_shared>>
      %dma_wait3A_221 = arith.constant 0 : i32
      %dma_wait3A_222 = arith.constant 0 : i32
      %dma_wait3A_223 = tpu.memref_slice %arg8[%dma_wait3A_221, %dma_wait3A_222] : memref<80x128xf32, #tpu.memory_space<vmem>> -> memref<80x128xf32, #tpu.memory_space<vmem>>
      tpu.wait_dma2 semaphore(%run_scoped3A_203 : memref<!tpu.dma_semaphore, #tpu.memory_space<semaphore_mem>>) src(%dma_wait3A_223 : memref<80x128xf32, #tpu.memory_space<vmem>>) dst(%dma_wait3A_220 : memref<80x128xf32, #tpu.memory_space<vmem_shared>>)
      tpu.yield
    }) : () -> ()
    %mul3A_7 = arith.constant 640 : i32
    %mul3A_8 = arith.muli %arg1, %mul3A_7 : i32
    %add3A_9 = arith.constant 80 : i32
    %add3A_10 = arith.addi %mul3A_8, %add3A_9 : i32
    "tpu.region"() ({
      %run_scoped3A_203 = tpu.sem_alloc : memref<!tpu.dma_semaphore, #tpu.memory_space<semaphore_mem>>
      %dma_start3A_204 = arith.constant 0 : i32
      %dma_start3A_205 = arith.constant 0 : i32
      %dma_start3A_206 = tpu.memref_slice %arg8[%dma_start3A_204, %dma_start3A_205] : memref<80x128xf32, #tpu.memory_space<vmem>> -> memref<80x128xf32, #tpu.memory_space<vmem>>
      %dma_start3A_207 = arith.constant 0 : i32
      %dma_start3A_208 = tpu.memref_slice %arg12[%add3A_10, %dma_start3A_207] : memref<10240x128xf32, #tpu.memory_space<vmem_shared>> -> memref<80x128xf32, #tpu.memory_space<vmem_shared>>
      %dma_start3A_209 = arith.constant 0 : i32
      %dma_start3A_210 = tpu.memref_slice %arg12[%add3A_10, %dma_start3A_209] : memref<10240x128xf32, #tpu.memory_space<vmem_shared>> -> memref<80x128xf32, #tpu.memory_space<vmem_shared>>
      %dma_start3A_211 = arith.constant 0 : i32
      %dma_start3A_212 = arith.constant 0 : i32
      %dma_start3A_213 = tpu.memref_slice %arg8[%dma_start3A_211, %dma_start3A_212] : memref<80x128xf32, #tpu.memory_space<vmem>> -> memref<80x128xf32, #tpu.memory_space<vmem>>
      tpu.enqueue_dma source(%dma_start3A_213 : memref<80x128xf32, #tpu.memory_space<vmem>>) target(%dma_start3A_210 : memref<80x128xf32, #tpu.memory_space<vmem_shared>>) target_semaphore(%run_scoped3A_203 : memref<!tpu.dma_semaphore, #tpu.memory_space<semaphore_mem>>)
      %dma_wait3A_214 = arith.constant 0 : i32
      %dma_wait3A_215 = arith.constant 0 : i32
      %dma_wait3A_216 = tpu.memref_slice %arg8[%dma_wait3A_214, %dma_wait3A_215] : memref<80x128xf32, #tpu.memory_space<vmem>> -> memref<80x128xf32, #tpu.memory_space<vmem>>
      %dma_wait3A_217 = arith.constant 0 : i32
      %dma_wait3A_218 = tpu.memref_slice %arg12[%add3A_10, %dma_wait3A_217] : memref<10240x128xf32, #tpu.memory_space<vmem_shared>> -> memref<80x128xf32, #tpu.memory_space<vmem_shared>>
      %dma_wait3A_219 = arith.constant 0 : i32
      %dma_wait3A_220 = tpu.memref_slice %arg12[%add3A_10, %dma_wait3A_219] : memref<10240x128xf32, #tpu.memory_space<vmem_shared>> -> memref<80x128xf32, #tpu.memory_space<vmem_shared>>
      %dma_wait3A_221 = arith.constant 0 : i32
      %dma_wait3A_222 = arith.constant 0 : i32
      %dma_wait3A_223 = tpu.memref_slice %arg8[%dma_wait3A_221, %dma_wait3A_222] : memref<80x128xf32, #tpu.memory_space<vmem>> -> memref<80x128xf32, #tpu.memory_space<vmem>>
      tpu.wait_dma2 semaphore(%run_scoped3A_203 : memref<!tpu.dma_semaphore, #tpu.memory_space<semaphore_mem>>) src(%dma_wait3A_223 : memref<80x128xf32, #tpu.memory_space<vmem>>) dst(%dma_wait3A_220 : memref<80x128xf32, #tpu.memory_space<vmem_shared>>)
      tpu.yield
    }) : () -> ()
    %mul3A_11 = arith.constant 640 : i32
    %mul3A_12 = arith.muli %arg1, %mul3A_11 : i32
    %add3A_13 = arith.constant 160 : i32
    %add3A_14 = arith.addi %mul3A_12, %add3A_13 : i32
    "tpu.region"() ({
      %run_scoped3A_203 = tpu.sem_alloc : memref<!tpu.dma_semaphore, #tpu.memory_space<semaphore_mem>>
      %dma_start3A_204 = arith.constant 0 : i32
      %dma_start3A_205 = arith.constant 0 : i32
      %dma_start3A_206 = tpu.memref_slice %arg8[%dma_start3A_204, %dma_start3A_205] : memref<80x128xf32, #tpu.memory_space<vmem>> -> memref<80x128xf32, #tpu.memory_space<vmem>>
      %dma_start3A_207 = arith.constant 0 : i32
      %dma_start3A_208 = tpu.memref_slice %arg12[%add3A_14, %dma_start3A_207] : memref<10240x128xf32, #tpu.memory_space<vmem_shared>> -> memref<80x128xf32, #tpu.memory_space<vmem_shared>>
      %dma_start3A_209 = arith.constant 0 : i32
      %dma_start3A_210 = tpu.memref_slice %arg12[%add3A_14, %dma_start3A_209] : memref<10240x128xf32, #tpu.memory_space<vmem_shared>> -> memref<80x128xf32, #tpu.memory_space<vmem_shared>>
      %dma_start3A_211 = arith.constant 0 : i32
      %dma_start3A_212 = arith.constant 0 : i32
      %dma_start3A_213 = tpu.memref_slice %arg8[%dma_start3A_211, %dma_start3A_212] : memref<80x128xf32, #tpu.memory_space<vmem>> -> memref<80x128xf32, #tpu.memory_space<vmem>>
      tpu.enqueue_dma source(%dma_start3A_213 : memref<80x128xf32, #tpu.memory_space<vmem>>) target(%dma_start3A_210 : memref<80x128xf32, #tpu.memory_space<vmem_shared>>) target_semaphore(%run_scoped3A_203 : memref<!tpu.dma_semaphore, #tpu.memory_space<semaphore_mem>>)
      %dma_wait3A_214 = arith.constant 0 : i32
      %dma_wait3A_215 = arith.constant 0 : i32
      %dma_wait3A_216 = tpu.memref_slice %arg8[%dma_wait3A_214, %dma_wait3A_215] : memref<80x128xf32, #tpu.memory_space<vmem>> -> memref<80x128xf32, #tpu.memory_space<vmem>>
      %dma_wait3A_217 = arith.constant 0 : i32
      %dma_wait3A_218 = tpu.memref_slice %arg12[%add3A_14, %dma_wait3A_217] : memref<10240x128xf32, #tpu.memory_space<vmem_shared>> -> memref<80x128xf32, #tpu.memory_space<vmem_shared>>
      %dma_wait3A_219 = arith.constant 0 : i32
      %dma_wait3A_220 = tpu.memref_slice %arg12[%add3A_14, %dma_wait3A_219] : memref<10240x128xf32, #tpu.memory_space<vmem_shared>> -> memref<80x128xf32, #tpu.memory_space<vmem_shared>>
      %dma_wait3A_221 = arith.constant 0 : i32
      %dma_wait3A_222 = arith.constant 0 : i32
      %dma_wait3A_223 = tpu.memref_slice %arg8[%dma_wait3A_221, %dma_wait3A_222] : memref<80x128xf32, #tpu.memory_space<vmem>> -> memref<80x128xf32, #tpu.memory_space<vmem>>
      tpu.wait_dma2 semaphore(%run_scoped3A_203 : memref<!tpu.dma_semaphore, #tpu.memory_space<semaphore_mem>>) src(%dma_wait3A_223 : memref<80x128xf32, #tpu.memory_space<vmem>>) dst(%dma_wait3A_220 : memref<80x128xf32, #tpu.memory_space<vmem_shared>>)
      tpu.yield
    }) : () -> ()
    %mul3A_15 = arith.constant 640 : i32
    %mul3A_16 = arith.muli %arg1, %mul3A_15 : i32
    %add3A_17 = arith.constant 240 : i32
    %add3A_18 = arith.addi %mul3A_16, %add3A_17 : i32
    "tpu.region"() ({
      %run_scoped3A_203 = tpu.sem_alloc : memref<!tpu.dma_semaphore, #tpu.memory_space<semaphore_mem>>
      %dma_start3A_204 = arith.constant 0 : i32
      %dma_start3A_205 = arith.constant 0 : i32
      %dma_start3A_206 = tpu.memref_slice %arg8[%dma_start3A_204, %dma_start3A_205] : memref<80x128xf32, #tpu.memory_space<vmem>> -> memref<80x128xf32, #tpu.memory_space<vmem>>
      %dma_start3A_207 = arith.constant 0 : i32
      %dma_start3A_208 = tpu.memref_slice %arg12[%add3A_18, %dma_start3A_207] : memref<10240x128xf32, #tpu.memory_space<vmem_shared>> -> memref<80x128xf32, #tpu.memory_space<vmem_shared>>
      %dma_start3A_209 = arith.constant 0 : i32
      %dma_start3A_210 = tpu.memref_slice %arg12[%add3A_18, %dma_start3A_209] : memref<10240x128xf32, #tpu.memory_space<vmem_shared>> -> memref<80x128xf32, #tpu.memory_space<vmem_shared>>
      %dma_start3A_211 = arith.constant 0 : i32
      %dma_start3A_212 = arith.constant 0 : i32
      %dma_start3A_213 = tpu.memref_slice %arg8[%dma_start3A_211, %dma_start3A_212] : memref<80x128xf32, #tpu.memory_space<vmem>> -> memref<80x128xf32, #tpu.memory_space<vmem>>
      tpu.enqueue_dma source(%dma_start3A_213 : memref<80x128xf32, #tpu.memory_space<vmem>>) target(%dma_start3A_210 : memref<80x128xf32, #tpu.memory_space<vmem_shared>>) target_semaphore(%run_scoped3A_203 : memref<!tpu.dma_semaphore, #tpu.memory_space<semaphore_mem>>)
      %dma_wait3A_214 = arith.constant 0 : i32
      %dma_wait3A_215 = arith.constant 0 : i32
      %dma_wait3A_216 = tpu.memref_slice %arg8[%dma_wait3A_214, %dma_wait3A_215] : memref<80x128xf32, #tpu.memory_space<vmem>> -> memref<80x128xf32, #tpu.memory_space<vmem>>
      %dma_wait3A_217 = arith.constant 0 : i32
      %dma_wait3A_218 = tpu.memref_slice %arg12[%add3A_18, %dma_wait3A_217] : memref<10240x128xf32, #tpu.memory_space<vmem_shared>> -> memref<80x128xf32, #tpu.memory_space<vmem_shared>>
      %dma_wait3A_219 = arith.constant 0 : i32
      %dma_wait3A_220 = tpu.memref_slice %arg12[%add3A_18, %dma_wait3A_219] : memref<10240x128xf32, #tpu.memory_space<vmem_shared>> -> memref<80x128xf32, #tpu.memory_space<vmem_shared>>
      %dma_wait3A_221 = arith.constant 0 : i32
      %dma_wait3A_222 = arith.constant 0 : i32
      %dma_wait3A_223 = tpu.memref_slice %arg8[%dma_wait3A_221, %dma_wait3A_222] : memref<80x128xf32, #tpu.memory_space<vmem>> -> memref<80x128xf32, #tpu.memory_space<vmem>>
      tpu.wait_dma2 semaphore(%run_scoped3A_203 : memref<!tpu.dma_semaphore, #tpu.memory_space<semaphore_mem>>) src(%dma_wait3A_223 : memref<80x128xf32, #tpu.memory_space<vmem>>) dst(%dma_wait3A_220 : memref<80x128xf32, #tpu.memory_space<vmem_shared>>)
      tpu.yield
    }) : () -> ()
    %mul3A_19 = arith.constant 640 : i32
    %mul3A_20 = arith.muli %arg1, %mul3A_19 : i32
    %add3A_21 = arith.constant 320 : i32
    %add3A_22 = arith.addi %mul3A_20, %add3A_21 : i32
    "tpu.region"() ({
      %run_scoped3A_203 = tpu.sem_alloc : memref<!tpu.dma_semaphore, #tpu.memory_space<semaphore_mem>>
      %dma_start3A_204 = arith.constant 0 : i32
      %dma_start3A_205 = arith.constant 0 : i32
      %dma_start3A_206 = tpu.memref_slice %arg8[%dma_start3A_204, %dma_start3A_205] : memref<80x128xf32, #tpu.memory_space<vmem>> -> memref<80x128xf32, #tpu.memory_space<vmem>>
      %dma_start3A_207 = arith.constant 0 : i32
      %dma_start3A_208 = tpu.memref_slice %arg12[%add3A_22, %dma_start3A_207] : memref<10240x128xf32, #tpu.memory_space<vmem_shared>> -> memref<80x128xf32, #tpu.memory_space<vmem_shared>>
      %dma_start3A_209 = arith.constant 0 : i32
      %dma_start3A_210 = tpu.memref_slice %arg12[%add3A_22, %dma_start3A_209] : memref<10240x128xf32, #tpu.memory_space<vmem_shared>> -> memref<80x128xf32, #tpu.memory_space<vmem_shared>>
      %dma_start3A_211 = arith.constant 0 : i32
      %dma_start3A_212 = arith.constant 0 : i32
      %dma_start3A_213 = tpu.memref_slice %arg8[%dma_start3A_211, %dma_start3A_212] : memref<80x128xf32, #tpu.memory_space<vmem>> -> memref<80x128xf32, #tpu.memory_space<vmem>>
      tpu.enqueue_dma source(%dma_start3A_213 : memref<80x128xf32, #tpu.memory_space<vmem>>) target(%dma_start3A_210 : memref<80x128xf32, #tpu.memory_space<vmem_shared>>) target_semaphore(%run_scoped3A_203 : memref<!tpu.dma_semaphore, #tpu.memory_space<semaphore_mem>>)
      %dma_wait3A_214 = arith.constant 0 : i32
      %dma_wait3A_215 = arith.constant 0 : i32
      %dma_wait3A_216 = tpu.memref_slice %arg8[%dma_wait3A_214, %dma_wait3A_215] : memref<80x128xf32, #tpu.memory_space<vmem>> -> memref<80x128xf32, #tpu.memory_space<vmem>>
      %dma_wait3A_217 = arith.constant 0 : i32
      %dma_wait3A_218 = tpu.memref_slice %arg12[%add3A_22, %dma_wait3A_217] : memref<10240x128xf32, #tpu.memory_space<vmem_shared>> -> memref<80x128xf32, #tpu.memory_space<vmem_shared>>
      %dma_wait3A_219 = arith.constant 0 : i32
      %dma_wait3A_220 = tpu.memref_slice %arg12[%add3A_22, %dma_wait3A_219] : memref<10240x128xf32, #tpu.memory_space<vmem_shared>> -> memref<80x128xf32, #tpu.memory_space<vmem_shared>>
      %dma_wait3A_221 = arith.constant 0 : i32
      %dma_wait3A_222 = arith.constant 0 : i32
      %dma_wait3A_223 = tpu.memref_slice %arg8[%dma_wait3A_221, %dma_wait3A_222] : memref<80x128xf32, #tpu.memory_space<vmem>> -> memref<80x128xf32, #tpu.memory_space<vmem>>
      tpu.wait_dma2 semaphore(%run_scoped3A_203 : memref<!tpu.dma_semaphore, #tpu.memory_space<semaphore_mem>>) src(%dma_wait3A_223 : memref<80x128xf32, #tpu.memory_space<vmem>>) dst(%dma_wait3A_220 : memref<80x128xf32, #tpu.memory_space<vmem_shared>>)
      tpu.yield
    }) : () -> ()
    %mul3A_23 = arith.constant 640 : i32
    %mul3A_24 = arith.muli %arg1, %mul3A_23 : i32
    %add3A_25 = arith.constant 400 : i32
    %add3A_26 = arith.addi %mul3A_24, %add3A_25 : i32
    "tpu.region"() ({
      %run_scoped3A_203 = tpu.sem_alloc : memref<!tpu.dma_semaphore, #tpu.memory_space<semaphore_mem>>
      %dma_start3A_204 = arith.constant 0 : i32
      %dma_start3A_205 = arith.constant 0 : i32
      %dma_start3A_206 = tpu.memref_slice %arg8[%dma_start3A_204, %dma_start3A_205] : memref<80x128xf32, #tpu.memory_space<vmem>> -> memref<80x128xf32, #tpu.memory_space<vmem>>
      %dma_start3A_207 = arith.constant 0 : i32
      %dma_start3A_208 = tpu.memref_slice %arg12[%add3A_26, %dma_start3A_207] : memref<10240x128xf32, #tpu.memory_space<vmem_shared>> -> memref<80x128xf32, #tpu.memory_space<vmem_shared>>
      %dma_start3A_209 = arith.constant 0 : i32
      %dma_start3A_210 = tpu.memref_slice %arg12[%add3A_26, %dma_start3A_209] : memref<10240x128xf32, #tpu.memory_space<vmem_shared>> -> memref<80x128xf32, #tpu.memory_space<vmem_shared>>
      %dma_start3A_211 = arith.constant 0 : i32
      %dma_start3A_212 = arith.constant 0 : i32
      %dma_start3A_213 = tpu.memref_slice %arg8[%dma_start3A_211, %dma_start3A_212] : memref<80x128xf32, #tpu.memory_space<vmem>> -> memref<80x128xf32, #tpu.memory_space<vmem>>
      tpu.enqueue_dma source(%dma_start3A_213 : memref<80x128xf32, #tpu.memory_space<vmem>>) target(%dma_start3A_210 : memref<80x128xf32, #tpu.memory_space<vmem_shared>>) target_semaphore(%run_scoped3A_203 : memref<!tpu.dma_semaphore, #tpu.memory_space<semaphore_mem>>)
      %dma_wait3A_214 = arith.constant 0 : i32
      %dma_wait3A_215 = arith.constant 0 : i32
      %dma_wait3A_216 = tpu.memref_slice %arg8[%dma_wait3A_214, %dma_wait3A_215] : memref<80x128xf32, #tpu.memory_space<vmem>> -> memref<80x128xf32, #tpu.memory_space<vmem>>
      %dma_wait3A_217 = arith.constant 0 : i32
      %dma_wait3A_218 = tpu.memref_slice %arg12[%add3A_26, %dma_wait3A_217] : memref<10240x128xf32, #tpu.memory_space<vmem_shared>> -> memref<80x128xf32, #tpu.memory_space<vmem_shared>>
      %dma_wait3A_219 = arith.constant 0 : i32
      %dma_wait3A_220 = tpu.memref_slice %arg12[%add3A_26, %dma_wait3A_219] : memref<10240x128xf32, #tpu.memory_space<vmem_shared>> -> memref<80x128xf32, #tpu.memory_space<vmem_shared>>
      %dma_wait3A_221 = arith.constant 0 : i32
      %dma_wait3A_222 = arith.constant 0 : i32
      %dma_wait3A_223 = tpu.memref_slice %arg8[%dma_wait3A_221, %dma_wait3A_222] : memref<80x128xf32, #tpu.memory_space<vmem>> -> memref<80x128xf32, #tpu.memory_space<vmem>>
      tpu.wait_dma2 semaphore(%run_scoped3A_203 : memref<!tpu.dma_semaphore, #tpu.memory_space<semaphore_mem>>) src(%dma_wait3A_223 : memref<80x128xf32, #tpu.memory_space<vmem>>) dst(%dma_wait3A_220 : memref<80x128xf32, #tpu.memory_space<vmem_shared>>)
      tpu.yield
    }) : () -> ()
    %mul3A_27 = arith.constant 640 : i32
    %mul3A_28 = arith.muli %arg1, %mul3A_27 : i32
    %add3A_29 = arith.constant 480 : i32
    %add3A_30 = arith.addi %mul3A_28, %add3A_29 : i32
    "tpu.region"() ({
      %run_scoped3A_203 = tpu.sem_alloc : memref<!tpu.dma_semaphore, #tpu.memory_space<semaphore_mem>>
      %dma_start3A_204 = arith.constant 0 : i32
      %dma_start3A_205 = arith.constant 0 : i32
      %dma_start3A_206 = tpu.memref_slice %arg8[%dma_start3A_204, %dma_start3A_205] : memref<80x128xf32, #tpu.memory_space<vmem>> -> memref<80x128xf32, #tpu.memory_space<vmem>>
      %dma_start3A_207 = arith.constant 0 : i32
      %dma_start3A_208 = tpu.memref_slice %arg12[%add3A_30, %dma_start3A_207] : memref<10240x128xf32, #tpu.memory_space<vmem_shared>> -> memref<80x128xf32, #tpu.memory_space<vmem_shared>>
      %dma_start3A_209 = arith.constant 0 : i32
      %dma_start3A_210 = tpu.memref_slice %arg12[%add3A_30, %dma_start3A_209] : memref<10240x128xf32, #tpu.memory_space<vmem_shared>> -> memref<80x128xf32, #tpu.memory_space<vmem_shared>>
      %dma_start3A_211 = arith.constant 0 : i32
      %dma_start3A_212 = arith.constant 0 : i32
      %dma_start3A_213 = tpu.memref_slice %arg8[%dma_start3A_211, %dma_start3A_212] : memref<80x128xf32, #tpu.memory_space<vmem>> -> memref<80x128xf32, #tpu.memory_space<vmem>>
      tpu.enqueue_dma source(%dma_start3A_213 : memref<80x128xf32, #tpu.memory_space<vmem>>) target(%dma_start3A_210 : memref<80x128xf32, #tpu.memory_space<vmem_shared>>) target_semaphore(%run_scoped3A_203 : memref<!tpu.dma_semaphore, #tpu.memory_space<semaphore_mem>>)
      %dma_wait3A_214 = arith.constant 0 : i32
      %dma_wait3A_215 = arith.constant 0 : i32
      %dma_wait3A_216 = tpu.memref_slice %arg8[%dma_wait3A_214, %dma_wait3A_215] : memref<80x128xf32, #tpu.memory_space<vmem>> -> memref<80x128xf32, #tpu.memory_space<vmem>>
      %dma_wait3A_217 = arith.constant 0 : i32
      %dma_wait3A_218 = tpu.memref_slice %arg12[%add3A_30, %dma_wait3A_217] : memref<10240x128xf32, #tpu.memory_space<vmem_shared>> -> memref<80x128xf32, #tpu.memory_space<vmem_shared>>
      %dma_wait3A_219 = arith.constant 0 : i32
      %dma_wait3A_220 = tpu.memref_slice %arg12[%add3A_30, %dma_wait3A_219] : memref<10240x128xf32, #tpu.memory_space<vmem_shared>> -> memref<80x128xf32, #tpu.memory_space<vmem_shared>>
      %dma_wait3A_221 = arith.constant 0 : i32
      %dma_wait3A_222 = arith.constant 0 : i32
      %dma_wait3A_223 = tpu.memref_slice %arg8[%dma_wait3A_221, %dma_wait3A_222] : memref<80x128xf32, #tpu.memory_space<vmem>> -> memref<80x128xf32, #tpu.memory_space<vmem>>
      tpu.wait_dma2 semaphore(%run_scoped3A_203 : memref<!tpu.dma_semaphore, #tpu.memory_space<semaphore_mem>>) src(%dma_wait3A_223 : memref<80x128xf32, #tpu.memory_space<vmem>>) dst(%dma_wait3A_220 : memref<80x128xf32, #tpu.memory_space<vmem_shared>>)
      tpu.yield
    }) : () -> ()
    %mul3A_31 = arith.constant 640 : i32
    %mul3A_32 = arith.muli %arg1, %mul3A_31 : i32
    %add3A_33 = arith.constant 560 : i32
    %add3A_34 = arith.addi %mul3A_32, %add3A_33 : i32
    "tpu.region"() ({
      %run_scoped3A_203 = tpu.sem_alloc : memref<!tpu.dma_semaphore, #tpu.memory_space<semaphore_mem>>
      %dma_start3A_204 = arith.constant 0 : i32
      %dma_start3A_205 = arith.constant 0 : i32
      %dma_start3A_206 = tpu.memref_slice %arg8[%dma_start3A_204, %dma_start3A_205] : memref<80x128xf32, #tpu.memory_space<vmem>> -> memref<80x128xf32, #tpu.memory_space<vmem>>
      %dma_start3A_207 = arith.constant 0 : i32
      %dma_start3A_208 = tpu.memref_slice %arg12[%add3A_34, %dma_start3A_207] : memref<10240x128xf32, #tpu.memory_space<vmem_shared>> -> memref<80x128xf32, #tpu.memory_space<vmem_shared>>
      %dma_start3A_209 = arith.constant 0 : i32
      %dma_start3A_210 = tpu.memref_slice %arg12[%add3A_34, %dma_start3A_209] : memref<10240x128xf32, #tpu.memory_space<vmem_shared>> -> memref<80x128xf32, #tpu.memory_space<vmem_shared>>
      %dma_start3A_211 = arith.constant 0 : i32
      %dma_start3A_212 = arith.constant 0 : i32
      %dma_start3A_213 = tpu.memref_slice %arg8[%dma_start3A_211, %dma_start3A_212] : memref<80x128xf32, #tpu.memory_space<vmem>> -> memref<80x128xf32, #tpu.memory_space<vmem>>
      tpu.enqueue_dma source(%dma_start3A_213 : memref<80x128xf32, #tpu.memory_space<vmem>>) target(%dma_start3A_210 : memref<80x128xf32, #tpu.memory_space<vmem_shared>>) target_semaphore(%run_scoped3A_203 : memref<!tpu.dma_semaphore, #tpu.memory_space<semaphore_mem>>)
      %dma_wait3A_214 = arith.constant 0 : i32
      %dma_wait3A_215 = arith.constant 0 : i32
      %dma_wait3A_216 = tpu.memref_slice %arg8[%dma_wait3A_214, %dma_wait3A_215] : memref<80x128xf32, #tpu.memory_space<vmem>> -> memref<80x128xf32, #tpu.memory_space<vmem>>
      %dma_wait3A_217 = arith.constant 0 : i32
      %dma_wait3A_218 = tpu.memref_slice %arg12[%add3A_34, %dma_wait3A_217] : memref<10240x128xf32, #tpu.memory_space<vmem_shared>> -> memref<80x128xf32, #tpu.memory_space<vmem_shared>>
      %dma_wait3A_219 = arith.constant 0 : i32
      %dma_wait3A_220 = tpu.memref_slice %arg12[%add3A_34, %dma_wait3A_219] : memref<10240x128xf32, #tpu.memory_space<vmem_shared>> -> memref<80x128xf32, #tpu.memory_space<vmem_shared>>
      %dma_wait3A_221 = arith.constant 0 : i32
      %dma_wait3A_222 = arith.constant 0 : i32
      %dma_wait3A_223 = tpu.memref_slice %arg8[%dma_wait3A_221, %dma_wait3A_222] : memref<80x128xf32, #tpu.memory_space<vmem>> -> memref<80x128xf32, #tpu.memory_space<vmem>>
      tpu.wait_dma2 semaphore(%run_scoped3A_203 : memref<!tpu.dma_semaphore, #tpu.memory_space<semaphore_mem>>) src(%dma_wait3A_223 : memref<80x128xf32, #tpu.memory_space<vmem>>) dst(%dma_wait3A_220 : memref<80x128xf32, #tpu.memory_space<vmem_shared>>)
      tpu.yield
    }) : () -> ()
    %barrier3A = arith.constant 0 : index
    tpu.barrier barrier_id(%barrier3A)
    %run_scoped3A = arith.constant 0 : i32
    "tpu.region"() ({
      %run_scoped3A_203 = tpu.sem_alloc : memref<!tpu.dma_semaphore, #tpu.memory_space<semaphore_mem>>
      %dma_start3A_204 = arith.constant 0 : i32
      %dma_start3A_205 = arith.constant 0 : i32
      %dma_start3A_206 = tpu.memref_slice %arg2[%arg0, %arg1, %run_scoped3A, %dma_start3A_204, %dma_start3A_205] : memref<2x16x5x25x80xi32, #tpu.memory_space<hbm>> -> memref<1x1x1x25x80xi32, #tpu.memory_space<hbm>>
      %dma_start3A_207 = tpu.memref_squeeze %dma_start3A_206 : memref<1x1x1x25x80xi32, #tpu.memory_space<hbm>> -> memref<25x80xi32, #tpu.memory_space<hbm>>
      %dma_start3A_208 = arith.constant 0 : i32
      %dma_start3A_209 = arith.constant 0 : i32
      %dma_start3A_210 = tpu.memref_slice %arg2[%arg0, %arg1, %run_scoped3A, %dma_start3A_208, %dma_start3A_209] : memref<2x16x5x25x80xi32, #tpu.memory_space<hbm>> -> memref<1x1x1x25x80xi32, #tpu.memory_space<hbm>>
      %dma_start3A_211 = tpu.memref_squeeze %dma_start3A_210 : memref<1x1x1x25x80xi32, #tpu.memory_space<hbm>> -> memref<25x80xi32, #tpu.memory_space<hbm>>
      tpu.enqueue_dma source(%dma_start3A_211 : memref<25x80xi32, #tpu.memory_space<hbm>>) target(%arg6 : memref<25x80xi32, #tpu.memory_space<vmem>>) target_semaphore(%run_scoped3A_203 : memref<!tpu.dma_semaphore, #tpu.memory_space<semaphore_mem>>)
      %dma_wait3A_212 = arith.constant 0 : i32
      %dma_wait3A_213 = arith.constant 0 : i32
      %dma_wait3A_214 = tpu.memref_slice %arg2[%arg0, %arg1, %run_scoped3A, %dma_wait3A_212, %dma_wait3A_213] : memref<2x16x5x25x80xi32, #tpu.memory_space<hbm>> -> memref<1x1x1x25x80xi32, #tpu.memory_space<hbm>>
      %dma_wait3A_215 = tpu.memref_squeeze %dma_wait3A_214 : memref<1x1x1x25x80xi32, #tpu.memory_space<hbm>> -> memref<25x80xi32, #tpu.memory_space<hbm>>
      %dma_wait3A_216 = arith.constant 0 : i32
      %dma_wait3A_217 = arith.constant 0 : i32
      %dma_wait3A_218 = tpu.memref_slice %arg2[%arg0, %arg1, %run_scoped3A, %dma_wait3A_216, %dma_wait3A_217] : memref<2x16x5x25x80xi32, #tpu.memory_space<hbm>> -> memref<1x1x1x25x80xi32, #tpu.memory_space<hbm>>
      %dma_wait3A_219 = tpu.memref_squeeze %dma_wait3A_218 : memref<1x1x1x25x80xi32, #tpu.memory_space<hbm>> -> memref<25x80xi32, #tpu.memory_space<hbm>>
      tpu.wait_dma2 semaphore(%run_scoped3A_203 : memref<!tpu.dma_semaphore, #tpu.memory_space<semaphore_mem>>) src(%dma_wait3A_219 : memref<25x80xi32, #tpu.memory_space<hbm>>) dst(%arg6 : memref<25x80xi32, #tpu.memory_space<vmem>>)
      tpu.yield
    }) : () -> ()
    %run_scoped3A_35 = arith.constant 0 : i32
    "tpu.region"() ({
      %run_scoped3A_203 = tpu.sem_alloc : memref<!tpu.dma_semaphore, #tpu.memory_space<semaphore_mem>>
      %dma_start3A_204 = arith.constant 0 : i32
      %dma_start3A_205 = arith.constant 0 : i32
      %dma_start3A_206 = tpu.memref_slice %arg3[%arg0, %arg1, %run_scoped3A_35, %dma_start3A_204, %dma_start3A_205] : memref<2x16x5x25x80xi32, #tpu.memory_space<hbm>> -> memref<1x1x1x25x80xi32, #tpu.memory_space<hbm>>
      %dma_start3A_207 = tpu.memref_squeeze %dma_start3A_206 : memref<1x1x1x25x80xi32, #tpu.memory_space<hbm>> -> memref<25x80xi32, #tpu.memory_space<hbm>>
      %dma_start3A_208 = arith.constant 0 : i32
      %dma_start3A_209 = arith.constant 0 : i32
      %dma_start3A_210 = tpu.memref_slice %arg3[%arg0, %arg1, %run_scoped3A_35, %dma_start3A_208, %dma_start3A_209] : memref<2x16x5x25x80xi32, #tpu.memory_space<hbm>> -> memref<1x1x1x25x80xi32, #tpu.memory_space<hbm>>
      %dma_start3A_211 = tpu.memref_squeeze %dma_start3A_210 : memref<1x1x1x25x80xi32, #tpu.memory_space<hbm>> -> memref<25x80xi32, #tpu.memory_space<hbm>>
      tpu.enqueue_dma source(%dma_start3A_211 : memref<25x80xi32, #tpu.memory_space<hbm>>) target(%arg7 : memref<25x80xi32, #tpu.memory_space<vmem>>) target_semaphore(%run_scoped3A_203 : memref<!tpu.dma_semaphore, #tpu.memory_space<semaphore_mem>>)
      %dma_wait3A_212 = arith.constant 0 : i32
      %dma_wait3A_213 = arith.constant 0 : i32
      %dma_wait3A_214 = tpu.memref_slice %arg3[%arg0, %arg1, %run_scoped3A_35, %dma_wait3A_212, %dma_wait3A_213] : memref<2x16x5x25x80xi32, #tpu.memory_space<hbm>> -> memref<1x1x1x25x80xi32, #tpu.memory_space<hbm>>
      %dma_wait3A_215 = tpu.memref_squeeze %dma_wait3A_214 : memref<1x1x1x25x80xi32, #tpu.memory_space<hbm>> -> memref<25x80xi32, #tpu.memory_space<hbm>>
      %dma_wait3A_216 = arith.constant 0 : i32
      %dma_wait3A_217 = arith.constant 0 : i32
      %dma_wait3A_218 = tpu.memref_slice %arg3[%arg0, %arg1, %run_scoped3A_35, %dma_wait3A_216, %dma_wait3A_217] : memref<2x16x5x25x80xi32, #tpu.memory_space<hbm>> -> memref<1x1x1x25x80xi32, #tpu.memory_space<hbm>>
      %dma_wait3A_219 = tpu.memref_squeeze %dma_wait3A_218 : memref<1x1x1x25x80xi32, #tpu.memory_space<hbm>> -> memref<25x80xi32, #tpu.memory_space<hbm>>
      tpu.wait_dma2 semaphore(%run_scoped3A_203 : memref<!tpu.dma_semaphore, #tpu.memory_space<semaphore_mem>>) src(%dma_wait3A_219 : memref<25x80xi32, #tpu.memory_space<hbm>>) dst(%arg7 : memref<25x80xi32, #tpu.memory_space<vmem>>)
      tpu.yield
    }) : () -> ()
    %dma_start3A = arith.constant 0 : i32
    %dma_start3A_36 = arith.constant 0 : i32
    %dma_start3A_37 = tpu.memref_slice %arg6[%dma_start3A, %dma_start3A_36] : memref<25x80xi32, #tpu.memory_space<vmem>> -> memref<1x80xi32, #tpu.memory_space<vmem>>
    %dma_start3A_38 = tpu.memref_squeeze %dma_start3A_37 : memref<1x80xi32, #tpu.memory_space<vmem>> -> memref<80xi32, #tpu.memory_space<vmem>>
    %dma_start3A_39 = arith.constant 0 : i32
    %dma_start3A_40 = arith.constant 0 : i32
    %dma_start3A_41 = tpu.memref_slice %arg4[%dma_start3A_39, %dma_start3A_40] : memref<10000x128xf32, #tpu.memory_space<hbm>> -> memref<10000x128xf32, #tpu.memory_space<hbm>>
    tpu.enqueue_indirect_dma source(%dma_start3A_41 : memref<10000x128xf32, #tpu.memory_space<hbm>>) target(%arg8 : memref<80x128xf32, #tpu.memory_space<vmem>>) offsets(%dma_start3A_38 : memref<80xi32, #tpu.memory_space<vmem>>) semaphore(%arg10 : memref<!tpu.dma_semaphore, #tpu.memory_space<semaphore_mem>>)
    %dma_start3A_42 = arith.constant 1 : i32
    %dma_start3A_43 = arith.constant 0 : i32
    %dma_start3A_44 = tpu.memref_slice %arg6[%dma_start3A_42, %dma_start3A_43] : memref<25x80xi32, #tpu.memory_space<vmem>> -> memref<1x80xi32, #tpu.memory_space<vmem>>
    %dma_start3A_45 = tpu.memref_squeeze %dma_start3A_44 : memref<1x80xi32, #tpu.memory_space<vmem>> -> memref<80xi32, #tpu.memory_space<vmem>>
    %dma_start3A_46 = arith.constant 0 : i32
    %dma_start3A_47 = arith.constant 0 : i32
    %dma_start3A_48 = tpu.memref_slice %arg4[%dma_start3A_46, %dma_start3A_47] : memref<10000x128xf32, #tpu.memory_space<hbm>> -> memref<10000x128xf32, #tpu.memory_space<hbm>>
    tpu.enqueue_indirect_dma source(%dma_start3A_48 : memref<10000x128xf32, #tpu.memory_space<hbm>>) target(%arg9 : memref<80x128xf32, #tpu.memory_space<vmem>>) offsets(%dma_start3A_45 : memref<80xi32, #tpu.memory_space<vmem>>) semaphore(%arg11 : memref<!tpu.dma_semaphore, #tpu.memory_space<semaphore_mem>>)
    %scan3A_49 = arith.constant 0 : i32
    %scan3A_50 = arith.constant 0 : i32
    %scan3A_51 = arith.constant 12 : i32
    %scan3A_52 = arith.addi %scan3A_50, %scan3A_51 : i32
    %scan3A_53 = arith.constant 1 : i32
    scf.for %scan3A_203 = %scan3A_50 to %scan3A_52 step %scan3A_53  : i32 {
      %mul3A_204 = arith.constant 2 : i32
      %mul3A_205 = arith.muli %scan3A_203, %mul3A_204 : i32
      %add3A_206 = arith.constant 0 : i32
      %add3A_207 = arith.addi %mul3A_205, %add3A_206 : i32
      %dma_wait3A_208 = arith.constant 0 : i32
      %dma_wait3A_209 = tpu.memref_slice %arg6[%add3A_207, %dma_wait3A_208] : memref<25x80xi32, #tpu.memory_space<vmem>> -> memref<1x80xi32, #tpu.memory_space<vmem>>
      %dma_wait3A_210 = tpu.memref_squeeze %dma_wait3A_209 : memref<1x80xi32, #tpu.memory_space<vmem>> -> memref<80xi32, #tpu.memory_space<vmem>>
      %dma_wait3A_211 = arith.constant 0 : i32
      %dma_wait3A_212 = arith.constant 0 : i32
      %dma_wait3A_213 = tpu.memref_slice %arg4[%dma_wait3A_211, %dma_wait3A_212] : memref<10000x128xf32, #tpu.memory_space<hbm>> -> memref<10000x128xf32, #tpu.memory_space<hbm>>
      tpu.wait_indirect_dma semaphore(%arg10 : memref<!tpu.dma_semaphore, #tpu.memory_space<semaphore_mem>>) src(%dma_wait3A_213 : memref<10000x128xf32, #tpu.memory_space<hbm>>) dst(%arg8 : memref<80x128xf32, #tpu.memory_space<vmem>>)
      "tpu.region"() ({
        %run_scoped3A_233 = tpu.sem_alloc : memref<!tpu.dma_semaphore, #tpu.memory_space<semaphore_mem>>
        %dma_start3A_234 = arith.constant 0 : i32
        %dma_start3A_235 = tpu.memref_slice %arg7[%add3A_207, %dma_start3A_234] : memref<25x80xi32, #tpu.memory_space<vmem>> -> memref<1x80xi32, #tpu.memory_space<vmem>>
        %dma_start3A_236 = tpu.memref_squeeze %dma_start3A_235 : memref<1x80xi32, #tpu.memory_space<vmem>> -> memref<80xi32, #tpu.memory_space<vmem>>
        %dma_start3A_237 = arith.constant 0 : i32
        %dma_start3A_238 = arith.constant 0 : i32
        %dma_start3A_239 = tpu.memref_slice %arg12[%dma_start3A_237, %dma_start3A_238] : memref<10240x128xf32, #tpu.memory_space<vmem_shared>> -> memref<10240x128xf32, #tpu.memory_space<vmem_shared>>
        tpu.enqueue_indirect_dma source(%arg8 : memref<80x128xf32, #tpu.memory_space<vmem>>) target(%dma_start3A_239 : memref<10240x128xf32, #tpu.memory_space<vmem_shared>>) offsets(%dma_start3A_236 : memref<80xi32, #tpu.memory_space<vmem>>) semaphore(%run_scoped3A_233 : memref<!tpu.dma_semaphore, #tpu.memory_space<semaphore_mem>>) {add = true}
        %dma_wait3A_240 = arith.constant 0 : i32
        %dma_wait3A_241 = tpu.memref_slice %arg7[%add3A_207, %dma_wait3A_240] : memref<25x80xi32, #tpu.memory_space<vmem>> -> memref<1x80xi32, #tpu.memory_space<vmem>>
        %dma_wait3A_242 = tpu.memref_squeeze %dma_wait3A_241 : memref<1x80xi32, #tpu.memory_space<vmem>> -> memref<80xi32, #tpu.memory_space<vmem>>
        %dma_wait3A_243 = arith.constant 0 : i32
        %dma_wait3A_244 = arith.constant 0 : i32
        %dma_wait3A_245 = tpu.memref_slice %arg12[%dma_wait3A_243, %dma_wait3A_244] : memref<10240x128xf32, #tpu.memory_space<vmem_shared>> -> memref<10240x128xf32, #tpu.memory_space<vmem_shared>>
        tpu.wait_indirect_dma semaphore(%run_scoped3A_233 : memref<!tpu.dma_semaphore, #tpu.memory_space<semaphore_mem>>) src(%arg8 : memref<80x128xf32, #tpu.memory_space<vmem>>) dst(%dma_wait3A_245 : memref<10240x128xf32, #tpu.memory_space<vmem_shared>>)
        tpu.yield
      }) : () -> ()
      %add3A_214 = arith.constant 2 : i32
      %add3A_215 = arith.addi %add3A_207, %add3A_214 : i32
      %lt3A = arith.constant 25 : i32
      %lt3A_216 = arith.cmpi slt, %add3A_215, %lt3A : i32
      %convert_element_type3A = arith.extui %lt3A_216 : i1 to i32
      %cond3A = arith.constant 0 : i32
      %cond3A_217 = arith.cmpi ne, %convert_element_type3A, %cond3A : i32
      scf.if %cond3A_217 {
        %add3A_233 = arith.constant 2 : i32
        %add3A_234 = arith.addi %add3A_207, %add3A_233 : i32
        %dma_start3A_235 = arith.constant 0 : i32
        %dma_start3A_236 = tpu.memref_slice %arg6[%add3A_234, %dma_start3A_235] : memref<25x80xi32, #tpu.memory_space<vmem>> -> memref<1x80xi32, #tpu.memory_space<vmem>>
        %dma_start3A_237 = tpu.memref_squeeze %dma_start3A_236 : memref<1x80xi32, #tpu.memory_space<vmem>> -> memref<80xi32, #tpu.memory_space<vmem>>
        %dma_start3A_238 = arith.constant 0 : i32
        %dma_start3A_239 = arith.constant 0 : i32
        %dma_start3A_240 = tpu.memref_slice %arg4[%dma_start3A_238, %dma_start3A_239] : memref<10000x128xf32, #tpu.memory_space<hbm>> -> memref<10000x128xf32, #tpu.memory_space<hbm>>
        tpu.enqueue_indirect_dma source(%dma_start3A_240 : memref<10000x128xf32, #tpu.memory_space<hbm>>) target(%arg8 : memref<80x128xf32, #tpu.memory_space<vmem>>) offsets(%dma_start3A_237 : memref<80xi32, #tpu.memory_space<vmem>>) semaphore(%arg10 : memref<!tpu.dma_semaphore, #tpu.memory_space<semaphore_mem>>)
      } else {
      }
      %add3A_218 = arith.constant 1 : i32
      %add3A_219 = arith.addi %mul3A_205, %add3A_218 : i32
      %dma_wait3A_220 = arith.constant 0 : i32
      %dma_wait3A_221 = tpu.memref_slice %arg6[%add3A_219, %dma_wait3A_220] : memref<25x80xi32, #tpu.memory_space<vmem>> -> memref<1x80xi32, #tpu.memory_space<vmem>>
      %dma_wait3A_222 = tpu.memref_squeeze %dma_wait3A_221 : memref<1x80xi32, #tpu.memory_space<vmem>> -> memref<80xi32, #tpu.memory_space<vmem>>
      %dma_wait3A_223 = arith.constant 0 : i32
      %dma_wait3A_224 = arith.constant 0 : i32
      %dma_wait3A_225 = tpu.memref_slice %arg4[%dma_wait3A_223, %dma_wait3A_224] : memref<10000x128xf32, #tpu.memory_space<hbm>> -> memref<10000x128xf32, #tpu.memory_space<hbm>>
      tpu.wait_indirect_dma semaphore(%arg11 : memref<!tpu.dma_semaphore, #tpu.memory_space<semaphore_mem>>) src(%dma_wait3A_225 : memref<10000x128xf32, #tpu.memory_space<hbm>>) dst(%arg9 : memref<80x128xf32, #tpu.memory_space<vmem>>)
      "tpu.region"() ({
        %run_scoped3A_233 = tpu.sem_alloc : memref<!tpu.dma_semaphore, #tpu.memory_space<semaphore_mem>>
        %dma_start3A_234 = arith.constant 0 : i32
        %dma_start3A_235 = tpu.memref_slice %arg7[%add3A_219, %dma_start3A_234] : memref<25x80xi32, #tpu.memory_space<vmem>> -> memref<1x80xi32, #tpu.memory_space<vmem>>
        %dma_start3A_236 = tpu.memref_squeeze %dma_start3A_235 : memref<1x80xi32, #tpu.memory_space<vmem>> -> memref<80xi32, #tpu.memory_space<vmem>>
        %dma_start3A_237 = arith.constant 0 : i32
        %dma_start3A_238 = arith.constant 0 : i32
        %dma_start3A_239 = tpu.memref_slice %arg12[%dma_start3A_237, %dma_start3A_238] : memref<10240x128xf32, #tpu.memory_space<vmem_shared>> -> memref<10240x128xf32, #tpu.memory_space<vmem_shared>>
        tpu.enqueue_indirect_dma source(%arg9 : memref<80x128xf32, #tpu.memory_space<vmem>>) target(%dma_start3A_239 : memref<10240x128xf32, #tpu.memory_space<vmem_shared>>) offsets(%dma_start3A_236 : memref<80xi32, #tpu.memory_space<vmem>>) semaphore(%run_scoped3A_233 : memref<!tpu.dma_semaphore, #tpu.memory_space<semaphore_mem>>) {add = true}
        %dma_wait3A_240 = arith.constant 0 : i32
        %dma_wait3A_241 = tpu.memref_slice %arg7[%add3A_219, %dma_wait3A_240] : memref<25x80xi32, #tpu.memory_space<vmem>> -> memref<1x80xi32, #tpu.memory_space<vmem>>
        %dma_wait3A_242 = tpu.memref_squeeze %dma_wait3A_241 : memref<1x80xi32, #tpu.memory_space<vmem>> -> memref<80xi32, #tpu.memory_space<vmem>>
        %dma_wait3A_243 = arith.constant 0 : i32
        %dma_wait3A_244 = arith.constant 0 : i32
        %dma_wait3A_245 = tpu.memref_slice %arg12[%dma_wait3A_243, %dma_wait3A_244] : memref<10240x128xf32, #tpu.memory_space<vmem_shared>> -> memref<10240x128xf32, #tpu.memory_space<vmem_shared>>
        tpu.wait_indirect_dma semaphore(%run_scoped3A_233 : memref<!tpu.dma_semaphore, #tpu.memory_space<semaphore_mem>>) src(%arg9 : memref<80x128xf32, #tpu.memory_space<vmem>>) dst(%dma_wait3A_245 : memref<10240x128xf32, #tpu.memory_space<vmem_shared>>)
        tpu.yield
      }) : () -> ()
      %add3A_226 = arith.constant 2 : i32
      %add3A_227 = arith.addi %add3A_219, %add3A_226 : i32
      %lt3A_228 = arith.constant 25 : i32
      %lt3A_229 = arith.cmpi slt, %add3A_227, %lt3A_228 : i32
      %convert_element_type3A_230 = arith.extui %lt3A_229 : i1 to i32
      %cond3A_231 = arith.constant 0 : i32
      %cond3A_232 = arith.cmpi ne, %convert_element_type3A_230, %cond3A_231 : i32
      scf.if %cond3A_232 {
        %add3A_233 = arith.constant 2 : i32
        %add3A_234 = arith.addi %add3A_219, %add3A_233 : i32
        %dma_start3A_235 = arith.constant 0 : i32
        %dma_start3A_236 = tpu.memref_slice %arg6[%add3A_234, %dma_start3A_235] : memref<25x80xi32, #tpu.memory_space<vmem>> -> memref<1x80xi32, #tpu.memory_space<vmem>>
        %dma_start3A_237 = tpu.memref_squeeze %dma_start3A_236 : memref<1x80xi32, #tpu.memory_space<vmem>> -> memref<80xi32, #tpu.memory_space<vmem>>
        %dma_start3A_238 = arith.constant 0 : i32
        %dma_start3A_239 = arith.constant 0 : i32
        %dma_start3A_240 = tpu.memref_slice %arg4[%dma_start3A_238, %dma_start3A_239] : memref<10000x128xf32, #tpu.memory_space<hbm>> -> memref<10000x128xf32, #tpu.memory_space<hbm>>
        tpu.enqueue_indirect_dma source(%dma_start3A_240 : memref<10000x128xf32, #tpu.memory_space<hbm>>) target(%arg9 : memref<80x128xf32, #tpu.memory_space<vmem>>) offsets(%dma_start3A_237 : memref<80xi32, #tpu.memory_space<vmem>>) semaphore(%arg11 : memref<!tpu.dma_semaphore, #tpu.memory_space<semaphore_mem>>)
      } else {
      }
    }
    %scan3A_54 = arith.constant 12 : i32
    %dma_wait3A = arith.constant 24 : i32
    %dma_wait3A_55 = arith.constant 0 : i32
    %dma_wait3A_56 = tpu.memref_slice %arg6[%dma_wait3A, %dma_wait3A_55] : memref<25x80xi32, #tpu.memory_space<vmem>> -> memref<1x80xi32, #tpu.memory_space<vmem>>
    %dma_wait3A_57 = tpu.memref_squeeze %dma_wait3A_56 : memref<1x80xi32, #tpu.memory_space<vmem>> -> memref<80xi32, #tpu.memory_space<vmem>>
    %dma_wait3A_58 = arith.constant 0 : i32
    %dma_wait3A_59 = arith.constant 0 : i32
    %dma_wait3A_60 = tpu.memref_slice %arg4[%dma_wait3A_58, %dma_wait3A_59] : memref<10000x128xf32, #tpu.memory_space<hbm>> -> memref<10000x128xf32, #tpu.memory_space<hbm>>
    tpu.wait_indirect_dma semaphore(%arg10 : memref<!tpu.dma_semaphore, #tpu.memory_space<semaphore_mem>>) src(%dma_wait3A_60 : memref<10000x128xf32, #tpu.memory_space<hbm>>) dst(%arg8 : memref<80x128xf32, #tpu.memory_space<vmem>>)
    %run_scoped3A_61 = arith.constant 24 : i32
    "tpu.region"() ({
      %run_scoped3A_203 = tpu.sem_alloc : memref<!tpu.dma_semaphore, #tpu.memory_space<semaphore_mem>>
      %dma_start3A_204 = arith.constant 0 : i32
      %dma_start3A_205 = tpu.memref_slice %arg7[%run_scoped3A_61, %dma_start3A_204] : memref<25x80xi32, #tpu.memory_space<vmem>> -> memref<1x80xi32, #tpu.memory_space<vmem>>
      %dma_start3A_206 = tpu.memref_squeeze %dma_start3A_205 : memref<1x80xi32, #tpu.memory_space<vmem>> -> memref<80xi32, #tpu.memory_space<vmem>>
      %dma_start3A_207 = arith.constant 0 : i32
      %dma_start3A_208 = arith.constant 0 : i32
      %dma_start3A_209 = tpu.memref_slice %arg12[%dma_start3A_207, %dma_start3A_208] : memref<10240x128xf32, #tpu.memory_space<vmem_shared>> -> memref<10240x128xf32, #tpu.memory_space<vmem_shared>>
      tpu.enqueue_indirect_dma source(%arg8 : memref<80x128xf32, #tpu.memory_space<vmem>>) target(%dma_start3A_209 : memref<10240x128xf32, #tpu.memory_space<vmem_shared>>) offsets(%dma_start3A_206 : memref<80xi32, #tpu.memory_space<vmem>>) semaphore(%run_scoped3A_203 : memref<!tpu.dma_semaphore, #tpu.memory_space<semaphore_mem>>) {add = true}
      %dma_wait3A_210 = arith.constant 0 : i32
      %dma_wait3A_211 = tpu.memref_slice %arg7[%run_scoped3A_61, %dma_wait3A_210] : memref<25x80xi32, #tpu.memory_space<vmem>> -> memref<1x80xi32, #tpu.memory_space<vmem>>
      %dma_wait3A_212 = tpu.memref_squeeze %dma_wait3A_211 : memref<1x80xi32, #tpu.memory_space<vmem>> -> memref<80xi32, #tpu.memory_space<vmem>>
      %dma_wait3A_213 = arith.constant 0 : i32
      %dma_wait3A_214 = arith.constant 0 : i32
      %dma_wait3A_215 = tpu.memref_slice %arg12[%dma_wait3A_213, %dma_wait3A_214] : memref<10240x128xf32, #tpu.memory_space<vmem_shared>> -> memref<10240x128xf32, #tpu.memory_space<vmem_shared>>
      tpu.wait_indirect_dma semaphore(%run_scoped3A_203 : memref<!tpu.dma_semaphore, #tpu.memory_space<semaphore_mem>>) src(%arg8 : memref<80x128xf32, #tpu.memory_space<vmem>>) dst(%dma_wait3A_215 : memref<10240x128xf32, #tpu.memory_space<vmem_shared>>)
      tpu.yield
    }) : () -> ()
    %run_scoped3A_62 = arith.constant 1 : i32
    "tpu.region"() ({
      %run_scoped3A_203 = tpu.sem_alloc : memref<!tpu.dma_semaphore, #tpu.memory_space<semaphore_mem>>
      %dma_start3A_204 = arith.constant 0 : i32
      %dma_start3A_205 = arith.constant 0 : i32
      %dma_start3A_206 = tpu.memref_slice %arg2[%arg0, %arg1, %run_scoped3A_62, %dma_start3A_204, %dma_start3A_205] : memref<2x16x5x25x80xi32, #tpu.memory_space<hbm>> -> memref<1x1x1x25x80xi32, #tpu.memory_space<hbm>>
      %dma_start3A_207 = tpu.memref_squeeze %dma_start3A_206 : memref<1x1x1x25x80xi32, #tpu.memory_space<hbm>> -> memref<25x80xi32, #tpu.memory_space<hbm>>
      %dma_start3A_208 = arith.constant 0 : i32
      %dma_start3A_209 = arith.constant 0 : i32
      %dma_start3A_210 = tpu.memref_slice %arg2[%arg0, %arg1, %run_scoped3A_62, %dma_start3A_208, %dma_start3A_209] : memref<2x16x5x25x80xi32, #tpu.memory_space<hbm>> -> memref<1x1x1x25x80xi32, #tpu.memory_space<hbm>>
      %dma_start3A_211 = tpu.memref_squeeze %dma_start3A_210 : memref<1x1x1x25x80xi32, #tpu.memory_space<hbm>> -> memref<25x80xi32, #tpu.memory_space<hbm>>
      tpu.enqueue_dma source(%dma_start3A_211 : memref<25x80xi32, #tpu.memory_space<hbm>>) target(%arg6 : memref<25x80xi32, #tpu.memory_space<vmem>>) target_semaphore(%run_scoped3A_203 : memref<!tpu.dma_semaphore, #tpu.memory_space<semaphore_mem>>)
      %dma_wait3A_212 = arith.constant 0 : i32
      %dma_wait3A_213 = arith.constant 0 : i32
      %dma_wait3A_214 = tpu.memref_slice %arg2[%arg0, %arg1, %run_scoped3A_62, %dma_wait3A_212, %dma_wait3A_213] : memref<2x16x5x25x80xi32, #tpu.memory_space<hbm>> -> memref<1x1x1x25x80xi32, #tpu.memory_space<hbm>>
      %dma_wait3A_215 = tpu.memref_squeeze %dma_wait3A_214 : memref<1x1x1x25x80xi32, #tpu.memory_space<hbm>> -> memref<25x80xi32, #tpu.memory_space<hbm>>
      %dma_wait3A_216 = arith.constant 0 : i32
      %dma_wait3A_217 = arith.constant 0 : i32
      %dma_wait3A_218 = tpu.memref_slice %arg2[%arg0, %arg1, %run_scoped3A_62, %dma_wait3A_216, %dma_wait3A_217] : memref<2x16x5x25x80xi32, #tpu.memory_space<hbm>> -> memref<1x1x1x25x80xi32, #tpu.memory_space<hbm>>
      %dma_wait3A_219 = tpu.memref_squeeze %dma_wait3A_218 : memref<1x1x1x25x80xi32, #tpu.memory_space<hbm>> -> memref<25x80xi32, #tpu.memory_space<hbm>>
      tpu.wait_dma2 semaphore(%run_scoped3A_203 : memref<!tpu.dma_semaphore, #tpu.memory_space<semaphore_mem>>) src(%dma_wait3A_219 : memref<25x80xi32, #tpu.memory_space<hbm>>) dst(%arg6 : memref<25x80xi32, #tpu.memory_space<vmem>>)
      tpu.yield
    }) : () -> ()
    %run_scoped3A_63 = arith.constant 1 : i32
    "tpu.region"() ({
      %run_scoped3A_203 = tpu.sem_alloc : memref<!tpu.dma_semaphore, #tpu.memory_space<semaphore_mem>>
      %dma_start3A_204 = arith.constant 0 : i32
      %dma_start3A_205 = arith.constant 0 : i32
      %dma_start3A_206 = tpu.memref_slice %arg3[%arg0, %arg1, %run_scoped3A_63, %dma_start3A_204, %dma_start3A_205] : memref<2x16x5x25x80xi32, #tpu.memory_space<hbm>> -> memref<1x1x1x25x80xi32, #tpu.memory_space<hbm>>
      %dma_start3A_207 = tpu.memref_squeeze %dma_start3A_206 : memref<1x1x1x25x80xi32, #tpu.memory_space<hbm>> -> memref<25x80xi32, #tpu.memory_space<hbm>>
      %dma_start3A_208 = arith.constant 0 : i32
      %dma_start3A_209 = arith.constant 0 : i32
      %dma_start3A_210 = tpu.memref_slice %arg3[%arg0, %arg1, %run_scoped3A_63, %dma_start3A_208, %dma_start3A_209] : memref<2x16x5x25x80xi32, #tpu.memory_space<hbm>> -> memref<1x1x1x25x80xi32, #tpu.memory_space<hbm>>
      %dma_start3A_211 = tpu.memref_squeeze %dma_start3A_210 : memref<1x1x1x25x80xi32, #tpu.memory_space<hbm>> -> memref<25x80xi32, #tpu.memory_space<hbm>>
      tpu.enqueue_dma source(%dma_start3A_211 : memref<25x80xi32, #tpu.memory_space<hbm>>) target(%arg7 : memref<25x80xi32, #tpu.memory_space<vmem>>) target_semaphore(%run_scoped3A_203 : memref<!tpu.dma_semaphore, #tpu.memory_space<semaphore_mem>>)
      %dma_wait3A_212 = arith.constant 0 : i32
      %dma_wait3A_213 = arith.constant 0 : i32
      %dma_wait3A_214 = tpu.memref_slice %arg3[%arg0, %arg1, %run_scoped3A_63, %dma_wait3A_212, %dma_wait3A_213] : memref<2x16x5x25x80xi32, #tpu.memory_space<hbm>> -> memref<1x1x1x25x80xi32, #tpu.memory_space<hbm>>
      %dma_wait3A_215 = tpu.memref_squeeze %dma_wait3A_214 : memref<1x1x1x25x80xi32, #tpu.memory_space<hbm>> -> memref<25x80xi32, #tpu.memory_space<hbm>>
      %dma_wait3A_216 = arith.constant 0 : i32
      %dma_wait3A_217 = arith.constant 0 : i32
      %dma_wait3A_218 = tpu.memref_slice %arg3[%arg0, %arg1, %run_scoped3A_63, %dma_wait3A_216, %dma_wait3A_217] : memref<2x16x5x25x80xi32, #tpu.memory_space<hbm>> -> memref<1x1x1x25x80xi32, #tpu.memory_space<hbm>>
      %dma_wait3A_219 = tpu.memref_squeeze %dma_wait3A_218 : memref<1x1x1x25x80xi32, #tpu.memory_space<hbm>> -> memref<25x80xi32, #tpu.memory_space<hbm>>
      tpu.wait_dma2 semaphore(%run_scoped3A_203 : memref<!tpu.dma_semaphore, #tpu.memory_space<semaphore_mem>>) src(%dma_wait3A_219 : memref<25x80xi32, #tpu.memory_space<hbm>>) dst(%arg7 : memref<25x80xi32, #tpu.memory_space<vmem>>)
      tpu.yield
    }) : () -> ()
    %dma_start3A_64 = arith.constant 0 : i32
    %dma_start3A_65 = arith.constant 0 : i32
    %dma_start3A_66 = tpu.memref_slice %arg6[%dma_start3A_64, %dma_start3A_65] : memref<25x80xi32, #tpu.memory_space<vmem>> -> memref<1x80xi32, #tpu.memory_space<vmem>>
    %dma_start3A_67 = tpu.memref_squeeze %dma_start3A_66 : memref<1x80xi32, #tpu.memory_space<vmem>> -> memref<80xi32, #tpu.memory_space<vmem>>
    %dma_start3A_68 = arith.constant 0 : i32
    %dma_start3A_69 = arith.constant 0 : i32
    %dma_start3A_70 = tpu.memref_slice %arg4[%dma_start3A_68, %dma_start3A_69] : memref<10000x128xf32, #tpu.memory_space<hbm>> -> memref<10000x128xf32, #tpu.memory_space<hbm>>
    tpu.enqueue_indirect_dma source(%dma_start3A_70 : memref<10000x128xf32, #tpu.memory_space<hbm>>) target(%arg8 : memref<80x128xf32, #tpu.memory_space<vmem>>) offsets(%dma_start3A_67 : memref<80xi32, #tpu.memory_space<vmem>>) semaphore(%arg10 : memref<!tpu.dma_semaphore, #tpu.memory_space<semaphore_mem>>)
    %dma_start3A_71 = arith.constant 1 : i32
    %dma_start3A_72 = arith.constant 0 : i32
    %dma_start3A_73 = tpu.memref_slice %arg6[%dma_start3A_71, %dma_start3A_72] : memref<25x80xi32, #tpu.memory_space<vmem>> -> memref<1x80xi32, #tpu.memory_space<vmem>>
    %dma_start3A_74 = tpu.memref_squeeze %dma_start3A_73 : memref<1x80xi32, #tpu.memory_space<vmem>> -> memref<80xi32, #tpu.memory_space<vmem>>
    %dma_start3A_75 = arith.constant 0 : i32
    %dma_start3A_76 = arith.constant 0 : i32
    %dma_start3A_77 = tpu.memref_slice %arg4[%dma_start3A_75, %dma_start3A_76] : memref<10000x128xf32, #tpu.memory_space<hbm>> -> memref<10000x128xf32, #tpu.memory_space<hbm>>
    tpu.enqueue_indirect_dma source(%dma_start3A_77 : memref<10000x128xf32, #tpu.memory_space<hbm>>) target(%arg9 : memref<80x128xf32, #tpu.memory_space<vmem>>) offsets(%dma_start3A_74 : memref<80xi32, #tpu.memory_space<vmem>>) semaphore(%arg11 : memref<!tpu.dma_semaphore, #tpu.memory_space<semaphore_mem>>)
    %scan3A_78 = arith.constant 0 : i32
    %scan3A_79 = arith.constant 0 : i32
    %scan3A_80 = arith.constant 12 : i32
    %scan3A_81 = arith.addi %scan3A_79, %scan3A_80 : i32
    %scan3A_82 = arith.constant 1 : i32
    scf.for %scan3A_203 = %scan3A_79 to %scan3A_81 step %scan3A_82  : i32 {
      %mul3A_204 = arith.constant 2 : i32
      %mul3A_205 = arith.muli %scan3A_203, %mul3A_204 : i32
      %add3A_206 = arith.constant 0 : i32
      %add3A_207 = arith.addi %mul3A_205, %add3A_206 : i32
      %dma_wait3A_208 = arith.constant 0 : i32
      %dma_wait3A_209 = tpu.memref_slice %arg6[%add3A_207, %dma_wait3A_208] : memref<25x80xi32, #tpu.memory_space<vmem>> -> memref<1x80xi32, #tpu.memory_space<vmem>>
      %dma_wait3A_210 = tpu.memref_squeeze %dma_wait3A_209 : memref<1x80xi32, #tpu.memory_space<vmem>> -> memref<80xi32, #tpu.memory_space<vmem>>
      %dma_wait3A_211 = arith.constant 0 : i32
      %dma_wait3A_212 = arith.constant 0 : i32
      %dma_wait3A_213 = tpu.memref_slice %arg4[%dma_wait3A_211, %dma_wait3A_212] : memref<10000x128xf32, #tpu.memory_space<hbm>> -> memref<10000x128xf32, #tpu.memory_space<hbm>>
      tpu.wait_indirect_dma semaphore(%arg10 : memref<!tpu.dma_semaphore, #tpu.memory_space<semaphore_mem>>) src(%dma_wait3A_213 : memref<10000x128xf32, #tpu.memory_space<hbm>>) dst(%arg8 : memref<80x128xf32, #tpu.memory_space<vmem>>)
      "tpu.region"() ({
        %run_scoped3A_233 = tpu.sem_alloc : memref<!tpu.dma_semaphore, #tpu.memory_space<semaphore_mem>>
        %dma_start3A_234 = arith.constant 0 : i32
        %dma_start3A_235 = tpu.memref_slice %arg7[%add3A_207, %dma_start3A_234] : memref<25x80xi32, #tpu.memory_space<vmem>> -> memref<1x80xi32, #tpu.memory_space<vmem>>
        %dma_start3A_236 = tpu.memref_squeeze %dma_start3A_235 : memref<1x80xi32, #tpu.memory_space<vmem>> -> memref<80xi32, #tpu.memory_space<vmem>>
        %dma_start3A_237 = arith.constant 0 : i32
        %dma_start3A_238 = arith.constant 0 : i32
        %dma_start3A_239 = tpu.memref_slice %arg12[%dma_start3A_237, %dma_start3A_238] : memref<10240x128xf32, #tpu.memory_space<vmem_shared>> -> memref<10240x128xf32, #tpu.memory_space<vmem_shared>>
        tpu.enqueue_indirect_dma source(%arg8 : memref<80x128xf32, #tpu.memory_space<vmem>>) target(%dma_start3A_239 : memref<10240x128xf32, #tpu.memory_space<vmem_shared>>) offsets(%dma_start3A_236 : memref<80xi32, #tpu.memory_space<vmem>>) semaphore(%run_scoped3A_233 : memref<!tpu.dma_semaphore, #tpu.memory_space<semaphore_mem>>) {add = true}
        %dma_wait3A_240 = arith.constant 0 : i32
        %dma_wait3A_241 = tpu.memref_slice %arg7[%add3A_207, %dma_wait3A_240] : memref<25x80xi32, #tpu.memory_space<vmem>> -> memref<1x80xi32, #tpu.memory_space<vmem>>
        %dma_wait3A_242 = tpu.memref_squeeze %dma_wait3A_241 : memref<1x80xi32, #tpu.memory_space<vmem>> -> memref<80xi32, #tpu.memory_space<vmem>>
        %dma_wait3A_243 = arith.constant 0 : i32
        %dma_wait3A_244 = arith.constant 0 : i32
        %dma_wait3A_245 = tpu.memref_slice %arg12[%dma_wait3A_243, %dma_wait3A_244] : memref<10240x128xf32, #tpu.memory_space<vmem_shared>> -> memref<10240x128xf32, #tpu.memory_space<vmem_shared>>
        tpu.wait_indirect_dma semaphore(%run_scoped3A_233 : memref<!tpu.dma_semaphore, #tpu.memory_space<semaphore_mem>>) src(%arg8 : memref<80x128xf32, #tpu.memory_space<vmem>>) dst(%dma_wait3A_245 : memref<10240x128xf32, #tpu.memory_space<vmem_shared>>)
        tpu.yield
      }) : () -> ()
      %add3A_214 = arith.constant 2 : i32
      %add3A_215 = arith.addi %add3A_207, %add3A_214 : i32
      %lt3A = arith.constant 25 : i32
      %lt3A_216 = arith.cmpi slt, %add3A_215, %lt3A : i32
      %convert_element_type3A = arith.extui %lt3A_216 : i1 to i32
      %cond3A = arith.constant 0 : i32
      %cond3A_217 = arith.cmpi ne, %convert_element_type3A, %cond3A : i32
      scf.if %cond3A_217 {
        %add3A_233 = arith.constant 2 : i32
        %add3A_234 = arith.addi %add3A_207, %add3A_233 : i32
        %dma_start3A_235 = arith.constant 0 : i32
        %dma_start3A_236 = tpu.memref_slice %arg6[%add3A_234, %dma_start3A_235] : memref<25x80xi32, #tpu.memory_space<vmem>> -> memref<1x80xi32, #tpu.memory_space<vmem>>
        %dma_start3A_237 = tpu.memref_squeeze %dma_start3A_236 : memref<1x80xi32, #tpu.memory_space<vmem>> -> memref<80xi32, #tpu.memory_space<vmem>>
        %dma_start3A_238 = arith.constant 0 : i32
        %dma_start3A_239 = arith.constant 0 : i32
        %dma_start3A_240 = tpu.memref_slice %arg4[%dma_start3A_238, %dma_start3A_239] : memref<10000x128xf32, #tpu.memory_space<hbm>> -> memref<10000x128xf32, #tpu.memory_space<hbm>>
        tpu.enqueue_indirect_dma source(%dma_start3A_240 : memref<10000x128xf32, #tpu.memory_space<hbm>>) target(%arg8 : memref<80x128xf32, #tpu.memory_space<vmem>>) offsets(%dma_start3A_237 : memref<80xi32, #tpu.memory_space<vmem>>) semaphore(%arg10 : memref<!tpu.dma_semaphore, #tpu.memory_space<semaphore_mem>>)
      } else {
      }
      %add3A_218 = arith.constant 1 : i32
      %add3A_219 = arith.addi %mul3A_205, %add3A_218 : i32
      %dma_wait3A_220 = arith.constant 0 : i32
      %dma_wait3A_221 = tpu.memref_slice %arg6[%add3A_219, %dma_wait3A_220] : memref<25x80xi32, #tpu.memory_space<vmem>> -> memref<1x80xi32, #tpu.memory_space<vmem>>
      %dma_wait3A_222 = tpu.memref_squeeze %dma_wait3A_221 : memref<1x80xi32, #tpu.memory_space<vmem>> -> memref<80xi32, #tpu.memory_space<vmem>>
      %dma_wait3A_223 = arith.constant 0 : i32
      %dma_wait3A_224 = arith.constant 0 : i32
      %dma_wait3A_225 = tpu.memref_slice %arg4[%dma_wait3A_223, %dma_wait3A_224] : memref<10000x128xf32, #tpu.memory_space<hbm>> -> memref<10000x128xf32, #tpu.memory_space<hbm>>
      tpu.wait_indirect_dma semaphore(%arg11 : memref<!tpu.dma_semaphore, #tpu.memory_space<semaphore_mem>>) src(%dma_wait3A_225 : memref<10000x128xf32, #tpu.memory_space<hbm>>) dst(%arg9 : memref<80x128xf32, #tpu.memory_space<vmem>>)
      "tpu.region"() ({
        %run_scoped3A_233 = tpu.sem_alloc : memref<!tpu.dma_semaphore, #tpu.memory_space<semaphore_mem>>
        %dma_start3A_234 = arith.constant 0 : i32
        %dma_start3A_235 = tpu.memref_slice %arg7[%add3A_219, %dma_start3A_234] : memref<25x80xi32, #tpu.memory_space<vmem>> -> memref<1x80xi32, #tpu.memory_space<vmem>>
        %dma_start3A_236 = tpu.memref_squeeze %dma_start3A_235 : memref<1x80xi32, #tpu.memory_space<vmem>> -> memref<80xi32, #tpu.memory_space<vmem>>
        %dma_start3A_237 = arith.constant 0 : i32
        %dma_start3A_238 = arith.constant 0 : i32
        %dma_start3A_239 = tpu.memref_slice %arg12[%dma_start3A_237, %dma_start3A_238] : memref<10240x128xf32, #tpu.memory_space<vmem_shared>> -> memref<10240x128xf32, #tpu.memory_space<vmem_shared>>
        tpu.enqueue_indirect_dma source(%arg9 : memref<80x128xf32, #tpu.memory_space<vmem>>) target(%dma_start3A_239 : memref<10240x128xf32, #tpu.memory_space<vmem_shared>>) offsets(%dma_start3A_236 : memref<80xi32, #tpu.memory_space<vmem>>) semaphore(%run_scoped3A_233 : memref<!tpu.dma_semaphore, #tpu.memory_space<semaphore_mem>>) {add = true}
        %dma_wait3A_240 = arith.constant 0 : i32
        %dma_wait3A_241 = tpu.memref_slice %arg7[%add3A_219, %dma_wait3A_240] : memref<25x80xi32, #tpu.memory_space<vmem>> -> memref<1x80xi32, #tpu.memory_space<vmem>>
        %dma_wait3A_242 = tpu.memref_squeeze %dma_wait3A_241 : memref<1x80xi32, #tpu.memory_space<vmem>> -> memref<80xi32, #tpu.memory_space<vmem>>
        %dma_wait3A_243 = arith.constant 0 : i32
        %dma_wait3A_244 = arith.constant 0 : i32
        %dma_wait3A_245 = tpu.memref_slice %arg12[%dma_wait3A_243, %dma_wait3A_244] : memref<10240x128xf32, #tpu.memory_space<vmem_shared>> -> memref<10240x128xf32, #tpu.memory_space<vmem_shared>>
        tpu.wait_indirect_dma semaphore(%run_scoped3A_233 : memref<!tpu.dma_semaphore, #tpu.memory_space<semaphore_mem>>) src(%arg9 : memref<80x128xf32, #tpu.memory_space<vmem>>) dst(%dma_wait3A_245 : memref<10240x128xf32, #tpu.memory_space<vmem_shared>>)
        tpu.yield
      }) : () -> ()
      %add3A_226 = arith.constant 2 : i32
      %add3A_227 = arith.addi %add3A_219, %add3A_226 : i32
      %lt3A_228 = arith.constant 25 : i32
      %lt3A_229 = arith.cmpi slt, %add3A_227, %lt3A_228 : i32
      %convert_element_type3A_230 = arith.extui %lt3A_229 : i1 to i32
      %cond3A_231 = arith.constant 0 : i32
      %cond3A_232 = arith.cmpi ne, %convert_element_type3A_230, %cond3A_231 : i32
      scf.if %cond3A_232 {
        %add3A_233 = arith.constant 2 : i32
        %add3A_234 = arith.addi %add3A_219, %add3A_233 : i32
        %dma_start3A_235 = arith.constant 0 : i32
        %dma_start3A_236 = tpu.memref_slice %arg6[%add3A_234, %dma_start3A_235] : memref<25x80xi32, #tpu.memory_space<vmem>> -> memref<1x80xi32, #tpu.memory_space<vmem>>
        %dma_start3A_237 = tpu.memref_squeeze %dma_start3A_236 : memref<1x80xi32, #tpu.memory_space<vmem>> -> memref<80xi32, #tpu.memory_space<vmem>>
        %dma_start3A_238 = arith.constant 0 : i32
        %dma_start3A_239 = arith.constant 0 : i32
        %dma_start3A_240 = tpu.memref_slice %arg4[%dma_start3A_238, %dma_start3A_239] : memref<10000x128xf32, #tpu.memory_space<hbm>> -> memref<10000x128xf32, #tpu.memory_space<hbm>>
        tpu.enqueue_indirect_dma source(%dma_start3A_240 : memref<10000x128xf32, #tpu.memory_space<hbm>>) target(%arg9 : memref<80x128xf32, #tpu.memory_space<vmem>>) offsets(%dma_start3A_237 : memref<80xi32, #tpu.memory_space<vmem>>) semaphore(%arg11 : memref<!tpu.dma_semaphore, #tpu.memory_space<semaphore_mem>>)
      } else {
      }
    }
    %scan3A_83 = arith.constant 12 : i32
    %dma_wait3A_84 = arith.constant 24 : i32
    %dma_wait3A_85 = arith.constant 0 : i32
    %dma_wait3A_86 = tpu.memref_slice %arg6[%dma_wait3A_84, %dma_wait3A_85] : memref<25x80xi32, #tpu.memory_space<vmem>> -> memref<1x80xi32, #tpu.memory_space<vmem>>
    %dma_wait3A_87 = tpu.memref_squeeze %dma_wait3A_86 : memref<1x80xi32, #tpu.memory_space<vmem>> -> memref<80xi32, #tpu.memory_space<vmem>>
    %dma_wait3A_88 = arith.constant 0 : i32
    %dma_wait3A_89 = arith.constant 0 : i32
    %dma_wait3A_90 = tpu.memref_slice %arg4[%dma_wait3A_88, %dma_wait3A_89] : memref<10000x128xf32, #tpu.memory_space<hbm>> -> memref<10000x128xf32, #tpu.memory_space<hbm>>
    tpu.wait_indirect_dma semaphore(%arg10 : memref<!tpu.dma_semaphore, #tpu.memory_space<semaphore_mem>>) src(%dma_wait3A_90 : memref<10000x128xf32, #tpu.memory_space<hbm>>) dst(%arg8 : memref<80x128xf32, #tpu.memory_space<vmem>>)
    %run_scoped3A_91 = arith.constant 24 : i32
    "tpu.region"() ({
      %run_scoped3A_203 = tpu.sem_alloc : memref<!tpu.dma_semaphore, #tpu.memory_space<semaphore_mem>>
      %dma_start3A_204 = arith.constant 0 : i32
      %dma_start3A_205 = tpu.memref_slice %arg7[%run_scoped3A_91, %dma_start3A_204] : memref<25x80xi32, #tpu.memory_space<vmem>> -> memref<1x80xi32, #tpu.memory_space<vmem>>
      %dma_start3A_206 = tpu.memref_squeeze %dma_start3A_205 : memref<1x80xi32, #tpu.memory_space<vmem>> -> memref<80xi32, #tpu.memory_space<vmem>>
      %dma_start3A_207 = arith.constant 0 : i32
      %dma_start3A_208 = arith.constant 0 : i32
      %dma_start3A_209 = tpu.memref_slice %arg12[%dma_start3A_207, %dma_start3A_208] : memref<10240x128xf32, #tpu.memory_space<vmem_shared>> -> memref<10240x128xf32, #tpu.memory_space<vmem_shared>>
      tpu.enqueue_indirect_dma source(%arg8 : memref<80x128xf32, #tpu.memory_space<vmem>>) target(%dma_start3A_209 : memref<10240x128xf32, #tpu.memory_space<vmem_shared>>) offsets(%dma_start3A_206 : memref<80xi32, #tpu.memory_space<vmem>>) semaphore(%run_scoped3A_203 : memref<!tpu.dma_semaphore, #tpu.memory_space<semaphore_mem>>) {add = true}
      %dma_wait3A_210 = arith.constant 0 : i32
      %dma_wait3A_211 = tpu.memref_slice %arg7[%run_scoped3A_91, %dma_wait3A_210] : memref<25x80xi32, #tpu.memory_space<vmem>> -> memref<1x80xi32, #tpu.memory_space<vmem>>
      %dma_wait3A_212 = tpu.memref_squeeze %dma_wait3A_211 : memref<1x80xi32, #tpu.memory_space<vmem>> -> memref<80xi32, #tpu.memory_space<vmem>>
      %dma_wait3A_213 = arith.constant 0 : i32
      %dma_wait3A_214 = arith.constant 0 : i32
      %dma_wait3A_215 = tpu.memref_slice %arg12[%dma_wait3A_213, %dma_wait3A_214] : memref<10240x128xf32, #tpu.memory_space<vmem_shared>> -> memref<10240x128xf32, #tpu.memory_space<vmem_shared>>
      tpu.wait_indirect_dma semaphore(%run_scoped3A_203 : memref<!tpu.dma_semaphore, #tpu.memory_space<semaphore_mem>>) src(%arg8 : memref<80x128xf32, #tpu.memory_space<vmem>>) dst(%dma_wait3A_215 : memref<10240x128xf32, #tpu.memory_space<vmem_shared>>)
      tpu.yield
    }) : () -> ()
    %run_scoped3A_92 = arith.constant 2 : i32
    "tpu.region"() ({
      %run_scoped3A_203 = tpu.sem_alloc : memref<!tpu.dma_semaphore, #tpu.memory_space<semaphore_mem>>
      %dma_start3A_204 = arith.constant 0 : i32
      %dma_start3A_205 = arith.constant 0 : i32
      %dma_start3A_206 = tpu.memref_slice %arg2[%arg0, %arg1, %run_scoped3A_92, %dma_start3A_204, %dma_start3A_205] : memref<2x16x5x25x80xi32, #tpu.memory_space<hbm>> -> memref<1x1x1x25x80xi32, #tpu.memory_space<hbm>>
      %dma_start3A_207 = tpu.memref_squeeze %dma_start3A_206 : memref<1x1x1x25x80xi32, #tpu.memory_space<hbm>> -> memref<25x80xi32, #tpu.memory_space<hbm>>
      %dma_start3A_208 = arith.constant 0 : i32
      %dma_start3A_209 = arith.constant 0 : i32
      %dma_start3A_210 = tpu.memref_slice %arg2[%arg0, %arg1, %run_scoped3A_92, %dma_start3A_208, %dma_start3A_209] : memref<2x16x5x25x80xi32, #tpu.memory_space<hbm>> -> memref<1x1x1x25x80xi32, #tpu.memory_space<hbm>>
      %dma_start3A_211 = tpu.memref_squeeze %dma_start3A_210 : memref<1x1x1x25x80xi32, #tpu.memory_space<hbm>> -> memref<25x80xi32, #tpu.memory_space<hbm>>
      tpu.enqueue_dma source(%dma_start3A_211 : memref<25x80xi32, #tpu.memory_space<hbm>>) target(%arg6 : memref<25x80xi32, #tpu.memory_space<vmem>>) target_semaphore(%run_scoped3A_203 : memref<!tpu.dma_semaphore, #tpu.memory_space<semaphore_mem>>)
      %dma_wait3A_212 = arith.constant 0 : i32
      %dma_wait3A_213 = arith.constant 0 : i32
      %dma_wait3A_214 = tpu.memref_slice %arg2[%arg0, %arg1, %run_scoped3A_92, %dma_wait3A_212, %dma_wait3A_213] : memref<2x16x5x25x80xi32, #tpu.memory_space<hbm>> -> memref<1x1x1x25x80xi32, #tpu.memory_space<hbm>>
      %dma_wait3A_215 = tpu.memref_squeeze %dma_wait3A_214 : memref<1x1x1x25x80xi32, #tpu.memory_space<hbm>> -> memref<25x80xi32, #tpu.memory_space<hbm>>
      %dma_wait3A_216 = arith.constant 0 : i32
      %dma_wait3A_217 = arith.constant 0 : i32
      %dma_wait3A_218 = tpu.memref_slice %arg2[%arg0, %arg1, %run_scoped3A_92, %dma_wait3A_216, %dma_wait3A_217] : memref<2x16x5x25x80xi32, #tpu.memory_space<hbm>> -> memref<1x1x1x25x80xi32, #tpu.memory_space<hbm>>
      %dma_wait3A_219 = tpu.memref_squeeze %dma_wait3A_218 : memref<1x1x1x25x80xi32, #tpu.memory_space<hbm>> -> memref<25x80xi32, #tpu.memory_space<hbm>>
      tpu.wait_dma2 semaphore(%run_scoped3A_203 : memref<!tpu.dma_semaphore, #tpu.memory_space<semaphore_mem>>) src(%dma_wait3A_219 : memref<25x80xi32, #tpu.memory_space<hbm>>) dst(%arg6 : memref<25x80xi32, #tpu.memory_space<vmem>>)
      tpu.yield
    }) : () -> ()
    %run_scoped3A_93 = arith.constant 2 : i32
    "tpu.region"() ({
      %run_scoped3A_203 = tpu.sem_alloc : memref<!tpu.dma_semaphore, #tpu.memory_space<semaphore_mem>>
      %dma_start3A_204 = arith.constant 0 : i32
      %dma_start3A_205 = arith.constant 0 : i32
      %dma_start3A_206 = tpu.memref_slice %arg3[%arg0, %arg1, %run_scoped3A_93, %dma_start3A_204, %dma_start3A_205] : memref<2x16x5x25x80xi32, #tpu.memory_space<hbm>> -> memref<1x1x1x25x80xi32, #tpu.memory_space<hbm>>
      %dma_start3A_207 = tpu.memref_squeeze %dma_start3A_206 : memref<1x1x1x25x80xi32, #tpu.memory_space<hbm>> -> memref<25x80xi32, #tpu.memory_space<hbm>>
      %dma_start3A_208 = arith.constant 0 : i32
      %dma_start3A_209 = arith.constant 0 : i32
      %dma_start3A_210 = tpu.memref_slice %arg3[%arg0, %arg1, %run_scoped3A_93, %dma_start3A_208, %dma_start3A_209] : memref<2x16x5x25x80xi32, #tpu.memory_space<hbm>> -> memref<1x1x1x25x80xi32, #tpu.memory_space<hbm>>
      %dma_start3A_211 = tpu.memref_squeeze %dma_start3A_210 : memref<1x1x1x25x80xi32, #tpu.memory_space<hbm>> -> memref<25x80xi32, #tpu.memory_space<hbm>>
      tpu.enqueue_dma source(%dma_start3A_211 : memref<25x80xi32, #tpu.memory_space<hbm>>) target(%arg7 : memref<25x80xi32, #tpu.memory_space<vmem>>) target_semaphore(%run_scoped3A_203 : memref<!tpu.dma_semaphore, #tpu.memory_space<semaphore_mem>>)
      %dma_wait3A_212 = arith.constant 0 : i32
      %dma_wait3A_213 = arith.constant 0 : i32
      %dma_wait3A_214 = tpu.memref_slice %arg3[%arg0, %arg1, %run_scoped3A_93, %dma_wait3A_212, %dma_wait3A_213] : memref<2x16x5x25x80xi32, #tpu.memory_space<hbm>> -> memref<1x1x1x25x80xi32, #tpu.memory_space<hbm>>
      %dma_wait3A_215 = tpu.memref_squeeze %dma_wait3A_214 : memref<1x1x1x25x80xi32, #tpu.memory_space<hbm>> -> memref<25x80xi32, #tpu.memory_space<hbm>>
      %dma_wait3A_216 = arith.constant 0 : i32
      %dma_wait3A_217 = arith.constant 0 : i32
      %dma_wait3A_218 = tpu.memref_slice %arg3[%arg0, %arg1, %run_scoped3A_93, %dma_wait3A_216, %dma_wait3A_217] : memref<2x16x5x25x80xi32, #tpu.memory_space<hbm>> -> memref<1x1x1x25x80xi32, #tpu.memory_space<hbm>>
      %dma_wait3A_219 = tpu.memref_squeeze %dma_wait3A_218 : memref<1x1x1x25x80xi32, #tpu.memory_space<hbm>> -> memref<25x80xi32, #tpu.memory_space<hbm>>
      tpu.wait_dma2 semaphore(%run_scoped3A_203 : memref<!tpu.dma_semaphore, #tpu.memory_space<semaphore_mem>>) src(%dma_wait3A_219 : memref<25x80xi32, #tpu.memory_space<hbm>>) dst(%arg7 : memref<25x80xi32, #tpu.memory_space<vmem>>)
      tpu.yield
    }) : () -> ()
    %dma_start3A_94 = arith.constant 0 : i32
    %dma_start3A_95 = arith.constant 0 : i32
    %dma_start3A_96 = tpu.memref_slice %arg6[%dma_start3A_94, %dma_start3A_95] : memref<25x80xi32, #tpu.memory_space<vmem>> -> memref<1x80xi32, #tpu.memory_space<vmem>>
    %dma_start3A_97 = tpu.memref_squeeze %dma_start3A_96 : memref<1x80xi32, #tpu.memory_space<vmem>> -> memref<80xi32, #tpu.memory_space<vmem>>
    %dma_start3A_98 = arith.constant 0 : i32
    %dma_start3A_99 = arith.constant 0 : i32
    %dma_start3A_100 = tpu.memref_slice %arg4[%dma_start3A_98, %dma_start3A_99] : memref<10000x128xf32, #tpu.memory_space<hbm>> -> memref<10000x128xf32, #tpu.memory_space<hbm>>
    tpu.enqueue_indirect_dma source(%dma_start3A_100 : memref<10000x128xf32, #tpu.memory_space<hbm>>) target(%arg8 : memref<80x128xf32, #tpu.memory_space<vmem>>) offsets(%dma_start3A_97 : memref<80xi32, #tpu.memory_space<vmem>>) semaphore(%arg10 : memref<!tpu.dma_semaphore, #tpu.memory_space<semaphore_mem>>)
    %dma_start3A_101 = arith.constant 1 : i32
    %dma_start3A_102 = arith.constant 0 : i32
    %dma_start3A_103 = tpu.memref_slice %arg6[%dma_start3A_101, %dma_start3A_102] : memref<25x80xi32, #tpu.memory_space<vmem>> -> memref<1x80xi32, #tpu.memory_space<vmem>>
    %dma_start3A_104 = tpu.memref_squeeze %dma_start3A_103 : memref<1x80xi32, #tpu.memory_space<vmem>> -> memref<80xi32, #tpu.memory_space<vmem>>
    %dma_start3A_105 = arith.constant 0 : i32
    %dma_start3A_106 = arith.constant 0 : i32
    %dma_start3A_107 = tpu.memref_slice %arg4[%dma_start3A_105, %dma_start3A_106] : memref<10000x128xf32, #tpu.memory_space<hbm>> -> memref<10000x128xf32, #tpu.memory_space<hbm>>
    tpu.enqueue_indirect_dma source(%dma_start3A_107 : memref<10000x128xf32, #tpu.memory_space<hbm>>) target(%arg9 : memref<80x128xf32, #tpu.memory_space<vmem>>) offsets(%dma_start3A_104 : memref<80xi32, #tpu.memory_space<vmem>>) semaphore(%arg11 : memref<!tpu.dma_semaphore, #tpu.memory_space<semaphore_mem>>)
    %scan3A_108 = arith.constant 0 : i32
    %scan3A_109 = arith.constant 0 : i32
    %scan3A_110 = arith.constant 12 : i32
    %scan3A_111 = arith.addi %scan3A_109, %scan3A_110 : i32
    %scan3A_112 = arith.constant 1 : i32
    scf.for %scan3A_203 = %scan3A_109 to %scan3A_111 step %scan3A_112  : i32 {
      %mul3A_204 = arith.constant 2 : i32
      %mul3A_205 = arith.muli %scan3A_203, %mul3A_204 : i32
      %add3A_206 = arith.constant 0 : i32
      %add3A_207 = arith.addi %mul3A_205, %add3A_206 : i32
      %dma_wait3A_208 = arith.constant 0 : i32
      %dma_wait3A_209 = tpu.memref_slice %arg6[%add3A_207, %dma_wait3A_208] : memref<25x80xi32, #tpu.memory_space<vmem>> -> memref<1x80xi32, #tpu.memory_space<vmem>>
      %dma_wait3A_210 = tpu.memref_squeeze %dma_wait3A_209 : memref<1x80xi32, #tpu.memory_space<vmem>> -> memref<80xi32, #tpu.memory_space<vmem>>
      %dma_wait3A_211 = arith.constant 0 : i32
      %dma_wait3A_212 = arith.constant 0 : i32
      %dma_wait3A_213 = tpu.memref_slice %arg4[%dma_wait3A_211, %dma_wait3A_212] : memref<10000x128xf32, #tpu.memory_space<hbm>> -> memref<10000x128xf32, #tpu.memory_space<hbm>>
      tpu.wait_indirect_dma semaphore(%arg10 : memref<!tpu.dma_semaphore, #tpu.memory_space<semaphore_mem>>) src(%dma_wait3A_213 : memref<10000x128xf32, #tpu.memory_space<hbm>>) dst(%arg8 : memref<80x128xf32, #tpu.memory_space<vmem>>)
      "tpu.region"() ({
        %run_scoped3A_233 = tpu.sem_alloc : memref<!tpu.dma_semaphore, #tpu.memory_space<semaphore_mem>>
        %dma_start3A_234 = arith.constant 0 : i32
        %dma_start3A_235 = tpu.memref_slice %arg7[%add3A_207, %dma_start3A_234] : memref<25x80xi32, #tpu.memory_space<vmem>> -> memref<1x80xi32, #tpu.memory_space<vmem>>
        %dma_start3A_236 = tpu.memref_squeeze %dma_start3A_235 : memref<1x80xi32, #tpu.memory_space<vmem>> -> memref<80xi32, #tpu.memory_space<vmem>>
        %dma_start3A_237 = arith.constant 0 : i32
        %dma_start3A_238 = arith.constant 0 : i32
        %dma_start3A_239 = tpu.memref_slice %arg12[%dma_start3A_237, %dma_start3A_238] : memref<10240x128xf32, #tpu.memory_space<vmem_shared>> -> memref<10240x128xf32, #tpu.memory_space<vmem_shared>>
        tpu.enqueue_indirect_dma source(%arg8 : memref<80x128xf32, #tpu.memory_space<vmem>>) target(%dma_start3A_239 : memref<10240x128xf32, #tpu.memory_space<vmem_shared>>) offsets(%dma_start3A_236 : memref<80xi32, #tpu.memory_space<vmem>>) semaphore(%run_scoped3A_233 : memref<!tpu.dma_semaphore, #tpu.memory_space<semaphore_mem>>) {add = true}
        %dma_wait3A_240 = arith.constant 0 : i32
        %dma_wait3A_241 = tpu.memref_slice %arg7[%add3A_207, %dma_wait3A_240] : memref<25x80xi32, #tpu.memory_space<vmem>> -> memref<1x80xi32, #tpu.memory_space<vmem>>
        %dma_wait3A_242 = tpu.memref_squeeze %dma_wait3A_241 : memref<1x80xi32, #tpu.memory_space<vmem>> -> memref<80xi32, #tpu.memory_space<vmem>>
        %dma_wait3A_243 = arith.constant 0 : i32
        %dma_wait3A_244 = arith.constant 0 : i32
        %dma_wait3A_245 = tpu.memref_slice %arg12[%dma_wait3A_243, %dma_wait3A_244] : memref<10240x128xf32, #tpu.memory_space<vmem_shared>> -> memref<10240x128xf32, #tpu.memory_space<vmem_shared>>
        tpu.wait_indirect_dma semaphore(%run_scoped3A_233 : memref<!tpu.dma_semaphore, #tpu.memory_space<semaphore_mem>>) src(%arg8 : memref<80x128xf32, #tpu.memory_space<vmem>>) dst(%dma_wait3A_245 : memref<10240x128xf32, #tpu.memory_space<vmem_shared>>)
        tpu.yield
      }) : () -> ()
      %add3A_214 = arith.constant 2 : i32
      %add3A_215 = arith.addi %add3A_207, %add3A_214 : i32
      %lt3A = arith.constant 25 : i32
      %lt3A_216 = arith.cmpi slt, %add3A_215, %lt3A : i32
      %convert_element_type3A = arith.extui %lt3A_216 : i1 to i32
      %cond3A = arith.constant 0 : i32
      %cond3A_217 = arith.cmpi ne, %convert_element_type3A, %cond3A : i32
      scf.if %cond3A_217 {
        %add3A_233 = arith.constant 2 : i32
        %add3A_234 = arith.addi %add3A_207, %add3A_233 : i32
        %dma_start3A_235 = arith.constant 0 : i32
        %dma_start3A_236 = tpu.memref_slice %arg6[%add3A_234, %dma_start3A_235] : memref<25x80xi32, #tpu.memory_space<vmem>> -> memref<1x80xi32, #tpu.memory_space<vmem>>
        %dma_start3A_237 = tpu.memref_squeeze %dma_start3A_236 : memref<1x80xi32, #tpu.memory_space<vmem>> -> memref<80xi32, #tpu.memory_space<vmem>>
        %dma_start3A_238 = arith.constant 0 : i32
        %dma_start3A_239 = arith.constant 0 : i32
        %dma_start3A_240 = tpu.memref_slice %arg4[%dma_start3A_238, %dma_start3A_239] : memref<10000x128xf32, #tpu.memory_space<hbm>> -> memref<10000x128xf32, #tpu.memory_space<hbm>>
        tpu.enqueue_indirect_dma source(%dma_start3A_240 : memref<10000x128xf32, #tpu.memory_space<hbm>>) target(%arg8 : memref<80x128xf32, #tpu.memory_space<vmem>>) offsets(%dma_start3A_237 : memref<80xi32, #tpu.memory_space<vmem>>) semaphore(%arg10 : memref<!tpu.dma_semaphore, #tpu.memory_space<semaphore_mem>>)
      } else {
      }
      %add3A_218 = arith.constant 1 : i32
      %add3A_219 = arith.addi %mul3A_205, %add3A_218 : i32
      %dma_wait3A_220 = arith.constant 0 : i32
      %dma_wait3A_221 = tpu.memref_slice %arg6[%add3A_219, %dma_wait3A_220] : memref<25x80xi32, #tpu.memory_space<vmem>> -> memref<1x80xi32, #tpu.memory_space<vmem>>
      %dma_wait3A_222 = tpu.memref_squeeze %dma_wait3A_221 : memref<1x80xi32, #tpu.memory_space<vmem>> -> memref<80xi32, #tpu.memory_space<vmem>>
      %dma_wait3A_223 = arith.constant 0 : i32
      %dma_wait3A_224 = arith.constant 0 : i32
      %dma_wait3A_225 = tpu.memref_slice %arg4[%dma_wait3A_223, %dma_wait3A_224] : memref<10000x128xf32, #tpu.memory_space<hbm>> -> memref<10000x128xf32, #tpu.memory_space<hbm>>
      tpu.wait_indirect_dma semaphore(%arg11 : memref<!tpu.dma_semaphore, #tpu.memory_space<semaphore_mem>>) src(%dma_wait3A_225 : memref<10000x128xf32, #tpu.memory_space<hbm>>) dst(%arg9 : memref<80x128xf32, #tpu.memory_space<vmem>>)
      "tpu.region"() ({
        %run_scoped3A_233 = tpu.sem_alloc : memref<!tpu.dma_semaphore, #tpu.memory_space<semaphore_mem>>
        %dma_start3A_234 = arith.constant 0 : i32
        %dma_start3A_235 = tpu.memref_slice %arg7[%add3A_219, %dma_start3A_234] : memref<25x80xi32, #tpu.memory_space<vmem>> -> memref<1x80xi32, #tpu.memory_space<vmem>>
        %dma_start3A_236 = tpu.memref_squeeze %dma_start3A_235 : memref<1x80xi32, #tpu.memory_space<vmem>> -> memref<80xi32, #tpu.memory_space<vmem>>
        %dma_start3A_237 = arith.constant 0 : i32
        %dma_start3A_238 = arith.constant 0 : i32
        %dma_start3A_239 = tpu.memref_slice %arg12[%dma_start3A_237, %dma_start3A_238] : memref<10240x128xf32, #tpu.memory_space<vmem_shared>> -> memref<10240x128xf32, #tpu.memory_space<vmem_shared>>
        tpu.enqueue_indirect_dma source(%arg9 : memref<80x128xf32, #tpu.memory_space<vmem>>) target(%dma_start3A_239 : memref<10240x128xf32, #tpu.memory_space<vmem_shared>>) offsets(%dma_start3A_236 : memref<80xi32, #tpu.memory_space<vmem>>) semaphore(%run_scoped3A_233 : memref<!tpu.dma_semaphore, #tpu.memory_space<semaphore_mem>>) {add = true}
        %dma_wait3A_240 = arith.constant 0 : i32
        %dma_wait3A_241 = tpu.memref_slice %arg7[%add3A_219, %dma_wait3A_240] : memref<25x80xi32, #tpu.memory_space<vmem>> -> memref<1x80xi32, #tpu.memory_space<vmem>>
        %dma_wait3A_242 = tpu.memref_squeeze %dma_wait3A_241 : memref<1x80xi32, #tpu.memory_space<vmem>> -> memref<80xi32, #tpu.memory_space<vmem>>
        %dma_wait3A_243 = arith.constant 0 : i32
        %dma_wait3A_244 = arith.constant 0 : i32
        %dma_wait3A_245 = tpu.memref_slice %arg12[%dma_wait3A_243, %dma_wait3A_244] : memref<10240x128xf32, #tpu.memory_space<vmem_shared>> -> memref<10240x128xf32, #tpu.memory_space<vmem_shared>>
        tpu.wait_indirect_dma semaphore(%run_scoped3A_233 : memref<!tpu.dma_semaphore, #tpu.memory_space<semaphore_mem>>) src(%arg9 : memref<80x128xf32, #tpu.memory_space<vmem>>) dst(%dma_wait3A_245 : memref<10240x128xf32, #tpu.memory_space<vmem_shared>>)
        tpu.yield
      }) : () -> ()
      %add3A_226 = arith.constant 2 : i32
      %add3A_227 = arith.addi %add3A_219, %add3A_226 : i32
      %lt3A_228 = arith.constant 25 : i32
      %lt3A_229 = arith.cmpi slt, %add3A_227, %lt3A_228 : i32
      %convert_element_type3A_230 = arith.extui %lt3A_229 : i1 to i32
      %cond3A_231 = arith.constant 0 : i32
      %cond3A_232 = arith.cmpi ne, %convert_element_type3A_230, %cond3A_231 : i32
      scf.if %cond3A_232 {
        %add3A_233 = arith.constant 2 : i32
        %add3A_234 = arith.addi %add3A_219, %add3A_233 : i32
        %dma_start3A_235 = arith.constant 0 : i32
        %dma_start3A_236 = tpu.memref_slice %arg6[%add3A_234, %dma_start3A_235] : memref<25x80xi32, #tpu.memory_space<vmem>> -> memref<1x80xi32, #tpu.memory_space<vmem>>
        %dma_start3A_237 = tpu.memref_squeeze %dma_start3A_236 : memref<1x80xi32, #tpu.memory_space<vmem>> -> memref<80xi32, #tpu.memory_space<vmem>>
        %dma_start3A_238 = arith.constant 0 : i32
        %dma_start3A_239 = arith.constant 0 : i32
        %dma_start3A_240 = tpu.memref_slice %arg4[%dma_start3A_238, %dma_start3A_239] : memref<10000x128xf32, #tpu.memory_space<hbm>> -> memref<10000x128xf32, #tpu.memory_space<hbm>>
        tpu.enqueue_indirect_dma source(%dma_start3A_240 : memref<10000x128xf32, #tpu.memory_space<hbm>>) target(%arg9 : memref<80x128xf32, #tpu.memory_space<vmem>>) offsets(%dma_start3A_237 : memref<80xi32, #tpu.memory_space<vmem>>) semaphore(%arg11 : memref<!tpu.dma_semaphore, #tpu.memory_space<semaphore_mem>>)
      } else {
      }
    }
    %scan3A_113 = arith.constant 12 : i32
    %dma_wait3A_114 = arith.constant 24 : i32
    %dma_wait3A_115 = arith.constant 0 : i32
    %dma_wait3A_116 = tpu.memref_slice %arg6[%dma_wait3A_114, %dma_wait3A_115] : memref<25x80xi32, #tpu.memory_space<vmem>> -> memref<1x80xi32, #tpu.memory_space<vmem>>
    %dma_wait3A_117 = tpu.memref_squeeze %dma_wait3A_116 : memref<1x80xi32, #tpu.memory_space<vmem>> -> memref<80xi32, #tpu.memory_space<vmem>>
    %dma_wait3A_118 = arith.constant 0 : i32
    %dma_wait3A_119 = arith.constant 0 : i32
    %dma_wait3A_120 = tpu.memref_slice %arg4[%dma_wait3A_118, %dma_wait3A_119] : memref<10000x128xf32, #tpu.memory_space<hbm>> -> memref<10000x128xf32, #tpu.memory_space<hbm>>
    tpu.wait_indirect_dma semaphore(%arg10 : memref<!tpu.dma_semaphore, #tpu.memory_space<semaphore_mem>>) src(%dma_wait3A_120 : memref<10000x128xf32, #tpu.memory_space<hbm>>) dst(%arg8 : memref<80x128xf32, #tpu.memory_space<vmem>>)
    %run_scoped3A_121 = arith.constant 24 : i32
    "tpu.region"() ({
      %run_scoped3A_203 = tpu.sem_alloc : memref<!tpu.dma_semaphore, #tpu.memory_space<semaphore_mem>>
      %dma_start3A_204 = arith.constant 0 : i32
      %dma_start3A_205 = tpu.memref_slice %arg7[%run_scoped3A_121, %dma_start3A_204] : memref<25x80xi32, #tpu.memory_space<vmem>> -> memref<1x80xi32, #tpu.memory_space<vmem>>
      %dma_start3A_206 = tpu.memref_squeeze %dma_start3A_205 : memref<1x80xi32, #tpu.memory_space<vmem>> -> memref<80xi32, #tpu.memory_space<vmem>>
      %dma_start3A_207 = arith.constant 0 : i32
      %dma_start3A_208 = arith.constant 0 : i32
      %dma_start3A_209 = tpu.memref_slice %arg12[%dma_start3A_207, %dma_start3A_208] : memref<10240x128xf32, #tpu.memory_space<vmem_shared>> -> memref<10240x128xf32, #tpu.memory_space<vmem_shared>>
      tpu.enqueue_indirect_dma source(%arg8 : memref<80x128xf32, #tpu.memory_space<vmem>>) target(%dma_start3A_209 : memref<10240x128xf32, #tpu.memory_space<vmem_shared>>) offsets(%dma_start3A_206 : memref<80xi32, #tpu.memory_space<vmem>>) semaphore(%run_scoped3A_203 : memref<!tpu.dma_semaphore, #tpu.memory_space<semaphore_mem>>) {add = true}
      %dma_wait3A_210 = arith.constant 0 : i32
      %dma_wait3A_211 = tpu.memref_slice %arg7[%run_scoped3A_121, %dma_wait3A_210] : memref<25x80xi32, #tpu.memory_space<vmem>> -> memref<1x80xi32, #tpu.memory_space<vmem>>
      %dma_wait3A_212 = tpu.memref_squeeze %dma_wait3A_211 : memref<1x80xi32, #tpu.memory_space<vmem>> -> memref<80xi32, #tpu.memory_space<vmem>>
      %dma_wait3A_213 = arith.constant 0 : i32
      %dma_wait3A_214 = arith.constant 0 : i32
      %dma_wait3A_215 = tpu.memref_slice %arg12[%dma_wait3A_213, %dma_wait3A_214] : memref<10240x128xf32, #tpu.memory_space<vmem_shared>> -> memref<10240x128xf32, #tpu.memory_space<vmem_shared>>
      tpu.wait_indirect_dma semaphore(%run_scoped3A_203 : memref<!tpu.dma_semaphore, #tpu.memory_space<semaphore_mem>>) src(%arg8 : memref<80x128xf32, #tpu.memory_space<vmem>>) dst(%dma_wait3A_215 : memref<10240x128xf32, #tpu.memory_space<vmem_shared>>)
      tpu.yield
    }) : () -> ()
    %run_scoped3A_122 = arith.constant 3 : i32
    "tpu.region"() ({
      %run_scoped3A_203 = tpu.sem_alloc : memref<!tpu.dma_semaphore, #tpu.memory_space<semaphore_mem>>
      %dma_start3A_204 = arith.constant 0 : i32
      %dma_start3A_205 = arith.constant 0 : i32
      %dma_start3A_206 = tpu.memref_slice %arg2[%arg0, %arg1, %run_scoped3A_122, %dma_start3A_204, %dma_start3A_205] : memref<2x16x5x25x80xi32, #tpu.memory_space<hbm>> -> memref<1x1x1x25x80xi32, #tpu.memory_space<hbm>>
      %dma_start3A_207 = tpu.memref_squeeze %dma_start3A_206 : memref<1x1x1x25x80xi32, #tpu.memory_space<hbm>> -> memref<25x80xi32, #tpu.memory_space<hbm>>
      %dma_start3A_208 = arith.constant 0 : i32
      %dma_start3A_209 = arith.constant 0 : i32
      %dma_start3A_210 = tpu.memref_slice %arg2[%arg0, %arg1, %run_scoped3A_122, %dma_start3A_208, %dma_start3A_209] : memref<2x16x5x25x80xi32, #tpu.memory_space<hbm>> -> memref<1x1x1x25x80xi32, #tpu.memory_space<hbm>>
      %dma_start3A_211 = tpu.memref_squeeze %dma_start3A_210 : memref<1x1x1x25x80xi32, #tpu.memory_space<hbm>> -> memref<25x80xi32, #tpu.memory_space<hbm>>
      tpu.enqueue_dma source(%dma_start3A_211 : memref<25x80xi32, #tpu.memory_space<hbm>>) target(%arg6 : memref<25x80xi32, #tpu.memory_space<vmem>>) target_semaphore(%run_scoped3A_203 : memref<!tpu.dma_semaphore, #tpu.memory_space<semaphore_mem>>)
      %dma_wait3A_212 = arith.constant 0 : i32
      %dma_wait3A_213 = arith.constant 0 : i32
      %dma_wait3A_214 = tpu.memref_slice %arg2[%arg0, %arg1, %run_scoped3A_122, %dma_wait3A_212, %dma_wait3A_213] : memref<2x16x5x25x80xi32, #tpu.memory_space<hbm>> -> memref<1x1x1x25x80xi32, #tpu.memory_space<hbm>>
      %dma_wait3A_215 = tpu.memref_squeeze %dma_wait3A_214 : memref<1x1x1x25x80xi32, #tpu.memory_space<hbm>> -> memref<25x80xi32, #tpu.memory_space<hbm>>
      %dma_wait3A_216 = arith.constant 0 : i32
      %dma_wait3A_217 = arith.constant 0 : i32
      %dma_wait3A_218 = tpu.memref_slice %arg2[%arg0, %arg1, %run_scoped3A_122, %dma_wait3A_216, %dma_wait3A_217] : memref<2x16x5x25x80xi32, #tpu.memory_space<hbm>> -> memref<1x1x1x25x80xi32, #tpu.memory_space<hbm>>
      %dma_wait3A_219 = tpu.memref_squeeze %dma_wait3A_218 : memref<1x1x1x25x80xi32, #tpu.memory_space<hbm>> -> memref<25x80xi32, #tpu.memory_space<hbm>>
      tpu.wait_dma2 semaphore(%run_scoped3A_203 : memref<!tpu.dma_semaphore, #tpu.memory_space<semaphore_mem>>) src(%dma_wait3A_219 : memref<25x80xi32, #tpu.memory_space<hbm>>) dst(%arg6 : memref<25x80xi32, #tpu.memory_space<vmem>>)
      tpu.yield
    }) : () -> ()
    %run_scoped3A_123 = arith.constant 3 : i32
    "tpu.region"() ({
      %run_scoped3A_203 = tpu.sem_alloc : memref<!tpu.dma_semaphore, #tpu.memory_space<semaphore_mem>>
      %dma_start3A_204 = arith.constant 0 : i32
      %dma_start3A_205 = arith.constant 0 : i32
      %dma_start3A_206 = tpu.memref_slice %arg3[%arg0, %arg1, %run_scoped3A_123, %dma_start3A_204, %dma_start3A_205] : memref<2x16x5x25x80xi32, #tpu.memory_space<hbm>> -> memref<1x1x1x25x80xi32, #tpu.memory_space<hbm>>
      %dma_start3A_207 = tpu.memref_squeeze %dma_start3A_206 : memref<1x1x1x25x80xi32, #tpu.memory_space<hbm>> -> memref<25x80xi32, #tpu.memory_space<hbm>>
      %dma_start3A_208 = arith.constant 0 : i32
      %dma_start3A_209 = arith.constant 0 : i32
      %dma_start3A_210 = tpu.memref_slice %arg3[%arg0, %arg1, %run_scoped3A_123, %dma_start3A_208, %dma_start3A_209] : memref<2x16x5x25x80xi32, #tpu.memory_space<hbm>> -> memref<1x1x1x25x80xi32, #tpu.memory_space<hbm>>
      %dma_start3A_211 = tpu.memref_squeeze %dma_start3A_210 : memref<1x1x1x25x80xi32, #tpu.memory_space<hbm>> -> memref<25x80xi32, #tpu.memory_space<hbm>>
      tpu.enqueue_dma source(%dma_start3A_211 : memref<25x80xi32, #tpu.memory_space<hbm>>) target(%arg7 : memref<25x80xi32, #tpu.memory_space<vmem>>) target_semaphore(%run_scoped3A_203 : memref<!tpu.dma_semaphore, #tpu.memory_space<semaphore_mem>>)
      %dma_wait3A_212 = arith.constant 0 : i32
      %dma_wait3A_213 = arith.constant 0 : i32
      %dma_wait3A_214 = tpu.memref_slice %arg3[%arg0, %arg1, %run_scoped3A_123, %dma_wait3A_212, %dma_wait3A_213] : memref<2x16x5x25x80xi32, #tpu.memory_space<hbm>> -> memref<1x1x1x25x80xi32, #tpu.memory_space<hbm>>
      %dma_wait3A_215 = tpu.memref_squeeze %dma_wait3A_214 : memref<1x1x1x25x80xi32, #tpu.memory_space<hbm>> -> memref<25x80xi32, #tpu.memory_space<hbm>>
      %dma_wait3A_216 = arith.constant 0 : i32
      %dma_wait3A_217 = arith.constant 0 : i32
      %dma_wait3A_218 = tpu.memref_slice %arg3[%arg0, %arg1, %run_scoped3A_123, %dma_wait3A_216, %dma_wait3A_217] : memref<2x16x5x25x80xi32, #tpu.memory_space<hbm>> -> memref<1x1x1x25x80xi32, #tpu.memory_space<hbm>>
      %dma_wait3A_219 = tpu.memref_squeeze %dma_wait3A_218 : memref<1x1x1x25x80xi32, #tpu.memory_space<hbm>> -> memref<25x80xi32, #tpu.memory_space<hbm>>
      tpu.wait_dma2 semaphore(%run_scoped3A_203 : memref<!tpu.dma_semaphore, #tpu.memory_space<semaphore_mem>>) src(%dma_wait3A_219 : memref<25x80xi32, #tpu.memory_space<hbm>>) dst(%arg7 : memref<25x80xi32, #tpu.memory_space<vmem>>)
      tpu.yield
    }) : () -> ()
    %dma_start3A_124 = arith.constant 0 : i32
    %dma_start3A_125 = arith.constant 0 : i32
    %dma_start3A_126 = tpu.memref_slice %arg6[%dma_start3A_124, %dma_start3A_125] : memref<25x80xi32, #tpu.memory_space<vmem>> -> memref<1x80xi32, #tpu.memory_space<vmem>>
    %dma_start3A_127 = tpu.memref_squeeze %dma_start3A_126 : memref<1x80xi32, #tpu.memory_space<vmem>> -> memref<80xi32, #tpu.memory_space<vmem>>
    %dma_start3A_128 = arith.constant 0 : i32
    %dma_start3A_129 = arith.constant 0 : i32
    %dma_start3A_130 = tpu.memref_slice %arg4[%dma_start3A_128, %dma_start3A_129] : memref<10000x128xf32, #tpu.memory_space<hbm>> -> memref<10000x128xf32, #tpu.memory_space<hbm>>
    tpu.enqueue_indirect_dma source(%dma_start3A_130 : memref<10000x128xf32, #tpu.memory_space<hbm>>) target(%arg8 : memref<80x128xf32, #tpu.memory_space<vmem>>) offsets(%dma_start3A_127 : memref<80xi32, #tpu.memory_space<vmem>>) semaphore(%arg10 : memref<!tpu.dma_semaphore, #tpu.memory_space<semaphore_mem>>)
    %dma_start3A_131 = arith.constant 1 : i32
    %dma_start3A_132 = arith.constant 0 : i32
    %dma_start3A_133 = tpu.memref_slice %arg6[%dma_start3A_131, %dma_start3A_132] : memref<25x80xi32, #tpu.memory_space<vmem>> -> memref<1x80xi32, #tpu.memory_space<vmem>>
    %dma_start3A_134 = tpu.memref_squeeze %dma_start3A_133 : memref<1x80xi32, #tpu.memory_space<vmem>> -> memref<80xi32, #tpu.memory_space<vmem>>
    %dma_start3A_135 = arith.constant 0 : i32
    %dma_start3A_136 = arith.constant 0 : i32
    %dma_start3A_137 = tpu.memref_slice %arg4[%dma_start3A_135, %dma_start3A_136] : memref<10000x128xf32, #tpu.memory_space<hbm>> -> memref<10000x128xf32, #tpu.memory_space<hbm>>
    tpu.enqueue_indirect_dma source(%dma_start3A_137 : memref<10000x128xf32, #tpu.memory_space<hbm>>) target(%arg9 : memref<80x128xf32, #tpu.memory_space<vmem>>) offsets(%dma_start3A_134 : memref<80xi32, #tpu.memory_space<vmem>>) semaphore(%arg11 : memref<!tpu.dma_semaphore, #tpu.memory_space<semaphore_mem>>)
    %scan3A_138 = arith.constant 0 : i32
    %scan3A_139 = arith.constant 0 : i32
    %scan3A_140 = arith.constant 12 : i32
    %scan3A_141 = arith.addi %scan3A_139, %scan3A_140 : i32
    %scan3A_142 = arith.constant 1 : i32
    scf.for %scan3A_203 = %scan3A_139 to %scan3A_141 step %scan3A_142  : i32 {
      %mul3A_204 = arith.constant 2 : i32
      %mul3A_205 = arith.muli %scan3A_203, %mul3A_204 : i32
      %add3A_206 = arith.constant 0 : i32
      %add3A_207 = arith.addi %mul3A_205, %add3A_206 : i32
      %dma_wait3A_208 = arith.constant 0 : i32
      %dma_wait3A_209 = tpu.memref_slice %arg6[%add3A_207, %dma_wait3A_208] : memref<25x80xi32, #tpu.memory_space<vmem>> -> memref<1x80xi32, #tpu.memory_space<vmem>>
      %dma_wait3A_210 = tpu.memref_squeeze %dma_wait3A_209 : memref<1x80xi32, #tpu.memory_space<vmem>> -> memref<80xi32, #tpu.memory_space<vmem>>
      %dma_wait3A_211 = arith.constant 0 : i32
      %dma_wait3A_212 = arith.constant 0 : i32
      %dma_wait3A_213 = tpu.memref_slice %arg4[%dma_wait3A_211, %dma_wait3A_212] : memref<10000x128xf32, #tpu.memory_space<hbm>> -> memref<10000x128xf32, #tpu.memory_space<hbm>>
      tpu.wait_indirect_dma semaphore(%arg10 : memref<!tpu.dma_semaphore, #tpu.memory_space<semaphore_mem>>) src(%dma_wait3A_213 : memref<10000x128xf32, #tpu.memory_space<hbm>>) dst(%arg8 : memref<80x128xf32, #tpu.memory_space<vmem>>)
      "tpu.region"() ({
        %run_scoped3A_233 = tpu.sem_alloc : memref<!tpu.dma_semaphore, #tpu.memory_space<semaphore_mem>>
        %dma_start3A_234 = arith.constant 0 : i32
        %dma_start3A_235 = tpu.memref_slice %arg7[%add3A_207, %dma_start3A_234] : memref<25x80xi32, #tpu.memory_space<vmem>> -> memref<1x80xi32, #tpu.memory_space<vmem>>
        %dma_start3A_236 = tpu.memref_squeeze %dma_start3A_235 : memref<1x80xi32, #tpu.memory_space<vmem>> -> memref<80xi32, #tpu.memory_space<vmem>>
        %dma_start3A_237 = arith.constant 0 : i32
        %dma_start3A_238 = arith.constant 0 : i32
        %dma_start3A_239 = tpu.memref_slice %arg12[%dma_start3A_237, %dma_start3A_238] : memref<10240x128xf32, #tpu.memory_space<vmem_shared>> -> memref<10240x128xf32, #tpu.memory_space<vmem_shared>>
        tpu.enqueue_indirect_dma source(%arg8 : memref<80x128xf32, #tpu.memory_space<vmem>>) target(%dma_start3A_239 : memref<10240x128xf32, #tpu.memory_space<vmem_shared>>) offsets(%dma_start3A_236 : memref<80xi32, #tpu.memory_space<vmem>>) semaphore(%run_scoped3A_233 : memref<!tpu.dma_semaphore, #tpu.memory_space<semaphore_mem>>) {add = true}
        %dma_wait3A_240 = arith.constant 0 : i32
        %dma_wait3A_241 = tpu.memref_slice %arg7[%add3A_207, %dma_wait3A_240] : memref<25x80xi32, #tpu.memory_space<vmem>> -> memref<1x80xi32, #tpu.memory_space<vmem>>
        %dma_wait3A_242 = tpu.memref_squeeze %dma_wait3A_241 : memref<1x80xi32, #tpu.memory_space<vmem>> -> memref<80xi32, #tpu.memory_space<vmem>>
        %dma_wait3A_243 = arith.constant 0 : i32
        %dma_wait3A_244 = arith.constant 0 : i32
        %dma_wait3A_245 = tpu.memref_slice %arg12[%dma_wait3A_243, %dma_wait3A_244] : memref<10240x128xf32, #tpu.memory_space<vmem_shared>> -> memref<10240x128xf32, #tpu.memory_space<vmem_shared>>
        tpu.wait_indirect_dma semaphore(%run_scoped3A_233 : memref<!tpu.dma_semaphore, #tpu.memory_space<semaphore_mem>>) src(%arg8 : memref<80x128xf32, #tpu.memory_space<vmem>>) dst(%dma_wait3A_245 : memref<10240x128xf32, #tpu.memory_space<vmem_shared>>)
        tpu.yield
      }) : () -> ()
      %add3A_214 = arith.constant 2 : i32
      %add3A_215 = arith.addi %add3A_207, %add3A_214 : i32
      %lt3A = arith.constant 25 : i32
      %lt3A_216 = arith.cmpi slt, %add3A_215, %lt3A : i32
      %convert_element_type3A = arith.extui %lt3A_216 : i1 to i32
      %cond3A = arith.constant 0 : i32
      %cond3A_217 = arith.cmpi ne, %convert_element_type3A, %cond3A : i32
      scf.if %cond3A_217 {
        %add3A_233 = arith.constant 2 : i32
        %add3A_234 = arith.addi %add3A_207, %add3A_233 : i32
        %dma_start3A_235 = arith.constant 0 : i32
        %dma_start3A_236 = tpu.memref_slice %arg6[%add3A_234, %dma_start3A_235] : memref<25x80xi32, #tpu.memory_space<vmem>> -> memref<1x80xi32, #tpu.memory_space<vmem>>
        %dma_start3A_237 = tpu.memref_squeeze %dma_start3A_236 : memref<1x80xi32, #tpu.memory_space<vmem>> -> memref<80xi32, #tpu.memory_space<vmem>>
        %dma_start3A_238 = arith.constant 0 : i32
        %dma_start3A_239 = arith.constant 0 : i32
        %dma_start3A_240 = tpu.memref_slice %arg4[%dma_start3A_238, %dma_start3A_239] : memref<10000x128xf32, #tpu.memory_space<hbm>> -> memref<10000x128xf32, #tpu.memory_space<hbm>>
        tpu.enqueue_indirect_dma source(%dma_start3A_240 : memref<10000x128xf32, #tpu.memory_space<hbm>>) target(%arg8 : memref<80x128xf32, #tpu.memory_space<vmem>>) offsets(%dma_start3A_237 : memref<80xi32, #tpu.memory_space<vmem>>) semaphore(%arg10 : memref<!tpu.dma_semaphore, #tpu.memory_space<semaphore_mem>>)
      } else {
      }
      %add3A_218 = arith.constant 1 : i32
      %add3A_219 = arith.addi %mul3A_205, %add3A_218 : i32
      %dma_wait3A_220 = arith.constant 0 : i32
      %dma_wait3A_221 = tpu.memref_slice %arg6[%add3A_219, %dma_wait3A_220] : memref<25x80xi32, #tpu.memory_space<vmem>> -> memref<1x80xi32, #tpu.memory_space<vmem>>
      %dma_wait3A_222 = tpu.memref_squeeze %dma_wait3A_221 : memref<1x80xi32, #tpu.memory_space<vmem>> -> memref<80xi32, #tpu.memory_space<vmem>>
      %dma_wait3A_223 = arith.constant 0 : i32
      %dma_wait3A_224 = arith.constant 0 : i32
      %dma_wait3A_225 = tpu.memref_slice %arg4[%dma_wait3A_223, %dma_wait3A_224] : memref<10000x128xf32, #tpu.memory_space<hbm>> -> memref<10000x128xf32, #tpu.memory_space<hbm>>
      tpu.wait_indirect_dma semaphore(%arg11 : memref<!tpu.dma_semaphore, #tpu.memory_space<semaphore_mem>>) src(%dma_wait3A_225 : memref<10000x128xf32, #tpu.memory_space<hbm>>) dst(%arg9 : memref<80x128xf32, #tpu.memory_space<vmem>>)
      "tpu.region"() ({
        %run_scoped3A_233 = tpu.sem_alloc : memref<!tpu.dma_semaphore, #tpu.memory_space<semaphore_mem>>
        %dma_start3A_234 = arith.constant 0 : i32
        %dma_start3A_235 = tpu.memref_slice %arg7[%add3A_219, %dma_start3A_234] : memref<25x80xi32, #tpu.memory_space<vmem>> -> memref<1x80xi32, #tpu.memory_space<vmem>>
        %dma_start3A_236 = tpu.memref_squeeze %dma_start3A_235 : memref<1x80xi32, #tpu.memory_space<vmem>> -> memref<80xi32, #tpu.memory_space<vmem>>
        %dma_start3A_237 = arith.constant 0 : i32
        %dma_start3A_238 = arith.constant 0 : i32
        %dma_start3A_239 = tpu.memref_slice %arg12[%dma_start3A_237, %dma_start3A_238] : memref<10240x128xf32, #tpu.memory_space<vmem_shared>> -> memref<10240x128xf32, #tpu.memory_space<vmem_shared>>
        tpu.enqueue_indirect_dma source(%arg9 : memref<80x128xf32, #tpu.memory_space<vmem>>) target(%dma_start3A_239 : memref<10240x128xf32, #tpu.memory_space<vmem_shared>>) offsets(%dma_start3A_236 : memref<80xi32, #tpu.memory_space<vmem>>) semaphore(%run_scoped3A_233 : memref<!tpu.dma_semaphore, #tpu.memory_space<semaphore_mem>>) {add = true}
        %dma_wait3A_240 = arith.constant 0 : i32
        %dma_wait3A_241 = tpu.memref_slice %arg7[%add3A_219, %dma_wait3A_240] : memref<25x80xi32, #tpu.memory_space<vmem>> -> memref<1x80xi32, #tpu.memory_space<vmem>>
        %dma_wait3A_242 = tpu.memref_squeeze %dma_wait3A_241 : memref<1x80xi32, #tpu.memory_space<vmem>> -> memref<80xi32, #tpu.memory_space<vmem>>
        %dma_wait3A_243 = arith.constant 0 : i32
        %dma_wait3A_244 = arith.constant 0 : i32
        %dma_wait3A_245 = tpu.memref_slice %arg12[%dma_wait3A_243, %dma_wait3A_244] : memref<10240x128xf32, #tpu.memory_space<vmem_shared>> -> memref<10240x128xf32, #tpu.memory_space<vmem_shared>>
        tpu.wait_indirect_dma semaphore(%run_scoped3A_233 : memref<!tpu.dma_semaphore, #tpu.memory_space<semaphore_mem>>) src(%arg9 : memref<80x128xf32, #tpu.memory_space<vmem>>) dst(%dma_wait3A_245 : memref<10240x128xf32, #tpu.memory_space<vmem_shared>>)
        tpu.yield
      }) : () -> ()
      %add3A_226 = arith.constant 2 : i32
      %add3A_227 = arith.addi %add3A_219, %add3A_226 : i32
      %lt3A_228 = arith.constant 25 : i32
      %lt3A_229 = arith.cmpi slt, %add3A_227, %lt3A_228 : i32
      %convert_element_type3A_230 = arith.extui %lt3A_229 : i1 to i32
      %cond3A_231 = arith.constant 0 : i32
      %cond3A_232 = arith.cmpi ne, %convert_element_type3A_230, %cond3A_231 : i32
      scf.if %cond3A_232 {
        %add3A_233 = arith.constant 2 : i32
        %add3A_234 = arith.addi %add3A_219, %add3A_233 : i32
        %dma_start3A_235 = arith.constant 0 : i32
        %dma_start3A_236 = tpu.memref_slice %arg6[%add3A_234, %dma_start3A_235] : memref<25x80xi32, #tpu.memory_space<vmem>> -> memref<1x80xi32, #tpu.memory_space<vmem>>
        %dma_start3A_237 = tpu.memref_squeeze %dma_start3A_236 : memref<1x80xi32, #tpu.memory_space<vmem>> -> memref<80xi32, #tpu.memory_space<vmem>>
        %dma_start3A_238 = arith.constant 0 : i32
        %dma_start3A_239 = arith.constant 0 : i32
        %dma_start3A_240 = tpu.memref_slice %arg4[%dma_start3A_238, %dma_start3A_239] : memref<10000x128xf32, #tpu.memory_space<hbm>> -> memref<10000x128xf32, #tpu.memory_space<hbm>>
        tpu.enqueue_indirect_dma source(%dma_start3A_240 : memref<10000x128xf32, #tpu.memory_space<hbm>>) target(%arg9 : memref<80x128xf32, #tpu.memory_space<vmem>>) offsets(%dma_start3A_237 : memref<80xi32, #tpu.memory_space<vmem>>) semaphore(%arg11 : memref<!tpu.dma_semaphore, #tpu.memory_space<semaphore_mem>>)
      } else {
      }
    }
    %scan3A_143 = arith.constant 12 : i32
    %dma_wait3A_144 = arith.constant 24 : i32
    %dma_wait3A_145 = arith.constant 0 : i32
    %dma_wait3A_146 = tpu.memref_slice %arg6[%dma_wait3A_144, %dma_wait3A_145] : memref<25x80xi32, #tpu.memory_space<vmem>> -> memref<1x80xi32, #tpu.memory_space<vmem>>
    %dma_wait3A_147 = tpu.memref_squeeze %dma_wait3A_146 : memref<1x80xi32, #tpu.memory_space<vmem>> -> memref<80xi32, #tpu.memory_space<vmem>>
    %dma_wait3A_148 = arith.constant 0 : i32
    %dma_wait3A_149 = arith.constant 0 : i32
    %dma_wait3A_150 = tpu.memref_slice %arg4[%dma_wait3A_148, %dma_wait3A_149] : memref<10000x128xf32, #tpu.memory_space<hbm>> -> memref<10000x128xf32, #tpu.memory_space<hbm>>
    tpu.wait_indirect_dma semaphore(%arg10 : memref<!tpu.dma_semaphore, #tpu.memory_space<semaphore_mem>>) src(%dma_wait3A_150 : memref<10000x128xf32, #tpu.memory_space<hbm>>) dst(%arg8 : memref<80x128xf32, #tpu.memory_space<vmem>>)
    %run_scoped3A_151 = arith.constant 24 : i32
    "tpu.region"() ({
      %run_scoped3A_203 = tpu.sem_alloc : memref<!tpu.dma_semaphore, #tpu.memory_space<semaphore_mem>>
      %dma_start3A_204 = arith.constant 0 : i32
      %dma_start3A_205 = tpu.memref_slice %arg7[%run_scoped3A_151, %dma_start3A_204] : memref<25x80xi32, #tpu.memory_space<vmem>> -> memref<1x80xi32, #tpu.memory_space<vmem>>
      %dma_start3A_206 = tpu.memref_squeeze %dma_start3A_205 : memref<1x80xi32, #tpu.memory_space<vmem>> -> memref<80xi32, #tpu.memory_space<vmem>>
      %dma_start3A_207 = arith.constant 0 : i32
      %dma_start3A_208 = arith.constant 0 : i32
      %dma_start3A_209 = tpu.memref_slice %arg12[%dma_start3A_207, %dma_start3A_208] : memref<10240x128xf32, #tpu.memory_space<vmem_shared>> -> memref<10240x128xf32, #tpu.memory_space<vmem_shared>>
      tpu.enqueue_indirect_dma source(%arg8 : memref<80x128xf32, #tpu.memory_space<vmem>>) target(%dma_start3A_209 : memref<10240x128xf32, #tpu.memory_space<vmem_shared>>) offsets(%dma_start3A_206 : memref<80xi32, #tpu.memory_space<vmem>>) semaphore(%run_scoped3A_203 : memref<!tpu.dma_semaphore, #tpu.memory_space<semaphore_mem>>) {add = true}
      %dma_wait3A_210 = arith.constant 0 : i32
      %dma_wait3A_211 = tpu.memref_slice %arg7[%run_scoped3A_151, %dma_wait3A_210] : memref<25x80xi32, #tpu.memory_space<vmem>> -> memref<1x80xi32, #tpu.memory_space<vmem>>
      %dma_wait3A_212 = tpu.memref_squeeze %dma_wait3A_211 : memref<1x80xi32, #tpu.memory_space<vmem>> -> memref<80xi32, #tpu.memory_space<vmem>>
      %dma_wait3A_213 = arith.constant 0 : i32
      %dma_wait3A_214 = arith.constant 0 : i32
      %dma_wait3A_215 = tpu.memref_slice %arg12[%dma_wait3A_213, %dma_wait3A_214] : memref<10240x128xf32, #tpu.memory_space<vmem_shared>> -> memref<10240x128xf32, #tpu.memory_space<vmem_shared>>
      tpu.wait_indirect_dma semaphore(%run_scoped3A_203 : memref<!tpu.dma_semaphore, #tpu.memory_space<semaphore_mem>>) src(%arg8 : memref<80x128xf32, #tpu.memory_space<vmem>>) dst(%dma_wait3A_215 : memref<10240x128xf32, #tpu.memory_space<vmem_shared>>)
      tpu.yield
    }) : () -> ()
    %run_scoped3A_152 = arith.constant 4 : i32
    "tpu.region"() ({
      %run_scoped3A_203 = tpu.sem_alloc : memref<!tpu.dma_semaphore, #tpu.memory_space<semaphore_mem>>
      %dma_start3A_204 = arith.constant 0 : i32
      %dma_start3A_205 = arith.constant 0 : i32
      %dma_start3A_206 = tpu.memref_slice %arg2[%arg0, %arg1, %run_scoped3A_152, %dma_start3A_204, %dma_start3A_205] : memref<2x16x5x25x80xi32, #tpu.memory_space<hbm>> -> memref<1x1x1x25x80xi32, #tpu.memory_space<hbm>>
      %dma_start3A_207 = tpu.memref_squeeze %dma_start3A_206 : memref<1x1x1x25x80xi32, #tpu.memory_space<hbm>> -> memref<25x80xi32, #tpu.memory_space<hbm>>
      %dma_start3A_208 = arith.constant 0 : i32
      %dma_start3A_209 = arith.constant 0 : i32
      %dma_start3A_210 = tpu.memref_slice %arg2[%arg0, %arg1, %run_scoped3A_152, %dma_start3A_208, %dma_start3A_209] : memref<2x16x5x25x80xi32, #tpu.memory_space<hbm>> -> memref<1x1x1x25x80xi32, #tpu.memory_space<hbm>>
      %dma_start3A_211 = tpu.memref_squeeze %dma_start3A_210 : memref<1x1x1x25x80xi32, #tpu.memory_space<hbm>> -> memref<25x80xi32, #tpu.memory_space<hbm>>
      tpu.enqueue_dma source(%dma_start3A_211 : memref<25x80xi32, #tpu.memory_space<hbm>>) target(%arg6 : memref<25x80xi32, #tpu.memory_space<vmem>>) target_semaphore(%run_scoped3A_203 : memref<!tpu.dma_semaphore, #tpu.memory_space<semaphore_mem>>)
      %dma_wait3A_212 = arith.constant 0 : i32
      %dma_wait3A_213 = arith.constant 0 : i32
      %dma_wait3A_214 = tpu.memref_slice %arg2[%arg0, %arg1, %run_scoped3A_152, %dma_wait3A_212, %dma_wait3A_213] : memref<2x16x5x25x80xi32, #tpu.memory_space<hbm>> -> memref<1x1x1x25x80xi32, #tpu.memory_space<hbm>>
      %dma_wait3A_215 = tpu.memref_squeeze %dma_wait3A_214 : memref<1x1x1x25x80xi32, #tpu.memory_space<hbm>> -> memref<25x80xi32, #tpu.memory_space<hbm>>
      %dma_wait3A_216 = arith.constant 0 : i32
      %dma_wait3A_217 = arith.constant 0 : i32
      %dma_wait3A_218 = tpu.memref_slice %arg2[%arg0, %arg1, %run_scoped3A_152, %dma_wait3A_216, %dma_wait3A_217] : memref<2x16x5x25x80xi32, #tpu.memory_space<hbm>> -> memref<1x1x1x25x80xi32, #tpu.memory_space<hbm>>
      %dma_wait3A_219 = tpu.memref_squeeze %dma_wait3A_218 : memref<1x1x1x25x80xi32, #tpu.memory_space<hbm>> -> memref<25x80xi32, #tpu.memory_space<hbm>>
      tpu.wait_dma2 semaphore(%run_scoped3A_203 : memref<!tpu.dma_semaphore, #tpu.memory_space<semaphore_mem>>) src(%dma_wait3A_219 : memref<25x80xi32, #tpu.memory_space<hbm>>) dst(%arg6 : memref<25x80xi32, #tpu.memory_space<vmem>>)
      tpu.yield
    }) : () -> ()
    %run_scoped3A_153 = arith.constant 4 : i32
    "tpu.region"() ({
      %run_scoped3A_203 = tpu.sem_alloc : memref<!tpu.dma_semaphore, #tpu.memory_space<semaphore_mem>>
      %dma_start3A_204 = arith.constant 0 : i32
      %dma_start3A_205 = arith.constant 0 : i32
      %dma_start3A_206 = tpu.memref_slice %arg3[%arg0, %arg1, %run_scoped3A_153, %dma_start3A_204, %dma_start3A_205] : memref<2x16x5x25x80xi32, #tpu.memory_space<hbm>> -> memref<1x1x1x25x80xi32, #tpu.memory_space<hbm>>
      %dma_start3A_207 = tpu.memref_squeeze %dma_start3A_206 : memref<1x1x1x25x80xi32, #tpu.memory_space<hbm>> -> memref<25x80xi32, #tpu.memory_space<hbm>>
      %dma_start3A_208 = arith.constant 0 : i32
      %dma_start3A_209 = arith.constant 0 : i32
      %dma_start3A_210 = tpu.memref_slice %arg3[%arg0, %arg1, %run_scoped3A_153, %dma_start3A_208, %dma_start3A_209] : memref<2x16x5x25x80xi32, #tpu.memory_space<hbm>> -> memref<1x1x1x25x80xi32, #tpu.memory_space<hbm>>
      %dma_start3A_211 = tpu.memref_squeeze %dma_start3A_210 : memref<1x1x1x25x80xi32, #tpu.memory_space<hbm>> -> memref<25x80xi32, #tpu.memory_space<hbm>>
      tpu.enqueue_dma source(%dma_start3A_211 : memref<25x80xi32, #tpu.memory_space<hbm>>) target(%arg7 : memref<25x80xi32, #tpu.memory_space<vmem>>) target_semaphore(%run_scoped3A_203 : memref<!tpu.dma_semaphore, #tpu.memory_space<semaphore_mem>>)
      %dma_wait3A_212 = arith.constant 0 : i32
      %dma_wait3A_213 = arith.constant 0 : i32
      %dma_wait3A_214 = tpu.memref_slice %arg3[%arg0, %arg1, %run_scoped3A_153, %dma_wait3A_212, %dma_wait3A_213] : memref<2x16x5x25x80xi32, #tpu.memory_space<hbm>> -> memref<1x1x1x25x80xi32, #tpu.memory_space<hbm>>
      %dma_wait3A_215 = tpu.memref_squeeze %dma_wait3A_214 : memref<1x1x1x25x80xi32, #tpu.memory_space<hbm>> -> memref<25x80xi32, #tpu.memory_space<hbm>>
      %dma_wait3A_216 = arith.constant 0 : i32
      %dma_wait3A_217 = arith.constant 0 : i32
      %dma_wait3A_218 = tpu.memref_slice %arg3[%arg0, %arg1, %run_scoped3A_153, %dma_wait3A_216, %dma_wait3A_217] : memref<2x16x5x25x80xi32, #tpu.memory_space<hbm>> -> memref<1x1x1x25x80xi32, #tpu.memory_space<hbm>>
      %dma_wait3A_219 = tpu.memref_squeeze %dma_wait3A_218 : memref<1x1x1x25x80xi32, #tpu.memory_space<hbm>> -> memref<25x80xi32, #tpu.memory_space<hbm>>
      tpu.wait_dma2 semaphore(%run_scoped3A_203 : memref<!tpu.dma_semaphore, #tpu.memory_space<semaphore_mem>>) src(%dma_wait3A_219 : memref<25x80xi32, #tpu.memory_space<hbm>>) dst(%arg7 : memref<25x80xi32, #tpu.memory_space<vmem>>)
      tpu.yield
    }) : () -> ()
    %dma_start3A_154 = arith.constant 0 : i32
    %dma_start3A_155 = arith.constant 0 : i32
    %dma_start3A_156 = tpu.memref_slice %arg6[%dma_start3A_154, %dma_start3A_155] : memref<25x80xi32, #tpu.memory_space<vmem>> -> memref<1x80xi32, #tpu.memory_space<vmem>>
    %dma_start3A_157 = tpu.memref_squeeze %dma_start3A_156 : memref<1x80xi32, #tpu.memory_space<vmem>> -> memref<80xi32, #tpu.memory_space<vmem>>
    %dma_start3A_158 = arith.constant 0 : i32
    %dma_start3A_159 = arith.constant 0 : i32
    %dma_start3A_160 = tpu.memref_slice %arg4[%dma_start3A_158, %dma_start3A_159] : memref<10000x128xf32, #tpu.memory_space<hbm>> -> memref<10000x128xf32, #tpu.memory_space<hbm>>
    tpu.enqueue_indirect_dma source(%dma_start3A_160 : memref<10000x128xf32, #tpu.memory_space<hbm>>) target(%arg8 : memref<80x128xf32, #tpu.memory_space<vmem>>) offsets(%dma_start3A_157 : memref<80xi32, #tpu.memory_space<vmem>>) semaphore(%arg10 : memref<!tpu.dma_semaphore, #tpu.memory_space<semaphore_mem>>)
    %dma_start3A_161 = arith.constant 1 : i32
    %dma_start3A_162 = arith.constant 0 : i32
    %dma_start3A_163 = tpu.memref_slice %arg6[%dma_start3A_161, %dma_start3A_162] : memref<25x80xi32, #tpu.memory_space<vmem>> -> memref<1x80xi32, #tpu.memory_space<vmem>>
    %dma_start3A_164 = tpu.memref_squeeze %dma_start3A_163 : memref<1x80xi32, #tpu.memory_space<vmem>> -> memref<80xi32, #tpu.memory_space<vmem>>
    %dma_start3A_165 = arith.constant 0 : i32
    %dma_start3A_166 = arith.constant 0 : i32
    %dma_start3A_167 = tpu.memref_slice %arg4[%dma_start3A_165, %dma_start3A_166] : memref<10000x128xf32, #tpu.memory_space<hbm>> -> memref<10000x128xf32, #tpu.memory_space<hbm>>
    tpu.enqueue_indirect_dma source(%dma_start3A_167 : memref<10000x128xf32, #tpu.memory_space<hbm>>) target(%arg9 : memref<80x128xf32, #tpu.memory_space<vmem>>) offsets(%dma_start3A_164 : memref<80xi32, #tpu.memory_space<vmem>>) semaphore(%arg11 : memref<!tpu.dma_semaphore, #tpu.memory_space<semaphore_mem>>)
    %scan3A_168 = arith.constant 0 : i32
    %scan3A_169 = arith.constant 0 : i32
    %scan3A_170 = arith.constant 12 : i32
    %scan3A_171 = arith.addi %scan3A_169, %scan3A_170 : i32
    %scan3A_172 = arith.constant 1 : i32
    scf.for %scan3A_203 = %scan3A_169 to %scan3A_171 step %scan3A_172  : i32 {
      %mul3A_204 = arith.constant 2 : i32
      %mul3A_205 = arith.muli %scan3A_203, %mul3A_204 : i32
      %add3A_206 = arith.constant 0 : i32
      %add3A_207 = arith.addi %mul3A_205, %add3A_206 : i32
      %dma_wait3A_208 = arith.constant 0 : i32
      %dma_wait3A_209 = tpu.memref_slice %arg6[%add3A_207, %dma_wait3A_208] : memref<25x80xi32, #tpu.memory_space<vmem>> -> memref<1x80xi32, #tpu.memory_space<vmem>>
      %dma_wait3A_210 = tpu.memref_squeeze %dma_wait3A_209 : memref<1x80xi32, #tpu.memory_space<vmem>> -> memref<80xi32, #tpu.memory_space<vmem>>
      %dma_wait3A_211 = arith.constant 0 : i32
      %dma_wait3A_212 = arith.constant 0 : i32
      %dma_wait3A_213 = tpu.memref_slice %arg4[%dma_wait3A_211, %dma_wait3A_212] : memref<10000x128xf32, #tpu.memory_space<hbm>> -> memref<10000x128xf32, #tpu.memory_space<hbm>>
      tpu.wait_indirect_dma semaphore(%arg10 : memref<!tpu.dma_semaphore, #tpu.memory_space<semaphore_mem>>) src(%dma_wait3A_213 : memref<10000x128xf32, #tpu.memory_space<hbm>>) dst(%arg8 : memref<80x128xf32, #tpu.memory_space<vmem>>)
      "tpu.region"() ({
        %run_scoped3A_233 = tpu.sem_alloc : memref<!tpu.dma_semaphore, #tpu.memory_space<semaphore_mem>>
        %dma_start3A_234 = arith.constant 0 : i32
        %dma_start3A_235 = tpu.memref_slice %arg7[%add3A_207, %dma_start3A_234] : memref<25x80xi32, #tpu.memory_space<vmem>> -> memref<1x80xi32, #tpu.memory_space<vmem>>
        %dma_start3A_236 = tpu.memref_squeeze %dma_start3A_235 : memref<1x80xi32, #tpu.memory_space<vmem>> -> memref<80xi32, #tpu.memory_space<vmem>>
        %dma_start3A_237 = arith.constant 0 : i32
        %dma_start3A_238 = arith.constant 0 : i32
        %dma_start3A_239 = tpu.memref_slice %arg12[%dma_start3A_237, %dma_start3A_238] : memref<10240x128xf32, #tpu.memory_space<vmem_shared>> -> memref<10240x128xf32, #tpu.memory_space<vmem_shared>>
        tpu.enqueue_indirect_dma source(%arg8 : memref<80x128xf32, #tpu.memory_space<vmem>>) target(%dma_start3A_239 : memref<10240x128xf32, #tpu.memory_space<vmem_shared>>) offsets(%dma_start3A_236 : memref<80xi32, #tpu.memory_space<vmem>>) semaphore(%run_scoped3A_233 : memref<!tpu.dma_semaphore, #tpu.memory_space<semaphore_mem>>) {add = true}
        %dma_wait3A_240 = arith.constant 0 : i32
        %dma_wait3A_241 = tpu.memref_slice %arg7[%add3A_207, %dma_wait3A_240] : memref<25x80xi32, #tpu.memory_space<vmem>> -> memref<1x80xi32, #tpu.memory_space<vmem>>
        %dma_wait3A_242 = tpu.memref_squeeze %dma_wait3A_241 : memref<1x80xi32, #tpu.memory_space<vmem>> -> memref<80xi32, #tpu.memory_space<vmem>>
        %dma_wait3A_243 = arith.constant 0 : i32
        %dma_wait3A_244 = arith.constant 0 : i32
        %dma_wait3A_245 = tpu.memref_slice %arg12[%dma_wait3A_243, %dma_wait3A_244] : memref<10240x128xf32, #tpu.memory_space<vmem_shared>> -> memref<10240x128xf32, #tpu.memory_space<vmem_shared>>
        tpu.wait_indirect_dma semaphore(%run_scoped3A_233 : memref<!tpu.dma_semaphore, #tpu.memory_space<semaphore_mem>>) src(%arg8 : memref<80x128xf32, #tpu.memory_space<vmem>>) dst(%dma_wait3A_245 : memref<10240x128xf32, #tpu.memory_space<vmem_shared>>)
        tpu.yield
      }) : () -> ()
      %add3A_214 = arith.constant 2 : i32
      %add3A_215 = arith.addi %add3A_207, %add3A_214 : i32
      %lt3A = arith.constant 25 : i32
      %lt3A_216 = arith.cmpi slt, %add3A_215, %lt3A : i32
      %convert_element_type3A = arith.extui %lt3A_216 : i1 to i32
      %cond3A = arith.constant 0 : i32
      %cond3A_217 = arith.cmpi ne, %convert_element_type3A, %cond3A : i32
      scf.if %cond3A_217 {
        %add3A_233 = arith.constant 2 : i32
        %add3A_234 = arith.addi %add3A_207, %add3A_233 : i32
        %dma_start3A_235 = arith.constant 0 : i32
        %dma_start3A_236 = tpu.memref_slice %arg6[%add3A_234, %dma_start3A_235] : memref<25x80xi32, #tpu.memory_space<vmem>> -> memref<1x80xi32, #tpu.memory_space<vmem>>
        %dma_start3A_237 = tpu.memref_squeeze %dma_start3A_236 : memref<1x80xi32, #tpu.memory_space<vmem>> -> memref<80xi32, #tpu.memory_space<vmem>>
        %dma_start3A_238 = arith.constant 0 : i32
        %dma_start3A_239 = arith.constant 0 : i32
        %dma_start3A_240 = tpu.memref_slice %arg4[%dma_start3A_238, %dma_start3A_239] : memref<10000x128xf32, #tpu.memory_space<hbm>> -> memref<10000x128xf32, #tpu.memory_space<hbm>>
        tpu.enqueue_indirect_dma source(%dma_start3A_240 : memref<10000x128xf32, #tpu.memory_space<hbm>>) target(%arg8 : memref<80x128xf32, #tpu.memory_space<vmem>>) offsets(%dma_start3A_237 : memref<80xi32, #tpu.memory_space<vmem>>) semaphore(%arg10 : memref<!tpu.dma_semaphore, #tpu.memory_space<semaphore_mem>>)
      } else {
      }
      %add3A_218 = arith.constant 1 : i32
      %add3A_219 = arith.addi %mul3A_205, %add3A_218 : i32
      %dma_wait3A_220 = arith.constant 0 : i32
      %dma_wait3A_221 = tpu.memref_slice %arg6[%add3A_219, %dma_wait3A_220] : memref<25x80xi32, #tpu.memory_space<vmem>> -> memref<1x80xi32, #tpu.memory_space<vmem>>
      %dma_wait3A_222 = tpu.memref_squeeze %dma_wait3A_221 : memref<1x80xi32, #tpu.memory_space<vmem>> -> memref<80xi32, #tpu.memory_space<vmem>>
      %dma_wait3A_223 = arith.constant 0 : i32
      %dma_wait3A_224 = arith.constant 0 : i32
      %dma_wait3A_225 = tpu.memref_slice %arg4[%dma_wait3A_223, %dma_wait3A_224] : memref<10000x128xf32, #tpu.memory_space<hbm>> -> memref<10000x128xf32, #tpu.memory_space<hbm>>
      tpu.wait_indirect_dma semaphore(%arg11 : memref<!tpu.dma_semaphore, #tpu.memory_space<semaphore_mem>>) src(%dma_wait3A_225 : memref<10000x128xf32, #tpu.memory_space<hbm>>) dst(%arg9 : memref<80x128xf32, #tpu.memory_space<vmem>>)
      "tpu.region"() ({
        %run_scoped3A_233 = tpu.sem_alloc : memref<!tpu.dma_semaphore, #tpu.memory_space<semaphore_mem>>
        %dma_start3A_234 = arith.constant 0 : i32
        %dma_start3A_235 = tpu.memref_slice %arg7[%add3A_219, %dma_start3A_234] : memref<25x80xi32, #tpu.memory_space<vmem>> -> memref<1x80xi32, #tpu.memory_space<vmem>>
        %dma_start3A_236 = tpu.memref_squeeze %dma_start3A_235 : memref<1x80xi32, #tpu.memory_space<vmem>> -> memref<80xi32, #tpu.memory_space<vmem>>
        %dma_start3A_237 = arith.constant 0 : i32
        %dma_start3A_238 = arith.constant 0 : i32
        %dma_start3A_239 = tpu.memref_slice %arg12[%dma_start3A_237, %dma_start3A_238] : memref<10240x128xf32, #tpu.memory_space<vmem_shared>> -> memref<10240x128xf32, #tpu.memory_space<vmem_shared>>
        tpu.enqueue_indirect_dma source(%arg9 : memref<80x128xf32, #tpu.memory_space<vmem>>) target(%dma_start3A_239 : memref<10240x128xf32, #tpu.memory_space<vmem_shared>>) offsets(%dma_start3A_236 : memref<80xi32, #tpu.memory_space<vmem>>) semaphore(%run_scoped3A_233 : memref<!tpu.dma_semaphore, #tpu.memory_space<semaphore_mem>>) {add = true}
        %dma_wait3A_240 = arith.constant 0 : i32
        %dma_wait3A_241 = tpu.memref_slice %arg7[%add3A_219, %dma_wait3A_240] : memref<25x80xi32, #tpu.memory_space<vmem>> -> memref<1x80xi32, #tpu.memory_space<vmem>>
        %dma_wait3A_242 = tpu.memref_squeeze %dma_wait3A_241 : memref<1x80xi32, #tpu.memory_space<vmem>> -> memref<80xi32, #tpu.memory_space<vmem>>
        %dma_wait3A_243 = arith.constant 0 : i32
        %dma_wait3A_244 = arith.constant 0 : i32
        %dma_wait3A_245 = tpu.memref_slice %arg12[%dma_wait3A_243, %dma_wait3A_244] : memref<10240x128xf32, #tpu.memory_space<vmem_shared>> -> memref<10240x128xf32, #tpu.memory_space<vmem_shared>>
        tpu.wait_indirect_dma semaphore(%run_scoped3A_233 : memref<!tpu.dma_semaphore, #tpu.memory_space<semaphore_mem>>) src(%arg9 : memref<80x128xf32, #tpu.memory_space<vmem>>) dst(%dma_wait3A_245 : memref<10240x128xf32, #tpu.memory_space<vmem_shared>>)
        tpu.yield
      }) : () -> ()
      %add3A_226 = arith.constant 2 : i32
      %add3A_227 = arith.addi %add3A_219, %add3A_226 : i32
      %lt3A_228 = arith.constant 25 : i32
      %lt3A_229 = arith.cmpi slt, %add3A_227, %lt3A_228 : i32
      %convert_element_type3A_230 = arith.extui %lt3A_229 : i1 to i32
      %cond3A_231 = arith.constant 0 : i32
      %cond3A_232 = arith.cmpi ne, %convert_element_type3A_230, %cond3A_231 : i32
      scf.if %cond3A_232 {
        %add3A_233 = arith.constant 2 : i32
        %add3A_234 = arith.addi %add3A_219, %add3A_233 : i32
        %dma_start3A_235 = arith.constant 0 : i32
        %dma_start3A_236 = tpu.memref_slice %arg6[%add3A_234, %dma_start3A_235] : memref<25x80xi32, #tpu.memory_space<vmem>> -> memref<1x80xi32, #tpu.memory_space<vmem>>
        %dma_start3A_237 = tpu.memref_squeeze %dma_start3A_236 : memref<1x80xi32, #tpu.memory_space<vmem>> -> memref<80xi32, #tpu.memory_space<vmem>>
        %dma_start3A_238 = arith.constant 0 : i32
        %dma_start3A_239 = arith.constant 0 : i32
        %dma_start3A_240 = tpu.memref_slice %arg4[%dma_start3A_238, %dma_start3A_239] : memref<10000x128xf32, #tpu.memory_space<hbm>> -> memref<10000x128xf32, #tpu.memory_space<hbm>>
        tpu.enqueue_indirect_dma source(%dma_start3A_240 : memref<10000x128xf32, #tpu.memory_space<hbm>>) target(%arg9 : memref<80x128xf32, #tpu.memory_space<vmem>>) offsets(%dma_start3A_237 : memref<80xi32, #tpu.memory_space<vmem>>) semaphore(%arg11 : memref<!tpu.dma_semaphore, #tpu.memory_space<semaphore_mem>>)
      } else {
      }
    }
    %scan3A_173 = arith.constant 12 : i32
    %dma_wait3A_174 = arith.constant 24 : i32
    %dma_wait3A_175 = arith.constant 0 : i32
    %dma_wait3A_176 = tpu.memref_slice %arg6[%dma_wait3A_174, %dma_wait3A_175] : memref<25x80xi32, #tpu.memory_space<vmem>> -> memref<1x80xi32, #tpu.memory_space<vmem>>
    %dma_wait3A_177 = tpu.memref_squeeze %dma_wait3A_176 : memref<1x80xi32, #tpu.memory_space<vmem>> -> memref<80xi32, #tpu.memory_space<vmem>>
    %dma_wait3A_178 = arith.constant 0 : i32
    %dma_wait3A_179 = arith.constant 0 : i32
    %dma_wait3A_180 = tpu.memref_slice %arg4[%dma_wait3A_178, %dma_wait3A_179] : memref<10000x128xf32, #tpu.memory_space<hbm>> -> memref<10000x128xf32, #tpu.memory_space<hbm>>
    tpu.wait_indirect_dma semaphore(%arg10 : memref<!tpu.dma_semaphore, #tpu.memory_space<semaphore_mem>>) src(%dma_wait3A_180 : memref<10000x128xf32, #tpu.memory_space<hbm>>) dst(%arg8 : memref<80x128xf32, #tpu.memory_space<vmem>>)
    %run_scoped3A_181 = arith.constant 24 : i32
    "tpu.region"() ({
      %run_scoped3A_203 = tpu.sem_alloc : memref<!tpu.dma_semaphore, #tpu.memory_space<semaphore_mem>>
      %dma_start3A_204 = arith.constant 0 : i32
      %dma_start3A_205 = tpu.memref_slice %arg7[%run_scoped3A_181, %dma_start3A_204] : memref<25x80xi32, #tpu.memory_space<vmem>> -> memref<1x80xi32, #tpu.memory_space<vmem>>
      %dma_start3A_206 = tpu.memref_squeeze %dma_start3A_205 : memref<1x80xi32, #tpu.memory_space<vmem>> -> memref<80xi32, #tpu.memory_space<vmem>>
      %dma_start3A_207 = arith.constant 0 : i32
      %dma_start3A_208 = arith.constant 0 : i32
      %dma_start3A_209 = tpu.memref_slice %arg12[%dma_start3A_207, %dma_start3A_208] : memref<10240x128xf32, #tpu.memory_space<vmem_shared>> -> memref<10240x128xf32, #tpu.memory_space<vmem_shared>>
      tpu.enqueue_indirect_dma source(%arg8 : memref<80x128xf32, #tpu.memory_space<vmem>>) target(%dma_start3A_209 : memref<10240x128xf32, #tpu.memory_space<vmem_shared>>) offsets(%dma_start3A_206 : memref<80xi32, #tpu.memory_space<vmem>>) semaphore(%run_scoped3A_203 : memref<!tpu.dma_semaphore, #tpu.memory_space<semaphore_mem>>) {add = true}
      %dma_wait3A_210 = arith.constant 0 : i32
      %dma_wait3A_211 = tpu.memref_slice %arg7[%run_scoped3A_181, %dma_wait3A_210] : memref<25x80xi32, #tpu.memory_space<vmem>> -> memref<1x80xi32, #tpu.memory_space<vmem>>
      %dma_wait3A_212 = tpu.memref_squeeze %dma_wait3A_211 : memref<1x80xi32, #tpu.memory_space<vmem>> -> memref<80xi32, #tpu.memory_space<vmem>>
      %dma_wait3A_213 = arith.constant 0 : i32
      %dma_wait3A_214 = arith.constant 0 : i32
      %dma_wait3A_215 = tpu.memref_slice %arg12[%dma_wait3A_213, %dma_wait3A_214] : memref<10240x128xf32, #tpu.memory_space<vmem_shared>> -> memref<10240x128xf32, #tpu.memory_space<vmem_shared>>
      tpu.wait_indirect_dma semaphore(%run_scoped3A_203 : memref<!tpu.dma_semaphore, #tpu.memory_space<semaphore_mem>>) src(%arg8 : memref<80x128xf32, #tpu.memory_space<vmem>>) dst(%dma_wait3A_215 : memref<10240x128xf32, #tpu.memory_space<vmem_shared>>)
      tpu.yield
    }) : () -> ()
    %barrier3A_182 = arith.constant 0 : index
    tpu.barrier barrier_id(%barrier3A_182)
    %mul3A_183 = arith.constant 640 : i32
    %mul3A_184 = arith.muli %arg1, %mul3A_183 : i32
    %add3A_185 = arith.constant 0 : i32
    %add3A_186 = arith.addi %mul3A_184, %add3A_185 : i32
    "tpu.region"() ({
      %run_scoped3A_203 = tpu.sem_alloc : memref<!tpu.dma_semaphore, #tpu.memory_space<semaphore_mem>>
      %dma_start3A_204 = arith.constant 0 : i32
      %dma_start3A_205 = tpu.memref_slice %arg5[%arg0, %add3A_186, %dma_start3A_204] : memref<2x10240x128xf32, #tpu.memory_space<hbm>> -> memref<1x128x128xf32, #tpu.memory_space<hbm>>
      %dma_start3A_206 = tpu.memref_squeeze %dma_start3A_205 : memref<1x128x128xf32, #tpu.memory_space<hbm>> -> memref<128x128xf32, #tpu.memory_space<hbm>>
      %dma_start3A_207 = arith.constant 0 : i32
      %dma_start3A_208 = tpu.memref_slice %arg12[%add3A_186, %dma_start3A_207] : memref<10240x128xf32, #tpu.memory_space<vmem_shared>> -> memref<128x128xf32, #tpu.memory_space<vmem_shared>>
      tpu.enqueue_dma source(%dma_start3A_208 : memref<128x128xf32, #tpu.memory_space<vmem_shared>>) target(%dma_start3A_206 : memref<128x128xf32, #tpu.memory_space<hbm>>) target_semaphore(%run_scoped3A_203 : memref<!tpu.dma_semaphore, #tpu.memory_space<semaphore_mem>>)
      %dma_wait3A_209 = arith.constant 0 : i32
      %dma_wait3A_210 = tpu.memref_slice %arg5[%arg0, %add3A_186, %dma_wait3A_209] : memref<2x10240x128xf32, #tpu.memory_space<hbm>> -> memref<1x128x128xf32, #tpu.memory_space<hbm>>
      %dma_wait3A_211 = tpu.memref_squeeze %dma_wait3A_210 : memref<1x128x128xf32, #tpu.memory_space<hbm>> -> memref<128x128xf32, #tpu.memory_space<hbm>>
      %dma_wait3A_212 = arith.constant 0 : i32
      %dma_wait3A_213 = tpu.memref_slice %arg12[%add3A_186, %dma_wait3A_212] : memref<10240x128xf32, #tpu.memory_space<vmem_shared>> -> memref<128x128xf32, #tpu.memory_space<vmem_shared>>
      tpu.wait_dma2 semaphore(%run_scoped3A_203 : memref<!tpu.dma_semaphore, #tpu.memory_space<semaphore_mem>>) src(%dma_wait3A_213 : memref<128x128xf32, #tpu.memory_space<vmem_shared>>) dst(%dma_wait3A_211 : memref<128x128xf32, #tpu.memory_space<hbm>>)
      tpu.yield
    }) : () -> ()
    %mul3A_187 = arith.constant 640 : i32
    %mul3A_188 = arith.muli %arg1, %mul3A_187 : i32
    %add3A_189 = arith.constant 128 : i32
    %add3A_190 = arith.addi %mul3A_188, %add3A_189 : i32
    "tpu.region"() ({
      %run_scoped3A_203 = tpu.sem_alloc : memref<!tpu.dma_semaphore, #tpu.memory_space<semaphore_mem>>
      %dma_start3A_204 = arith.constant 0 : i32
      %dma_start3A_205 = tpu.memref_slice %arg5[%arg0, %add3A_190, %dma_start3A_204] : memref<2x10240x128xf32, #tpu.memory_space<hbm>> -> memref<1x128x128xf32, #tpu.memory_space<hbm>>
      %dma_start3A_206 = tpu.memref_squeeze %dma_start3A_205 : memref<1x128x128xf32, #tpu.memory_space<hbm>> -> memref<128x128xf32, #tpu.memory_space<hbm>>
      %dma_start3A_207 = arith.constant 0 : i32
      %dma_start3A_208 = tpu.memref_slice %arg12[%add3A_190, %dma_start3A_207] : memref<10240x128xf32, #tpu.memory_space<vmem_shared>> -> memref<128x128xf32, #tpu.memory_space<vmem_shared>>
      tpu.enqueue_dma source(%dma_start3A_208 : memref<128x128xf32, #tpu.memory_space<vmem_shared>>) target(%dma_start3A_206 : memref<128x128xf32, #tpu.memory_space<hbm>>) target_semaphore(%run_scoped3A_203 : memref<!tpu.dma_semaphore, #tpu.memory_space<semaphore_mem>>)
      %dma_wait3A_209 = arith.constant 0 : i32
      %dma_wait3A_210 = tpu.memref_slice %arg5[%arg0, %add3A_190, %dma_wait3A_209] : memref<2x10240x128xf32, #tpu.memory_space<hbm>> -> memref<1x128x128xf32, #tpu.memory_space<hbm>>
      %dma_wait3A_211 = tpu.memref_squeeze %dma_wait3A_210 : memref<1x128x128xf32, #tpu.memory_space<hbm>> -> memref<128x128xf32, #tpu.memory_space<hbm>>
      %dma_wait3A_212 = arith.constant 0 : i32
      %dma_wait3A_213 = tpu.memref_slice %arg12[%add3A_190, %dma_wait3A_212] : memref<10240x128xf32, #tpu.memory_space<vmem_shared>> -> memref<128x128xf32, #tpu.memory_space<vmem_shared>>
      tpu.wait_dma2 semaphore(%run_scoped3A_203 : memref<!tpu.dma_semaphore, #tpu.memory_space<semaphore_mem>>) src(%dma_wait3A_213 : memref<128x128xf32, #tpu.memory_space<vmem_shared>>) dst(%dma_wait3A_211 : memref<128x128xf32, #tpu.memory_space<hbm>>)
      tpu.yield
    }) : () -> ()
    %mul3A_191 = arith.constant 640 : i32
    %mul3A_192 = arith.muli %arg1, %mul3A_191 : i32
    %add3A_193 = arith.constant 256 : i32
    %add3A_194 = arith.addi %mul3A_192, %add3A_193 : i32
    "tpu.region"() ({
      %run_scoped3A_203 = tpu.sem_alloc : memref<!tpu.dma_semaphore, #tpu.memory_space<semaphore_mem>>
      %dma_start3A_204 = arith.constant 0 : i32
      %dma_start3A_205 = tpu.memref_slice %arg5[%arg0, %add3A_194, %dma_start3A_204] : memref<2x10240x128xf32, #tpu.memory_space<hbm>> -> memref<1x128x128xf32, #tpu.memory_space<hbm>>
      %dma_start3A_206 = tpu.memref_squeeze %dma_start3A_205 : memref<1x128x128xf32, #tpu.memory_space<hbm>> -> memref<128x128xf32, #tpu.memory_space<hbm>>
      %dma_start3A_207 = arith.constant 0 : i32
      %dma_start3A_208 = tpu.memref_slice %arg12[%add3A_194, %dma_start3A_207] : memref<10240x128xf32, #tpu.memory_space<vmem_shared>> -> memref<128x128xf32, #tpu.memory_space<vmem_shared>>
      tpu.enqueue_dma source(%dma_start3A_208 : memref<128x128xf32, #tpu.memory_space<vmem_shared>>) target(%dma_start3A_206 : memref<128x128xf32, #tpu.memory_space<hbm>>) target_semaphore(%run_scoped3A_203 : memref<!tpu.dma_semaphore, #tpu.memory_space<semaphore_mem>>)
      %dma_wait3A_209 = arith.constant 0 : i32
      %dma_wait3A_210 = tpu.memref_slice %arg5[%arg0, %add3A_194, %dma_wait3A_209] : memref<2x10240x128xf32, #tpu.memory_space<hbm>> -> memref<1x128x128xf32, #tpu.memory_space<hbm>>
      %dma_wait3A_211 = tpu.memref_squeeze %dma_wait3A_210 : memref<1x128x128xf32, #tpu.memory_space<hbm>> -> memref<128x128xf32, #tpu.memory_space<hbm>>
      %dma_wait3A_212 = arith.constant 0 : i32
      %dma_wait3A_213 = tpu.memref_slice %arg12[%add3A_194, %dma_wait3A_212] : memref<10240x128xf32, #tpu.memory_space<vmem_shared>> -> memref<128x128xf32, #tpu.memory_space<vmem_shared>>
      tpu.wait_dma2 semaphore(%run_scoped3A_203 : memref<!tpu.dma_semaphore, #tpu.memory_space<semaphore_mem>>) src(%dma_wait3A_213 : memref<128x128xf32, #tpu.memory_space<vmem_shared>>) dst(%dma_wait3A_211 : memref<128x128xf32, #tpu.memory_space<hbm>>)
      tpu.yield
    }) : () -> ()
    %mul3A_195 = arith.constant 640 : i32
    %mul3A_196 = arith.muli %arg1, %mul3A_195 : i32
    %add3A_197 = arith.constant 384 : i32
    %add3A_198 = arith.addi %mul3A_196, %add3A_197 : i32
    "tpu.region"() ({
      %run_scoped3A_203 = tpu.sem_alloc : memref<!tpu.dma_semaphore, #tpu.memory_space<semaphore_mem>>
      %dma_start3A_204 = arith.constant 0 : i32
      %dma_start3A_205 = tpu.memref_slice %arg5[%arg0, %add3A_198, %dma_start3A_204] : memref<2x10240x128xf32, #tpu.memory_space<hbm>> -> memref<1x128x128xf32, #tpu.memory_space<hbm>>
      %dma_start3A_206 = tpu.memref_squeeze %dma_start3A_205 : memref<1x128x128xf32, #tpu.memory_space<hbm>> -> memref<128x128xf32, #tpu.memory_space<hbm>>
      %dma_start3A_207 = arith.constant 0 : i32
      %dma_start3A_208 = tpu.memref_slice %arg12[%add3A_198, %dma_start3A_207] : memref<10240x128xf32, #tpu.memory_space<vmem_shared>> -> memref<128x128xf32, #tpu.memory_space<vmem_shared>>
      tpu.enqueue_dma source(%dma_start3A_208 : memref<128x128xf32, #tpu.memory_space<vmem_shared>>) target(%dma_start3A_206 : memref<128x128xf32, #tpu.memory_space<hbm>>) target_semaphore(%run_scoped3A_203 : memref<!tpu.dma_semaphore, #tpu.memory_space<semaphore_mem>>)
      %dma_wait3A_209 = arith.constant 0 : i32
      %dma_wait3A_210 = tpu.memref_slice %arg5[%arg0, %add3A_198, %dma_wait3A_209] : memref<2x10240x128xf32, #tpu.memory_space<hbm>> -> memref<1x128x128xf32, #tpu.memory_space<hbm>>
      %dma_wait3A_211 = tpu.memref_squeeze %dma_wait3A_210 : memref<1x128x128xf32, #tpu.memory_space<hbm>> -> memref<128x128xf32, #tpu.memory_space<hbm>>
      %dma_wait3A_212 = arith.constant 0 : i32
      %dma_wait3A_213 = tpu.memref_slice %arg12[%add3A_198, %dma_wait3A_212] : memref<10240x128xf32, #tpu.memory_space<vmem_shared>> -> memref<128x128xf32, #tpu.memory_space<vmem_shared>>
      tpu.wait_dma2 semaphore(%run_scoped3A_203 : memref<!tpu.dma_semaphore, #tpu.memory_space<semaphore_mem>>) src(%dma_wait3A_213 : memref<128x128xf32, #tpu.memory_space<vmem_shared>>) dst(%dma_wait3A_211 : memref<128x128xf32, #tpu.memory_space<hbm>>)
      tpu.yield
    }) : () -> ()
    %mul3A_199 = arith.constant 640 : i32
    %mul3A_200 = arith.muli %arg1, %mul3A_199 : i32
    %add3A_201 = arith.constant 512 : i32
    %add3A_202 = arith.addi %mul3A_200, %add3A_201 : i32
    "tpu.region"() ({
      %run_scoped3A_203 = tpu.sem_alloc : memref<!tpu.dma_semaphore, #tpu.memory_space<semaphore_mem>>
      %dma_start3A_204 = arith.constant 0 : i32
      %dma_start3A_205 = tpu.memref_slice %arg5[%arg0, %add3A_202, %dma_start3A_204] : memref<2x10240x128xf32, #tpu.memory_space<hbm>> -> memref<1x128x128xf32, #tpu.memory_space<hbm>>
      %dma_start3A_206 = tpu.memref_squeeze %dma_start3A_205 : memref<1x128x128xf32, #tpu.memory_space<hbm>> -> memref<128x128xf32, #tpu.memory_space<hbm>>
      %dma_start3A_207 = arith.constant 0 : i32
      %dma_start3A_208 = tpu.memref_slice %arg12[%add3A_202, %dma_start3A_207] : memref<10240x128xf32, #tpu.memory_space<vmem_shared>> -> memref<128x128xf32, #tpu.memory_space<vmem_shared>>
      tpu.enqueue_dma source(%dma_start3A_208 : memref<128x128xf32, #tpu.memory_space<vmem_shared>>) target(%dma_start3A_206 : memref<128x128xf32, #tpu.memory_space<hbm>>) target_semaphore(%run_scoped3A_203 : memref<!tpu.dma_semaphore, #tpu.memory_space<semaphore_mem>>)
      %dma_wait3A_209 = arith.constant 0 : i32
      %dma_wait3A_210 = tpu.memref_slice %arg5[%arg0, %add3A_202, %dma_wait3A_209] : memref<2x10240x128xf32, #tpu.memory_space<hbm>> -> memref<1x128x128xf32, #tpu.memory_space<hbm>>
      %dma_wait3A_211 = tpu.memref_squeeze %dma_wait3A_210 : memref<1x128x128xf32, #tpu.memory_space<hbm>> -> memref<128x128xf32, #tpu.memory_space<hbm>>
      %dma_wait3A_212 = arith.constant 0 : i32
      %dma_wait3A_213 = tpu.memref_slice %arg12[%add3A_202, %dma_wait3A_212] : memref<10240x128xf32, #tpu.memory_space<vmem_shared>> -> memref<128x128xf32, #tpu.memory_space<vmem_shared>>
      tpu.wait_dma2 semaphore(%run_scoped3A_203 : memref<!tpu.dma_semaphore, #tpu.memory_space<semaphore_mem>>) src(%dma_wait3A_213 : memref<128x128xf32, #tpu.memory_space<vmem_shared>>) dst(%dma_wait3A_211 : memref<128x128xf32, #tpu.memory_space<hbm>>)
      tpu.yield
    }) : () -> ()
    return
  }
}

module attributes {stable_mosaic.version = 14 : i64} {
  func.func @_mmscale_body(%arg0: i32, %arg1: memref<1000x2xf32, #tpu.memory_space<vmem>>, %arg2: memref<1000x128xf32, #tpu.memory_space<vmem>>, %arg3: memref<128x128xf32, #tpu.memory_space<vmem>>, %arg4: memref<1000x128xf32, #tpu.memory_space<vmem>>, %arg5: memref<1000x1xf32, #tpu.memory_space<vmem>>) attributes {dimension_semantics = [#tpu.dimension_semantics<arbitrary>], iteration_bounds = array<i64: 10>, scalar_prefetch = 0 : i64, scratch_operands = 0 : i64, tpu.core_type = #tpu.core_type<tc>, window_params = [{transform_indices = @transform_0, window_bounds = array<i64: 1000, 2>}, {transform_indices = @transform_1, window_bounds = array<i64: 1000, 128>}, {pipeline_mode = #tpu.pipeline_mode<synchronous>, transform_indices = @transform_2, window_bounds = array<i64: 128, 128>}, {transform_indices = @transform_3, window_bounds = array<i64: 1000, 128>}, {transform_indices = @transform_4, window_bounds = array<i64: 1000, 1>}]} {
    %get3A = arith.constant 0 : index
    %get3A_0 = arith.constant 0 : index
    %get3A_1 = vector.load %arg1[%get3A, %get3A_0] : memref<1000x2xf32, #tpu.memory_space<vmem>>, vector<1000x1xf32>
    %get3A_2 = arith.constant 0 : index
    %get3A_3 = arith.constant 1 : index
    %get3A_4 = vector.load %arg1[%get3A_2, %get3A_3] : memref<1000x2xf32, #tpu.memory_space<vmem>>, vector<1000x1xf32>
    %add3A = arith.addf %get3A_1, %get3A_4 : vector<1000x1xf32>
    %add3A_5 = arith.constant 1.000000e+00 : f32
    %add3A_6 = vector.broadcast %add3A_5 : f32 to vector<1000x1xf32>
    %add3A_7 = arith.addf %add3A, %add3A_6 : vector<1000x1xf32>
    %rsqrt3A = math.rsqrt %add3A_7 : vector<1000x1xf32>
    %swap3A = arith.constant 0 : index
    %swap3A_8 = arith.constant 0 : index
    %swap3A_9 = vector.load %arg5[%swap3A, %swap3A_8] : memref<1000x1xf32, #tpu.memory_space<vmem>>, vector<1000x1xf32>
    tpu.vector_store %arg5[%swap3A, %swap3A_8], %rsqrt3A {strides = array<i32>} : memref<1000x1xf32, #tpu.memory_space<vmem>>, vector<1000x1xf32>,
    %get3A_10 = arith.constant 0 : index
    %get3A_11 = arith.constant 0 : index
    %get3A_12 = vector.load %arg2[%get3A_10, %get3A_11] : memref<1000x128xf32, #tpu.memory_space<vmem>>, vector<1000x128xf32>
    %get3A_13 = arith.constant 0 : index
    %get3A_14 = arith.constant 0 : index
    %get3A_15 = vector.load %arg3[%get3A_13, %get3A_14] : memref<128x128xf32, #tpu.memory_space<vmem>>, vector<128x128xf32>
    %dot_general3A = arith.constant dense<0.000000e+00> : vector<1000x128xf32>
    %dot_general3A_16 = tpu.matmul %get3A_12, %get3A_15, %dot_general3A {dimension_numbers = #tpu.dot_dimension_numbers<[1], [1], [0], [0], [0, 0, 1, 0], [], []>, transpose_lhs_hint = false} : vector<1000x128xf32>, vector<128x128xf32>, vector<1000x128xf32> -> vector<1000x128xf32>
    %mul3A = vector.broadcast %rsqrt3A : vector<1000x1xf32> to vector<1000x128xf32>
    %mul3A_17 = arith.mulf %mul3A, %dot_general3A_16 : vector<1000x128xf32>
    %swap3A_18 = arith.constant 0 : index
    %swap3A_19 = arith.constant 0 : index
    %swap3A_20 = vector.load %arg4[%swap3A_18, %swap3A_19] : memref<1000x128xf32, #tpu.memory_space<vmem>>, vector<1000x128xf32>
    tpu.vector_store %arg4[%swap3A_18, %swap3A_19], %mul3A_17 {strides = array<i32>} : memref<1000x128xf32, #tpu.memory_space<vmem>>, vector<1000x128xf32>,
    return
  }
  func.func @transform_0(%arg0: i32) -> (i32, i32) {
    %c0_i32 = arith.constant 0 : i32
    %c0_i32_0 = arith.constant 0 : i32
    return %arg0, %c0_i32 : i32, i32
  }
  func.func @transform_1(%arg0: i32) -> (i32, i32) {
    %c0_i32 = arith.constant 0 : i32
    %c0_i32_0 = arith.constant 0 : i32
    return %arg0, %c0_i32 : i32, i32
  }
  func.func @transform_2(%arg0: i32) -> (i32, i32) {
    %c0_i32 = arith.constant 0 : i32
    %c0_i32_0 = arith.constant 0 : i32
    %c0_i32_1 = arith.constant 0 : i32
    return %c0_i32, %c0_i32_0 : i32, i32
  }
  func.func @transform_3(%arg0: i32) -> (i32, i32) {
    %c0_i32 = arith.constant 0 : i32
    %c0_i32_0 = arith.constant 0 : i32
    return %arg0, %c0_i32 : i32, i32
  }
  func.func @transform_4(%arg0: i32) -> (i32, i32) {
    %c0_i32 = arith.constant 0 : i32
    %c0_i32_0 = arith.constant 0 : i32
    return %arg0, %c0_i32 : i32, i32
  }
}

module attributes {stable_mosaic.version = 14 : i64} {
  func.func @_final_body(%arg0: i32, %arg1: memref<2x1000x128xf32, #tpu.memory_space<vmem>>, %arg2: memref<1000x128xf32, #tpu.memory_space<vmem>>, %arg3: memref<1000x1xf32, #tpu.memory_space<vmem>>, %arg4: memref<1x128xf32, #tpu.memory_space<vmem>>, %arg5: memref<1000x128xf32, #tpu.memory_space<vmem>>) attributes {dimension_semantics = [#tpu.dimension_semantics<arbitrary>], iteration_bounds = array<i64: 10>, scalar_prefetch = 0 : i64, scratch_operands = 0 : i64, tpu.core_type = #tpu.core_type<tc>, window_params = [{transform_indices = @transform_0, window_bounds = array<i64: 2, 1000, 128>}, {transform_indices = @transform_1, window_bounds = array<i64: 1000, 128>}, {transform_indices = @transform_2, window_bounds = array<i64: 1000, 1>}, {pipeline_mode = #tpu.pipeline_mode<synchronous>, transform_indices = @transform_3, window_bounds = array<i64: 1, 128>}, {transform_indices = @transform_4, window_bounds = array<i64: 1000, 128>}]} {
    %get3A = arith.constant 0 : index
    %get3A_0 = arith.constant 0 : index
    %get3A_1 = vector.load %arg3[%get3A, %get3A_0] : memref<1000x1xf32, #tpu.memory_space<vmem>>, vector<1000x1xf32>
    %get3A_2 = arith.constant 0 : index
    %get3A_3 = arith.constant 0 : index
    %get3A_4 = arith.constant 0 : index
    %get3A_5 = vector.load %arg1[%get3A_2, %get3A_3, %get3A_4] : memref<2x1000x128xf32, #tpu.memory_space<vmem>>, vector<1x1000x128xf32>
    %get3A_6 = vector.shape_cast %get3A_5 : vector<1x1000x128xf32> to vector<1000x128xf32>
    %get3A_7 = arith.constant 1 : index
    %get3A_8 = arith.constant 0 : index
    %get3A_9 = arith.constant 0 : index
    %get3A_10 = vector.load %arg1[%get3A_7, %get3A_8, %get3A_9] : memref<2x1000x128xf32, #tpu.memory_space<vmem>>, vector<1x1000x128xf32>
    %get3A_11 = vector.shape_cast %get3A_10 : vector<1x1000x128xf32> to vector<1000x128xf32>
    %add3A = arith.addf %get3A_6, %get3A_11 : vector<1000x128xf32>
    %get3A_12 = arith.constant 0 : index
    %get3A_13 = arith.constant 0 : index
    %get3A_14 = vector.load %arg2[%get3A_12, %get3A_13] : memref<1000x128xf32, #tpu.memory_space<vmem>>, vector<1000x128xf32>
    %add3A_15 = arith.addf %add3A, %get3A_14 : vector<1000x128xf32>
    %mul3A = vector.broadcast %get3A_1 : vector<1000x1xf32> to vector<1000x128xf32>
    %mul3A_16 = arith.mulf %mul3A, %add3A_15 : vector<1000x128xf32>
    %get3A_17 = arith.constant 0 : index
    %get3A_18 = arith.constant 0 : index
    %get3A_19 = vector.load %arg4[%get3A_17, %get3A_18] : memref<1x128xf32, #tpu.memory_space<vmem>>, vector<1x128xf32>
    %add3A_20 = vector.broadcast %get3A_19 : vector<1x128xf32> to vector<1000x128xf32>
    %add3A_21 = arith.addf %mul3A_16, %add3A_20 : vector<1000x128xf32>
    %swap3A = arith.constant 0 : index
    %swap3A_22 = arith.constant 0 : index
    %swap3A_23 = vector.load %arg5[%swap3A, %swap3A_22] : memref<1000x128xf32, #tpu.memory_space<vmem>>, vector<1000x128xf32>
    tpu.vector_store %arg5[%swap3A, %swap3A_22], %add3A_21 {strides = array<i32>} : memref<1000x128xf32, #tpu.memory_space<vmem>>, vector<1000x128xf32>,
    return
  }
  func.func @transform_0(%arg0: i32) -> (i32, i32, i32) {
    %c0_i32 = arith.constant 0 : i32
    %c0_i32_0 = arith.constant 0 : i32
    %c0_i32_1 = arith.constant 0 : i32
    return %c0_i32, %arg0, %c0_i32_0 : i32, i32, i32
  }
  func.func @transform_1(%arg0: i32) -> (i32, i32) {
    %c0_i32 = arith.constant 0 : i32
    %c0_i32_0 = arith.constant 0 : i32
    return %arg0, %c0_i32 : i32, i32
  }
  func.func @transform_2(%arg0: i32) -> (i32, i32) {
    %c0_i32 = arith.constant 0 : i32
    %c0_i32_0 = arith.constant 0 : i32
    return %arg0, %c0_i32 : i32, i32
  }
  func.func @transform_3(%arg0: i32) -> (i32, i32) {
    %c0_i32 = arith.constant 0 : i32
    %c0_i32_0 = arith.constant 0 : i32
    %c0_i32_1 = arith.constant 0 : i32
    return %c0_i32, %c0_i32_0 : i32, i32
  }
  func.func @transform_4(%arg0: i32) -> (i32, i32) {
    %c0_i32 = arith.constant 0 : i32
    %c0_i32_0 = arith.constant 0 : i32
    return %arg0, %c0_i32 : i32, i32
  }
}

</mosaic_0001>

<sc_bundles>
// kernel: kernel.6.cloned.1.call-start
scs
__scs_entry_jumppad:
0x0: {  	(pc) =	sbr.rel $0x88, $3  }
0x1: {  	(tag) =	ssettag $0x0;
	lr =	simm.s32 $0x1  }
0x2: {  	[smem:$0x3F9D] =	sst lr;
	_ =	strace $0xD0000000  }
0x3: {  	_ = 	snop  }
0x4: {  	_ = 	snop  }
0x5: {  	_ = 	snop  }
0x6: {  	_ = 	snop  }
0x7: {  	_ = 	snop  }
__scs_overlays_trampoline_lowered:
0x8: {  	[smem:$0x3FAC] =	sst s0  }
0x9: {  	[smem:$0x3FAD] =	sst s1  }
0xa: {  	[smem:$0x3FAE] =	sst s2  }
0xb: {  	[smem:$0x3FAF] =	sst s3  }
0xc: {  	[smem:$0x3FB0] =	sst s4  }
0xd: {  	[smem:$0x3FB1] =	sst s5  }
0xe: {  	[smem:$0x3FB2] =	sst s6  }
0xf: {  	[smem:$0x3FB3] =	sst s7  }
0x10: {  	[smem:$0x3FB4] =	sst s8  }
0x11: {  	[smem:$0x3FB5] =	sst s9;
	s0 =	simm.s32 @!p0 $0x0  }
0x12: {  	s1 =	sld [smem:$0x3F9B];
	s0 =	simm.s32 @p0 $0x1  }
0x13: {  	[smem:$0x3FB6] =	sst s0;
	s0 =	simm.s32 @!p1 $0x0  }
0x14: {  	s2 =	sld [smem:$0x3F9A];
	s0 =	simm.s32 @p1 $0x1  }
0x15: {  	[smem:$0x3FB7] =	sst s0;
	s0 =	simm.s32 @!p2 $0x0  }
0x16: {  	s3 =	sld [smem:$0x3FDB];
	s0 =	simm.s32 @p2 $0x1  }
0x17: {  	s4 =	simm.s32 $0x1BF5;
	[smem:$0x3FB9] =	sst s0  }
0x18: {  	s0 =	sld [smem:$0x3F9C];
	_ =	swait.ge [sflag:s4], $0x0  }
0x19: {  	s7 =	sld [smem:$0x3F9D]  }
0x1a: {  	s8 =	sadd.s32 $0xFFFFE003, lr  }
0x1b: {  	s9 =	sadd.s32 $0xFFFFFEF7, lr;
	s5 =	simm.s32 $0xFFFFFFFF;
	p2 =	slt.u32 s8, $0xFFFFF086  }
0x1c: {  	p1 =	slt.u32 s9, $0xF7A;
	s5 =	simm.s32 @!p2 $0x0  }
0x1d: {  	s5 =	simm.s32 @p1 $0x1;
	p0 =	seq.s32 s7, s2  }
0x1e: {  	s7 =	smul.u32 @!p0 $0xF7A, s2;
	p2 =	seq.s32 @!p0 s5, $0x0  }
0x1f: {  	s9 =	smul.u32 $0xF7A, s1;
	s8 =	simm.s32 @!p0 $0x1BF5;
	p2 =	por !p2, p0  }
0x20: {  	[sflag:s8] =	ssyncset.s32 @!p0 $0xFFFFF086;
	s6 =	sadd.s32 @!p0 s3, s7;
	s7 =	simm.s32 @!p0 $0x108  }
0x21: {  	s3 =	sadd.s32 s3, s9;
	s6 =	sadd.s32 @!p0 $0x88, s6;
	s7 =	simm.s32 @p2 $0x1082  }
0x22: {  	[simem:s7], [sflag:s8] =	dma.local @!p0 [hbm:s6], $0xF7A  }
0x23: {  	s9 =	sor.u32 $0xD0000000, s2;
	s6 =	simm.s32 $0x108;
	_ =	swait.ge @!p0 [sflag:s8], $0x0  }
0x24: {  	s3 =	sadd.s32 $0x88, s3;
	s6 =	simm.s32 @!p1 $0x1082;
	[sflag:s4] =	ssyncset.s32 $0xFFFFF086  }
0x25: {  	[simem:s6], [sflag:s4] =	dma.local [hbm:s3], $0xF7A  }
0x26: {  	[smem:$0x3F9D] =	sst s1;
	(tag) =	ssettag s2;
	_ =	strace s9  }
0x27: {  	s1 =	sld [smem:$0x3FAD]  }
0x28: {  	s2 =	sld [smem:$0x3FAE]  }
0x29: {  	s4 =	sld [smem:$0x3FB0]  }
0x2a: {  	p0 =	seq.s32 s5, $0x0;
	s5 =	sld [smem:$0x3FB1]  }
0x2b: {  	s6 =	sld [smem:$0x3FB2]  }
0x2c: {  	s7 =	sld [smem:$0x3FB3]  }
0x2d: {  	s3 =	simm.s32 $0x108;
	s8 =	sld [smem:$0x3FB4]  }
0x2e: {  	s3 =	simm.s32 @!p0 $0x1082;
	s9 =	sld [smem:$0x3FB5]  }
0x2f: {  	lr =	sadd.s32 s0, s3;
	s0 =	sld [smem:$0x3FAC]  }
0x30: {  	s3 =	sld [smem:$0x3FAF]  }
0x31: {  	[smem:$0x3FB8] =	sst s10  }
0x32: {  	s10 =	sld [smem:$0x3FB6];
	_ =	sdelay $0x3  }
0x33: {  	p0 =	seq.s32 s10, $0x1;
	s10 =	sld [smem:$0x3FB8];
	_ =	sdelay $0x3  }
0x34: {  	[smem:$0x3FB8] =	sst s10  }
0x35: {  	s10 =	sld [smem:$0x3FB7];
	_ =	sdelay $0x3  }
0x36: {  	p1 =	seq.s32 s10, $0x1;
	s10 =	sld [smem:$0x3FB8];
	_ =	sdelay $0x3  }
0x37: {  	[smem:$0x3FB8] =	sst s10  }
0x38: {  	s10 =	sld [smem:$0x3FB9]  }
0x39: {  	_ = 	snop;
	(pc) =	sbr.ind lr, $3  }
0x3a: {  	_ = 	snop  }
0x3b: {  	_ = 	snop  }
0x3c: {  	p2 =	seq.s32 s10, $0x1;
	s10 =	sld [smem:$0x3FB8]  }
0x3d: {  	_ =	shalt  }
0x3e: {  	_ =	shalt  }
0x3f: {  	_ =	shalt  }
0x40: {  	_ =	shalt  }
0x41: {  	_ =	shalt  }
0x42: {  	_ =	shalt  }
0x43: {  	_ =	shalt  }
0x44: {  	_ =	shalt  }
0x45: {  	_ =	shalt  }
0x46: {  	_ =	shalt  }
0x47: {  	_ =	shalt  }
0x48: {  	_ =	shalt  }
0x49: {  	_ =	shalt  }
0x4a: {  	_ =	shalt  }
0x4b: {  	_ =	shalt  }
0x4c: {  	_ =	shalt  }
0x4d: {  	_ =	shalt  }
0x4e: {  	_ =	shalt  }
0x4f: {  	_ =	shalt  }
0x50: {  	_ =	shalt  }
0x51: {  	_ =	shalt  }
0x52: {  	_ =	shalt  }
0x53: {  	_ =	shalt  }
0x54: {  	_ =	shalt  }
0x55: {  	_ =	shalt  }
0x56: {  	_ =	shalt  }
0x57: {  	_ =	shalt  }
0x58: {  	_ =	shalt  }
0x59: {  	_ =	shalt  }
0x5a: {  	_ =	shalt  }
0x5b: {  	_ =	shalt  }
0x5c: {  	_ =	shalt  }
0x5d: {  	_ =	shalt  }
0x5e: {  	_ =	shalt  }
0x5f: {  	_ =	shalt  }
0x60: {  	_ =	shalt  }
0x61: {  	_ =	shalt  }
0x62: {  	_ =	shalt  }
0x63: {  	_ =	shalt  }
0x64: {  	_ =	shalt  }
0x65: {  	_ =	shalt  }
0x66: {  	_ =	shalt  }
0x67: {  	_ =	shalt  }
0x68: {  	_ =	shalt  }
0x69: {  	_ =	shalt  }
0x6a: {  	_ =	shalt  }
0x6b: {  	_ =	shalt  }
0x6c: {  	_ =	shalt  }
0x6d: {  	_ =	shalt  }
0x6e: {  	_ =	shalt  }
0x6f: {  	_ =	shalt  }
0x70: {  	_ =	shalt  }
0x71: {  	_ =	shalt  }
0x72: {  	_ =	shalt  }
0x73: {  	_ =	shalt  }
0x74: {  	_ =	shalt  }
0x75: {  	_ =	shalt  }
0x76: {  	_ =	shalt  }
0x77: {  	_ =	shalt  }
0x78: {  	_ =	shalt  }
0x79: {  	_ =	shalt  }
0x7a: {  	_ =	shalt  }
0x7b: {  	_ =	shalt  }
0x7c: {  	_ =	shalt  }
0x7d: {  	_ =	shalt  }
0x7e: {  	_ =	shalt  }
0x7f: {  	_ =	shalt  }
0x80: {  	_ =	shalt  }
0x81: {  	_ =	shalt  }
0x82: {  	_ =	shalt  }
0x83: {  	_ =	shalt  }
0x84: {  	_ =	shalt  }
0x85: {  	_ =	shalt  }
0x86: {  	_ =	shalt  }
0x87: {  	_ =	shalt  }
.Lfunc_end0:
.L_simem_size_0:
called_computation_lowered:
.L_overlay_start_0:
0x88: {  	s2 =	sld [smem:$0x3FD9]  }
0x89: {  	s3 =	sld [smem:$0x3FFE];
	_ =	sdelay $0x1  }
0x8a: {  	s1 =	srdreg.scid  }
0x8b: {  	s0 =	sand.u32 $0x1, s1  }
0x8c: {  	s17 =	sshll.u32 s0, $0xA;
	s2 =	sadd.s32 s3, s2  }
0x8d: {  	s2 =	sadd.s32 s2, s17  }
0x8e: {  	[smem:$0x3FC4] =	sst s2  }
0x8f: {  	_ = 	snop  }
0x90: {  	s2 =	sld [smem:$0x3FD0];
	(tm) =	ssettm $0x1  }
0x91: {  	s18 =	sld [smem:$0x3FFB];
	_ =	sdelay $0x3  }
0x92: {  	_ =	strace s18  }
0x93: {  	s3 =	sld [smem:$0x3FFC];
	_ =	sdelay $0x3  }
0x94: {  	_ =	strace s3  }
0x95: {  	s3 =	sld [smem:$0x3FFD];
	_ =	sdelay $0x3  }
0x96: {  	_ =	strace s3  }
0x97: {  	_ =	strace $0x8FFFFFFF  }
0x98: {  	s19 =	sld [smem:$0x3FDB];
	_ =	sdelay $0x1  }
0x99: {  	s4 =	simm.s32 $_scs_section_size  }
0x9a: {  	s5 =	simm.s32 $_size__tile_overlayer_lowered;
	s6 =	simm.s32 $_tile_overlayer_lowered  }
0x9b: {  	s22 =	simm.s32 $0x1BFF;
	s21 =	sshll.u32 s6, $0x1;
	s3 =	sadd.s32 s4, s19  }
0x9c: {  	s7 =	simm.s32 $0x0;
	s20 =	sshll.u32 s5, $0x1;
	s5 =	sadd.s32 s21, s3  }
0x9d: {  	[timem:s7], [sflag:s22] =	dma.local [hbm:s5], s20  }
0x9e: {  	_ =	swait.ge [sflag:s22], s20  }
0x9f: {  	s4 =	ssub.s32 $0x0, s20;
	[sflag:s22] =	ssyncset.done $0x0  }
0xa0: {  	[sflag:s22] =	ssyncadd.s32 s4;
	_ =	sdelay $0x1  }
0xa1: {  	s23 =	simm.s32 $0x1B8B  }
0xa2: {  	_ =	swait.ge [sflag:s23], $0x1  }
0xa3: {  	[sflag:s23] =	ssyncset.done $0x0  }
0xa4: {  	s25 =	simm.s32 $0x1B8E;
	s24 =	sld [smem:$0x3FFE];
	[sflag:s23] =	ssyncadd.s32 $0xFFFFFFFF  }
0xa5: {  	s26 =	simm.s32 $execute0_lowered;
	[smem:$0x3FD2] =	sst s25  }
0xa6: {  	s5 =	sshll.u32 s26, $0x1;
	_ =	strace $0x80000046;
	[dreg:$0x1] =	wrdreg $0xFFFFFFFF  }
0xa7: {  	s28 =	simm.s32 $_size_execute0_lowered;
	s3 =	sadd.s32 s3, s5;
	[dreg:$0x0] =	wrdreg $0x0  }
0xa8: {  	s5 =	sshll.u32 s28, $0x1;
	[dreg:$0x2] =	wrdreg s3  }
0xa9: {  	[dreg:$0x3] =	wrdreg s5  }
0xaa: {  	[dreg:$0x4] =	wrdreg $0xC0  }
0xab: {  	_ =	task [dreg:s7], $0x5FFFF  }
0xac: {  	[dreg:$0x1] =	wrdreg $0xFFFFFFFF  }
0xad: {  	[dreg:$0x0] =	wrdreg $0x60  }
0xae: {  	[dreg:$0x2] =	wrdreg s24  }
0xaf: {  	[dreg:$0x3] =	wrdreg s2  }
0xb0: {  	[dreg:$0x4] =	wrdreg $0x13000  }
0xb1: {  	[dreg:$0x5] =	wrdreg $0x9  }
0xb2: {  	_ =	task.clear_ibuf [dreg:s7], $0x6FFFF;
	_ =	strace $0x90000046  }
0xb3: {  	s29 =	simm.s32 $0x9;
	_ =	strace $0x80000048  }
0xb4: {  	_ =	swait.ge [sflag:s29], $0x1  }
0xb5: {  	[sflag:s29] =	ssyncadd.s32 $0xFFFFFFFF  }
0xb6: {  	_ =	strace $0x90000048  }
0xb7: {  	_ =	sfence  }
0xb8: {  	s30 =	sld [smem:$0x0];
	_ =	sdelay $0x2  }
0xb9: {  	s31 =	sshll.u32 s1, $0xD;
	s1 =	sshrl.u32 s1, $0x2  }
0xba: {  	s3 =	sand.u32 $0x4000, s31;
	s1 =	sadd.s32 s1, s30  }
0xbb: {  	s0 =	sor.u32 s3, s0;
	s1 =	sshll.u32 s1, $0x11  }
0xbc: {  	s0 =	sor.u32 s1, s0  }
0xbd: {  	s0 =	sadd.s32 $0x8F2B, s0  }
0xbe: {  	[sflag:s0] =	ssyncadd.remote.s32 $0x1  }
0xbf: {  	_ =	sfence.sel $0xFFFF  }
0xc0: {  	[dreg:$0x0] =	wrdreg $0xFFFFFFFF;
	(pc) =	sbr.abs _section_cstart, $3  }
0xc1: {  	[dreg:$0x1] =	wrdreg $0xFFFFFFFF  }
0xc2: {  	_ =	task.clear_ibuf [dreg:s7], $0x2FFFF;
	_ =	strace $0x9FFFFFFF  }
0xc3: {  	(tm) =	ssettm $0x7FFFFFFF  }
tec
execute0_lowered:
.L_overlay_start_1:
0x0: {  	(tag) =	ssettag $0x1  }
0x1: {  	s3 =	rddreg [dreg:$0x0]  }
0x2: {  	s0 =	rddreg [dreg:$0x1];
	s2 =	simm.s32 $0x0  }
0x3: {  	v0 =	vimm.f32 $1.000000000e+00;
	[smem:$0x7FF] =	sst s2  }
0x4: {  	s1 =	rddreg [dreg:$0x2];
	v1 =	vimm.f32 $0.0e+00;
	_ =	strace $0x80000047;
	[tilespmem:$0x1000] =	vst v0  }
0x5: {  	[tilespmem:$0x12F0] =	vst v1  }
0x6: {  	[tilespmem:$0x12E0] =	vst v1  }
0x7: {  	[tilespmem:$0x12D0] =	vst v1  }
0x8: {  	[tilespmem:$0x12C0] =	vst v1  }
0x9: {  	[tilespmem:$0x12B0] =	vst v1  }
0xa: {  	[tilespmem:$0x12A0] =	vst v1  }
0xb: {  	[tilespmem:$0x1290] =	vst v1  }
0xc: {  	[tilespmem:$0x1280] =	vst v1  }
0xd: {  	[tilespmem:$0x1270] =	vst v1  }
0xe: {  	[tilespmem:$0x1260] =	vst v1  }
0xf: {  	[tilespmem:$0x1250] =	vst v1  }
0x10: {  	[tilespmem:$0x1240] =	vst v1  }
0x11: {  	[tilespmem:$0x1230] =	vst v1  }
0x12: {  	[tilespmem:$0x1220] =	vst v1  }
0x13: {  	[tilespmem:$0x1210] =	vst v1  }
0x14: {  	[tilespmem:$0x1200] =	vst v1  }
0x15: {  	[tilespmem:$0x11F0] =	vst v1  }
0x16: {  	[tilespmem:$0x11E0] =	vst v1  }
0x17: {  	[tilespmem:$0x11D0] =	vst v1  }
0x18: {  	[tilespmem:$0x11C0] =	vst v1  }
0x19: {  	[tilespmem:$0x11B0] =	vst v1  }
0x1a: {  	[tilespmem:$0x11A0] =	vst v1  }
0x1b: {  	[tilespmem:$0x1190] =	vst v1  }
0x1c: {  	[tilespmem:$0x1180] =	vst v1  }
0x1d: {  	[tilespmem:$0x1170] =	vst v1  }
0x1e: {  	[tilespmem:$0x1160] =	vst v1  }
0x1f: {  	[tilespmem:$0x1150] =	vst v1  }
0x20: {  	[tilespmem:$0x1140] =	vst v1  }
0x21: {  	[tilespmem:$0x1130] =	vst v1  }
0x22: {  	s4 =	srdreg.scid;
	s6 =	stileid.u32;
	[tilespmem:$0x1120] =	vst v1  }
0x23: {  	s7 =	stileid.u32;
	s6 =	smul.u32 $0x5000, s6;
	[tilespmem:$0x1110] =	vst v1  }
0x24: {  	s16 =	simm.s32 $0x1080;
	s5 =	sand.u32 $0x1, s4;
	s11 =	smul.u32 $0x500, s7;
	[tilespmem:$0x1100] =	vst v1  }
0x25: {  	s18 =	simm.s32 $0x20;
	s4 =	smul.u32 $0x50000, s5;
	[dreg:$0x11] =	wrdreg s5;
	[tilespmem:$0x10F0] =	vst v1  }
0x26: {  	s20 =	simm.s32 $0x10;
	[tilespmem:$0x10E0] =	vst v1;
	s13 =	sshll.u32 s5, $0x7;
	[dreg:$0xa] =	wrdreg s16  }
0x27: {  	[tilespmem:$0x10D0] =	vst v1;
	[dreg:$0xb] =	wrdreg s18;
	s4 =	sadd.s32 s6, s4;
	s6 =	sor.u32 s13, s11  }
0x28: {  	[tilespmem:$0x10C0] =	vst v1;
	[dreg:$0xc] =	wrdreg s20;
	s4 =	sshrl.u32 s4, $0x3;
	s15 =	sshrl.u32 s6, $0x3  }
0x29: {  	[tilespmem:$0x10B0] =	vst v1;
	s19 =	rddreg [dreg:$0xa];
	s3 =	sadd.s32 s4, s3;
	s0 =	sadd.s32 s0, s15  }
0x2a: {  	[tilespmem:$0x10A0] =	vst v1;
	s4 =	sadd.s32 $0x1A00, s3;
	[dreg:$0x9] =	wrdreg s0  }
0x2b: {  	s8 =	stileid.u32;
	[tilespmem:$0x1090] =	vst v1;
	s10 =	sadd.s32 $0x1C00, s3;
	[dreg:$0x4] =	wrdreg s4  }
0x2c: {  	s17 =	smul.u32 $0xA00, s8;
	[tilespmem:$0x1080] =	vst v1;
	s12 =	sadd.s32 $0x1E00, s3;
	[dreg:$0x5] =	wrdreg s10  }
0x2d: {  	[tilespmem:$0x1040] =	vst v0;
	s14 =	sadd.s32 $0x2000, s3;
	s3 =	sadd.s32 $0x2200, s3;
	[dreg:$0x6] =	wrdreg s12  }
0x2e: {  	[tilespmem:$0x1030] =	vst v0;
	[dreg:$0x8] =	wrdreg s3;
	s3 =	sshrl.u32 s17, $0x2  }
0x2f: {  	[tilespmem:$0x1020] =	vst v0;
	[dreg:$0x7] =	wrdreg s14;
	s3 =	sadd.s32 s3, s1  }
0x30: {  	[tilespmem:$0x1010] =	vst v0;
	s4 =	simm.s32 $0x2;
	[dreg:$0xd] =	wrdreg s3  }
0x31: {  	[spmem:s3] =	stream.linear.scatter [tilespmem:s19], [sflag:$0x2], $0x280, $0x38;
	[tilespmem:$0x1580] =	vst v63  }
0x32: {  	_ =	swait.ge [sflag:s4], $0x280  }
0x33: {  	[sflag:s4] =	ssyncset.done $0x0  }
0x34: {  	[sflag:s4] =	ssyncadd.s32 $0xFFFFFD80  }
0x35: {  	[bflag:$0x0] =	sbarrier.arrive $0xFFFF  }
0x36: {  	s21 =	rddreg [dreg:$0x4]  }
0x37: {  	[tilespmem:s2], [sflag:$0x2] =	stream.linear.gather [hbm4b:s21+s2], $0xC80, $0x38;
	[tilespmem:$0x1580] =	vst v63  }
0x38: {  	_ =	swait.ge [sflag:s4], $0xC80  }
0x39: {  	[sflag:s4] =	ssyncset.done $0x0  }
0x3a: {  	s7 =	simm.s32 $0x1000;
	s6 =	simm.s32 $0x50;
	[sflag:s4] =	ssyncadd.s32 $0xFFFFF380  }
0x3b: {  	[spmem:s1] =	stream.indirect.scatter.add.f32 [tilespmem:s7], [sflag:$0x1], $0x1, s2, s6, $0xb8;
	[tilespmem:$0x1580] =	vst v63  }
0x3c: {  	s22 =	simm.s32 $0x80  }
0x3d: {  	[spmem:s1] =	stream.indirect.scatter.add.f32 [tilespmem:s7], [sflag:$0x1], $0x1, s22, s6, $0xb8;
	[tilespmem:$0x1580] =	vst v63  }
0x3e: {  	s23 =	simm.s32 $0x100  }
0x3f: {  	[spmem:s1] =	stream.indirect.scatter.add.f32 [tilespmem:s7], [sflag:$0x1], $0x1, s23, s6, $0xb8;
	[tilespmem:$0x1580] =	vst v63  }
0x40: {  	s24 =	simm.s32 $0x180  }
0x41: {  	[spmem:s1] =	stream.indirect.scatter.add.f32 [tilespmem:s7], [sflag:$0x1], $0x1, s24, s6, $0xb8;
	[tilespmem:$0x1580] =	vst v63  }
0x42: {  	s25 =	simm.s32 $0x200  }
0x43: {  	[spmem:s1] =	stream.indirect.scatter.add.f32 [tilespmem:s7], [sflag:$0x1], $0x1, s25, s6, $0xb8;
	[tilespmem:$0x1580] =	vst v63  }
0x44: {  	s26 =	simm.s32 $0x280  }
0x45: {  	[spmem:s1] =	stream.indirect.scatter.add.f32 [tilespmem:s7], [sflag:$0x1], $0x1, s26, s6, $0xb8;
	[tilespmem:$0x1580] =	vst v63  }
0x46: {  	s28 =	simm.s32 $0x300  }
0x47: {  	[spmem:s1] =	stream.indirect.scatter.add.f32 [tilespmem:s7], [sflag:$0x1], $0x1, s28, s6, $0xb8;
	[tilespmem:$0x1580] =	vst v63  }
0x48: {  	s29 =	simm.s32 $0x380  }
0x49: {  	[spmem:s1] =	stream.indirect.scatter.add.f32 [tilespmem:s7], [sflag:$0x1], $0x1, s29, s6, $0xb8;
	[tilespmem:$0x1580] =	vst v63  }
0x4a: {  	s30 =	simm.s32 $0x400  }
0x4b: {  	[spmem:s1] =	stream.indirect.scatter.add.f32 [tilespmem:s7], [sflag:$0x1], $0x1, s30, s6, $0xb8;
	[tilespmem:$0x1580] =	vst v63  }
0x4c: {  	s31 =	simm.s32 $0x480  }
0x4d: {  	[spmem:s1] =	stream.indirect.scatter.add.f32 [tilespmem:s7], [sflag:$0x1], $0x1, s31, s6, $0xb8;
	[tilespmem:$0x1580] =	vst v63  }
0x4e: {  	s0 =	simm.s32 $0x500  }
0x4f: {  	[spmem:s1] =	stream.indirect.scatter.add.f32 [tilespmem:s7], [sflag:$0x1], $0x1, s0, s6, $0xb8;
	[tilespmem:$0x1580] =	vst v63  }
0x50: {  	s3 =	simm.s32 $0x580  }
0x51: {  	[spmem:s1] =	stream.indirect.scatter.add.f32 [tilespmem:s7], [sflag:$0x1], $0x1, s3, s6, $0xb8;
	[tilespmem:$0x1580] =	vst v63  }
0x52: {  	s5 =	simm.s32 $0x600  }
0x53: {  	[spmem:s1] =	stream.indirect.scatter.add.f32 [tilespmem:s7], [sflag:$0x1], $0x1, s5, s6, $0xb8;
	[tilespmem:$0x1580] =	vst v63  }
0x54: {  	s15 =	simm.s32 $0x680  }
0x55: {  	[spmem:s1] =	stream.indirect.scatter.add.f32 [tilespmem:s7], [sflag:$0x1], $0x1, s15, s6, $0xb8;
	[tilespmem:$0x1580] =	vst v63  }
0x56: {  	s16 =	simm.s32 $0x700  }
0x57: {  	[spmem:s1] =	stream.indirect.scatter.add.f32 [tilespmem:s7], [sflag:$0x1], $0x1, s16, s6, $0xb8;
	[tilespmem:$0x1580] =	vst v63  }
0x58: {  	s17 =	simm.s32 $0x780  }
0x59: {  	[spmem:s1] =	stream.indirect.scatter.add.f32 [tilespmem:s7], [sflag:$0x1], $0x1, s17, s6, $0xb8;
	[tilespmem:$0x1580] =	vst v63  }
0x5a: {  	s18 =	simm.s32 $0x800  }
0x5b: {  	[spmem:s1] =	stream.indirect.scatter.add.f32 [tilespmem:s7], [sflag:$0x1], $0x1, s18, s6, $0xb8;
	[tilespmem:$0x1580] =	vst v63  }
0x5c: {  	s19 =	simm.s32 $0x880  }
0x5d: {  	[spmem:s1] =	stream.indirect.scatter.add.f32 [tilespmem:s7], [sflag:$0x1], $0x1, s19, s6, $0xb8;
	[tilespmem:$0x1580] =	vst v63  }
0x5e: {  	s20 =	simm.s32 $0x900  }
0x5f: {  	[spmem:s1] =	stream.indirect.scatter.add.f32 [tilespmem:s7], [sflag:$0x1], $0x1, s20, s6, $0xb8;
	[tilespmem:$0x1580] =	vst v63  }
0x60: {  	s22 =	simm.s32 $0x980  }
0x61: {  	[spmem:s1] =	stream.indirect.scatter.add.f32 [tilespmem:s7], [sflag:$0x1], $0x1, s22, s6, $0xb8;
	[tilespmem:$0x1580] =	vst v63  }
0x62: {  	s3 =	simm.s32 $0xA00  }
0x63: {  	[spmem:s1] =	stream.indirect.scatter.add.f32 [tilespmem:s7], [sflag:$0x1], $0x1, s3, s6, $0xb8;
	[tilespmem:$0x1580] =	vst v63  }
0x64: {  	s5 =	simm.s32 $0xA80  }
0x65: {  	[spmem:s1] =	stream.indirect.scatter.add.f32 [tilespmem:s7], [sflag:$0x1], $0x1, s5, s6, $0xb8;
	[tilespmem:$0x1580] =	vst v63  }
0x66: {  	s16 =	simm.s32 $0xB00  }
0x67: {  	[spmem:s1] =	stream.indirect.scatter.add.f32 [tilespmem:s7], [sflag:$0x1], $0x1, s16, s6, $0xb8;
	[tilespmem:$0x1580] =	vst v63  }
0x68: {  	s17 =	simm.s32 $0xB80  }
0x69: {  	[spmem:s1] =	stream.indirect.scatter.add.f32 [tilespmem:s7], [sflag:$0x1], $0x1, s17, s6, $0xb8;
	[tilespmem:$0x1580] =	vst v63  }
0x6a: {  	s18 =	simm.s32 $0xC00;
	s3 =	simm.s32 $0x1  }
0x6b: {  	[spmem:s1] =	stream.indirect.scatter.add.f32 [tilespmem:s7], [sflag:$0x1], $0x1, s18, s6, $0xb8;
	[tilespmem:$0x1580] =	vst v63  }
0x6c: {  	_ =	swait.ge [sflag:s3], $0x50  }
0x6d: {  	[sflag:s3] =	ssyncset.done $0x0  }
0x6e: {  	[sflag:s3] =	ssyncadd.s32 $0xFFFFFFB0  }
0x6f: {  	_ =	swait.ge [sflag:s3], $0x50  }
0x70: {  	[sflag:s3] =	ssyncset.done $0x0  }
0x71: {  	[sflag:s3] =	ssyncadd.s32 $0xFFFFFFB0  }
0x72: {  	_ =	swait.ge [sflag:s3], $0x50  }
0x73: {  	[sflag:s3] =	ssyncset.done $0x0  }
0x74: {  	[sflag:s3] =	ssyncadd.s32 $0xFFFFFFB0  }
0x75: {  	_ =	swait.ge [sflag:s3], $0x50  }
0x76: {  	[sflag:s3] =	ssyncset.done $0x0  }
0x77: {  	[sflag:s3] =	ssyncadd.s32 $0xFFFFFFB0  }
0x78: {  	_ =	swait.ge [sflag:s3], $0x50  }
0x79: {  	[sflag:s3] =	ssyncset.done $0x0  }
0x7a: {  	[sflag:s3] =	ssyncadd.s32 $0xFFFFFFB0  }
0x7b: {  	_ =	swait.ge [sflag:s3], $0x50  }
0x7c: {  	[sflag:s3] =	ssyncset.done $0x0  }
0x7d: {  	[sflag:s3] =	ssyncadd.s32 $0xFFFFFFB0  }
0x7e: {  	_ =	swait.ge [sflag:s3], $0x50  }
0x7f: {  	[sflag:s3] =	ssyncset.done $0x0  }
0x80: {  	[sflag:s3] =	ssyncadd.s32 $0xFFFFFFB0  }
0x81: {  	_ =	swait.ge [sflag:s3], $0x50  }
0x82: {  	[sflag:s3] =	ssyncset.done $0x0  }
0x83: {  	[sflag:s3] =	ssyncadd.s32 $0xFFFFFFB0  }
0x84: {  	_ =	swait.ge [sflag:s3], $0x50  }
0x85: {  	[sflag:s3] =	ssyncset.done $0x0  }
0x86: {  	[sflag:s3] =	ssyncadd.s32 $0xFFFFFFB0  }
0x87: {  	_ =	swait.ge [sflag:s3], $0x50  }
0x88: {  	[sflag:s3] =	ssyncset.done $0x0  }
0x89: {  	[sflag:s3] =	ssyncadd.s32 $0xFFFFFFB0  }
0x8a: {  	_ =	swait.ge [sflag:s3], $0x50  }
0x8b: {  	[sflag:s3] =	ssyncset.done $0x0  }
0x8c: {  	[sflag:s3] =	ssyncadd.s32 $0xFFFFFFB0  }
0x8d: {  	_ =	swait.ge [sflag:s3], $0x50  }
0x8e: {  	[sflag:s3] =	ssyncset.done $0x0  }
0x8f: {  	[sflag:s3] =	ssyncadd.s32 $0xFFFFFFB0  }
0x90: {  	_ =	swait.ge [sflag:s3], $0x50  }
0x91: {  	[sflag:s3] =	ssyncset.done $0x0  }
0x92: {  	[sflag:s3] =	ssyncadd.s32 $0xFFFFFFB0  }
0x93: {  	_ =	swait.ge [sflag:s3], $0x50  }
0x94: {  	[sflag:s3] =	ssyncset.done $0x0  }
0x95: {  	[sflag:s3] =	ssyncadd.s32 $0xFFFFFFB0  }
0x96: {  	_ =	swait.ge [sflag:s3], $0x50  }
0x97: {  	[sflag:s3] =	ssyncset.done $0x0  }
0x98: {  	[sflag:s3] =	ssyncadd.s32 $0xFFFFFFB0  }
0x99: {  	_ =	swait.ge [sflag:s3], $0x50  }
0x9a: {  	[sflag:s3] =	ssyncset.done $0x0  }
0x9b: {  	[sflag:s3] =	ssyncadd.s32 $0xFFFFFFB0  }
0x9c: {  	_ =	swait.ge [sflag:s3], $0x50  }
0x9d: {  	[sflag:s3] =	ssyncset.done $0x0  }
0x9e: {  	[sflag:s3] =	ssyncadd.s32 $0xFFFFFFB0  }
0x9f: {  	_ =	swait.ge [sflag:s3], $0x50  }
0xa0: {  	[sflag:s3] =	ssyncset.done $0x0  }
0xa1: {  	[sflag:s3] =	ssyncadd.s32 $0xFFFFFFB0  }
0xa2: {  	_ =	swait.ge [sflag:s3], $0x50  }
0xa3: {  	[sflag:s3] =	ssyncset.done $0x0  }
0xa4: {  	[sflag:s3] =	ssyncadd.s32 $0xFFFFFFB0  }
0xa5: {  	_ =	swait.ge [sflag:s3], $0x50  }
0xa6: {  	[sflag:s3] =	ssyncset.done $0x0  }
0xa7: {  	[sflag:s3] =	ssyncadd.s32 $0xFFFFFFB0  }
0xa8: {  	_ =	swait.ge [sflag:s3], $0x50  }
0xa9: {  	[sflag:s3] =	ssyncset.done $0x0  }
0xaa: {  	[sflag:s3] =	ssyncadd.s32 $0xFFFFFFB0  }
0xab: {  	_ =	swait.ge [sflag:s3], $0x50  }
0xac: {  	[sflag:s3] =	ssyncset.done $0x0  }
0xad: {  	[sflag:s3] =	ssyncadd.s32 $0xFFFFFFB0  }
0xae: {  	_ =	swait.ge [sflag:s3], $0x50  }
0xaf: {  	[sflag:s3] =	ssyncset.done $0x0  }
0xb0: {  	[sflag:s3] =	ssyncadd.s32 $0xFFFFFFB0  }
0xb1: {  	_ =	swait.ge [sflag:s3], $0x50  }
0xb2: {  	[sflag:s3] =	ssyncset.done $0x0  }
0xb3: {  	[sflag:s3] =	ssyncadd.s32 $0xFFFFFFB0  }
0xb4: {  	_ =	swait.ge [sflag:s3], $0x50  }
0xb5: {  	[sflag:s3] =	ssyncset.done $0x0  }
0xb6: {  	s0 =	rddreg [dreg:$0x5];
	[sflag:s3] =	ssyncadd.s32 $0xFFFFFFB0  }
0xb7: {  	[tilespmem:s2], [sflag:$0x2] =	stream.linear.gather [hbm4b:s0+s2], $0xC80, $0x38;
	[tilespmem:$0x1580] =	vst v63  }
0xb8: {  	_ =	swait.ge [sflag:s4], $0xC80  }
0xb9: {  	[sflag:s4] =	ssyncset.done $0x0  }
0xba: {  	[sflag:s4] =	ssyncadd.s32 $0xFFFFF380  }
0xbb: {  	[spmem:s1] =	stream.indirect.scatter.add.f32 [tilespmem:s7], [sflag:$0x1], $0x1, s2, s6, $0xb8;
	[tilespmem:$0x1580] =	vst v63  }
0xbc: {  	s8 =	simm.s32 $0x80  }
0xbd: {  	[spmem:s1] =	stream.indirect.scatter.add.f32 [tilespmem:s7], [sflag:$0x1], $0x1, s8, s6, $0xb8;
	[tilespmem:$0x1580] =	vst v63  }
0xbe: {  	s9 =	simm.s32 $0x100  }
0xbf: {  	[spmem:s1] =	stream.indirect.scatter.add.f32 [tilespmem:s7], [sflag:$0x1], $0x1, s9, s6, $0xb8;
	[tilespmem:$0x1580] =	vst v63  }
0xc0: {  	s10 =	simm.s32 $0x180  }
0xc1: {  	[spmem:s1] =	stream.indirect.scatter.add.f32 [tilespmem:s7], [sflag:$0x1], $0x1, s10, s6, $0xb8;
	[tilespmem:$0x1580] =	vst v63  }
0xc2: {  	s11 =	simm.s32 $0x200  }
0xc3: {  	[spmem:s1] =	stream.indirect.scatter.add.f32 [tilespmem:s7], [sflag:$0x1], $0x1, s11, s6, $0xb8;
	[tilespmem:$0x1580] =	vst v63  }
0xc4: {  	s12 =	simm.s32 $0x280  }
0xc5: {  	[spmem:s1] =	stream.indirect.scatter.add.f32 [tilespmem:s7], [sflag:$0x1], $0x1, s12, s6, $0xb8;
	[tilespmem:$0x1580] =	vst v63  }
0xc6: {  	s13 =	simm.s32 $0x300  }
0xc7: {  	[spmem:s1] =	stream.indirect.scatter.add.f32 [tilespmem:s7], [sflag:$0x1], $0x1, s13, s6, $0xb8;
	[tilespmem:$0x1580] =	vst v63  }
0xc8: {  	s13 =	simm.s32 $0x380  }
0xc9: {  	[spmem:s1] =	stream.indirect.scatter.add.f32 [tilespmem:s7], [sflag:$0x1], $0x1, s13, s6, $0xb8;
	[tilespmem:$0x1580] =	vst v63  }
0xca: {  	s21 =	simm.s32 $0x400  }
0xcb: {  	[spmem:s1] =	stream.indirect.scatter.add.f32 [tilespmem:s7], [sflag:$0x1], $0x1, s21, s6, $0xb8;
	[tilespmem:$0x1580] =	vst v63  }
0xcc: {  	s30 =	simm.s32 $0x480  }
0xcd: {  	[spmem:s1] =	stream.indirect.scatter.add.f32 [tilespmem:s7], [sflag:$0x1], $0x1, s30, s6, $0xb8;
	[tilespmem:$0x1580] =	vst v63  }
0xce: {  	s14 =	simm.s32 $0x500  }
0xcf: {  	[spmem:s1] =	stream.indirect.scatter.add.f32 [tilespmem:s7], [sflag:$0x1], $0x1, s14, s6, $0xb8;
	[tilespmem:$0x1580] =	vst v63  }
0xd0: {  	s28 =	simm.s32 $0x580  }
0xd1: {  	[spmem:s1] =	stream.indirect.scatter.add.f32 [tilespmem:s7], [sflag:$0x1], $0x1, s28, s6, $0xb8;
	[tilespmem:$0x1580] =	vst v63  }
0xd2: {  	s31 =	simm.s32 $0x600  }
0xd3: {  	[spmem:s1] =	stream.indirect.scatter.add.f32 [tilespmem:s7], [sflag:$0x1], $0x1, s31, s6, $0xb8;
	[tilespmem:$0x1580] =	vst v63  }
0xd4: {  	s29 =	simm.s32 $0x680  }
0xd5: {  	[spmem:s1] =	stream.indirect.scatter.add.f32 [tilespmem:s7], [sflag:$0x1], $0x1, s29, s6, $0xb8;
	[tilespmem:$0x1580] =	vst v63  }
0xd6: {  	s25 =	simm.s32 $0x700  }
0xd7: {  	[spmem:s1] =	stream.indirect.scatter.add.f32 [tilespmem:s7], [sflag:$0x1], $0x1, s25, s6, $0xb8;
	[tilespmem:$0x1580] =	vst v63  }
0xd8: {  	s26 =	simm.s32 $0x780  }
0xd9: {  	[spmem:s1] =	stream.indirect.scatter.add.f32 [tilespmem:s7], [sflag:$0x1], $0x1, s26, s6, $0xb8;
	[tilespmem:$0x1580] =	vst v63  }
0xda: {  	s24 =	simm.s32 $0x800  }
0xdb: {  	[spmem:s1] =	stream.indirect.scatter.add.f32 [tilespmem:s7], [sflag:$0x1], $0x1, s24, s6, $0xb8;
	[tilespmem:$0x1580] =	vst v63  }
0xdc: {  	s23 =	simm.s32 $0x880  }
0xdd: {  	[spmem:s1] =	stream.indirect.scatter.add.f32 [tilespmem:s7], [sflag:$0x1], $0x1, s23, s6, $0xb8;
	[tilespmem:$0x1580] =	vst v63  }
0xde: {  	s15 =	simm.s32 $0x900  }
0xdf: {  	[spmem:s1] =	stream.indirect.scatter.add.f32 [tilespmem:s7], [sflag:$0x1], $0x1, s15, s6, $0xb8;
	[tilespmem:$0x1580] =	vst v63  }
0xe0: {  	s19 =	simm.s32 $0x980  }
0xe1: {  	[spmem:s1] =	stream.indirect.scatter.add.f32 [tilespmem:s7], [sflag:$0x1], $0x1, s19, s6, $0xb8;
	[tilespmem:$0x1580] =	vst v63  }
0xe2: {  	s22 =	simm.s32 $0xA00  }
0xe3: {  	[spmem:s1] =	stream.indirect.scatter.add.f32 [tilespmem:s7], [sflag:$0x1], $0x1, s22, s6, $0xb8;
	[tilespmem:$0x1580] =	vst v63  }
0xe4: {  	s20 =	simm.s32 $0xA80  }
0xe5: {  	[spmem:s1] =	stream.indirect.scatter.add.f32 [tilespmem:s7], [sflag:$0x1], $0x1, s20, s6, $0xb8;
	[tilespmem:$0x1580] =	vst v63  }
0xe6: {  	s16 =	simm.s32 $0xB00  }
0xe7: {  	[spmem:s1] =	stream.indirect.scatter.add.f32 [tilespmem:s7], [sflag:$0x1], $0x1, s16, s6, $0xb8;
	[tilespmem:$0x1580] =	vst v63  }
0xe8: {  	s17 =	simm.s32 $0xB80  }
0xe9: {  	[spmem:s1] =	stream.indirect.scatter.add.f32 [tilespmem:s7], [sflag:$0x1], $0x1, s17, s6, $0xb8;
	[tilespmem:$0x1580] =	vst v63  }
0xea: {  	s18 =	simm.s32 $0xC00  }
0xeb: {  	[spmem:s1] =	stream.indirect.scatter.add.f32 [tilespmem:s7], [sflag:$0x1], $0x1, s18, s6, $0xb8;
	[tilespmem:$0x1580] =	vst v63  }
0xec: {  	_ =	swait.ge [sflag:s3], $0x50  }
0xed: {  	[sflag:s3] =	ssyncset.done $0x0  }
0xee: {  	[sflag:s3] =	ssyncadd.s32 $0xFFFFFFB0  }
0xef: {  	_ =	swait.ge [sflag:s3], $0x50  }
0xf0: {  	[sflag:s3] =	ssyncset.done $0x0  }
0xf1: {  	[sflag:s3] =	ssyncadd.s32 $0xFFFFFFB0  }
0xf2: {  	_ =	swait.ge [sflag:s3], $0x50  }
0xf3: {  	[sflag:s3] =	ssyncset.done $0x0  }
0xf4: {  	[sflag:s3] =	ssyncadd.s32 $0xFFFFFFB0  }
0xf5: {  	_ =	swait.ge [sflag:s3], $0x50  }
0xf6: {  	[sflag:s3] =	ssyncset.done $0x0  }
0xf7: {  	[sflag:s3] =	ssyncadd.s32 $0xFFFFFFB0  }
0xf8: {  	_ =	swait.ge [sflag:s3], $0x50  }
0xf9: {  	[sflag:s3] =	ssyncset.done $0x0  }
0xfa: {  	[sflag:s3] =	ssyncadd.s32 $0xFFFFFFB0  }
0xfb: {  	_ =	swait.ge [sflag:s3], $0x50  }
0xfc: {  	[sflag:s3] =	ssyncset.done $0x0  }
0xfd: {  	[sflag:s3] =	ssyncadd.s32 $0xFFFFFFB0  }
0xfe: {  	_ =	swait.ge [sflag:s3], $0x50  }
0xff: {  	[sflag:s3] =	ssyncset.done $0x0  }
0x100: {  	[sflag:s3] =	ssyncadd.s32 $0xFFFFFFB0  }
0x101: {  	_ =	swait.ge [sflag:s3], $0x50  }
0x102: {  	[sflag:s3] =	ssyncset.done $0x0  }
0x103: {  	[sflag:s3] =	ssyncadd.s32 $0xFFFFFFB0  }
0x104: {  	_ =	swait.ge [sflag:s3], $0x50  }
0x105: {  	[sflag:s3] =	ssyncset.done $0x0  }
0x106: {  	[sflag:s3] =	ssyncadd.s32 $0xFFFFFFB0  }
0x107: {  	_ =	swait.ge [sflag:s3], $0x50  }
0x108: {  	[sflag:s3] =	ssyncset.done $0x0  }
0x109: {  	[sflag:s3] =	ssyncadd.s32 $0xFFFFFFB0  }
0x10a: {  	_ =	swait.ge [sflag:s3], $0x50  }
0x10b: {  	[sflag:s3] =	ssyncset.done $0x0  }
0x10c: {  	[sflag:s3] =	ssyncadd.s32 $0xFFFFFFB0  }
0x10d: {  	_ =	swait.ge [sflag:s3], $0x50  }
0x10e: {  	[sflag:s3] =	ssyncset.done $0x0  }
0x10f: {  	[sflag:s3] =	ssyncadd.s32 $0xFFFFFFB0  }
0x110: {  	_ =	swait.ge [sflag:s3], $0x50  }
0x111: {  	[sflag:s3] =	ssyncset.done $0x0  }
0x112: {  	[sflag:s3] =	ssyncadd.s32 $0xFFFFFFB0  }
0x113: {  	_ =	swait.ge [sflag:s3], $0x50  }
0x114: {  	[sflag:s3] =	ssyncset.done $0x0  }
0x115: {  	[sflag:s3] =	ssyncadd.s32 $0xFFFFFFB0  }
0x116: {  	_ =	swait.ge [sflag:s3], $0x50  }
0x117: {  	[sflag:s3] =	ssyncset.done $0x0  }
0x118: {  	[sflag:s3] =	ssyncadd.s32 $0xFFFFFFB0  }
0x119: {  	_ =	swait.ge [sflag:s3], $0x50  }
0x11a: {  	[sflag:s3] =	ssyncset.done $0x0  }
0x11b: {  	[sflag:s3] =	ssyncadd.s32 $0xFFFFFFB0  }
0x11c: {  	_ =	swait.ge [sflag:s3], $0x50  }
0x11d: {  	[sflag:s3] =	ssyncset.done $0x0  }
0x11e: {  	[sflag:s3] =	ssyncadd.s32 $0xFFFFFFB0  }
0x11f: {  	_ =	swait.ge [sflag:s3], $0x50  }
0x120: {  	[sflag:s3] =	ssyncset.done $0x0  }
0x121: {  	[sflag:s3] =	ssyncadd.s32 $0xFFFFFFB0  }
0x122: {  	_ =	swait.ge [sflag:s3], $0x50  }
0x123: {  	[sflag:s3] =	ssyncset.done $0x0  }
0x124: {  	[sflag:s3] =	ssyncadd.s32 $0xFFFFFFB0  }
0x125: {  	_ =	swait.ge [sflag:s3], $0x50  }
0x126: {  	[sflag:s3] =	ssyncset.done $0x0  }
0x127: {  	[sflag:s3] =	ssyncadd.s32 $0xFFFFFFB0  }
0x128: {  	_ =	swait.ge [sflag:s3], $0x50  }
0x129: {  	[sflag:s3] =	ssyncset.done $0x0  }
0x12a: {  	[sflag:s3] =	ssyncadd.s32 $0xFFFFFFB0  }
0x12b: {  	_ =	swait.ge [sflag:s3], $0x50  }
0x12c: {  	[sflag:s3] =	ssyncset.done $0x0  }
0x12d: {  	[sflag:s3] =	ssyncadd.s32 $0xFFFFFFB0  }
0x12e: {  	_ =	swait.ge [sflag:s3], $0x50  }
0x12f: {  	[sflag:s3] =	ssyncset.done $0x0  }
0x130: {  	[sflag:s3] =	ssyncadd.s32 $0xFFFFFFB0  }
0x131: {  	_ =	swait.ge [sflag:s3], $0x50  }
0x132: {  	[sflag:s3] =	ssyncset.done $0x0  }
0x133: {  	[sflag:s3] =	ssyncadd.s32 $0xFFFFFFB0  }
0x134: {  	_ =	swait.ge [sflag:s3], $0x50  }
0x135: {  	[sflag:s3] =	ssyncset.done $0x0  }
0x136: {  	s5 =	rddreg [dreg:$0x6];
	[sflag:s3] =	ssyncadd.s32 $0xFFFFFFB0  }
0x137: {  	[tilespmem:s2], [sflag:$0x2] =	stream.linear.gather [hbm4b:s5+s2], $0xC80, $0x38;
	[tilespmem:$0x1580] =	vst v63  }
0x138: {  	_ =	swait.ge [sflag:s4], $0xC80  }
0x139: {  	[sflag:s4] =	ssyncset.done $0x0  }
0x13a: {  	[sflag:s4] =	ssyncadd.s32 $0xFFFFF380  }
0x13b: {  	[spmem:s1] =	stream.indirect.scatter.add.f32 [tilespmem:s7], [sflag:$0x1], $0x1, s2, s6, $0xb8;
	[tilespmem:$0x1580] =	vst v63  }
0x13c: {  	s0 =	simm.s32 $0x80  }
0x13d: {  	[spmem:s1] =	stream.indirect.scatter.add.f32 [tilespmem:s7], [sflag:$0x1], $0x1, s0, s6, $0xb8;
	[tilespmem:$0x1580] =	vst v63  }
0x13e: {  	s8 =	simm.s32 $0x100  }
0x13f: {  	[spmem:s1] =	stream.indirect.scatter.add.f32 [tilespmem:s7], [sflag:$0x1], $0x1, s8, s6, $0xb8;
	[tilespmem:$0x1580] =	vst v63  }
0x140: {  	s9 =	simm.s32 $0x180  }
0x141: {  	[spmem:s1] =	stream.indirect.scatter.add.f32 [tilespmem:s7], [sflag:$0x1], $0x1, s9, s6, $0xb8;
	[tilespmem:$0x1580] =	vst v63  }
0x142: {  	s10 =	simm.s32 $0x200  }
0x143: {  	[spmem:s1] =	stream.indirect.scatter.add.f32 [tilespmem:s7], [sflag:$0x1], $0x1, s10, s6, $0xb8;
	[tilespmem:$0x1580] =	vst v63  }
0x144: {  	s11 =	simm.s32 $0x280  }
0x145: {  	[spmem:s1] =	stream.indirect.scatter.add.f32 [tilespmem:s7], [sflag:$0x1], $0x1, s11, s6, $0xb8;
	[tilespmem:$0x1580] =	vst v63  }
0x146: {  	s12 =	simm.s32 $0x300  }
0x147: {  	[spmem:s1] =	stream.indirect.scatter.add.f32 [tilespmem:s7], [sflag:$0x1], $0x1, s12, s6, $0xb8;
	[tilespmem:$0x1580] =	vst v63  }
0x148: {  	s13 =	simm.s32 $0x380  }
0x149: {  	[spmem:s1] =	stream.indirect.scatter.add.f32 [tilespmem:s7], [sflag:$0x1], $0x1, s13, s6, $0xb8;
	[tilespmem:$0x1580] =	vst v63  }
0x14a: {  	s21 =	simm.s32 $0x400  }
0x14b: {  	[spmem:s1] =	stream.indirect.scatter.add.f32 [tilespmem:s7], [sflag:$0x1], $0x1, s21, s6, $0xb8;
	[tilespmem:$0x1580] =	vst v63  }
0x14c: {  	s30 =	simm.s32 $0x480  }
0x14d: {  	[spmem:s1] =	stream.indirect.scatter.add.f32 [tilespmem:s7], [sflag:$0x1], $0x1, s30, s6, $0xb8;
	[tilespmem:$0x1580] =	vst v63  }
0x14e: {  	s14 =	simm.s32 $0x500  }
0x14f: {  	[spmem:s1] =	stream.indirect.scatter.add.f32 [tilespmem:s7], [sflag:$0x1], $0x1, s14, s6, $0xb8;
	[tilespmem:$0x1580] =	vst v63  }
0x150: {  	s28 =	simm.s32 $0x580  }
0x151: {  	[spmem:s1] =	stream.indirect.scatter.add.f32 [tilespmem:s7], [sflag:$0x1], $0x1, s28, s6, $0xb8;
	[tilespmem:$0x1580] =	vst v63  }
0x152: {  	s31 =	simm.s32 $0x600  }
0x153: {  	[spmem:s1] =	stream.indirect.scatter.add.f32 [tilespmem:s7], [sflag:$0x1], $0x1, s31, s6, $0xb8;
	[tilespmem:$0x1580] =	vst v63  }
0x154: {  	s29 =	simm.s32 $0x680  }
0x155: {  	[spmem:s1] =	stream.indirect.scatter.add.f32 [tilespmem:s7], [sflag:$0x1], $0x1, s29, s6, $0xb8;
	[tilespmem:$0x1580] =	vst v63  }
0x156: {  	s25 =	simm.s32 $0x700  }
0x157: {  	[spmem:s1] =	stream.indirect.scatter.add.f32 [tilespmem:s7], [sflag:$0x1], $0x1, s25, s6, $0xb8;
	[tilespmem:$0x1580] =	vst v63  }
0x158: {  	s26 =	simm.s32 $0x780  }
0x159: {  	[spmem:s1] =	stream.indirect.scatter.add.f32 [tilespmem:s7], [sflag:$0x1], $0x1, s26, s6, $0xb8;
	[tilespmem:$0x1580] =	vst v63  }
0x15a: {  	s24 =	simm.s32 $0x800  }
0x15b: {  	[spmem:s1] =	stream.indirect.scatter.add.f32 [tilespmem:s7], [sflag:$0x1], $0x1, s24, s6, $0xb8;
	[tilespmem:$0x1580] =	vst v63  }
0x15c: {  	s23 =	simm.s32 $0x880  }
0x15d: {  	[spmem:s1] =	stream.indirect.scatter.add.f32 [tilespmem:s7], [sflag:$0x1], $0x1, s23, s6, $0xb8;
	[tilespmem:$0x1580] =	vst v63  }
0x15e: {  	s15 =	simm.s32 $0x900  }
0x15f: {  	[spmem:s1] =	stream.indirect.scatter.add.f32 [tilespmem:s7], [sflag:$0x1], $0x1, s15, s6, $0xb8;
	[tilespmem:$0x1580] =	vst v63  }
0x160: {  	s19 =	simm.s32 $0x980  }
0x161: {  	[spmem:s1] =	stream.indirect.scatter.add.f32 [tilespmem:s7], [sflag:$0x1], $0x1, s19, s6, $0xb8;
	[tilespmem:$0x1580] =	vst v63  }
0x162: {  	s22 =	simm.s32 $0xA00  }
0x163: {  	[spmem:s1] =	stream.indirect.scatter.add.f32 [tilespmem:s7], [sflag:$0x1], $0x1, s22, s6, $0xb8;
	[tilespmem:$0x1580] =	vst v63  }
0x164: {  	s20 =	simm.s32 $0xA80  }
0x165: {  	[spmem:s1] =	stream.indirect.scatter.add.f32 [tilespmem:s7], [sflag:$0x1], $0x1, s20, s6, $0xb8;
	[tilespmem:$0x1580] =	vst v63  }
0x166: {  	s16 =	simm.s32 $0xB00  }
0x167: {  	[spmem:s1] =	stream.indirect.scatter.add.f32 [tilespmem:s7], [sflag:$0x1], $0x1, s16, s6, $0xb8;
	[tilespmem:$0x1580] =	vst v63  }
0x168: {  	s17 =	simm.s32 $0xB80  }
0x169: {  	[spmem:s1] =	stream.indirect.scatter.add.f32 [tilespmem:s7], [sflag:$0x1], $0x1, s17, s6, $0xb8;
	[tilespmem:$0x1580] =	vst v63  }
0x16a: {  	s18 =	simm.s32 $0xC00  }
0x16b: {  	[spmem:s1] =	stream.indirect.scatter.add.f32 [tilespmem:s7], [sflag:$0x1], $0x1, s18, s6, $0xb8;
	[tilespmem:$0x1580] =	vst v63  }
0x16c: {  	_ =	swait.ge [sflag:s3], $0x50  }
0x16d: {  	[sflag:s3] =	ssyncset.done $0x0  }
0x16e: {  	[sflag:s3] =	ssyncadd.s32 $0xFFFFFFB0  }
0x16f: {  	_ =	swait.ge [sflag:s3], $0x50  }
0x170: {  	[sflag:s3] =	ssyncset.done $0x0  }
0x171: {  	[sflag:s3] =	ssyncadd.s32 $0xFFFFFFB0  }
0x172: {  	_ =	swait.ge [sflag:s3], $0x50  }
0x173: {  	[sflag:s3] =	ssyncset.done $0x0  }
0x174: {  	[sflag:s3] =	ssyncadd.s32 $0xFFFFFFB0  }
0x175: {  	_ =	swait.ge [sflag:s3], $0x50  }
0x176: {  	[sflag:s3] =	ssyncset.done $0x0  }
0x177: {  	[sflag:s3] =	ssyncadd.s32 $0xFFFFFFB0  }
0x178: {  	_ =	swait.ge [sflag:s3], $0x50  }
0x179: {  	[sflag:s3] =	ssyncset.done $0x0  }
0x17a: {  	[sflag:s3] =	ssyncadd.s32 $0xFFFFFFB0  }
0x17b: {  	_ =	swait.ge [sflag:s3], $0x50  }
0x17c: {  	[sflag:s3] =	ssyncset.done $0x0  }
0x17d: {  	[sflag:s3] =	ssyncadd.s32 $0xFFFFFFB0  }
0x17e: {  	_ =	swait.ge [sflag:s3], $0x50  }
0x17f: {  	[sflag:s3] =	ssyncset.done $0x0  }
0x180: {  	[sflag:s3] =	ssyncadd.s32 $0xFFFFFFB0  }
0x181: {  	_ =	swait.ge [sflag:s3], $0x50  }
0x182: {  	[sflag:s3] =	ssyncset.done $0x0  }
0x183: {  	[sflag:s3] =	ssyncadd.s32 $0xFFFFFFB0  }
0x184: {  	_ =	swait.ge [sflag:s3], $0x50  }
0x185: {  	[sflag:s3] =	ssyncset.done $0x0  }
0x186: {  	[sflag:s3] =	ssyncadd.s32 $0xFFFFFFB0  }
0x187: {  	_ =	swait.ge [sflag:s3], $0x50  }
0x188: {  	[sflag:s3] =	ssyncset.done $0x0  }
0x189: {  	[sflag:s3] =	ssyncadd.s32 $0xFFFFFFB0  }
0x18a: {  	_ =	swait.ge [sflag:s3], $0x50  }
0x18b: {  	[sflag:s3] =	ssyncset.done $0x0  }
0x18c: {  	[sflag:s3] =	ssyncadd.s32 $0xFFFFFFB0  }
0x18d: {  	_ =	swait.ge [sflag:s3], $0x50  }
0x18e: {  	[sflag:s3] =	ssyncset.done $0x0  }
0x18f: {  	[sflag:s3] =	ssyncadd.s32 $0xFFFFFFB0  }
0x190: {  	_ =	swait.ge [sflag:s3], $0x50  }
0x191: {  	[sflag:s3] =	ssyncset.done $0x0  }
0x192: {  	[sflag:s3] =	ssyncadd.s32 $0xFFFFFFB0  }
0x193: {  	_ =	swait.ge [sflag:s3], $0x50  }
0x194: {  	[sflag:s3] =	ssyncset.done $0x0  }
0x195: {  	[sflag:s3] =	ssyncadd.s32 $0xFFFFFFB0  }
0x196: {  	_ =	swait.ge [sflag:s3], $0x50  }
0x197: {  	[sflag:s3] =	ssyncset.done $0x0  }
0x198: {  	[sflag:s3] =	ssyncadd.s32 $0xFFFFFFB0  }
0x199: {  	_ =	swait.ge [sflag:s3], $0x50  }
0x19a: {  	[sflag:s3] =	ssyncset.done $0x0  }
0x19b: {  	[sflag:s3] =	ssyncadd.s32 $0xFFFFFFB0  }
0x19c: {  	_ =	swait.ge [sflag:s3], $0x50  }
0x19d: {  	[sflag:s3] =	ssyncset.done $0x0  }
0x19e: {  	[sflag:s3] =	ssyncadd.s32 $0xFFFFFFB0  }
0x19f: {  	_ =	swait.ge [sflag:s3], $0x50  }
0x1a0: {  	[sflag:s3] =	ssyncset.done $0x0  }
0x1a1: {  	[sflag:s3] =	ssyncadd.s32 $0xFFFFFFB0  }
0x1a2: {  	_ =	swait.ge [sflag:s3], $0x50  }
0x1a3: {  	[sflag:s3] =	ssyncset.done $0x0  }
0x1a4: {  	[sflag:s3] =	ssyncadd.s32 $0xFFFFFFB0  }
0x1a5: {  	_ =	swait.ge [sflag:s3], $0x50  }
0x1a6: {  	[sflag:s3] =	ssyncset.done $0x0  }
0x1a7: {  	[sflag:s3] =	ssyncadd.s32 $0xFFFFFFB0  }
0x1a8: {  	_ =	swait.ge [sflag:s3], $0x50  }
0x1a9: {  	[sflag:s3] =	ssyncset.done $0x0  }
0x1aa: {  	[sflag:s3] =	ssyncadd.s32 $0xFFFFFFB0  }
0x1ab: {  	_ =	swait.ge [sflag:s3], $0x50  }
0x1ac: {  	[sflag:s3] =	ssyncset.done $0x0  }
0x1ad: {  	[sflag:s3] =	ssyncadd.s32 $0xFFFFFFB0  }
0x1ae: {  	_ =	swait.ge [sflag:s3], $0x50  }
0x1af: {  	[sflag:s3] =	ssyncset.done $0x0  }
0x1b0: {  	[sflag:s3] =	ssyncadd.s32 $0xFFFFFFB0  }
0x1b1: {  	_ =	swait.ge [sflag:s3], $0x50  }
0x1b2: {  	[sflag:s3] =	ssyncset.done $0x0  }
0x1b3: {  	[sflag:s3] =	ssyncadd.s32 $0xFFFFFFB0  }
0x1b4: {  	_ =	swait.ge [sflag:s3], $0x50  }
0x1b5: {  	[sflag:s3] =	ssyncset.done $0x0  }
0x1b6: {  	s18 =	rddreg [dreg:$0x7];
	[sflag:s3] =	ssyncadd.s32 $0xFFFFFFB0  }
0x1b7: {  	[tilespmem:s2], [sflag:$0x2] =	stream.linear.gather [hbm4b:s18+s2], $0xC80, $0x38;
	[tilespmem:$0x1580] =	vst v63  }
0x1b8: {  	_ =	swait.ge [sflag:s4], $0xC80  }
0x1b9: {  	[sflag:s4] =	ssyncset.done $0x0  }
0x1ba: {  	[sflag:s4] =	ssyncadd.s32 $0xFFFFF380  }
0x1bb: {  	[spmem:s1] =	stream.indirect.scatter.add.f32 [tilespmem:s7], [sflag:$0x1], $0x1, s2, s6, $0xb8;
	[tilespmem:$0x1580] =	vst v63  }
0x1bc: {  	s0 =	simm.s32 $0x80  }
0x1bd: {  	[spmem:s1] =	stream.indirect.scatter.add.f32 [tilespmem:s7], [sflag:$0x1], $0x1, s0, s6, $0xb8;
	[tilespmem:$0x1580] =	vst v63  }
0x1be: {  	s8 =	simm.s32 $0x100  }
0x1bf: {  	[spmem:s1] =	stream.indirect.scatter.add.f32 [tilespmem:s7], [sflag:$0x1], $0x1, s8, s6, $0xb8;
	[tilespmem:$0x1580] =	vst v63  }
0x1c0: {  	s9 =	simm.s32 $0x180  }
0x1c1: {  	[spmem:s1] =	stream.indirect.scatter.add.f32 [tilespmem:s7], [sflag:$0x1], $0x1, s9, s6, $0xb8;
	[tilespmem:$0x1580] =	vst v63  }
0x1c2: {  	s10 =	simm.s32 $0x200  }
0x1c3: {  	[spmem:s1] =	stream.indirect.scatter.add.f32 [tilespmem:s7], [sflag:$0x1], $0x1, s10, s6, $0xb8;
	[tilespmem:$0x1580] =	vst v63  }
0x1c4: {  	s11 =	simm.s32 $0x280  }
0x1c5: {  	[spmem:s1] =	stream.indirect.scatter.add.f32 [tilespmem:s7], [sflag:$0x1], $0x1, s11, s6, $0xb8;
	[tilespmem:$0x1580] =	vst v63  }
0x1c6: {  	s12 =	simm.s32 $0x300  }
0x1c7: {  	[spmem:s1] =	stream.indirect.scatter.add.f32 [tilespmem:s7], [sflag:$0x1], $0x1, s12, s6, $0xb8;
	[tilespmem:$0x1580] =	vst v63  }
0x1c8: {  	s13 =	simm.s32 $0x380  }
0x1c9: {  	[spmem:s1] =	stream.indirect.scatter.add.f32 [tilespmem:s7], [sflag:$0x1], $0x1, s13, s6, $0xb8;
	[tilespmem:$0x1580] =	vst v63  }
0x1ca: {  	s20 =	simm.s32 $0x400  }
0x1cb: {  	[spmem:s1] =	stream.indirect.scatter.add.f32 [tilespmem:s7], [sflag:$0x1], $0x1, s20, s6, $0xb8;
	[tilespmem:$0x1580] =	vst v63  }
0x1cc: {  	s21 =	simm.s32 $0x480  }
0x1cd: {  	[spmem:s1] =	stream.indirect.scatter.add.f32 [tilespmem:s7], [sflag:$0x1], $0x1, s21, s6, $0xb8;
	[tilespmem:$0x1580] =	vst v63  }
0x1ce: {  	s22 =	simm.s32 $0x500  }
0x1cf: {  	[spmem:s1] =	stream.indirect.scatter.add.f32 [tilespmem:s7], [sflag:$0x1], $0x1, s22, s6, $0xb8;
	[tilespmem:$0x1580] =	vst v63  }
0x1d0: {  	s28 =	simm.s32 $0x580  }
0x1d1: {  	[spmem:s1] =	stream.indirect.scatter.add.f32 [tilespmem:s7], [sflag:$0x1], $0x1, s28, s6, $0xb8;
	[tilespmem:$0x1580] =	vst v63  }
0x1d2: {  	s28 =	simm.s32 $0x600  }
0x1d3: {  	[spmem:s1] =	stream.indirect.scatter.add.f32 [tilespmem:s7], [sflag:$0x1], $0x1, s28, s6, $0xb8;
	[tilespmem:$0x1580] =	vst v63  }
0x1d4: {  	s30 =	simm.s32 $0x680  }
0x1d5: {  	[spmem:s1] =	stream.indirect.scatter.add.f32 [tilespmem:s7], [sflag:$0x1], $0x1, s30, s6, $0xb8;
	[tilespmem:$0x1580] =	vst v63  }
0x1d6: {  	s25 =	simm.s32 $0x700  }
0x1d7: {  	[spmem:s1] =	stream.indirect.scatter.add.f32 [tilespmem:s7], [sflag:$0x1], $0x1, s25, s6, $0xb8;
	[tilespmem:$0x1580] =	vst v63  }
0x1d8: {  	s29 =	simm.s32 $0x780  }
0x1d9: {  	[spmem:s1] =	stream.indirect.scatter.add.f32 [tilespmem:s7], [sflag:$0x1], $0x1, s29, s6, $0xb8;
	[tilespmem:$0x1580] =	vst v63  }
0x1da: {  	s26 =	simm.s32 $0x800  }
0x1db: {  	[spmem:s1] =	stream.indirect.scatter.add.f32 [tilespmem:s7], [sflag:$0x1], $0x1, s26, s6, $0xb8;
	[tilespmem:$0x1580] =	vst v63  }
0x1dc: {  	s24 =	simm.s32 $0x880  }
0x1dd: {  	[spmem:s1] =	stream.indirect.scatter.add.f32 [tilespmem:s7], [sflag:$0x1], $0x1, s24, s6, $0xb8;
	[tilespmem:$0x1580] =	vst v63  }
0x1de: {  	s15 =	simm.s32 $0x900  }
0x1df: {  	[spmem:s1] =	stream.indirect.scatter.add.f32 [tilespmem:s7], [sflag:$0x1], $0x1, s15, s6, $0xb8;
	[tilespmem:$0x1580] =	vst v63  }
0x1e0: {  	s14 =	simm.s32 $0x980  }
0x1e1: {  	[spmem:s1] =	stream.indirect.scatter.add.f32 [tilespmem:s7], [sflag:$0x1], $0x1, s14, s6, $0xb8;
	[tilespmem:$0x1580] =	vst v63  }
0x1e2: {  	s15 =	simm.s32 $0xA00  }
0x1e3: {  	[spmem:s1] =	stream.indirect.scatter.add.f32 [tilespmem:s7], [sflag:$0x1], $0x1, s15, s6, $0xb8;
	[tilespmem:$0x1580] =	vst v63  }
0x1e4: {  	s23 =	simm.s32 $0xA80  }
0x1e5: {  	[spmem:s1] =	stream.indirect.scatter.add.f32 [tilespmem:s7], [sflag:$0x1], $0x1, s23, s6, $0xb8;
	[tilespmem:$0x1580] =	vst v63  }
0x1e6: {  	s16 =	simm.s32 $0xB00  }
0x1e7: {  	[spmem:s1] =	stream.indirect.scatter.add.f32 [tilespmem:s7], [sflag:$0x1], $0x1, s16, s6, $0xb8;
	[tilespmem:$0x1580] =	vst v63  }
0x1e8: {  	s17 =	simm.s32 $0xB80  }
0x1e9: {  	[spmem:s1] =	stream.indirect.scatter.add.f32 [tilespmem:s7], [sflag:$0x1], $0x1, s17, s6, $0xb8;
	[tilespmem:$0x1580] =	vst v63  }
0x1ea: {  	s19 =	simm.s32 $0xC00  }
0x1eb: {  	[spmem:s1] =	stream.indirect.scatter.add.f32 [tilespmem:s7], [sflag:$0x1], $0x1, s19, s6, $0xb8;
	[tilespmem:$0x1580] =	vst v63  }
0x1ec: {  	_ =	swait.ge [sflag:s3], $0x50  }
0x1ed: {  	[sflag:s3] =	ssyncset.done $0x0  }
0x1ee: {  	[sflag:s3] =	ssyncadd.s32 $0xFFFFFFB0  }
0x1ef: {  	_ =	swait.ge [sflag:s3], $0x50  }
0x1f0: {  	[sflag:s3] =	ssyncset.done $0x0  }
0x1f1: {  	[sflag:s3] =	ssyncadd.s32 $0xFFFFFFB0  }
0x1f2: {  	_ =	swait.ge [sflag:s3], $0x50  }
0x1f3: {  	[sflag:s3] =	ssyncset.done $0x0  }
0x1f4: {  	[sflag:s3] =	ssyncadd.s32 $0xFFFFFFB0  }
0x1f5: {  	_ =	swait.ge [sflag:s3], $0x50  }
0x1f6: {  	[sflag:s3] =	ssyncset.done $0x0  }
0x1f7: {  	[sflag:s3] =	ssyncadd.s32 $0xFFFFFFB0  }
0x1f8: {  	_ =	swait.ge [sflag:s3], $0x50  }
0x1f9: {  	[sflag:s3] =	ssyncset.done $0x0  }
0x1fa: {  	[sflag:s3] =	ssyncadd.s32 $0xFFFFFFB0  }
0x1fb: {  	_ =	swait.ge [sflag:s3], $0x50  }
0x1fc: {  	[sflag:s3] =	ssyncset.done $0x0  }
0x1fd: {  	[sflag:s3] =	ssyncadd.s32 $0xFFFFFFB0  }
0x1fe: {  	_ =	swait.ge [sflag:s3], $0x50  }
0x1ff: {  	[sflag:s3] =	ssyncset.done $0x0  }
0x200: {  	[sflag:s3] =	ssyncadd.s32 $0xFFFFFFB0  }
0x201: {  	_ =	swait.ge [sflag:s3], $0x50  }
0x202: {  	[sflag:s3] =	ssyncset.done $0x0  }
0x203: {  	[sflag:s3] =	ssyncadd.s32 $0xFFFFFFB0  }
0x204: {  	_ =	swait.ge [sflag:s3], $0x50  }
0x205: {  	[sflag:s3] =	ssyncset.done $0x0  }
0x206: {  	[sflag:s3] =	ssyncadd.s32 $0xFFFFFFB0  }
0x207: {  	_ =	swait.ge [sflag:s3], $0x50  }
0x208: {  	[sflag:s3] =	ssyncset.done $0x0  }
0x209: {  	[sflag:s3] =	ssyncadd.s32 $0xFFFFFFB0  }
0x20a: {  	_ =	swait.ge [sflag:s3], $0x50  }
0x20b: {  	[sflag:s3] =	ssyncset.done $0x0  }
0x20c: {  	[sflag:s3] =	ssyncadd.s32 $0xFFFFFFB0  }
0x20d: {  	_ =	swait.ge [sflag:s3], $0x50  }
0x20e: {  	[sflag:s3] =	ssyncset.done $0x0  }
0x20f: {  	[sflag:s3] =	ssyncadd.s32 $0xFFFFFFB0  }
0x210: {  	_ =	swait.ge [sflag:s3], $0x50  }
0x211: {  	[sflag:s3] =	ssyncset.done $0x0  }
0x212: {  	[sflag:s3] =	ssyncadd.s32 $0xFFFFFFB0  }
0x213: {  	_ =	swait.ge [sflag:s3], $0x50  }
0x214: {  	[sflag:s3] =	ssyncset.done $0x0  }
0x215: {  	[sflag:s3] =	ssyncadd.s32 $0xFFFFFFB0  }
0x216: {  	_ =	swait.ge [sflag:s3], $0x50  }
0x217: {  	[sflag:s3] =	ssyncset.done $0x0  }
0x218: {  	[sflag:s3] =	ssyncadd.s32 $0xFFFFFFB0  }
0x219: {  	_ =	swait.ge [sflag:s3], $0x50  }
0x21a: {  	[sflag:s3] =	ssyncset.done $0x0  }
0x21b: {  	[sflag:s3] =	ssyncadd.s32 $0xFFFFFFB0  }
0x21c: {  	_ =	swait.ge [sflag:s3], $0x50  }
0x21d: {  	[sflag:s3] =	ssyncset.done $0x0  }
0x21e: {  	[sflag:s3] =	ssyncadd.s32 $0xFFFFFFB0  }
0x21f: {  	_ =	swait.ge [sflag:s3], $0x50  }
0x220: {  	[sflag:s3] =	ssyncset.done $0x0  }
0x221: {  	[sflag:s3] =	ssyncadd.s32 $0xFFFFFFB0  }
0x222: {  	_ =	swait.ge [sflag:s3], $0x50  }
0x223: {  	[sflag:s3] =	ssyncset.done $0x0  }
0x224: {  	[sflag:s3] =	ssyncadd.s32 $0xFFFFFFB0  }
0x225: {  	_ =	swait.ge [sflag:s3], $0x50  }
0x226: {  	[sflag:s3] =	ssyncset.done $0x0  }
0x227: {  	[sflag:s3] =	ssyncadd.s32 $0xFFFFFFB0  }
0x228: {  	_ =	swait.ge [sflag:s3], $0x50  }
0x229: {  	[sflag:s3] =	ssyncset.done $0x0  }
0x22a: {  	[sflag:s3] =	ssyncadd.s32 $0xFFFFFFB0  }
0x22b: {  	_ =	swait.ge [sflag:s3], $0x50  }
0x22c: {  	[sflag:s3] =	ssyncset.done $0x0  }
0x22d: {  	[sflag:s3] =	ssyncadd.s32 $0xFFFFFFB0  }
0x22e: {  	_ =	swait.ge [sflag:s3], $0x50  }
0x22f: {  	[sflag:s3] =	ssyncset.done $0x0  }
0x230: {  	[sflag:s3] =	ssyncadd.s32 $0xFFFFFFB0  }
0x231: {  	_ =	swait.ge [sflag:s3], $0x50  }
0x232: {  	[sflag:s3] =	ssyncset.done $0x0  }
0x233: {  	[sflag:s3] =	ssyncadd.s32 $0xFFFFFFB0  }
0x234: {  	_ =	swait.ge [sflag:s3], $0x50  }
0x235: {  	[sflag:s3] =	ssyncset.done $0x0  }
0x236: {  	s19 =	rddreg [dreg:$0x8];
	[sflag:s3] =	ssyncadd.s32 $0xFFFFFFB0  }
0x237: {  	[tilespmem:s2], [sflag:$0x2] =	stream.linear.gather [hbm4b:s19+s2], $0xC80, $0x38;
	[tilespmem:$0x1580] =	vst v63  }
0x238: {  	_ =	swait.ge [sflag:s4], $0xC80  }
0x239: {  	[sflag:s4] =	ssyncset.done $0x0  }
0x23a: {  	[sflag:s4] =	ssyncadd.s32 $0xFFFFF380  }
0x23b: {  	[spmem:s1] =	stream.indirect.scatter.add.f32 [tilespmem:s7], [sflag:$0x1], $0x1, s2, s6, $0xb8;
	[tilespmem:$0x1580] =	vst v63  }
0x23c: {  	s18 =	simm.s32 $0x80  }
0x23d: {  	[spmem:s1] =	stream.indirect.scatter.add.f32 [tilespmem:s7], [sflag:$0x1], $0x1, s18, s6, $0xb8;
	[tilespmem:$0x1580] =	vst v63  }
0x23e: {  	s0 =	simm.s32 $0x100  }
0x23f: {  	[spmem:s1] =	stream.indirect.scatter.add.f32 [tilespmem:s7], [sflag:$0x1], $0x1, s0, s6, $0xb8;
	[tilespmem:$0x1580] =	vst v63  }
0x240: {  	s8 =	simm.s32 $0x180  }
0x241: {  	[spmem:s1] =	stream.indirect.scatter.add.f32 [tilespmem:s7], [sflag:$0x1], $0x1, s8, s6, $0xb8;
	[tilespmem:$0x1580] =	vst v63  }
0x242: {  	s9 =	simm.s32 $0x200  }
0x243: {  	[spmem:s1] =	stream.indirect.scatter.add.f32 [tilespmem:s7], [sflag:$0x1], $0x1, s9, s6, $0xb8;
	[tilespmem:$0x1580] =	vst v63  }
0x244: {  	s10 =	simm.s32 $0x280  }
0x245: {  	[spmem:s1] =	stream.indirect.scatter.add.f32 [tilespmem:s7], [sflag:$0x1], $0x1, s10, s6, $0xb8;
	[tilespmem:$0x1580] =	vst v63  }
0x246: {  	s11 =	simm.s32 $0x300  }
0x247: {  	[spmem:s1] =	stream.indirect.scatter.add.f32 [tilespmem:s7], [sflag:$0x1], $0x1, s11, s6, $0xb8;
	[tilespmem:$0x1580] =	vst v63  }
0x248: {  	s12 =	simm.s32 $0x380  }
0x249: {  	[spmem:s1] =	stream.indirect.scatter.add.f32 [tilespmem:s7], [sflag:$0x1], $0x1, s12, s6, $0xb8;
	[tilespmem:$0x1580] =	vst v63  }
0x24a: {  	s20 =	simm.s32 $0x400  }
0x24b: {  	[spmem:s1] =	stream.indirect.scatter.add.f32 [tilespmem:s7], [sflag:$0x1], $0x1, s20, s6, $0xb8;
	[tilespmem:$0x1580] =	vst v63  }
0x24c: {  	s13 =	simm.s32 $0x480  }
0x24d: {  	[spmem:s1] =	stream.indirect.scatter.add.f32 [tilespmem:s7], [sflag:$0x1], $0x1, s13, s6, $0xb8;
	[tilespmem:$0x1580] =	vst v63  }
0x24e: {  	s31 =	simm.s32 $0x500  }
0x24f: {  	[spmem:s1] =	stream.indirect.scatter.add.f32 [tilespmem:s7], [sflag:$0x1], $0x1, s31, s6, $0xb8;
	[tilespmem:$0x1580] =	vst v63  }
0x250: {  	s22 =	simm.s32 $0x580  }
0x251: {  	[spmem:s1] =	stream.indirect.scatter.add.f32 [tilespmem:s7], [sflag:$0x1], $0x1, s22, s6, $0xb8;
	[tilespmem:$0x1580] =	vst v63  }
0x252: {  	s20 =	simm.s32 $0x600  }
0x253: {  	[spmem:s1] =	stream.indirect.scatter.add.f32 [tilespmem:s7], [sflag:$0x1], $0x1, s20, s6, $0xb8;
	[tilespmem:$0x1580] =	vst v63  }
0x254: {  	s30 =	simm.s32 $0x680  }
0x255: {  	[spmem:s1] =	stream.indirect.scatter.add.f32 [tilespmem:s7], [sflag:$0x1], $0x1, s30, s6, $0xb8;
	[tilespmem:$0x1580] =	vst v63  }
0x256: {  	s28 =	simm.s32 $0x700  }
0x257: {  	[spmem:s1] =	stream.indirect.scatter.add.f32 [tilespmem:s7], [sflag:$0x1], $0x1, s28, s6, $0xb8;
	[tilespmem:$0x1580] =	vst v63  }
0x258: {  	s29 =	simm.s32 $0x780  }
0x259: {  	[spmem:s1] =	stream.indirect.scatter.add.f32 [tilespmem:s7], [sflag:$0x1], $0x1, s29, s6, $0xb8;
	[tilespmem:$0x1580] =	vst v63  }
0x25a: {  	s26 =	simm.s32 $0x800  }
0x25b: {  	[spmem:s1] =	stream.indirect.scatter.add.f32 [tilespmem:s7], [sflag:$0x1], $0x1, s26, s6, $0xb8;
	[tilespmem:$0x1580] =	vst v63  }
0x25c: {  	s24 =	simm.s32 $0x880  }
0x25d: {  	[spmem:s1] =	stream.indirect.scatter.add.f32 [tilespmem:s7], [sflag:$0x1], $0x1, s24, s6, $0xb8;
	[tilespmem:$0x1580] =	vst v63  }
0x25e: {  	s25 =	simm.s32 $0x900  }
0x25f: {  	[spmem:s1] =	stream.indirect.scatter.add.f32 [tilespmem:s7], [sflag:$0x1], $0x1, s25, s6, $0xb8;
	[tilespmem:$0x1580] =	vst v63  }
0x260: {  	s21 =	simm.s32 $0x980  }
0x261: {  	[spmem:s1] =	stream.indirect.scatter.add.f32 [tilespmem:s7], [sflag:$0x1], $0x1, s21, s6, $0xb8;
	[tilespmem:$0x1580] =	vst v63  }
0x262: {  	s22 =	simm.s32 $0xA00  }
0x263: {  	[spmem:s1] =	stream.indirect.scatter.add.f32 [tilespmem:s7], [sflag:$0x1], $0x1, s22, s6, $0xb8;
	[tilespmem:$0x1580] =	vst v63  }
0x264: {  	s14 =	simm.s32 $0xA80  }
0x265: {  	[spmem:s1] =	stream.indirect.scatter.add.f32 [tilespmem:s7], [sflag:$0x1], $0x1, s14, s6, $0xb8;
	[tilespmem:$0x1580] =	vst v63  }
0x266: {  	s15 =	simm.s32 $0xB00  }
0x267: {  	[spmem:s1] =	stream.indirect.scatter.add.f32 [tilespmem:s7], [sflag:$0x1], $0x1, s15, s6, $0xb8;
	[tilespmem:$0x1580] =	vst v63  }
0x268: {  	s16 =	simm.s32 $0xB80  }
0x269: {  	[spmem:s1] =	stream.indirect.scatter.add.f32 [tilespmem:s7], [sflag:$0x1], $0x1, s16, s6, $0xb8;
	[tilespmem:$0x1580] =	vst v63  }
0x26a: {  	s17 =	simm.s32 $0xC00  }
0x26b: {  	[spmem:s1] =	stream.indirect.scatter.add.f32 [tilespmem:s7], [sflag:$0x1], $0x1, s17, s6, $0xb8;
	[tilespmem:$0x1580] =	vst v63  }
0x26c: {  	_ =	swait.ge [sflag:s3], $0x50  }
0x26d: {  	[sflag:s3] =	ssyncset.done $0x0  }
0x26e: {  	[sflag:s3] =	ssyncadd.s32 $0xFFFFFFB0  }
0x26f: {  	_ =	swait.ge [sflag:s3], $0x50  }
0x270: {  	[sflag:s3] =	ssyncset.done $0x0  }
0x271: {  	[sflag:s3] =	ssyncadd.s32 $0xFFFFFFB0  }
0x272: {  	_ =	swait.ge [sflag:s3], $0x50  }
0x273: {  	[sflag:s3] =	ssyncset.done $0x0  }
0x274: {  	[sflag:s3] =	ssyncadd.s32 $0xFFFFFFB0  }
0x275: {  	_ =	swait.ge [sflag:s3], $0x50  }
0x276: {  	[sflag:s3] =	ssyncset.done $0x0  }
0x277: {  	[sflag:s3] =	ssyncadd.s32 $0xFFFFFFB0  }
0x278: {  	_ =	swait.ge [sflag:s3], $0x50  }
0x279: {  	[sflag:s3] =	ssyncset.done $0x0  }
0x27a: {  	[sflag:s3] =	ssyncadd.s32 $0xFFFFFFB0  }
0x27b: {  	_ =	swait.ge [sflag:s3], $0x50  }
0x27c: {  	[sflag:s3] =	ssyncset.done $0x0  }
0x27d: {  	[sflag:s3] =	ssyncadd.s32 $0xFFFFFFB0  }
0x27e: {  	_ =	swait.ge [sflag:s3], $0x50  }
0x27f: {  	[sflag:s3] =	ssyncset.done $0x0  }
0x280: {  	[sflag:s3] =	ssyncadd.s32 $0xFFFFFFB0  }
0x281: {  	_ =	swait.ge [sflag:s3], $0x50  }
0x282: {  	[sflag:s3] =	ssyncset.done $0x0  }
0x283: {  	[sflag:s3] =	ssyncadd.s32 $0xFFFFFFB0  }
0x284: {  	_ =	swait.ge [sflag:s3], $0x50  }
0x285: {  	[sflag:s3] =	ssyncset.done $0x0  }
0x286: {  	[sflag:s3] =	ssyncadd.s32 $0xFFFFFFB0  }
0x287: {  	_ =	swait.ge [sflag:s3], $0x50  }
0x288: {  	[sflag:s3] =	ssyncset.done $0x0  }
0x289: {  	[sflag:s3] =	ssyncadd.s32 $0xFFFFFFB0  }
0x28a: {  	_ =	swait.ge [sflag:s3], $0x50  }
0x28b: {  	[sflag:s3] =	ssyncset.done $0x0  }
0x28c: {  	[sflag:s3] =	ssyncadd.s32 $0xFFFFFFB0  }
0x28d: {  	_ =	swait.ge [sflag:s3], $0x50  }
0x28e: {  	[sflag:s3] =	ssyncset.done $0x0  }
0x28f: {  	[sflag:s3] =	ssyncadd.s32 $0xFFFFFFB0  }
0x290: {  	_ =	swait.ge [sflag:s3], $0x50  }
0x291: {  	[sflag:s3] =	ssyncset.done $0x0  }
0x292: {  	[sflag:s3] =	ssyncadd.s32 $0xFFFFFFB0  }
0x293: {  	_ =	swait.ge [sflag:s3], $0x50  }
0x294: {  	[sflag:s3] =	ssyncset.done $0x0  }
0x295: {  	[sflag:s3] =	ssyncadd.s32 $0xFFFFFFB0  }
0x296: {  	_ =	swait.ge [sflag:s3], $0x50  }
0x297: {  	[sflag:s3] =	ssyncset.done $0x0  }
0x298: {  	[sflag:s3] =	ssyncadd.s32 $0xFFFFFFB0  }
0x299: {  	_ =	swait.ge [sflag:s3], $0x50  }
0x29a: {  	[sflag:s3] =	ssyncset.done $0x0  }
0x29b: {  	[sflag:s3] =	ssyncadd.s32 $0xFFFFFFB0  }
0x29c: {  	_ =	swait.ge [sflag:s3], $0x50  }
0x29d: {  	[sflag:s3] =	ssyncset.done $0x0  }
0x29e: {  	[sflag:s3] =	ssyncadd.s32 $0xFFFFFFB0  }
0x29f: {  	_ =	swait.ge [sflag:s3], $0x50  }
0x2a0: {  	[sflag:s3] =	ssyncset.done $0x0  }
0x2a1: {  	[sflag:s3] =	ssyncadd.s32 $0xFFFFFFB0  }
0x2a2: {  	_ =	swait.ge [sflag:s3], $0x50  }
0x2a3: {  	[sflag:s3] =	ssyncset.done $0x0  }
0x2a4: {  	[sflag:s3] =	ssyncadd.s32 $0xFFFFFFB0  }
0x2a5: {  	_ =	swait.ge [sflag:s3], $0x50  }
0x2a6: {  	[sflag:s3] =	ssyncset.done $0x0  }
0x2a7: {  	[sflag:s3] =	ssyncadd.s32 $0xFFFFFFB0  }
0x2a8: {  	_ =	swait.ge [sflag:s3], $0x50  }
0x2a9: {  	[sflag:s3] =	ssyncset.done $0x0  }
0x2aa: {  	[sflag:s3] =	ssyncadd.s32 $0xFFFFFFB0  }
0x2ab: {  	_ =	swait.ge [sflag:s3], $0x50  }
0x2ac: {  	[sflag:s3] =	ssyncset.done $0x0  }
0x2ad: {  	[sflag:s3] =	ssyncadd.s32 $0xFFFFFFB0  }
0x2ae: {  	_ =	swait.ge [sflag:s3], $0x50  }
0x2af: {  	[sflag:s3] =	ssyncset.done $0x0  }
0x2b0: {  	[sflag:s3] =	ssyncadd.s32 $0xFFFFFFB0  }
0x2b1: {  	_ =	swait.ge [sflag:s3], $0x50  }
0x2b2: {  	[sflag:s3] =	ssyncset.done $0x0  }
0x2b3: {  	[sflag:s3] =	ssyncadd.s32 $0xFFFFFFB0  }
0x2b4: {  	_ =	swait.ge [sflag:s3], $0x50  }
0x2b5: {  	[sflag:s3] =	ssyncset.done $0x0  }
0x2b6: {  	[sflag:s3] =	ssyncadd.s32 $0xFFFFFFB0  }
0x2b7: {  	[bflag:$0x0] =	sbarrier.arrive $0xFFFF  }
0x2b8: {  	s24 =	rddreg [dreg:$0xc]  }
0x2b9: {  	s28 =	stileid.u32;
	s25 =	rddreg [dreg:$0x9]  }
0x2ba: {  	s29 =	sshll.u32 s28, $0x6;
	s26 =	rddreg [dreg:$0xb]  }
0x2bb: {  	s0 =	sor.u32 $0x1C02, s29;
	s30 =	rddreg [dreg:$0xd]  }
0x2bc: {  	[dreg:$0xe] =	wrdreg s0;
	s2 =	sshrl.u32 s30, $0x3  }
0x2bd: {  	[dreg:$0xf] =	wrdreg s2  }
0x2be: {  	[hbm:s25@s26], [sflag:s0] =	dma.strided [spmem:s2@s24], $0x50, s3, $0x10   }
0x2bf: {  	s0 =	rddreg [dreg:$0x11]  }
0x2c0: {  	s0 =	ssub.s32 $0x2, s0  }
0x2c1: {  	s31 =	sshrl.u32 s0, $0x1  }
0x2c2: {  	s5 =	ssub.s32 s0, s31  }
0x2c3: {  	s5 =	smax.u32 s5, $0x1  }
0x2c4: {  	p0 =	sne.s32 s5, $0x1  }
.Ltmp0:
0x2c5: {  	_ = 	snop;
	(pc) =	sbr.rel @!p0 .LBB2_2-.Ltmp0, $2  }
0x2c6: {  	_ =	sdelay $0x2  }
0x2c7: {  	s0 =	sadd.s32 $0xFFFFFFFF, s5  }
.LBB2_1:
0x2c8: {  	s29 =	sadd.s32 $0xFFFFFFFF, s0  }
0x2c9: {  	[dreg:$0x10] =	wrdreg s29  }
0x2ca: {  	_ =	swait.ge [sflag:s4], $0x50  }
0x2cb: {  	[sflag:s4] =	ssyncset.done $0x0  }
0x2cc: {  	[sflag:s4] =	ssyncadd.s32 $0xFFFFFFB0  }
0x2cd: {  	[tilespmem:$0x1000] =	vst v0  }
0x2ce: {  	[tilespmem:$0x12F0] =	vst v1  }
0x2cf: {  	[tilespmem:$0x12E0] =	vst v1  }
0x2d0: {  	[tilespmem:$0x12D0] =	vst v1  }
0x2d1: {  	[tilespmem:$0x12C0] =	vst v1  }
0x2d2: {  	[tilespmem:$0x12B0] =	vst v1  }
0x2d3: {  	[tilespmem:$0x12A0] =	vst v1  }
0x2d4: {  	[tilespmem:$0x1290] =	vst v1  }
0x2d5: {  	[tilespmem:$0x1280] =	vst v1  }
0x2d6: {  	[tilespmem:$0x1270] =	vst v1  }
0x2d7: {  	[tilespmem:$0x1260] =	vst v1  }
0x2d8: {  	[tilespmem:$0x1250] =	vst v1  }
0x2d9: {  	[tilespmem:$0x1240] =	vst v1  }
0x2da: {  	[tilespmem:$0x1230] =	vst v1  }
0x2db: {  	[tilespmem:$0x1220] =	vst v1  }
0x2dc: {  	[tilespmem:$0x1210] =	vst v1  }
0x2dd: {  	[tilespmem:$0x1200] =	vst v1  }
0x2de: {  	[tilespmem:$0x11F0] =	vst v1  }
0x2df: {  	[tilespmem:$0x11E0] =	vst v1  }
0x2e0: {  	[tilespmem:$0x11D0] =	vst v1  }
0x2e1: {  	[tilespmem:$0x11C0] =	vst v1  }
0x2e2: {  	[tilespmem:$0x11B0] =	vst v1  }
0x2e3: {  	[tilespmem:$0x11A0] =	vst v1  }
0x2e4: {  	[tilespmem:$0x1190] =	vst v1  }
0x2e5: {  	[tilespmem:$0x1180] =	vst v1  }
0x2e6: {  	[tilespmem:$0x1170] =	vst v1  }
0x2e7: {  	[tilespmem:$0x1160] =	vst v1  }
0x2e8: {  	[tilespmem:$0x1150] =	vst v1  }
0x2e9: {  	[tilespmem:$0x1140] =	vst v1  }
0x2ea: {  	[tilespmem:$0x1130] =	vst v1  }
0x2eb: {  	[tilespmem:$0x1120] =	vst v1  }
0x2ec: {  	[tilespmem:$0x1110] =	vst v1  }
0x2ed: {  	[tilespmem:$0x1100] =	vst v1  }
0x2ee: {  	[tilespmem:$0x10F0] =	vst v1  }
0x2ef: {  	[tilespmem:$0x10E0] =	vst v1  }
0x2f0: {  	[tilespmem:$0x10D0] =	vst v1  }
0x2f1: {  	[tilespmem:$0x10C0] =	vst v1  }
0x2f2: {  	[tilespmem:$0x10B0] =	vst v1  }
0x2f3: {  	[tilespmem:$0x10A0] =	vst v1  }
0x2f4: {  	[tilespmem:$0x1090] =	vst v1  }
0x2f5: {  	[tilespmem:$0x1080] =	vst v1  }
0x2f6: {  	[tilespmem:$0x1040] =	vst v0  }
0x2f7: {  	[tilespmem:$0x1030] =	vst v0  }
0x2f8: {  	s8 =	rddreg [dreg:$0xa];
	[tilespmem:$0x1020] =	vst v0  }
0x2f9: {  	s9 =	rddreg [dreg:$0xd];
	[tilespmem:$0x1010] =	vst v0  }
0x2fa: {  	[spmem:s9] =	stream.linear.scatter [tilespmem:s8], [sflag:$0x2], $0x280, $0x38;
	[tilespmem:$0x1580] =	vst v63  }
0x2fb: {  	_ =	swait.ge [sflag:s4], $0x280  }
0x2fc: {  	[sflag:s4] =	ssyncset.done $0x0  }
0x2fd: {  	[sflag:s4] =	ssyncadd.s32 $0xFFFFFD80  }
0x2fe: {  	[bflag:$0x0] =	sbarrier.arrive $0xFFFF  }
0x2ff: {  	p0 =	sne.s32 s0, $0x1;
	s0 =	simm.s32 $0x0;
	s30 =	rddreg [dreg:$0x4]  }
0x300: {  	[tilespmem:s0], [sflag:$0x2] =	stream.linear.gather [hbm4b:s30+s0], $0xC80, $0x38;
	[tilespmem:$0x1580] =	vst v63  }
0x301: {  	_ =	swait.ge [sflag:s4], $0xC80  }
0x302: {  	[sflag:s4] =	ssyncset.done $0x0  }
0x303: {  	[sflag:s4] =	ssyncadd.s32 $0xFFFFF380  }
0x304: {  	[spmem:s1] =	stream.indirect.scatter.add.f32 [tilespmem:s7], [sflag:$0x1], $0x1, s0, s6, $0xb8;
	[tilespmem:$0x1580] =	vst v63  }
0x305: {  	s2 =	simm.s32 $0x80  }
0x306: {  	[spmem:s1] =	stream.indirect.scatter.add.f32 [tilespmem:s7], [sflag:$0x1], $0x1, s2, s6, $0xb8;
	[tilespmem:$0x1580] =	vst v63  }
0x307: {  	s31 =	simm.s32 $0x100  }
0x308: {  	[spmem:s1] =	stream.indirect.scatter.add.f32 [tilespmem:s7], [sflag:$0x1], $0x1, s31, s6, $0xb8;
	[tilespmem:$0x1580] =	vst v63  }
0x309: {  	s5 =	simm.s32 $0x180  }
0x30a: {  	[spmem:s1] =	stream.indirect.scatter.add.f32 [tilespmem:s7], [sflag:$0x1], $0x1, s5, s6, $0xb8;
	[tilespmem:$0x1580] =	vst v63  }
0x30b: {  	s8 =	simm.s32 $0x200  }
0x30c: {  	[spmem:s1] =	stream.indirect.scatter.add.f32 [tilespmem:s7], [sflag:$0x1], $0x1, s8, s6, $0xb8;
	[tilespmem:$0x1580] =	vst v63  }
0x30d: {  	s9 =	simm.s32 $0x280  }
0x30e: {  	[spmem:s1] =	stream.indirect.scatter.add.f32 [tilespmem:s7], [sflag:$0x1], $0x1, s9, s6, $0xb8;
	[tilespmem:$0x1580] =	vst v63  }
0x30f: {  	s11 =	simm.s32 $0x300  }
0x310: {  	[spmem:s1] =	stream.indirect.scatter.add.f32 [tilespmem:s7], [sflag:$0x1], $0x1, s11, s6, $0xb8;
	[tilespmem:$0x1580] =	vst v63  }
0x311: {  	s12 =	simm.s32 $0x380  }
0x312: {  	[spmem:s1] =	stream.indirect.scatter.add.f32 [tilespmem:s7], [sflag:$0x1], $0x1, s12, s6, $0xb8;
	[tilespmem:$0x1580] =	vst v63  }
0x313: {  	s13 =	simm.s32 $0x400  }
0x314: {  	[spmem:s1] =	stream.indirect.scatter.add.f32 [tilespmem:s7], [sflag:$0x1], $0x1, s13, s6, $0xb8;
	[tilespmem:$0x1580] =	vst v63  }
0x315: {  	s14 =	simm.s32 $0x480  }
0x316: {  	[spmem:s1] =	stream.indirect.scatter.add.f32 [tilespmem:s7], [sflag:$0x1], $0x1, s14, s6, $0xb8;
	[tilespmem:$0x1580] =	vst v63  }
0x317: {  	s15 =	simm.s32 $0x500  }
0x318: {  	[spmem:s1] =	stream.indirect.scatter.add.f32 [tilespmem:s7], [sflag:$0x1], $0x1, s15, s6, $0xb8;
	[tilespmem:$0x1580] =	vst v63  }
0x319: {  	s16 =	simm.s32 $0x580  }
0x31a: {  	[spmem:s1] =	stream.indirect.scatter.add.f32 [tilespmem:s7], [sflag:$0x1], $0x1, s16, s6, $0xb8;
	[tilespmem:$0x1580] =	vst v63  }
0x31b: {  	s17 =	simm.s32 $0x600  }
0x31c: {  	[spmem:s1] =	stream.indirect.scatter.add.f32 [tilespmem:s7], [sflag:$0x1], $0x1, s17, s6, $0xb8;
	[tilespmem:$0x1580] =	vst v63  }
0x31d: {  	s18 =	simm.s32 $0x680  }
0x31e: {  	[spmem:s1] =	stream.indirect.scatter.add.f32 [tilespmem:s7], [sflag:$0x1], $0x1, s18, s6, $0xb8;
	[tilespmem:$0x1580] =	vst v63  }
0x31f: {  	s19 =	simm.s32 $0x700  }
0x320: {  	[spmem:s1] =	stream.indirect.scatter.add.f32 [tilespmem:s7], [sflag:$0x1], $0x1, s19, s6, $0xb8;
	[tilespmem:$0x1580] =	vst v63  }
0x321: {  	s20 =	simm.s32 $0x780  }
0x322: {  	[spmem:s1] =	stream.indirect.scatter.add.f32 [tilespmem:s7], [sflag:$0x1], $0x1, s20, s6, $0xb8;
	[tilespmem:$0x1580] =	vst v63  }
0x323: {  	s21 =	simm.s32 $0x800  }
0x324: {  	[spmem:s1] =	stream.indirect.scatter.add.f32 [tilespmem:s7], [sflag:$0x1], $0x1, s21, s6, $0xb8;
	[tilespmem:$0x1580] =	vst v63  }
0x325: {  	s22 =	simm.s32 $0x880  }
0x326: {  	[spmem:s1] =	stream.indirect.scatter.add.f32 [tilespmem:s7], [sflag:$0x1], $0x1, s22, s6, $0xb8;
	[tilespmem:$0x1580] =	vst v63  }
0x327: {  	s23 =	simm.s32 $0x900  }
0x328: {  	[spmem:s1] =	stream.indirect.scatter.add.f32 [tilespmem:s7], [sflag:$0x1], $0x1, s23, s6, $0xb8;
	[tilespmem:$0x1580] =	vst v63  }
0x329: {  	s24 =	simm.s32 $0x980  }
0x32a: {  	[spmem:s1] =	stream.indirect.scatter.add.f32 [tilespmem:s7], [sflag:$0x1], $0x1, s24, s6, $0xb8;
	[tilespmem:$0x1580] =	vst v63  }
0x32b: {  	s25 =	simm.s32 $0xA00  }
0x32c: {  	[spmem:s1] =	stream.indirect.scatter.add.f32 [tilespmem:s7], [sflag:$0x1], $0x1, s25, s6, $0xb8;
	[tilespmem:$0x1580] =	vst v63  }
0x32d: {  	s26 =	simm.s32 $0xA80  }
0x32e: {  	[spmem:s1] =	stream.indirect.scatter.add.f32 [tilespmem:s7], [sflag:$0x1], $0x1, s26, s6, $0xb8;
	[tilespmem:$0x1580] =	vst v63  }
0x32f: {  	s28 =	simm.s32 $0xB00  }
0x330: {  	[spmem:s1] =	stream.indirect.scatter.add.f32 [tilespmem:s7], [sflag:$0x1], $0x1, s28, s6, $0xb8;
	[tilespmem:$0x1580] =	vst v63  }
0x331: {  	s29 =	simm.s32 $0xB80  }
0x332: {  	[spmem:s1] =	stream.indirect.scatter.add.f32 [tilespmem:s7], [sflag:$0x1], $0x1, s29, s6, $0xb8;
	[tilespmem:$0x1580] =	vst v63  }
0x333: {  	s30 =	simm.s32 $0xC00  }
0x334: {  	[spmem:s1] =	stream.indirect.scatter.add.f32 [tilespmem:s7], [sflag:$0x1], $0x1, s30, s6, $0xb8;
	[tilespmem:$0x1580] =	vst v63  }
0x335: {  	_ =	swait.ge [sflag:s3], $0x50  }
0x336: {  	[sflag:s3] =	ssyncset.done $0x0  }
0x337: {  	[sflag:s3] =	ssyncadd.s32 $0xFFFFFFB0  }
0x338: {  	_ =	swait.ge [sflag:s3], $0x50  }
0x339: {  	[sflag:s3] =	ssyncset.done $0x0  }
0x33a: {  	[sflag:s3] =	ssyncadd.s32 $0xFFFFFFB0  }
0x33b: {  	_ =	swait.ge [sflag:s3], $0x50  }
0x33c: {  	[sflag:s3] =	ssyncset.done $0x0  }
0x33d: {  	[sflag:s3] =	ssyncadd.s32 $0xFFFFFFB0  }
0x33e: {  	_ =	swait.ge [sflag:s3], $0x50  }
0x33f: {  	[sflag:s3] =	ssyncset.done $0x0  }
0x340: {  	[sflag:s3] =	ssyncadd.s32 $0xFFFFFFB0  }
0x341: {  	_ =	swait.ge [sflag:s3], $0x50  }
0x342: {  	[sflag:s3] =	ssyncset.done $0x0  }
0x343: {  	[sflag:s3] =	ssyncadd.s32 $0xFFFFFFB0  }
0x344: {  	_ =	swait.ge [sflag:s3], $0x50  }
0x345: {  	[sflag:s3] =	ssyncset.done $0x0  }
0x346: {  	[sflag:s3] =	ssyncadd.s32 $0xFFFFFFB0  }
0x347: {  	_ =	swait.ge [sflag:s3], $0x50  }
0x348: {  	[sflag:s3] =	ssyncset.done $0x0  }
0x349: {  	[sflag:s3] =	ssyncadd.s32 $0xFFFFFFB0  }
0x34a: {  	_ =	swait.ge [sflag:s3], $0x50  }
0x34b: {  	[sflag:s3] =	ssyncset.done $0x0  }
0x34c: {  	[sflag:s3] =	ssyncadd.s32 $0xFFFFFFB0  }
0x34d: {  	_ =	swait.ge [sflag:s3], $0x50  }
0x34e: {  	[sflag:s3] =	ssyncset.done $0x0  }
0x34f: {  	[sflag:s3] =	ssyncadd.s32 $0xFFFFFFB0  }
0x350: {  	_ =	swait.ge [sflag:s3], $0x50  }
0x351: {  	[sflag:s3] =	ssyncset.done $0x0  }
0x352: {  	[sflag:s3] =	ssyncadd.s32 $0xFFFFFFB0  }
0x353: {  	_ =	swait.ge [sflag:s3], $0x50  }
0x354: {  	[sflag:s3] =	ssyncset.done $0x0  }
0x355: {  	[sflag:s3] =	ssyncadd.s32 $0xFFFFFFB0  }
0x356: {  	_ =	swait.ge [sflag:s3], $0x50  }
0x357: {  	[sflag:s3] =	ssyncset.done $0x0  }
0x358: {  	[sflag:s3] =	ssyncadd.s32 $0xFFFFFFB0  }
0x359: {  	_ =	swait.ge [sflag:s3], $0x50  }
0x35a: {  	[sflag:s3] =	ssyncset.done $0x0  }
0x35b: {  	[sflag:s3] =	ssyncadd.s32 $0xFFFFFFB0  }
0x35c: {  	_ =	swait.ge [sflag:s3], $0x50  }
0x35d: {  	[sflag:s3] =	ssyncset.done $0x0  }
0x35e: {  	[sflag:s3] =	ssyncadd.s32 $0xFFFFFFB0  }
0x35f: {  	_ =	swait.ge [sflag:s3], $0x50  }
0x360: {  	[sflag:s3] =	ssyncset.done $0x0  }
0x361: {  	[sflag:s3] =	ssyncadd.s32 $0xFFFFFFB0  }
0x362: {  	_ =	swait.ge [sflag:s3], $0x50  }
0x363: {  	[sflag:s3] =	ssyncset.done $0x0  }
0x364: {  	[sflag:s3] =	ssyncadd.s32 $0xFFFFFFB0  }
0x365: {  	_ =	swait.ge [sflag:s3], $0x50  }
0x366: {  	[sflag:s3] =	ssyncset.done $0x0  }
0x367: {  	[sflag:s3] =	ssyncadd.s32 $0xFFFFFFB0  }
0x368: {  	_ =	swait.ge [sflag:s3], $0x50  }
0x369: {  	[sflag:s3] =	ssyncset.done $0x0  }
0x36a: {  	[sflag:s3] =	ssyncadd.s32 $0xFFFFFFB0  }
0x36b: {  	_ =	swait.ge [sflag:s3], $0x50  }
0x36c: {  	[sflag:s3] =	ssyncset.done $0x0  }
0x36d: {  	[sflag:s3] =	ssyncadd.s32 $0xFFFFFFB0  }
0x36e: {  	_ =	swait.ge [sflag:s3], $0x50  }
0x36f: {  	[sflag:s3] =	ssyncset.done $0x0  }
0x370: {  	[sflag:s3] =	ssyncadd.s32 $0xFFFFFFB0  }
0x371: {  	_ =	swait.ge [sflag:s3], $0x50  }
0x372: {  	[sflag:s3] =	ssyncset.done $0x0  }
0x373: {  	[sflag:s3] =	ssyncadd.s32 $0xFFFFFFB0  }
0x374: {  	_ =	swait.ge [sflag:s3], $0x50  }
0x375: {  	[sflag:s3] =	ssyncset.done $0x0  }
0x376: {  	[sflag:s3] =	ssyncadd.s32 $0xFFFFFFB0  }
0x377: {  	_ =	swait.ge [sflag:s3], $0x50  }
0x378: {  	[sflag:s3] =	ssyncset.done $0x0  }
0x379: {  	[sflag:s3] =	ssyncadd.s32 $0xFFFFFFB0  }
0x37a: {  	_ =	swait.ge [sflag:s3], $0x50  }
0x37b: {  	[sflag:s3] =	ssyncset.done $0x0  }
0x37c: {  	[sflag:s3] =	ssyncadd.s32 $0xFFFFFFB0  }
0x37d: {  	_ =	swait.ge [sflag:s3], $0x50  }
0x37e: {  	[sflag:s3] =	ssyncset.done $0x0  }
0x37f: {  	s31 =	rddreg [dreg:$0x5];
	[sflag:s3] =	ssyncadd.s32 $0xFFFFFFB0  }
0x380: {  	[tilespmem:s0], [sflag:$0x2] =	stream.linear.gather [hbm4b:s31+s0], $0xC80, $0x38;
	[tilespmem:$0x1580] =	vst v63  }
0x381: {  	_ =	swait.ge [sflag:s4], $0xC80  }
0x382: {  	[sflag:s4] =	ssyncset.done $0x0  }
0x383: {  	[sflag:s4] =	ssyncadd.s32 $0xFFFFF380  }
0x384: {  	[spmem:s1] =	stream.indirect.scatter.add.f32 [tilespmem:s7], [sflag:$0x1], $0x1, s0, s6, $0xb8;
	[tilespmem:$0x1580] =	vst v63  }
0x385: {  	s5 =	simm.s32 $0x80  }
0x386: {  	[spmem:s1] =	stream.indirect.scatter.add.f32 [tilespmem:s7], [sflag:$0x1], $0x1, s5, s6, $0xb8;
	[tilespmem:$0x1580] =	vst v63  }
0x387: {  	s10 =	simm.s32 $0x100  }
0x388: {  	[spmem:s1] =	stream.indirect.scatter.add.f32 [tilespmem:s7], [sflag:$0x1], $0x1, s10, s6, $0xb8;
	[tilespmem:$0x1580] =	vst v63  }
0x389: {  	s11 =	simm.s32 $0x180  }
0x38a: {  	[spmem:s1] =	stream.indirect.scatter.add.f32 [tilespmem:s7], [sflag:$0x1], $0x1, s11, s6, $0xb8;
	[tilespmem:$0x1580] =	vst v63  }
0x38b: {  	s12 =	simm.s32 $0x200  }
0x38c: {  	[spmem:s1] =	stream.indirect.scatter.add.f32 [tilespmem:s7], [sflag:$0x1], $0x1, s12, s6, $0xb8;
	[tilespmem:$0x1580] =	vst v63  }
0x38d: {  	s13 =	simm.s32 $0x280  }
0x38e: {  	[spmem:s1] =	stream.indirect.scatter.add.f32 [tilespmem:s7], [sflag:$0x1], $0x1, s13, s6, $0xb8;
	[tilespmem:$0x1580] =	vst v63  }
0x38f: {  	s14 =	simm.s32 $0x300  }
0x390: {  	[spmem:s1] =	stream.indirect.scatter.add.f32 [tilespmem:s7], [sflag:$0x1], $0x1, s14, s6, $0xb8;
	[tilespmem:$0x1580] =	vst v63  }
0x391: {  	s15 =	simm.s32 $0x380  }
0x392: {  	[spmem:s1] =	stream.indirect.scatter.add.f32 [tilespmem:s7], [sflag:$0x1], $0x1, s15, s6, $0xb8;
	[tilespmem:$0x1580] =	vst v63  }
0x393: {  	s16 =	simm.s32 $0x400  }
0x394: {  	[spmem:s1] =	stream.indirect.scatter.add.f32 [tilespmem:s7], [sflag:$0x1], $0x1, s16, s6, $0xb8;
	[tilespmem:$0x1580] =	vst v63  }
0x395: {  	s17 =	simm.s32 $0x480  }
0x396: {  	[spmem:s1] =	stream.indirect.scatter.add.f32 [tilespmem:s7], [sflag:$0x1], $0x1, s17, s6, $0xb8;
	[tilespmem:$0x1580] =	vst v63  }
0x397: {  	s18 =	simm.s32 $0x500  }
0x398: {  	[spmem:s1] =	stream.indirect.scatter.add.f32 [tilespmem:s7], [sflag:$0x1], $0x1, s18, s6, $0xb8;
	[tilespmem:$0x1580] =	vst v63  }
0x399: {  	s19 =	simm.s32 $0x580  }
0x39a: {  	[spmem:s1] =	stream.indirect.scatter.add.f32 [tilespmem:s7], [sflag:$0x1], $0x1, s19, s6, $0xb8;
	[tilespmem:$0x1580] =	vst v63  }
0x39b: {  	s20 =	simm.s32 $0x600  }
0x39c: {  	[spmem:s1] =	stream.indirect.scatter.add.f32 [tilespmem:s7], [sflag:$0x1], $0x1, s20, s6, $0xb8;
	[tilespmem:$0x1580] =	vst v63  }
0x39d: {  	s21 =	simm.s32 $0x680  }
0x39e: {  	[spmem:s1] =	stream.indirect.scatter.add.f32 [tilespmem:s7], [sflag:$0x1], $0x1, s21, s6, $0xb8;
	[tilespmem:$0x1580] =	vst v63  }
0x39f: {  	s22 =	simm.s32 $0x700  }
0x3a0: {  	[spmem:s1] =	stream.indirect.scatter.add.f32 [tilespmem:s7], [sflag:$0x1], $0x1, s22, s6, $0xb8;
	[tilespmem:$0x1580] =	vst v63  }
0x3a1: {  	s23 =	simm.s32 $0x780  }
0x3a2: {  	[spmem:s1] =	stream.indirect.scatter.add.f32 [tilespmem:s7], [sflag:$0x1], $0x1, s23, s6, $0xb8;
	[tilespmem:$0x1580] =	vst v63  }
0x3a3: {  	s24 =	simm.s32 $0x800  }
0x3a4: {  	[spmem:s1] =	stream.indirect.scatter.add.f32 [tilespmem:s7], [sflag:$0x1], $0x1, s24, s6, $0xb8;
	[tilespmem:$0x1580] =	vst v63  }
0x3a5: {  	s25 =	simm.s32 $0x880  }
0x3a6: {  	[spmem:s1] =	stream.indirect.scatter.add.f32 [tilespmem:s7], [sflag:$0x1], $0x1, s25, s6, $0xb8;
	[tilespmem:$0x1580] =	vst v63  }
0x3a7: {  	s26 =	simm.s32 $0x900  }
0x3a8: {  	[spmem:s1] =	stream.indirect.scatter.add.f32 [tilespmem:s7], [sflag:$0x1], $0x1, s26, s6, $0xb8;
	[tilespmem:$0x1580] =	vst v63  }
0x3a9: {  	s28 =	simm.s32 $0x980  }
0x3aa: {  	[spmem:s1] =	stream.indirect.scatter.add.f32 [tilespmem:s7], [sflag:$0x1], $0x1, s28, s6, $0xb8;
	[tilespmem:$0x1580] =	vst v63  }
0x3ab: {  	s29 =	simm.s32 $0xA00  }
0x3ac: {  	[spmem:s1] =	stream.indirect.scatter.add.f32 [tilespmem:s7], [sflag:$0x1], $0x1, s29, s6, $0xb8;
	[tilespmem:$0x1580] =	vst v63  }
0x3ad: {  	s30 =	simm.s32 $0xA80  }
0x3ae: {  	[spmem:s1] =	stream.indirect.scatter.add.f32 [tilespmem:s7], [sflag:$0x1], $0x1, s30, s6, $0xb8;
	[tilespmem:$0x1580] =	vst v63  }
0x3af: {  	s31 =	simm.s32 $0xB00  }
0x3b0: {  	[spmem:s1] =	stream.indirect.scatter.add.f32 [tilespmem:s7], [sflag:$0x1], $0x1, s31, s6, $0xb8;
	[tilespmem:$0x1580] =	vst v63  }
0x3b1: {  	s2 =	simm.s32 $0xB80  }
0x3b2: {  	[spmem:s1] =	stream.indirect.scatter.add.f32 [tilespmem:s7], [sflag:$0x1], $0x1, s2, s6, $0xb8;
	[tilespmem:$0x1580] =	vst v63  }
0x3b3: {  	s9 =	simm.s32 $0xC00  }
0x3b4: {  	[spmem:s1] =	stream.indirect.scatter.add.f32 [tilespmem:s7], [sflag:$0x1], $0x1, s9, s6, $0xb8;
	[tilespmem:$0x1580] =	vst v63  }
0x3b5: {  	_ =	swait.ge [sflag:s3], $0x50  }
0x3b6: {  	[sflag:s3] =	ssyncset.done $0x0  }
0x3b7: {  	[sflag:s3] =	ssyncadd.s32 $0xFFFFFFB0  }
0x3b8: {  	_ =	swait.ge [sflag:s3], $0x50  }
0x3b9: {  	[sflag:s3] =	ssyncset.done $0x0  }
0x3ba: {  	[sflag:s3] =	ssyncadd.s32 $0xFFFFFFB0  }
0x3bb: {  	_ =	swait.ge [sflag:s3], $0x50  }
0x3bc: {  	[sflag:s3] =	ssyncset.done $0x0  }
0x3bd: {  	[sflag:s3] =	ssyncadd.s32 $0xFFFFFFB0  }
0x3be: {  	_ =	swait.ge [sflag:s3], $0x50  }
0x3bf: {  	[sflag:s3] =	ssyncset.done $0x0  }
0x3c0: {  	[sflag:s3] =	ssyncadd.s32 $0xFFFFFFB0  }
0x3c1: {  	_ =	swait.ge [sflag:s3], $0x50  }
0x3c2: {  	[sflag:s3] =	ssyncset.done $0x0  }
0x3c3: {  	[sflag:s3] =	ssyncadd.s32 $0xFFFFFFB0  }
0x3c4: {  	_ =	swait.ge [sflag:s3], $0x50  }
0x3c5: {  	[sflag:s3] =	ssyncset.done $0x0  }
0x3c6: {  	[sflag:s3] =	ssyncadd.s32 $0xFFFFFFB0  }
0x3c7: {  	_ =	swait.ge [sflag:s3], $0x50  }
0x3c8: {  	[sflag:s3] =	ssyncset.done $0x0  }
0x3c9: {  	[sflag:s3] =	ssyncadd.s32 $0xFFFFFFB0  }
0x3ca: {  	_ =	swait.ge [sflag:s3], $0x50  }
0x3cb: {  	[sflag:s3] =	ssyncset.done $0x0  }
0x3cc: {  	[sflag:s3] =	ssyncadd.s32 $0xFFFFFFB0  }
0x3cd: {  	_ =	swait.ge [sflag:s3], $0x50  }
0x3ce: {  	[sflag:s3] =	ssyncset.done $0x0  }
0x3cf: {  	[sflag:s3] =	ssyncadd.s32 $0xFFFFFFB0  }
0x3d0: {  	_ =	swait.ge [sflag:s3], $0x50  }
0x3d1: {  	[sflag:s3] =	ssyncset.done $0x0  }
0x3d2: {  	[sflag:s3] =	ssyncadd.s32 $0xFFFFFFB0  }
0x3d3: {  	_ =	swait.ge [sflag:s3], $0x50  }
0x3d4: {  	[sflag:s3] =	ssyncset.done $0x0  }
0x3d5: {  	[sflag:s3] =	ssyncadd.s32 $0xFFFFFFB0  }
0x3d6: {  	_ =	swait.ge [sflag:s3], $0x50  }
0x3d7: {  	[sflag:s3] =	ssyncset.done $0x0  }
0x3d8: {  	[sflag:s3] =	ssyncadd.s32 $0xFFFFFFB0  }
0x3d9: {  	_ =	swait.ge [sflag:s3], $0x50  }
0x3da: {  	[sflag:s3] =	ssyncset.done $0x0  }
0x3db: {  	[sflag:s3] =	ssyncadd.s32 $0xFFFFFFB0  }
0x3dc: {  	_ =	swait.ge [sflag:s3], $0x50  }
0x3dd: {  	[sflag:s3] =	ssyncset.done $0x0  }
0x3de: {  	[sflag:s3] =	ssyncadd.s32 $0xFFFFFFB0  }
0x3df: {  	_ =	swait.ge [sflag:s3], $0x50  }
0x3e0: {  	[sflag:s3] =	ssyncset.done $0x0  }
0x3e1: {  	[sflag:s3] =	ssyncadd.s32 $0xFFFFFFB0  }
0x3e2: {  	_ =	swait.ge [sflag:s3], $0x50  }
0x3e3: {  	[sflag:s3] =	ssyncset.done $0x0  }
0x3e4: {  	[sflag:s3] =	ssyncadd.s32 $0xFFFFFFB0  }
0x3e5: {  	_ =	swait.ge [sflag:s3], $0x50  }
0x3e6: {  	[sflag:s3] =	ssyncset.done $0x0  }
0x3e7: {  	[sflag:s3] =	ssyncadd.s32 $0xFFFFFFB0  }
0x3e8: {  	_ =	swait.ge [sflag:s3], $0x50  }
0x3e9: {  	[sflag:s3] =	ssyncset.done $0x0  }
0x3ea: {  	[sflag:s3] =	ssyncadd.s32 $0xFFFFFFB0  }
0x3eb: {  	_ =	swait.ge [sflag:s3], $0x50  }
0x3ec: {  	[sflag:s3] =	ssyncset.done $0x0  }
0x3ed: {  	[sflag:s3] =	ssyncadd.s32 $0xFFFFFFB0  }
0x3ee: {  	_ =	swait.ge [sflag:s3], $0x50  }
0x3ef: {  	[sflag:s3] =	ssyncset.done $0x0  }
0x3f0: {  	[sflag:s3] =	ssyncadd.s32 $0xFFFFFFB0  }
0x3f1: {  	_ =	swait.ge [sflag:s3], $0x50  }
0x3f2: {  	[sflag:s3] =	ssyncset.done $0x0  }
0x3f3: {  	[sflag:s3] =	ssyncadd.s32 $0xFFFFFFB0  }
0x3f4: {  	_ =	swait.ge [sflag:s3], $0x50  }
0x3f5: {  	[sflag:s3] =	ssyncset.done $0x0  }
0x3f6: {  	[sflag:s3] =	ssyncadd.s32 $0xFFFFFFB0  }
0x3f7: {  	_ =	swait.ge [sflag:s3], $0x50  }
0x3f8: {  	[sflag:s3] =	ssyncset.done $0x0  }
0x3f9: {  	[sflag:s3] =	ssyncadd.s32 $0xFFFFFFB0  }
0x3fa: {  	_ =	swait.ge [sflag:s3], $0x50  }
0x3fb: {  	[sflag:s3] =	ssyncset.done $0x0  }
0x3fc: {  	[sflag:s3] =	ssyncadd.s32 $0xFFFFFFB0  }
0x3fd: {  	_ =	swait.ge [sflag:s3], $0x50  }
0x3fe: {  	[sflag:s3] =	ssyncset.done $0x0  }
0x3ff: {  	s8 =	rddreg [dreg:$0x6];
	[sflag:s3] =	ssyncadd.s32 $0xFFFFFFB0  }
0x400: {  	[tilespmem:s0], [sflag:$0x2] =	stream.linear.gather [hbm4b:s8+s0], $0xC80, $0x38;
	[tilespmem:$0x1580] =	vst v63  }
0x401: {  	_ =	swait.ge [sflag:s4], $0xC80  }
0x402: {  	[sflag:s4] =	ssyncset.done $0x0  }
0x403: {  	[sflag:s4] =	ssyncadd.s32 $0xFFFFF380  }
0x404: {  	[spmem:s1] =	stream.indirect.scatter.add.f32 [tilespmem:s7], [sflag:$0x1], $0x1, s0, s6, $0xb8;
	[tilespmem:$0x1580] =	vst v63  }
0x405: {  	_ = 	snop  }
0x406: {  	[spmem:s1] =	stream.indirect.scatter.add.f32 [tilespmem:s7], [sflag:$0x1], $0x1, s5, s6, $0xb8;
	[tilespmem:$0x1580] =	vst v63  }
0x407: {  	s10 =	simm.s32 $0x100  }
0x408: {  	[spmem:s1] =	stream.indirect.scatter.add.f32 [tilespmem:s7], [sflag:$0x1], $0x1, s10, s6, $0xb8;
	[tilespmem:$0x1580] =	vst v63  }
0x409: {  	_ = 	snop  }
0x40a: {  	[spmem:s1] =	stream.indirect.scatter.add.f32 [tilespmem:s7], [sflag:$0x1], $0x1, s11, s6, $0xb8;
	[tilespmem:$0x1580] =	vst v63  }
0x40b: {  	_ = 	snop  }
0x40c: {  	[spmem:s1] =	stream.indirect.scatter.add.f32 [tilespmem:s7], [sflag:$0x1], $0x1, s12, s6, $0xb8;
	[tilespmem:$0x1580] =	vst v63  }
0x40d: {  	_ = 	snop  }
0x40e: {  	[spmem:s1] =	stream.indirect.scatter.add.f32 [tilespmem:s7], [sflag:$0x1], $0x1, s13, s6, $0xb8;
	[tilespmem:$0x1580] =	vst v63  }
0x40f: {  	_ = 	snop  }
0x410: {  	[spmem:s1] =	stream.indirect.scatter.add.f32 [tilespmem:s7], [sflag:$0x1], $0x1, s14, s6, $0xb8;
	[tilespmem:$0x1580] =	vst v63  }
0x411: {  	_ = 	snop  }
0x412: {  	[spmem:s1] =	stream.indirect.scatter.add.f32 [tilespmem:s7], [sflag:$0x1], $0x1, s15, s6, $0xb8;
	[tilespmem:$0x1580] =	vst v63  }
0x413: {  	_ = 	snop  }
0x414: {  	[spmem:s1] =	stream.indirect.scatter.add.f32 [tilespmem:s7], [sflag:$0x1], $0x1, s16, s6, $0xb8;
	[tilespmem:$0x1580] =	vst v63  }
0x415: {  	_ = 	snop  }
0x416: {  	[spmem:s1] =	stream.indirect.scatter.add.f32 [tilespmem:s7], [sflag:$0x1], $0x1, s17, s6, $0xb8;
	[tilespmem:$0x1580] =	vst v63  }
0x417: {  	_ = 	snop  }
0x418: {  	[spmem:s1] =	stream.indirect.scatter.add.f32 [tilespmem:s7], [sflag:$0x1], $0x1, s18, s6, $0xb8;
	[tilespmem:$0x1580] =	vst v63  }
0x419: {  	_ = 	snop  }
0x41a: {  	[spmem:s1] =	stream.indirect.scatter.add.f32 [tilespmem:s7], [sflag:$0x1], $0x1, s19, s6, $0xb8;
	[tilespmem:$0x1580] =	vst v63  }
0x41b: {  	_ = 	snop  }
0x41c: {  	[spmem:s1] =	stream.indirect.scatter.add.f32 [tilespmem:s7], [sflag:$0x1], $0x1, s20, s6, $0xb8;
	[tilespmem:$0x1580] =	vst v63  }
0x41d: {  	_ = 	snop  }
0x41e: {  	[spmem:s1] =	stream.indirect.scatter.add.f32 [tilespmem:s7], [sflag:$0x1], $0x1, s21, s6, $0xb8;
	[tilespmem:$0x1580] =	vst v63  }
0x41f: {  	_ = 	snop  }
0x420: {  	[spmem:s1] =	stream.indirect.scatter.add.f32 [tilespmem:s7], [sflag:$0x1], $0x1, s22, s6, $0xb8;
	[tilespmem:$0x1580] =	vst v63  }
0x421: {  	_ = 	snop  }
0x422: {  	[spmem:s1] =	stream.indirect.scatter.add.f32 [tilespmem:s7], [sflag:$0x1], $0x1, s23, s6, $0xb8;
	[tilespmem:$0x1580] =	vst v63  }
0x423: {  	_ = 	snop  }
0x424: {  	[spmem:s1] =	stream.indirect.scatter.add.f32 [tilespmem:s7], [sflag:$0x1], $0x1, s24, s6, $0xb8;
	[tilespmem:$0x1580] =	vst v63  }
0x425: {  	_ = 	snop  }
0x426: {  	[spmem:s1] =	stream.indirect.scatter.add.f32 [tilespmem:s7], [sflag:$0x1], $0x1, s25, s6, $0xb8;
	[tilespmem:$0x1580] =	vst v63  }
0x427: {  	_ = 	snop  }
0x428: {  	[spmem:s1] =	stream.indirect.scatter.add.f32 [tilespmem:s7], [sflag:$0x1], $0x1, s26, s6, $0xb8;
	[tilespmem:$0x1580] =	vst v63  }
0x429: {  	_ = 	snop  }
0x42a: {  	[spmem:s1] =	stream.indirect.scatter.add.f32 [tilespmem:s7], [sflag:$0x1], $0x1, s28, s6, $0xb8;
	[tilespmem:$0x1580] =	vst v63  }
0x42b: {  	_ = 	snop  }
0x42c: {  	[spmem:s1] =	stream.indirect.scatter.add.f32 [tilespmem:s7], [sflag:$0x1], $0x1, s29, s6, $0xb8;
	[tilespmem:$0x1580] =	vst v63  }
0x42d: {  	_ = 	snop  }
0x42e: {  	[spmem:s1] =	stream.indirect.scatter.add.f32 [tilespmem:s7], [sflag:$0x1], $0x1, s30, s6, $0xb8;
	[tilespmem:$0x1580] =	vst v63  }
0x42f: {  	_ = 	snop  }
0x430: {  	[spmem:s1] =	stream.indirect.scatter.add.f32 [tilespmem:s7], [sflag:$0x1], $0x1, s31, s6, $0xb8;
	[tilespmem:$0x1580] =	vst v63  }
0x431: {  	s2 =	simm.s32 $0xB80  }
0x432: {  	[spmem:s1] =	stream.indirect.scatter.add.f32 [tilespmem:s7], [sflag:$0x1], $0x1, s2, s6, $0xb8;
	[tilespmem:$0x1580] =	vst v63  }
0x433: {  	s9 =	simm.s32 $0xC00  }
0x434: {  	[spmem:s1] =	stream.indirect.scatter.add.f32 [tilespmem:s7], [sflag:$0x1], $0x1, s9, s6, $0xb8;
	[tilespmem:$0x1580] =	vst v63  }
0x435: {  	_ =	swait.ge [sflag:s3], $0x50  }
0x436: {  	[sflag:s3] =	ssyncset.done $0x0  }
0x437: {  	[sflag:s3] =	ssyncadd.s32 $0xFFFFFFB0  }
0x438: {  	_ =	swait.ge [sflag:s3], $0x50  }
0x439: {  	[sflag:s3] =	ssyncset.done $0x0  }
0x43a: {  	[sflag:s3] =	ssyncadd.s32 $0xFFFFFFB0  }
0x43b: {  	_ =	swait.ge [sflag:s3], $0x50  }
0x43c: {  	[sflag:s3] =	ssyncset.done $0x0  }
0x43d: {  	[sflag:s3] =	ssyncadd.s32 $0xFFFFFFB0  }
0x43e: {  	_ =	swait.ge [sflag:s3], $0x50  }
0x43f: {  	[sflag:s3] =	ssyncset.done $0x0  }
0x440: {  	[sflag:s3] =	ssyncadd.s32 $0xFFFFFFB0  }
0x441: {  	_ =	swait.ge [sflag:s3], $0x50  }
0x442: {  	[sflag:s3] =	ssyncset.done $0x0  }
0x443: {  	[sflag:s3] =	ssyncadd.s32 $0xFFFFFFB0  }
0x444: {  	_ =	swait.ge [sflag:s3], $0x50  }
0x445: {  	[sflag:s3] =	ssyncset.done $0x0  }
0x446: {  	[sflag:s3] =	ssyncadd.s32 $0xFFFFFFB0  }
0x447: {  	_ =	swait.ge [sflag:s3], $0x50  }
0x448: {  	[sflag:s3] =	ssyncset.done $0x0  }
0x449: {  	[sflag:s3] =	ssyncadd.s32 $0xFFFFFFB0  }
0x44a: {  	_ =	swait.ge [sflag:s3], $0x50  }
0x44b: {  	[sflag:s3] =	ssyncset.done $0x0  }
0x44c: {  	[sflag:s3] =	ssyncadd.s32 $0xFFFFFFB0  }
0x44d: {  	_ =	swait.ge [sflag:s3], $0x50  }
0x44e: {  	[sflag:s3] =	ssyncset.done $0x0  }
0x44f: {  	[sflag:s3] =	ssyncadd.s32 $0xFFFFFFB0  }
0x450: {  	_ =	swait.ge [sflag:s3], $0x50  }
0x451: {  	[sflag:s3] =	ssyncset.done $0x0  }
0x452: {  	[sflag:s3] =	ssyncadd.s32 $0xFFFFFFB0  }
0x453: {  	_ =	swait.ge [sflag:s3], $0x50  }
0x454: {  	[sflag:s3] =	ssyncset.done $0x0  }
0x455: {  	[sflag:s3] =	ssyncadd.s32 $0xFFFFFFB0  }
0x456: {  	_ =	swait.ge [sflag:s3], $0x50  }
0x457: {  	[sflag:s3] =	ssyncset.done $0x0  }
0x458: {  	[sflag:s3] =	ssyncadd.s32 $0xFFFFFFB0  }
0x459: {  	_ =	swait.ge [sflag:s3], $0x50  }
0x45a: {  	[sflag:s3] =	ssyncset.done $0x0  }
0x45b: {  	[sflag:s3] =	ssyncadd.s32 $0xFFFFFFB0  }
0x45c: {  	_ =	swait.ge [sflag:s3], $0x50  }
0x45d: {  	[sflag:s3] =	ssyncset.done $0x0  }
0x45e: {  	[sflag:s3] =	ssyncadd.s32 $0xFFFFFFB0  }
0x45f: {  	_ =	swait.ge [sflag:s3], $0x50  }
0x460: {  	[sflag:s3] =	ssyncset.done $0x0  }
0x461: {  	[sflag:s3] =	ssyncadd.s32 $0xFFFFFFB0  }
0x462: {  	_ =	swait.ge [sflag:s3], $0x50  }
0x463: {  	[sflag:s3] =	ssyncset.done $0x0  }
0x464: {  	[sflag:s3] =	ssyncadd.s32 $0xFFFFFFB0  }
0x465: {  	_ =	swait.ge [sflag:s3], $0x50  }
0x466: {  	[sflag:s3] =	ssyncset.done $0x0  }
0x467: {  	[sflag:s3] =	ssyncadd.s32 $0xFFFFFFB0  }
0x468: {  	_ =	swait.ge [sflag:s3], $0x50  }
0x469: {  	[sflag:s3] =	ssyncset.done $0x0  }
0x46a: {  	[sflag:s3] =	ssyncadd.s32 $0xFFFFFFB0  }
0x46b: {  	_ =	swait.ge [sflag:s3], $0x50  }
0x46c: {  	[sflag:s3] =	ssyncset.done $0x0  }
0x46d: {  	[sflag:s3] =	ssyncadd.s32 $0xFFFFFFB0  }
0x46e: {  	_ =	swait.ge [sflag:s3], $0x50  }
0x46f: {  	[sflag:s3] =	ssyncset.done $0x0  }
0x470: {  	[sflag:s3] =	ssyncadd.s32 $0xFFFFFFB0  }
0x471: {  	_ =	swait.ge [sflag:s3], $0x50  }
0x472: {  	[sflag:s3] =	ssyncset.done $0x0  }
0x473: {  	[sflag:s3] =	ssyncadd.s32 $0xFFFFFFB0  }
0x474: {  	_ =	swait.ge [sflag:s3], $0x50  }
0x475: {  	[sflag:s3] =	ssyncset.done $0x0  }
0x476: {  	[sflag:s3] =	ssyncadd.s32 $0xFFFFFFB0  }
0x477: {  	_ =	swait.ge [sflag:s3], $0x50  }
0x478: {  	[sflag:s3] =	ssyncset.done $0x0  }
0x479: {  	[sflag:s3] =	ssyncadd.s32 $0xFFFFFFB0  }
0x47a: {  	_ =	swait.ge [sflag:s3], $0x50  }
0x47b: {  	[sflag:s3] =	ssyncset.done $0x0  }
0x47c: {  	[sflag:s3] =	ssyncadd.s32 $0xFFFFFFB0  }
0x47d: {  	_ =	swait.ge [sflag:s3], $0x50  }
0x47e: {  	[sflag:s3] =	ssyncset.done $0x0  }
0x47f: {  	s2 =	rddreg [dreg:$0x7];
	[sflag:s3] =	ssyncadd.s32 $0xFFFFFFB0  }
0x480: {  	[tilespmem:s0], [sflag:$0x2] =	stream.linear.gather [hbm4b:s2+s0], $0xC80, $0x38;
	[tilespmem:$0x1580] =	vst v63  }
0x481: {  	_ =	swait.ge [sflag:s4], $0xC80  }
0x482: {  	[sflag:s4] =	ssyncset.done $0x0  }
0x483: {  	[sflag:s4] =	ssyncadd.s32 $0xFFFFF380  }
0x484: {  	[spmem:s1] =	stream.indirect.scatter.add.f32 [tilespmem:s7], [sflag:$0x1], $0x1, s0, s6, $0xb8;
	[tilespmem:$0x1580] =	vst v63  }
0x485: {  	s5 =	simm.s32 $0x80  }
0x486: {  	[spmem:s1] =	stream.indirect.scatter.add.f32 [tilespmem:s7], [sflag:$0x1], $0x1, s5, s6, $0xb8;
	[tilespmem:$0x1580] =	vst v63  }
0x487: {  	s8 =	simm.s32 $0x100  }
0x488: {  	[spmem:s1] =	stream.indirect.scatter.add.f32 [tilespmem:s7], [sflag:$0x1], $0x1, s8, s6, $0xb8;
	[tilespmem:$0x1580] =	vst v63  }
0x489: {  	s10 =	simm.s32 $0x180  }
0x48a: {  	[spmem:s1] =	stream.indirect.scatter.add.f32 [tilespmem:s7], [sflag:$0x1], $0x1, s10, s6, $0xb8;
	[tilespmem:$0x1580] =	vst v63  }
0x48b: {  	s12 =	simm.s32 $0x200  }
0x48c: {  	[spmem:s1] =	stream.indirect.scatter.add.f32 [tilespmem:s7], [sflag:$0x1], $0x1, s12, s6, $0xb8;
	[tilespmem:$0x1580] =	vst v63  }
0x48d: {  	s13 =	simm.s32 $0x280  }
0x48e: {  	[spmem:s1] =	stream.indirect.scatter.add.f32 [tilespmem:s7], [sflag:$0x1], $0x1, s13, s6, $0xb8;
	[tilespmem:$0x1580] =	vst v63  }
0x48f: {  	s14 =	simm.s32 $0x300  }
0x490: {  	[spmem:s1] =	stream.indirect.scatter.add.f32 [tilespmem:s7], [sflag:$0x1], $0x1, s14, s6, $0xb8;
	[tilespmem:$0x1580] =	vst v63  }
0x491: {  	s15 =	simm.s32 $0x380  }
0x492: {  	[spmem:s1] =	stream.indirect.scatter.add.f32 [tilespmem:s7], [sflag:$0x1], $0x1, s15, s6, $0xb8;
	[tilespmem:$0x1580] =	vst v63  }
0x493: {  	s16 =	simm.s32 $0x400  }
0x494: {  	[spmem:s1] =	stream.indirect.scatter.add.f32 [tilespmem:s7], [sflag:$0x1], $0x1, s16, s6, $0xb8;
	[tilespmem:$0x1580] =	vst v63  }
0x495: {  	s17 =	simm.s32 $0x480  }
0x496: {  	[spmem:s1] =	stream.indirect.scatter.add.f32 [tilespmem:s7], [sflag:$0x1], $0x1, s17, s6, $0xb8;
	[tilespmem:$0x1580] =	vst v63  }
0x497: {  	s18 =	simm.s32 $0x500  }
0x498: {  	[spmem:s1] =	stream.indirect.scatter.add.f32 [tilespmem:s7], [sflag:$0x1], $0x1, s18, s6, $0xb8;
	[tilespmem:$0x1580] =	vst v63  }
0x499: {  	s19 =	simm.s32 $0x580  }
0x49a: {  	[spmem:s1] =	stream.indirect.scatter.add.f32 [tilespmem:s7], [sflag:$0x1], $0x1, s19, s6, $0xb8;
	[tilespmem:$0x1580] =	vst v63  }
0x49b: {  	s20 =	simm.s32 $0x600  }
0x49c: {  	[spmem:s1] =	stream.indirect.scatter.add.f32 [tilespmem:s7], [sflag:$0x1], $0x1, s20, s6, $0xb8;
	[tilespmem:$0x1580] =	vst v63  }
0x49d: {  	s21 =	simm.s32 $0x680  }
0x49e: {  	[spmem:s1] =	stream.indirect.scatter.add.f32 [tilespmem:s7], [sflag:$0x1], $0x1, s21, s6, $0xb8;
	[tilespmem:$0x1580] =	vst v63  }
0x49f: {  	s22 =	simm.s32 $0x700  }
0x4a0: {  	[spmem:s1] =	stream.indirect.scatter.add.f32 [tilespmem:s7], [sflag:$0x1], $0x1, s22, s6, $0xb8;
	[tilespmem:$0x1580] =	vst v63  }
0x4a1: {  	s23 =	simm.s32 $0x780  }
0x4a2: {  	[spmem:s1] =	stream.indirect.scatter.add.f32 [tilespmem:s7], [sflag:$0x1], $0x1, s23, s6, $0xb8;
	[tilespmem:$0x1580] =	vst v63  }
0x4a3: {  	s24 =	simm.s32 $0x800  }
0x4a4: {  	[spmem:s1] =	stream.indirect.scatter.add.f32 [tilespmem:s7], [sflag:$0x1], $0x1, s24, s6, $0xb8;
	[tilespmem:$0x1580] =	vst v63  }
0x4a5: {  	s25 =	simm.s32 $0x880  }
0x4a6: {  	[spmem:s1] =	stream.indirect.scatter.add.f32 [tilespmem:s7], [sflag:$0x1], $0x1, s25, s6, $0xb8;
	[tilespmem:$0x1580] =	vst v63  }
0x4a7: {  	s26 =	simm.s32 $0x900  }
0x4a8: {  	[spmem:s1] =	stream.indirect.scatter.add.f32 [tilespmem:s7], [sflag:$0x1], $0x1, s26, s6, $0xb8;
	[tilespmem:$0x1580] =	vst v63  }
0x4a9: {  	s28 =	simm.s32 $0x980  }
0x4aa: {  	[spmem:s1] =	stream.indirect.scatter.add.f32 [tilespmem:s7], [sflag:$0x1], $0x1, s28, s6, $0xb8;
	[tilespmem:$0x1580] =	vst v63  }
0x4ab: {  	s29 =	simm.s32 $0xA00  }
0x4ac: {  	[spmem:s1] =	stream.indirect.scatter.add.f32 [tilespmem:s7], [sflag:$0x1], $0x1, s29, s6, $0xb8;
	[tilespmem:$0x1580] =	vst v63  }
0x4ad: {  	s30 =	simm.s32 $0xA80  }
0x4ae: {  	[spmem:s1] =	stream.indirect.scatter.add.f32 [tilespmem:s7], [sflag:$0x1], $0x1, s30, s6, $0xb8;
	[tilespmem:$0x1580] =	vst v63  }
0x4af: {  	s31 =	simm.s32 $0xB00  }
0x4b0: {  	[spmem:s1] =	stream.indirect.scatter.add.f32 [tilespmem:s7], [sflag:$0x1], $0x1, s31, s6, $0xb8;
	[tilespmem:$0x1580] =	vst v63  }
0x4b1: {  	s10 =	simm.s32 $0xB80  }
0x4b2: {  	[spmem:s1] =	stream.indirect.scatter.add.f32 [tilespmem:s7], [sflag:$0x1], $0x1, s10, s6, $0xb8;
	[tilespmem:$0x1580] =	vst v63  }
0x4b3: {  	s11 =	simm.s32 $0xC00  }
0x4b4: {  	[spmem:s1] =	stream.indirect.scatter.add.f32 [tilespmem:s7], [sflag:$0x1], $0x1, s11, s6, $0xb8;
	[tilespmem:$0x1580] =	vst v63  }
0x4b5: {  	_ =	swait.ge [sflag:s3], $0x50  }
0x4b6: {  	[sflag:s3] =	ssyncset.done $0x0  }
0x4b7: {  	[sflag:s3] =	ssyncadd.s32 $0xFFFFFFB0  }
0x4b8: {  	_ =	swait.ge [sflag:s3], $0x50  }
0x4b9: {  	[sflag:s3] =	ssyncset.done $0x0  }
0x4ba: {  	[sflag:s3] =	ssyncadd.s32 $0xFFFFFFB0  }
0x4bb: {  	_ =	swait.ge [sflag:s3], $0x50  }
0x4bc: {  	[sflag:s3] =	ssyncset.done $0x0  }
0x4bd: {  	[sflag:s3] =	ssyncadd.s32 $0xFFFFFFB0  }
0x4be: {  	_ =	swait.ge [sflag:s3], $0x50  }
0x4bf: {  	[sflag:s3] =	ssyncset.done $0x0  }
0x4c0: {  	[sflag:s3] =	ssyncadd.s32 $0xFFFFFFB0  }
0x4c1: {  	_ =	swait.ge [sflag:s3], $0x50  }
0x4c2: {  	[sflag:s3] =	ssyncset.done $0x0  }
0x4c3: {  	[sflag:s3] =	ssyncadd.s32 $0xFFFFFFB0  }
0x4c4: {  	_ =	swait.ge [sflag:s3], $0x50  }
0x4c5: {  	[sflag:s3] =	ssyncset.done $0x0  }
0x4c6: {  	[sflag:s3] =	ssyncadd.s32 $0xFFFFFFB0  }
0x4c7: {  	_ =	swait.ge [sflag:s3], $0x50  }
0x4c8: {  	[sflag:s3] =	ssyncset.done $0x0  }
0x4c9: {  	[sflag:s3] =	ssyncadd.s32 $0xFFFFFFB0  }
0x4ca: {  	_ =	swait.ge [sflag:s3], $0x50  }
0x4cb: {  	[sflag:s3] =	ssyncset.done $0x0  }
0x4cc: {  	[sflag:s3] =	ssyncadd.s32 $0xFFFFFFB0  }
0x4cd: {  	_ =	swait.ge [sflag:s3], $0x50  }
0x4ce: {  	[sflag:s3] =	ssyncset.done $0x0  }
0x4cf: {  	[sflag:s3] =	ssyncadd.s32 $0xFFFFFFB0  }
0x4d0: {  	_ =	swait.ge [sflag:s3], $0x50  }
0x4d1: {  	[sflag:s3] =	ssyncset.done $0x0  }
0x4d2: {  	[sflag:s3] =	ssyncadd.s32 $0xFFFFFFB0  }
0x4d3: {  	_ =	swait.ge [sflag:s3], $0x50  }
0x4d4: {  	[sflag:s3] =	ssyncset.done $0x0  }
0x4d5: {  	[sflag:s3] =	ssyncadd.s32 $0xFFFFFFB0  }
0x4d6: {  	_ =	swait.ge [sflag:s3], $0x50  }
0x4d7: {  	[sflag:s3] =	ssyncset.done $0x0  }
0x4d8: {  	[sflag:s3] =	ssyncadd.s32 $0xFFFFFFB0  }
0x4d9: {  	_ =	swait.ge [sflag:s3], $0x50  }
0x4da: {  	[sflag:s3] =	ssyncset.done $0x0  }
0x4db: {  	[sflag:s3] =	ssyncadd.s32 $0xFFFFFFB0  }
0x4dc: {  	_ =	swait.ge [sflag:s3], $0x50  }
0x4dd: {  	[sflag:s3] =	ssyncset.done $0x0  }
0x4de: {  	[sflag:s3] =	ssyncadd.s32 $0xFFFFFFB0  }
0x4df: {  	_ =	swait.ge [sflag:s3], $0x50  }
0x4e0: {  	[sflag:s3] =	ssyncset.done $0x0  }
0x4e1: {  	[sflag:s3] =	ssyncadd.s32 $0xFFFFFFB0  }
0x4e2: {  	_ =	swait.ge [sflag:s3], $0x50  }
0x4e3: {  	[sflag:s3] =	ssyncset.done $0x0  }
0x4e4: {  	[sflag:s3] =	ssyncadd.s32 $0xFFFFFFB0  }
0x4e5: {  	_ =	swait.ge [sflag:s3], $0x50  }
0x4e6: {  	[sflag:s3] =	ssyncset.done $0x0  }
0x4e7: {  	[sflag:s3] =	ssyncadd.s32 $0xFFFFFFB0  }
0x4e8: {  	_ =	swait.ge [sflag:s3], $0x50  }
0x4e9: {  	[sflag:s3] =	ssyncset.done $0x0  }
0x4ea: {  	[sflag:s3] =	ssyncadd.s32 $0xFFFFFFB0  }
0x4eb: {  	_ =	swait.ge [sflag:s3], $0x50  }
0x4ec: {  	[sflag:s3] =	ssyncset.done $0x0  }
0x4ed: {  	[sflag:s3] =	ssyncadd.s32 $0xFFFFFFB0  }
0x4ee: {  	_ =	swait.ge [sflag:s3], $0x50  }
0x4ef: {  	[sflag:s3] =	ssyncset.done $0x0  }
0x4f0: {  	[sflag:s3] =	ssyncadd.s32 $0xFFFFFFB0  }
0x4f1: {  	_ =	swait.ge [sflag:s3], $0x50  }
0x4f2: {  	[sflag:s3] =	ssyncset.done $0x0  }
0x4f3: {  	[sflag:s3] =	ssyncadd.s32 $0xFFFFFFB0  }
0x4f4: {  	_ =	swait.ge [sflag:s3], $0x50  }
0x4f5: {  	[sflag:s3] =	ssyncset.done $0x0  }
0x4f6: {  	[sflag:s3] =	ssyncadd.s32 $0xFFFFFFB0  }
0x4f7: {  	_ =	swait.ge [sflag:s3], $0x50  }
0x4f8: {  	[sflag:s3] =	ssyncset.done $0x0  }
0x4f9: {  	[sflag:s3] =	ssyncadd.s32 $0xFFFFFFB0  }
0x4fa: {  	_ =	swait.ge [sflag:s3], $0x50  }
0x4fb: {  	[sflag:s3] =	ssyncset.done $0x0  }
0x4fc: {  	[sflag:s3] =	ssyncadd.s32 $0xFFFFFFB0  }
0x4fd: {  	_ =	swait.ge [sflag:s3], $0x50  }
0x4fe: {  	[sflag:s3] =	ssyncset.done $0x0  }
0x4ff: {  	s11 =	rddreg [dreg:$0x8];
	[sflag:s3] =	ssyncadd.s32 $0xFFFFFFB0  }
0x500: {  	[tilespmem:s0], [sflag:$0x2] =	stream.linear.gather [hbm4b:s11+s0], $0xC80, $0x38;
	[tilespmem:$0x1580] =	vst v63  }
0x501: {  	_ =	swait.ge [sflag:s4], $0xC80  }
0x502: {  	[sflag:s4] =	ssyncset.done $0x0  }
0x503: {  	[sflag:s4] =	ssyncadd.s32 $0xFFFFF380  }
0x504: {  	[spmem:s1] =	stream.indirect.scatter.add.f32 [tilespmem:s7], [sflag:$0x1], $0x1, s0, s6, $0xb8;
	[tilespmem:$0x1580] =	vst v63  }
0x505: {  	s9 =	simm.s32 $0x80  }
0x506: {  	[spmem:s1] =	stream.indirect.scatter.add.f32 [tilespmem:s7], [sflag:$0x1], $0x1, s9, s6, $0xb8;
	[tilespmem:$0x1580] =	vst v63  }
0x507: {  	s2 =	simm.s32 $0x100  }
0x508: {  	[spmem:s1] =	stream.indirect.scatter.add.f32 [tilespmem:s7], [sflag:$0x1], $0x1, s2, s6, $0xb8;
	[tilespmem:$0x1580] =	vst v63  }
0x509: {  	s5 =	simm.s32 $0x180  }
0x50a: {  	[spmem:s1] =	stream.indirect.scatter.add.f32 [tilespmem:s7], [sflag:$0x1], $0x1, s5, s6, $0xb8;
	[tilespmem:$0x1580] =	vst v63  }
0x50b: {  	s12 =	simm.s32 $0x200  }
0x50c: {  	[spmem:s1] =	stream.indirect.scatter.add.f32 [tilespmem:s7], [sflag:$0x1], $0x1, s12, s6, $0xb8;
	[tilespmem:$0x1580] =	vst v63  }
0x50d: {  	s13 =	simm.s32 $0x280  }
0x50e: {  	[spmem:s1] =	stream.indirect.scatter.add.f32 [tilespmem:s7], [sflag:$0x1], $0x1, s13, s6, $0xb8;
	[tilespmem:$0x1580] =	vst v63  }
0x50f: {  	s14 =	simm.s32 $0x300  }
0x510: {  	[spmem:s1] =	stream.indirect.scatter.add.f32 [tilespmem:s7], [sflag:$0x1], $0x1, s14, s6, $0xb8;
	[tilespmem:$0x1580] =	vst v63  }
0x511: {  	s15 =	simm.s32 $0x380  }
0x512: {  	[spmem:s1] =	stream.indirect.scatter.add.f32 [tilespmem:s7], [sflag:$0x1], $0x1, s15, s6, $0xb8;
	[tilespmem:$0x1580] =	vst v63  }
0x513: {  	s16 =	simm.s32 $0x400  }
0x514: {  	[spmem:s1] =	stream.indirect.scatter.add.f32 [tilespmem:s7], [sflag:$0x1], $0x1, s16, s6, $0xb8;
	[tilespmem:$0x1580] =	vst v63  }
0x515: {  	s17 =	simm.s32 $0x480  }
0x516: {  	[spmem:s1] =	stream.indirect.scatter.add.f32 [tilespmem:s7], [sflag:$0x1], $0x1, s17, s6, $0xb8;
	[tilespmem:$0x1580] =	vst v63  }
0x517: {  	s18 =	simm.s32 $0x500  }
0x518: {  	[spmem:s1] =	stream.indirect.scatter.add.f32 [tilespmem:s7], [sflag:$0x1], $0x1, s18, s6, $0xb8;
	[tilespmem:$0x1580] =	vst v63  }
0x519: {  	s19 =	simm.s32 $0x580  }
0x51a: {  	[spmem:s1] =	stream.indirect.scatter.add.f32 [tilespmem:s7], [sflag:$0x1], $0x1, s19, s6, $0xb8;
	[tilespmem:$0x1580] =	vst v63  }
0x51b: {  	s20 =	simm.s32 $0x600  }
0x51c: {  	[spmem:s1] =	stream.indirect.scatter.add.f32 [tilespmem:s7], [sflag:$0x1], $0x1, s20, s6, $0xb8;
	[tilespmem:$0x1580] =	vst v63  }
0x51d: {  	s21 =	simm.s32 $0x680  }
0x51e: {  	[spmem:s1] =	stream.indirect.scatter.add.f32 [tilespmem:s7], [sflag:$0x1], $0x1, s21, s6, $0xb8;
	[tilespmem:$0x1580] =	vst v63  }
0x51f: {  	s22 =	simm.s32 $0x700  }
0x520: {  	[spmem:s1] =	stream.indirect.scatter.add.f32 [tilespmem:s7], [sflag:$0x1], $0x1, s22, s6, $0xb8;
	[tilespmem:$0x1580] =	vst v63  }
0x521: {  	s23 =	simm.s32 $0x780  }
0x522: {  	[spmem:s1] =	stream.indirect.scatter.add.f32 [tilespmem:s7], [sflag:$0x1], $0x1, s23, s6, $0xb8;
	[tilespmem:$0x1580] =	vst v63  }
0x523: {  	s24 =	simm.s32 $0x800  }
0x524: {  	[spmem:s1] =	stream.indirect.scatter.add.f32 [tilespmem:s7], [sflag:$0x1], $0x1, s24, s6, $0xb8;
	[tilespmem:$0x1580] =	vst v63  }
0x525: {  	s25 =	simm.s32 $0x880  }
0x526: {  	[spmem:s1] =	stream.indirect.scatter.add.f32 [tilespmem:s7], [sflag:$0x1], $0x1, s25, s6, $0xb8;
	[tilespmem:$0x1580] =	vst v63  }
0x527: {  	s26 =	simm.s32 $0x900  }
0x528: {  	[spmem:s1] =	stream.indirect.scatter.add.f32 [tilespmem:s7], [sflag:$0x1], $0x1, s26, s6, $0xb8;
	[tilespmem:$0x1580] =	vst v63  }
0x529: {  	s28 =	simm.s32 $0x980  }
0x52a: {  	[spmem:s1] =	stream.indirect.scatter.add.f32 [tilespmem:s7], [sflag:$0x1], $0x1, s28, s6, $0xb8;
	[tilespmem:$0x1580] =	vst v63  }
0x52b: {  	s29 =	simm.s32 $0xA00  }
0x52c: {  	[spmem:s1] =	stream.indirect.scatter.add.f32 [tilespmem:s7], [sflag:$0x1], $0x1, s29, s6, $0xb8;
	[tilespmem:$0x1580] =	vst v63  }
0x52d: {  	s30 =	simm.s32 $0xA80  }
0x52e: {  	[spmem:s1] =	stream.indirect.scatter.add.f32 [tilespmem:s7], [sflag:$0x1], $0x1, s30, s6, $0xb8;
	[tilespmem:$0x1580] =	vst v63  }
0x52f: {  	s31 =	simm.s32 $0xB00  }
0x530: {  	[spmem:s1] =	stream.indirect.scatter.add.f32 [tilespmem:s7], [sflag:$0x1], $0x1, s31, s6, $0xb8;
	[tilespmem:$0x1580] =	vst v63  }
0x531: {  	s25 =	simm.s32 $0xB80  }
0x532: {  	[spmem:s1] =	stream.indirect.scatter.add.f32 [tilespmem:s7], [sflag:$0x1], $0x1, s25, s6, $0xb8;
	[tilespmem:$0x1580] =	vst v63  }
0x533: {  	s10 =	simm.s32 $0xC00  }
0x534: {  	[spmem:s1] =	stream.indirect.scatter.add.f32 [tilespmem:s7], [sflag:$0x1], $0x1, s10, s6, $0xb8;
	[tilespmem:$0x1580] =	vst v63  }
0x535: {  	_ =	swait.ge [sflag:s3], $0x50  }
0x536: {  	[sflag:s3] =	ssyncset.done $0x0  }
0x537: {  	[sflag:s3] =	ssyncadd.s32 $0xFFFFFFB0  }
0x538: {  	_ =	swait.ge [sflag:s3], $0x50  }
0x539: {  	[sflag:s3] =	ssyncset.done $0x0  }
0x53a: {  	[sflag:s3] =	ssyncadd.s32 $0xFFFFFFB0  }
0x53b: {  	_ =	swait.ge [sflag:s3], $0x50  }
0x53c: {  	[sflag:s3] =	ssyncset.done $0x0  }
0x53d: {  	[sflag:s3] =	ssyncadd.s32 $0xFFFFFFB0  }
0x53e: {  	_ =	swait.ge [sflag:s3], $0x50  }
0x53f: {  	[sflag:s3] =	ssyncset.done $0x0  }
0x540: {  	[sflag:s3] =	ssyncadd.s32 $0xFFFFFFB0  }
0x541: {  	_ =	swait.ge [sflag:s3], $0x50  }
0x542: {  	[sflag:s3] =	ssyncset.done $0x0  }
0x543: {  	[sflag:s3] =	ssyncadd.s32 $0xFFFFFFB0  }
0x544: {  	_ =	swait.ge [sflag:s3], $0x50  }
0x545: {  	[sflag:s3] =	ssyncset.done $0x0  }
0x546: {  	[sflag:s3] =	ssyncadd.s32 $0xFFFFFFB0  }
0x547: {  	_ =	swait.ge [sflag:s3], $0x50  }
0x548: {  	[sflag:s3] =	ssyncset.done $0x0  }
0x549: {  	[sflag:s3] =	ssyncadd.s32 $0xFFFFFFB0  }
0x54a: {  	_ =	swait.ge [sflag:s3], $0x50  }
0x54b: {  	[sflag:s3] =	ssyncset.done $0x0  }
0x54c: {  	[sflag:s3] =	ssyncadd.s32 $0xFFFFFFB0  }
0x54d: {  	_ =	swait.ge [sflag:s3], $0x50  }
0x54e: {  	[sflag:s3] =	ssyncset.done $0x0  }
0x54f: {  	[sflag:s3] =	ssyncadd.s32 $0xFFFFFFB0  }
0x550: {  	_ =	swait.ge [sflag:s3], $0x50  }
0x551: {  	[sflag:s3] =	ssyncset.done $0x0  }
0x552: {  	[sflag:s3] =	ssyncadd.s32 $0xFFFFFFB0  }
0x553: {  	_ =	swait.ge [sflag:s3], $0x50  }
0x554: {  	[sflag:s3] =	ssyncset.done $0x0  }
0x555: {  	[sflag:s3] =	ssyncadd.s32 $0xFFFFFFB0  }
0x556: {  	_ =	swait.ge [sflag:s3], $0x50  }
0x557: {  	[sflag:s3] =	ssyncset.done $0x0  }
0x558: {  	[sflag:s3] =	ssyncadd.s32 $0xFFFFFFB0  }
0x559: {  	_ =	swait.ge [sflag:s3], $0x50  }
0x55a: {  	[sflag:s3] =	ssyncset.done $0x0  }
0x55b: {  	[sflag:s3] =	ssyncadd.s32 $0xFFFFFFB0  }
0x55c: {  	_ =	swait.ge [sflag:s3], $0x50  }
0x55d: {  	[sflag:s3] =	ssyncset.done $0x0  }
0x55e: {  	[sflag:s3] =	ssyncadd.s32 $0xFFFFFFB0  }
0x55f: {  	_ =	swait.ge [sflag:s3], $0x50  }
0x560: {  	[sflag:s3] =	ssyncset.done $0x0  }
0x561: {  	[sflag:s3] =	ssyncadd.s32 $0xFFFFFFB0  }
0x562: {  	_ =	swait.ge [sflag:s3], $0x50  }
0x563: {  	[sflag:s3] =	ssyncset.done $0x0  }
0x564: {  	[sflag:s3] =	ssyncadd.s32 $0xFFFFFFB0  }
0x565: {  	_ =	swait.ge [sflag:s3], $0x50  }
0x566: {  	[sflag:s3] =	ssyncset.done $0x0  }
0x567: {  	[sflag:s3] =	ssyncadd.s32 $0xFFFFFFB0  }
0x568: {  	_ =	swait.ge [sflag:s3], $0x50  }
0x569: {  	[sflag:s3] =	ssyncset.done $0x0  }
0x56a: {  	[sflag:s3] =	ssyncadd.s32 $0xFFFFFFB0  }
0x56b: {  	_ =	swait.ge [sflag:s3], $0x50  }
0x56c: {  	[sflag:s3] =	ssyncset.done $0x0  }
0x56d: {  	[sflag:s3] =	ssyncadd.s32 $0xFFFFFFB0  }
0x56e: {  	_ =	swait.ge [sflag:s3], $0x50  }
0x56f: {  	[sflag:s3] =	ssyncset.done $0x0  }
0x570: {  	[sflag:s3] =	ssyncadd.s32 $0xFFFFFFB0  }
0x571: {  	_ =	swait.ge [sflag:s3], $0x50  }
0x572: {  	[sflag:s3] =	ssyncset.done $0x0  }
0x573: {  	[sflag:s3] =	ssyncadd.s32 $0xFFFFFFB0  }
0x574: {  	_ =	swait.ge [sflag:s3], $0x50  }
0x575: {  	[sflag:s3] =	ssyncset.done $0x0  }
0x576: {  	[sflag:s3] =	ssyncadd.s32 $0xFFFFFFB0  }
0x577: {  	_ =	swait.ge [sflag:s3], $0x50  }
0x578: {  	[sflag:s3] =	ssyncset.done $0x0  }
0x579: {  	[sflag:s3] =	ssyncadd.s32 $0xFFFFFFB0  }
0x57a: {  	_ =	swait.ge [sflag:s3], $0x50  }
0x57b: {  	[sflag:s3] =	ssyncset.done $0x0  }
0x57c: {  	[sflag:s3] =	ssyncadd.s32 $0xFFFFFFB0  }
0x57d: {  	_ =	swait.ge [sflag:s3], $0x50  }
0x57e: {  	[sflag:s3] =	ssyncset.done $0x0  }
0x57f: {  	[sflag:s3] =	ssyncadd.s32 $0xFFFFFFB0  }
0x580: {  	[bflag:$0x0] =	sbarrier.arrive $0xFFFF  }
0x581: {  	s26 =	rddreg [dreg:$0xc]  }
0x582: {  	s28 =	rddreg [dreg:$0x9]  }
.Ltmp1:
0x583: {  	s29 =	rddreg [dreg:$0xb];
	(pc) =	sbr.rel @p0 .LBB2_1-.Ltmp1, $4  }
0x584: {  	s30 =	rddreg [dreg:$0xe]  }
0x585: {  	s31 =	rddreg [dreg:$0xf]  }
0x586: {  	[hbm:s28@s29], [sflag:s30] =	dma.strided [spmem:s31@s26], $0x50, s3, $0x10   }
0x587: {  	s0 =	rddreg [dreg:$0x10]  }
.LBB2_2:
0x588: {  	_ =	swait.ge [sflag:s4], $0x50  }
0x589: {  	[sflag:s4] =	ssyncset.done $0x0  }
0x58a: {  	[sflag:s4] =	ssyncadd.s32 $0xFFFFFFB0  }
0x58b: {  	_ =	sfence.sel $0x180000  }
0x58c: {  	[bflag:$0x0] =	sbarrier.arrive $0xFFFF  }
0x58d: {  	_ =	strace $0x90000047  }
0x58e: {  	s0 =	stileid.u32;
	[bflag:$0x2] =	sbarrier.arrive $0xFFFF  }
0x58f: {  	p0 =	sne.s32 s0, $0x0;
	s0 =	rddreg [dreg:$0x3]  }
0x590: {  	s0 =	sadd.s32 @!p0 $0x100000, s0  }
0x591: {  	[sflag:s0] =	ssyncadd.tile.s32 @!p0 $0x1;
	_ =	shalt  }
.Lfunc_end2:
_tile_overlayer_lowered:
.L_overlay_start_2:
0x592: {  	(tag) =	ssettag $0x2  }
0x593: {  	s0 =	rddreg [dreg:$0x0];
	s2 =	stileid.u32  }
0x594: {  	s1 =	rddreg [dreg:$0x1];
	p0 =	sne.s32 s2, $0x0  }
0x595: {  	s3 =	rddreg [dreg:$0x2];
	[bflag:$0x3] =	sbarrier.arrive $0xFFFF;
	s2 =	simm.s32 @!p0 $0x1C02  }
0x596: {  	[timem:s3], [sflag:s2] =	dma.local @!p0 [hbm:s0], s1  }
0x597: {  	s0 =	simm.s32 @!p0 $0x2  }
0x598: {  	_ =	swait.ge @!p0 [sflag:s0], s1  }
0x599: {  	s1 =	ssub.s32 @!p0 $0x0, s1;
	[sflag:s0] =	ssyncset.done @!p0 $0x0  }
0x59a: {  	[sflag:s0] =	ssyncadd.s32 @!p0 s1  }
0x59b: {  	[bflag:$0x3] =	sbarrier.arrive $0xFFFF  }
0x59c: {  	_ =	shalt  }

// kernel: kernel.9.cloned.1.call-start
scs
__scs_entry_jumppad:
0x0: {  	(pc) =	sbr.rel $0x88, $3  }
0x1: {  	(tag) =	ssettag $0x0;
	lr =	simm.s32 $0x1  }
0x2: {  	[smem:$0x3F9D] =	sst lr;
	_ =	strace $0xD0000000  }
0x3: {  	_ = 	snop  }
0x4: {  	_ = 	snop  }
0x5: {  	_ = 	snop  }
0x6: {  	_ = 	snop  }
0x7: {  	_ = 	snop  }
__scs_overlays_trampoline_lowered:
0x8: {  	[smem:$0x3FAC] =	sst s0  }
0x9: {  	[smem:$0x3FAD] =	sst s1  }
0xa: {  	[smem:$0x3FAE] =	sst s2  }
0xb: {  	[smem:$0x3FAF] =	sst s3  }
0xc: {  	[smem:$0x3FB0] =	sst s4  }
0xd: {  	[smem:$0x3FB1] =	sst s5  }
0xe: {  	[smem:$0x3FB2] =	sst s6  }
0xf: {  	[smem:$0x3FB3] =	sst s7  }
0x10: {  	[smem:$0x3FB4] =	sst s8  }
0x11: {  	[smem:$0x3FB5] =	sst s9;
	s0 =	simm.s32 @!p0 $0x0  }
0x12: {  	s1 =	sld [smem:$0x3F9B];
	s0 =	simm.s32 @p0 $0x1  }
0x13: {  	[smem:$0x3FB6] =	sst s0;
	s0 =	simm.s32 @!p1 $0x0  }
0x14: {  	s2 =	sld [smem:$0x3F9A];
	s0 =	simm.s32 @p1 $0x1  }
0x15: {  	[smem:$0x3FB7] =	sst s0;
	s0 =	simm.s32 @!p2 $0x0  }
0x16: {  	s3 =	sld [smem:$0x3FDB];
	s0 =	simm.s32 @p2 $0x1  }
0x17: {  	s4 =	simm.s32 $0x1BF5;
	[smem:$0x3FB9] =	sst s0  }
0x18: {  	s0 =	sld [smem:$0x3F9C];
	_ =	swait.ge [sflag:s4], $0x0  }
0x19: {  	s7 =	sld [smem:$0x3F9D]  }
0x1a: {  	s8 =	sadd.s32 $0xFFFFE003, lr  }
0x1b: {  	s9 =	sadd.s32 $0xFFFFFEF7, lr;
	s5 =	simm.s32 $0xFFFFFFFF;
	p2 =	slt.u32 s8, $0xFFFFF086  }
0x1c: {  	p1 =	slt.u32 s9, $0xF7A;
	s5 =	simm.s32 @!p2 $0x0  }
0x1d: {  	s5 =	simm.s32 @p1 $0x1;
	p0 =	seq.s32 s7, s2  }
0x1e: {  	s7 =	smul.u32 @!p0 $0xF7A, s2;
	p2 =	seq.s32 @!p0 s5, $0x0  }
0x1f: {  	s9 =	smul.u32 $0xF7A, s1;
	s8 =	simm.s32 @!p0 $0x1BF5;
	p2 =	por !p2, p0  }
0x20: {  	[sflag:s8] =	ssyncset.s32 @!p0 $0xFFFFF086;
	s6 =	sadd.s32 @!p0 s3, s7;
	s7 =	simm.s32 @!p0 $0x108  }
0x21: {  	s3 =	sadd.s32 s3, s9;
	s6 =	sadd.s32 @!p0 $0x88, s6;
	s7 =	simm.s32 @p2 $0x1082  }
0x22: {  	[simem:s7], [sflag:s8] =	dma.local @!p0 [hbm:s6], $0xF7A  }
0x23: {  	s9 =	sor.u32 $0xD0000000, s2;
	s6 =	simm.s32 $0x108;
	_ =	swait.ge @!p0 [sflag:s8], $0x0  }
0x24: {  	s3 =	sadd.s32 $0x88, s3;
	s6 =	simm.s32 @!p1 $0x1082;
	[sflag:s4] =	ssyncset.s32 $0xFFFFF086  }
0x25: {  	[simem:s6], [sflag:s4] =	dma.local [hbm:s3], $0xF7A  }
0x26: {  	[smem:$0x3F9D] =	sst s1;
	(tag) =	ssettag s2;
	_ =	strace s9  }
0x27: {  	s1 =	sld [smem:$0x3FAD]  }
0x28: {  	s2 =	sld [smem:$0x3FAE]  }
0x29: {  	s4 =	sld [smem:$0x3FB0]  }
0x2a: {  	p0 =	seq.s32 s5, $0x0;
	s5 =	sld [smem:$0x3FB1]  }
0x2b: {  	s6 =	sld [smem:$0x3FB2]  }
0x2c: {  	s7 =	sld [smem:$0x3FB3]  }
0x2d: {  	s3 =	simm.s32 $0x108;
	s8 =	sld [smem:$0x3FB4]  }
0x2e: {  	s3 =	simm.s32 @!p0 $0x1082;
	s9 =	sld [smem:$0x3FB5]  }
0x2f: {  	lr =	sadd.s32 s0, s3;
	s0 =	sld [smem:$0x3FAC]  }
0x30: {  	s3 =	sld [smem:$0x3FAF]  }
0x31: {  	[smem:$0x3FB8] =	sst s10  }
0x32: {  	s10 =	sld [smem:$0x3FB6];
	_ =	sdelay $0x3  }
0x33: {  	p0 =	seq.s32 s10, $0x1;
	s10 =	sld [smem:$0x3FB8];
	_ =	sdelay $0x3  }
0x34: {  	[smem:$0x3FB8] =	sst s10  }
0x35: {  	s10 =	sld [smem:$0x3FB7];
	_ =	sdelay $0x3  }
0x36: {  	p1 =	seq.s32 s10, $0x1;
	s10 =	sld [smem:$0x3FB8];
	_ =	sdelay $0x3  }
0x37: {  	[smem:$0x3FB8] =	sst s10  }
0x38: {  	s10 =	sld [smem:$0x3FB9]  }
0x39: {  	_ = 	snop;
	(pc) =	sbr.ind lr, $3  }
0x3a: {  	_ = 	snop  }
0x3b: {  	_ = 	snop  }
0x3c: {  	p2 =	seq.s32 s10, $0x1;
	s10 =	sld [smem:$0x3FB8]  }
0x3d: {  	_ =	shalt  }
0x3e: {  	_ =	shalt  }
0x3f: {  	_ =	shalt  }
0x40: {  	_ =	shalt  }
0x41: {  	_ =	shalt  }
0x42: {  	_ =	shalt  }
0x43: {  	_ =	shalt  }
0x44: {  	_ =	shalt  }
0x45: {  	_ =	shalt  }
0x46: {  	_ =	shalt  }
0x47: {  	_ =	shalt  }
0x48: {  	_ =	shalt  }
0x49: {  	_ =	shalt  }
0x4a: {  	_ =	shalt  }
0x4b: {  	_ =	shalt  }
0x4c: {  	_ =	shalt  }
0x4d: {  	_ =	shalt  }
0x4e: {  	_ =	shalt  }
0x4f: {  	_ =	shalt  }
0x50: {  	_ =	shalt  }
0x51: {  	_ =	shalt  }
0x52: {  	_ =	shalt  }
0x53: {  	_ =	shalt  }
0x54: {  	_ =	shalt  }
0x55: {  	_ =	shalt  }
0x56: {  	_ =	shalt  }
0x57: {  	_ =	shalt  }
0x58: {  	_ =	shalt  }
0x59: {  	_ =	shalt  }
0x5a: {  	_ =	shalt  }
0x5b: {  	_ =	shalt  }
0x5c: {  	_ =	shalt  }
0x5d: {  	_ =	shalt  }
0x5e: {  	_ =	shalt  }
0x5f: {  	_ =	shalt  }
0x60: {  	_ =	shalt  }
0x61: {  	_ =	shalt  }
0x62: {  	_ =	shalt  }
0x63: {  	_ =	shalt  }
0x64: {  	_ =	shalt  }
0x65: {  	_ =	shalt  }
0x66: {  	_ =	shalt  }
0x67: {  	_ =	shalt  }
0x68: {  	_ =	shalt  }
0x69: {  	_ =	shalt  }
0x6a: {  	_ =	shalt  }
0x6b: {  	_ =	shalt  }
0x6c: {  	_ =	shalt  }
0x6d: {  	_ =	shalt  }
0x6e: {  	_ =	shalt  }
0x6f: {  	_ =	shalt  }
0x70: {  	_ =	shalt  }
0x71: {  	_ =	shalt  }
0x72: {  	_ =	shalt  }
0x73: {  	_ =	shalt  }
0x74: {  	_ =	shalt  }
0x75: {  	_ =	shalt  }
0x76: {  	_ =	shalt  }
0x77: {  	_ =	shalt  }
0x78: {  	_ =	shalt  }
0x79: {  	_ =	shalt  }
0x7a: {  	_ =	shalt  }
0x7b: {  	_ =	shalt  }
0x7c: {  	_ =	shalt  }
0x7d: {  	_ =	shalt  }
0x7e: {  	_ =	shalt  }
0x7f: {  	_ =	shalt  }
0x80: {  	_ =	shalt  }
0x81: {  	_ =	shalt  }
0x82: {  	_ =	shalt  }
0x83: {  	_ =	shalt  }
0x84: {  	_ =	shalt  }
0x85: {  	_ =	shalt  }
0x86: {  	_ =	shalt  }
0x87: {  	_ =	shalt  }
.Lfunc_end0:
.L_simem_size_0:
called_computation.1_lowered:
.L_overlay_start_0:
0x88: {  	s2 =	sld [smem:$0x3FD9]  }
0x89: {  	s3 =	sld [smem:$0x3FFE];
	_ =	sdelay $0x1  }
0x8a: {  	s1 =	srdreg.scid  }
0x8b: {  	s0 =	sand.u32 $0x1, s1  }
0x8c: {  	s17 =	sshll.u32 s0, $0xA;
	s2 =	sadd.s32 s3, s2  }
0x8d: {  	s2 =	sadd.s32 s2, s17  }
0x8e: {  	[smem:$0x3FC4] =	sst s2  }
0x8f: {  	_ = 	snop  }
0x90: {  	s2 =	sld [smem:$0x3FD0];
	(tm) =	ssettm $0x1  }
0x91: {  	s18 =	sld [smem:$0x3FFB];
	_ =	sdelay $0x3  }
0x92: {  	_ =	strace s18  }
0x93: {  	s3 =	sld [smem:$0x3FFC];
	_ =	sdelay $0x3  }
0x94: {  	_ =	strace s3  }
0x95: {  	s3 =	sld [smem:$0x3FFD];
	_ =	sdelay $0x3  }
0x96: {  	_ =	strace s3  }
0x97: {  	_ =	strace $0x8FFFFFFF  }
0x98: {  	s19 =	sld [smem:$0x3FDB];
	_ =	sdelay $0x1  }
0x99: {  	s4 =	simm.s32 $_scs_section_size  }
0x9a: {  	s5 =	simm.s32 $_size__tile_overlayer_lowered;
	s6 =	simm.s32 $_tile_overlayer_lowered  }
0x9b: {  	s22 =	simm.s32 $0x1BFF;
	s21 =	sshll.u32 s6, $0x1;
	s3 =	sadd.s32 s4, s19  }
0x9c: {  	s7 =	simm.s32 $0x0;
	s20 =	sshll.u32 s5, $0x1;
	s5 =	sadd.s32 s21, s3  }
0x9d: {  	[timem:s7], [sflag:s22] =	dma.local [hbm:s5], s20  }
0x9e: {  	_ =	swait.ge [sflag:s22], s20  }
0x9f: {  	s4 =	ssub.s32 $0x0, s20;
	[sflag:s22] =	ssyncset.done $0x0  }
0xa0: {  	[sflag:s22] =	ssyncadd.s32 s4;
	_ =	sdelay $0x1  }
0xa1: {  	s23 =	simm.s32 $0x1B8B  }
0xa2: {  	_ =	swait.ge [sflag:s23], $0x1  }
0xa3: {  	[sflag:s23] =	ssyncset.done $0x0  }
0xa4: {  	s25 =	simm.s32 $0x1B8E;
	s24 =	sld [smem:$0x3FFE];
	[sflag:s23] =	ssyncadd.s32 $0xFFFFFFFF  }
0xa5: {  	s26 =	simm.s32 $execute0_lowered;
	[smem:$0x3FD2] =	sst s25  }
0xa6: {  	s5 =	sshll.u32 s26, $0x1;
	_ =	strace $0x80000049;
	[dreg:$0x1] =	wrdreg $0xFFFFFFFF  }
0xa7: {  	s28 =	simm.s32 $_size_execute0_lowered;
	s3 =	sadd.s32 s3, s5;
	[dreg:$0x0] =	wrdreg $0x0  }
0xa8: {  	s5 =	sshll.u32 s28, $0x1;
	[dreg:$0x2] =	wrdreg s3  }
0xa9: {  	[dreg:$0x3] =	wrdreg s5  }
0xaa: {  	[dreg:$0x4] =	wrdreg $0xC0  }
0xab: {  	_ =	task [dreg:s7], $0x5FFFF  }
0xac: {  	[dreg:$0x1] =	wrdreg $0xFFFFFFFF  }
0xad: {  	[dreg:$0x0] =	wrdreg $0x60  }
0xae: {  	[dreg:$0x2] =	wrdreg s24  }
0xaf: {  	[dreg:$0x3] =	wrdreg s2  }
0xb0: {  	[dreg:$0x4] =	wrdreg $0x70000  }
0xb1: {  	[dreg:$0x5] =	wrdreg $0x9  }
0xb2: {  	_ =	task.clear_ibuf [dreg:s7], $0x6FFFF;
	_ =	strace $0x90000049  }
0xb3: {  	s29 =	simm.s32 $0x9;
	_ =	strace $0x8000004B  }
0xb4: {  	_ =	swait.ge [sflag:s29], $0x1  }
0xb5: {  	[sflag:s29] =	ssyncadd.s32 $0xFFFFFFFF  }
0xb6: {  	_ =	strace $0x9000004B  }
0xb7: {  	_ =	sfence  }
0xb8: {  	s30 =	sld [smem:$0x0];
	_ =	sdelay $0x2  }
0xb9: {  	s31 =	sshll.u32 s1, $0xD;
	s1 =	sshrl.u32 s1, $0x2  }
0xba: {  	s3 =	sand.u32 $0x4000, s31;
	s1 =	sadd.s32 s1, s30  }
0xbb: {  	s0 =	sor.u32 s3, s0;
	s1 =	sshll.u32 s1, $0x11  }
0xbc: {  	s0 =	sor.u32 s1, s0  }
0xbd: {  	s0 =	sadd.s32 $0x8F2B, s0  }
0xbe: {  	[sflag:s0] =	ssyncadd.remote.s32 $0x1  }
0xbf: {  	_ =	sfence.sel $0xFFFF  }
0xc0: {  	[dreg:$0x0] =	wrdreg $0xFFFFFFFF;
	(pc) =	sbr.abs _section_cstart, $3  }
0xc1: {  	[dreg:$0x1] =	wrdreg $0xFFFFFFFF  }
0xc2: {  	_ =	task.clear_ibuf [dreg:s7], $0x2FFFF;
	_ =	strace $0x9FFFFFFF  }
0xc3: {  	(tm) =	ssettm $0x7FFFFFFF  }
tec
execute0_lowered:
.L_overlay_start_1:
0x0: {  	(tag) =	ssettag $0x1  }
0x1: {  	s0 =	rddreg [dreg:$0x0];
	s2 =	srdreg.scid  }
0x2: {  	s1 =	rddreg [dreg:$0x1];
	s11 =	stileid.u32  }
0x3: {  	s6 =	simm.s32 $0x0;
	s3 =	sand.u32 $0x1, s2;
	s2 =	rddreg [dreg:$0x2]  }
0x4: {  	s5 =	smul.u32 $0x5000, s11;
	[smem:$0x7FF] =	sst s6  }
0x5: {  	s17 =	sadd.s32 $0x15A00, s0;
	s8 =	sadd.s32 $0x1A00, s0;
	s25 =	smul.u32 $0x14000, s11  }
0x6: {  	s0 =	sadd.s32 $0x29A00, s0;
	s4 =	smul.u32 $0x50000, s3;
	s7 =	ssub.s32 $0x2, s3  }
0x7: {  	s3 =	smul.u32 $0x140000, s3;
	s9 =	sshrl.u32 s7, $0x1;
	s13 =	sadd.s32 $0x4000, s25  }
0x8: {  	s4 =	sadd.s32 s5, s4;
	s5 =	ssub.s32 s7, s9;
	s7 =	smul.u32 $0x50000, s11  }
0x9: {  	s12 =	sadd.s32 s25, s3;
	s15 =	sadd.s32 s3, s13;
	s11 =	simm.s32 $0x1B00  }
0xa: {  	s4 =	sshrl.u32 s4, $0x3;
	s14 =	sshrl.u32 s12, $0x3;
	s16 =	sshrl.u32 s15, $0x3  }
0xb: {  	s5 =	smax.u32 s5, $0x1;
	s12 =	simm.s32 $0xC00;
	s18 =	sadd.s32 s17, s4  }
0xc: {  	s19 =	sadd.s32 $0x200, s4;
	s10 =	sadd.s32 s8, s4;
	[dreg:$0x4] =	wrdreg s18  }
0xd: {  	s15 =	simm.s32 $0x0;
	[dreg:$0x5] =	wrdreg s10;
	s20 =	sadd.s32 s17, s19  }
0xe: {  	s21 =	sadd.s32 $0x400, s4;
	s9 =	sadd.s32 s8, s19;
	[dreg:$0x6] =	wrdreg s20  }
0xf: {  	s24 =	sadd.s32 $0x600, s4;
	s22 =	sadd.s32 s17, s21;
	[dreg:$0x7] =	wrdreg s9  }
0x10: {  	s4 =	sadd.s32 $0x800, s4;
	s23 =	sadd.s32 s8, s21;
	[dreg:$0x8] =	wrdreg s22  }
0x11: {  	s26 =	sadd.s32 s17, s24;
	s6 =	sadd.s32 s17, s4;
	[dreg:$0x9] =	wrdreg s23  }
0x12: {  	s4 =	sadd.s32 s8, s4;
	s17 =	sadd.s32 $0x8000, s25;
	[dreg:$0xa] =	wrdreg s26  }
0x13: {  	s19 =	sadd.s32 $0xC000, s25;
	s10 =	sadd.s32 $0x10000, s25;
	[dreg:$0xc] =	wrdreg s6  }
0x14: {  	s9 =	sadd.s32 s8, s24;
	[dreg:$0xd] =	wrdreg s4;
	s4 =	sadd.s32 s0, s14  }
0x15: {  	s18 =	sadd.s32 s3, s17;
	s20 =	sadd.s32 s3, s19;
	s3 =	sadd.s32 s3, s10  }
0x16: {  	s22 =	sshrl.u32 s7, $0x2;
	s23 =	sadd.s32 s13, s2;
	s24 =	sadd.s32 s17, s2  }
0x17: {  	s25 =	sadd.s32 s19, s2;
	s26 =	sadd.s32 s10, s2;
	s6 =	simm.s32 $0x50  }
0x18: {  	s7 =	simm.s32 $0x80;
	s8 =	simm.s32 $0x4800;
	s10 =	simm.s32 $0x2  }
0x19: {  	s13 =	simm.s32 $0x1B80;
	s14 =	simm.s32 $0x1C00;
	[dreg:$0xb] =	wrdreg s9  }
0x1a: {  	[dreg:$0xe] =	wrdreg s4;
	s4 =	sadd.s32 s0, s16;
	s21 =	sshrl.u32 s20, $0x3  }
0x1b: {  	s3 =	sshrl.u32 s3, $0x3;
	s20 =	sadd.s32 s22, s2;
	s22 =	sshrl.u32 s23, $0x3  }
0x1c: {  	s23 =	sshrl.u32 s24, $0x3;
	s24 =	sshrl.u32 s25, $0x3;
	s25 =	sshrl.u32 s26, $0x3  }
0x1d: {  	s9 =	simm.s32 $0x1;
	[dreg:$0xf] =	wrdreg s4;
	s4 =	sshrl.u32 s18, $0x3  }
0x1e: {  	s26 =	sadd.s32 $0x2800, s20;
	s28 =	sadd.s32 $0x5000, s20;
	s29 =	sadd.s32 $0x7800, s20  }
0x1f: {  	s30 =	sadd.s32 $0xA000, s20;
	s31 =	sadd.s32 $0xC800, s20;
	s4 =	sadd.s32 s0, s4  }
0x20: {  	s16 =	sadd.s32 $0xF000, s20;
	[dreg:$0x10] =	wrdreg s4;
	s4 =	sadd.s32 s0, s21  }
0x21: {  	s0 =	sadd.s32 s0, s3;
	s3 =	simm.s32 $0x2000;
	[dreg:$0x11] =	wrdreg s4  }
0x22: {  	[dreg:$0x12] =	wrdreg s0;
	s0 =	sadd.s32 $0x11800, s20;
	s4 =	simm.s32 $0x3  }
0x23: {  	v0 =	vimm.f32 $0.0e+00;
	_ =	strace $0x8000004A;
	[dreg:$0x13] =	wrdreg s5;
	s5 =	simm.s32 $0x1000  }
.LBB2_1:
0x24: {  	s18 =	simm.s32 $0x0  }
0x25: {  	s17 =	sand.u32 $0xFE00, s18  }
0x26: {  	s18 =	sand.u32 $0x70, s18;
	s19 =	sshrl.u32 s17, $0x2  }
0x27: {  	s17 =	simm.s32 $0x40;
	s19 =	sor.u32 s18, s19;
	s18 =	simm.s32 $0x0  }
.LBB2_2:
0x28: {  	p0 =	sne.s32 s17, $0x9FC0  }
0x29: {  	[tilespmem:s19+$0x2000] =	vst v0;
	s18 =	sadd.s32 $0x10, s18;
	s19 =	smov.u32 s17;
	s17 =	sadd.s32 $0x40, s17  }
.Ltmp0:
0x2a: {  	(pc) =	sbr.rel @p0 .LBB2_2-.Ltmp0, $4  }
0x2b: {  	_ = 	snop  }
0x2c: {  	s19 =	sand.u32 $0xFE00, s19  }
0x2d: {  	s21 =	sand.u32 $0x70, s18;
	s19 =	sshrl.u32 s19, $0x2  }
0x2e: {  	s19 =	sor.u32 s21, s19  }
0x2f: {  	[tilespmem:s19+$0x2000] =	vst v0  }
0x30: {  	[spmem:s20] =	stream.linear.scatter [tilespmem:s3], [sflag:$0x3], $0x2800, $0x38;
	[tilespmem:$0x1B000] =	vst v63  }
0x31: {  	_ =	swait.ge [sflag:s4], $0x2800  }
0x32: {  	[sflag:s4] =	ssyncset.done $0x0  }
0x33: {  	[sflag:s4] =	ssyncadd.s32 $0xFFFFD800  }
0x34: {  	[spmem:s26] =	stream.linear.scatter [tilespmem:s3], [sflag:$0x3], $0x2800, $0x38;
	[tilespmem:$0x1B000] =	vst v63  }
0x35: {  	_ =	swait.ge [sflag:s4], $0x2800  }
0x36: {  	[sflag:s4] =	ssyncset.done $0x0  }
0x37: {  	[sflag:s4] =	ssyncadd.s32 $0xFFFFD800  }
0x38: {  	[spmem:s28] =	stream.linear.scatter [tilespmem:s3], [sflag:$0x3], $0x2800, $0x38;
	[tilespmem:$0x1B000] =	vst v63  }
0x39: {  	_ =	swait.ge [sflag:s4], $0x2800  }
0x3a: {  	[sflag:s4] =	ssyncset.done $0x0  }
0x3b: {  	[sflag:s4] =	ssyncadd.s32 $0xFFFFD800  }
0x3c: {  	[spmem:s29] =	stream.linear.scatter [tilespmem:s3], [sflag:$0x3], $0x2800, $0x38;
	[tilespmem:$0x1B000] =	vst v63  }
0x3d: {  	_ =	swait.ge [sflag:s4], $0x2800  }
0x3e: {  	[sflag:s4] =	ssyncset.done $0x0  }
0x3f: {  	[sflag:s4] =	ssyncadd.s32 $0xFFFFD800  }
0x40: {  	[spmem:s30] =	stream.linear.scatter [tilespmem:s3], [sflag:$0x3], $0x2800, $0x38;
	[tilespmem:$0x1B000] =	vst v63  }
0x41: {  	_ =	swait.ge [sflag:s4], $0x2800  }
0x42: {  	[sflag:s4] =	ssyncset.done $0x0  }
0x43: {  	[sflag:s4] =	ssyncadd.s32 $0xFFFFD800  }
0x44: {  	[spmem:s31] =	stream.linear.scatter [tilespmem:s3], [sflag:$0x3], $0x2800, $0x38;
	[tilespmem:$0x1B000] =	vst v63  }
0x45: {  	_ =	swait.ge [sflag:s4], $0x2800  }
0x46: {  	[sflag:s4] =	ssyncset.done $0x0  }
0x47: {  	[sflag:s4] =	ssyncadd.s32 $0xFFFFD800  }
0x48: {  	[spmem:s16] =	stream.linear.scatter [tilespmem:s3], [sflag:$0x3], $0x2800, $0x38;
	[tilespmem:$0x1B000] =	vst v63  }
0x49: {  	_ =	swait.ge [sflag:s4], $0x2800  }
0x4a: {  	[sflag:s4] =	ssyncset.done $0x0  }
0x4b: {  	[sflag:s4] =	ssyncadd.s32 $0xFFFFD800  }
0x4c: {  	[spmem:s0] =	stream.linear.scatter [tilespmem:s3], [sflag:$0x3], $0x2800, $0x38;
	[tilespmem:$0x1B000] =	vst v63  }
0x4d: {  	_ =	swait.ge [sflag:s4], $0x2800  }
0x4e: {  	[sflag:s4] =	ssyncset.done $0x0  }
0x4f: {  	[sflag:s4] =	ssyncadd.s32 $0xFFFFD800  }
0x50: {  	[bflag:$0x0] =	sbarrier.arrive $0xFFFF  }
0x51: {  	s17 =	simm.s32 $0x0;
	s18 =	rddreg [dreg:$0x4]  }
0x52: {  	[tilespmem:s17], [sflag:$0x3] =	stream.linear.gather [hbm4b:s18+s17], $0xC80, $0x38;
	[tilespmem:$0x1B000] =	vst v63  }
0x53: {  	_ =	swait.ge [sflag:s4], $0xC80  }
0x54: {  	[sflag:s4] =	ssyncset.done $0x0  }
0x55: {  	s21 =	rddreg [dreg:$0x5];
	[sflag:s4] =	ssyncadd.s32 $0xFFFFF380  }
0x56: {  	[tilespmem:s5], [sflag:$0x3] =	stream.linear.gather [hbm4b:s21+s17], $0xC80, $0x38;
	[tilespmem:$0x1B000] =	vst v63  }
0x57: {  	_ =	swait.ge [sflag:s4], $0xC80  }
0x58: {  	[sflag:s4] =	ssyncset.done $0x0  }
0x59: {  	[sflag:s4] =	ssyncadd.s32 $0xFFFFF380  }
0x5a: {  	[tilespmem:s3], [sflag:$0x1] =	stream.indirect.gather [hbm4b:s1+s6], $0x80, s17, s6, $0xb8;
	[tilespmem:$0x1B000] =	vst v63  }
0x5b: {  	_ = 	snop  }
0x5c: {  	[tilespmem:s8], [sflag:$0x2] =	stream.indirect.gather [hbm4b:s1+s6], $0x80, s7, s6, $0xb8;
	[tilespmem:$0x1B000] =	vst v63  }
0x5d: {  	_ =	swait.ge [sflag:s9], $0x2800  }
0x5e: {  	[sflag:s9] =	ssyncset.done $0x0  }
0x5f: {  	s18 =	simm.s32 $0x1000;
	[sflag:s9] =	ssyncadd.s32 $0xFFFFD800  }
0x60: {  	[spmem:s2] =	stream.indirect.scatter.add.f32 [tilespmem:s3], [sflag:$0x3], $0x80, s18, s6, $0xb8;
	[tilespmem:$0x1B000] =	vst v63  }
0x61: {  	_ =	swait.ge [sflag:s4], $0x2800  }
0x62: {  	[sflag:s4] =	ssyncset.done $0x0  }
0x63: {  	s19 =	simm.s32 $0x100;
	[sflag:s4] =	ssyncadd.s32 $0xFFFFD800  }
0x64: {  	[tilespmem:s3], [sflag:$0x1] =	stream.indirect.gather [hbm4b:s1+s6], $0x80, s19, s6, $0xb8;
	[tilespmem:$0x1B000] =	vst v63  }
0x65: {  	_ =	swait.ge [sflag:s10], $0x2800  }
0x66: {  	[sflag:s10] =	ssyncset.done $0x0  }
0x67: {  	s21 =	simm.s32 $0x1080;
	[sflag:s10] =	ssyncadd.s32 $0xFFFFD800  }
0x68: {  	[spmem:s2] =	stream.indirect.scatter.add.f32 [tilespmem:s8], [sflag:$0x3], $0x80, s21, s6, $0xb8;
	[tilespmem:$0x1B000] =	vst v63  }
0x69: {  	_ =	swait.ge [sflag:s4], $0x2800  }
0x6a: {  	[sflag:s4] =	ssyncset.done $0x0  }
0x6b: {  	s17 =	simm.s32 $0x400;
	s18 =	simm.s32 $0x180;
	[sflag:s4] =	ssyncadd.s32 $0xFFFFD800  }
.LBB2_4:
0x6c: {  	[tilespmem:s8], [sflag:$0x2] =	stream.indirect.gather [hbm4b:s1+s6], $0x80, s18, s6, $0xb8;
	[tilespmem:$0x1B000] =	vst v63  }
0x6d: {  	s18 =	smov.u32 s17  }
0x6e: {  	p0 =	sne.s32 s17, $0x2800;
	s17 =	sadd.s32 $0x400, s17;
	_ =	swait.ge [sflag:s9], $0x2800  }
0x6f: {  	s18 =	sshra.s32 s18, $0x2;
	[sflag:s9] =	ssyncset.done $0x0  }
0x70: {  	s19 =	sadd.s32 $0x1000, s18;
	[sflag:s9] =	ssyncadd.s32 $0xFFFFD800  }
0x71: {  	[spmem:s2] =	stream.indirect.scatter.add.f32 [tilespmem:s3], [sflag:$0x3], $0x80, s19, s6, $0xb8;
	[tilespmem:$0x1B000] =	vst v63  }
0x72: {  	_ =	swait.ge [sflag:s4], $0x2800  }
0x73: {  	[sflag:s4] =	ssyncset.done $0x0  }
0x74: {  	s19 =	sadd.s32 $0x100, s18;
	[sflag:s4] =	ssyncadd.s32 $0xFFFFD800  }
0x75: {  	[tilespmem:s3], [sflag:$0x1] =	stream.indirect.gather [hbm4b:s1+s6], $0x80, s19, s6, $0xb8;
	[tilespmem:$0x1B000] =	vst v63  }
0x76: {  	_ =	swait.ge [sflag:s10], $0x2800  }
0x77: {  	[sflag:s10] =	ssyncset.done $0x0  }
.Ltmp1:
0x78: {  	s19 =	sadd.s32 $0x1080, s18;
	[sflag:s10] =	ssyncadd.s32 $0xFFFFD800;
	(pc) =	sbr.rel @p0 .LBB2_4-.Ltmp1, $4  }
0x79: {  	[spmem:s2] =	stream.indirect.scatter.add.f32 [tilespmem:s8], [sflag:$0x3], $0x80, s19, s6, $0xb8;
	[tilespmem:$0x1B000] =	vst v63  }
0x7a: {  	_ =	swait.ge [sflag:s4], $0x2800  }
0x7b: {  	[sflag:s4] =	ssyncset.done $0x0  }
0x7c: {  	s18 =	sadd.s32 $0x180, s18;
	[sflag:s4] =	ssyncadd.s32 $0xFFFFD800  }
0x7d: {  	[tilespmem:s8], [sflag:$0x2] =	stream.indirect.gather [hbm4b:s1+s6], $0x80, s18, s6, $0xb8;
	[tilespmem:$0x1B000] =	vst v63  }
0x7e: {  	_ =	swait.ge [sflag:s9], $0x2800  }
0x7f: {  	[sflag:s9] =	ssyncset.done $0x0  }
0x80: {  	[sflag:s9] =	ssyncadd.s32 $0xFFFFD800  }
0x81: {  	[spmem:s2] =	stream.indirect.scatter.add.f32 [tilespmem:s3], [sflag:$0x3], $0x80, s11, s6, $0xb8;
	[tilespmem:$0x1B000] =	vst v63  }
0x82: {  	_ =	swait.ge [sflag:s4], $0x2800  }
0x83: {  	[sflag:s4] =	ssyncset.done $0x0  }
0x84: {  	[sflag:s4] =	ssyncadd.s32 $0xFFFFD800  }
0x85: {  	[tilespmem:s3], [sflag:$0x1] =	stream.indirect.gather [hbm4b:s1+s6], $0x80, s12, s6, $0xb8;
	[tilespmem:$0x1B000] =	vst v63  }
0x86: {  	_ =	swait.ge [sflag:s10], $0x2800  }
0x87: {  	[sflag:s10] =	ssyncset.done $0x0  }
0x88: {  	[sflag:s10] =	ssyncadd.s32 $0xFFFFD800  }
0x89: {  	[spmem:s2] =	stream.indirect.scatter.add.f32 [tilespmem:s8], [sflag:$0x3], $0x80, s13, s6, $0xb8;
	[tilespmem:$0x1B000] =	vst v63  }
0x8a: {  	_ =	swait.ge [sflag:s4], $0x2800  }
0x8b: {  	[sflag:s4] =	ssyncset.done $0x0  }
0x8c: {  	[sflag:s4] =	ssyncadd.s32 $0xFFFFD800  }
0x8d: {  	_ =	swait.ge [sflag:s9], $0x2800  }
0x8e: {  	[sflag:s9] =	ssyncset.done $0x0  }
0x8f: {  	[sflag:s9] =	ssyncadd.s32 $0xFFFFD800  }
0x90: {  	[spmem:s2] =	stream.indirect.scatter.add.f32 [tilespmem:s3], [sflag:$0x3], $0x80, s14, s6, $0xb8;
	[tilespmem:$0x1B000] =	vst v63  }
0x91: {  	_ =	swait.ge [sflag:s4], $0x2800  }
0x92: {  	[sflag:s4] =	ssyncset.done $0x0  }
0x93: {  	s17 =	simm.s32 $0x0;
	s19 =	rddreg [dreg:$0x6];
	[sflag:s4] =	ssyncadd.s32 $0xFFFFD800  }
0x94: {  	[tilespmem:s17], [sflag:$0x3] =	stream.linear.gather [hbm4b:s19+s17], $0xC80, $0x38;
	[tilespmem:$0x1B000] =	vst v63  }
0x95: {  	_ =	swait.ge [sflag:s4], $0xC80  }
0x96: {  	[sflag:s4] =	ssyncset.done $0x0  }
0x97: {  	s21 =	rddreg [dreg:$0x7];
	[sflag:s4] =	ssyncadd.s32 $0xFFFFF380  }
0x98: {  	[tilespmem:s5], [sflag:$0x3] =	stream.linear.gather [hbm4b:s21+s17], $0xC80, $0x38;
	[tilespmem:$0x1B000] =	vst v63  }
0x99: {  	_ =	swait.ge [sflag:s4], $0xC80  }
0x9a: {  	[sflag:s4] =	ssyncset.done $0x0  }
0x9b: {  	[sflag:s4] =	ssyncadd.s32 $0xFFFFF380  }
0x9c: {  	[tilespmem:s3], [sflag:$0x1] =	stream.indirect.gather [hbm4b:s1+s6], $0x80, s17, s6, $0xb8;
	[tilespmem:$0x1B000] =	vst v63  }
0x9d: {  	_ = 	snop  }
0x9e: {  	[tilespmem:s8], [sflag:$0x2] =	stream.indirect.gather [hbm4b:s1+s6], $0x80, s7, s6, $0xb8;
	[tilespmem:$0x1B000] =	vst v63  }
0x9f: {  	_ =	swait.ge [sflag:s9], $0x2800  }
0xa0: {  	[sflag:s9] =	ssyncset.done $0x0  }
0xa1: {  	s18 =	simm.s32 $0x1000;
	[sflag:s9] =	ssyncadd.s32 $0xFFFFD800  }
0xa2: {  	[spmem:s2] =	stream.indirect.scatter.add.f32 [tilespmem:s3], [sflag:$0x3], $0x80, s18, s6, $0xb8;
	[tilespmem:$0x1B000] =	vst v63  }
0xa3: {  	_ =	swait.ge [sflag:s4], $0x2800  }
0xa4: {  	[sflag:s4] =	ssyncset.done $0x0  }
0xa5: {  	s19 =	simm.s32 $0x100;
	[sflag:s4] =	ssyncadd.s32 $0xFFFFD800  }
0xa6: {  	[tilespmem:s3], [sflag:$0x1] =	stream.indirect.gather [hbm4b:s1+s6], $0x80, s19, s6, $0xb8;
	[tilespmem:$0x1B000] =	vst v63  }
0xa7: {  	_ =	swait.ge [sflag:s10], $0x2800  }
0xa8: {  	[sflag:s10] =	ssyncset.done $0x0  }
0xa9: {  	s21 =	simm.s32 $0x1080;
	[sflag:s10] =	ssyncadd.s32 $0xFFFFD800  }
0xaa: {  	[spmem:s2] =	stream.indirect.scatter.add.f32 [tilespmem:s8], [sflag:$0x3], $0x80, s21, s6, $0xb8;
	[tilespmem:$0x1B000] =	vst v63  }
0xab: {  	_ =	swait.ge [sflag:s4], $0x2800  }
0xac: {  	[sflag:s4] =	ssyncset.done $0x0  }
0xad: {  	s17 =	simm.s32 $0x400;
	s18 =	simm.s32 $0x180;
	[sflag:s4] =	ssyncadd.s32 $0xFFFFD800  }
.LBB2_6:
0xae: {  	[tilespmem:s8], [sflag:$0x2] =	stream.indirect.gather [hbm4b:s1+s6], $0x80, s18, s6, $0xb8;
	[tilespmem:$0x1B000] =	vst v63  }
0xaf: {  	s18 =	smov.u32 s17  }
0xb0: {  	p0 =	sne.s32 s17, $0x2800;
	s17 =	sadd.s32 $0x400, s17;
	_ =	swait.ge [sflag:s9], $0x2800  }
0xb1: {  	s18 =	sshra.s32 s18, $0x2;
	[sflag:s9] =	ssyncset.done $0x0  }
0xb2: {  	s19 =	sadd.s32 $0x1000, s18;
	[sflag:s9] =	ssyncadd.s32 $0xFFFFD800  }
0xb3: {  	[spmem:s2] =	stream.indirect.scatter.add.f32 [tilespmem:s3], [sflag:$0x3], $0x80, s19, s6, $0xb8;
	[tilespmem:$0x1B000] =	vst v63  }
0xb4: {  	_ =	swait.ge [sflag:s4], $0x2800  }
0xb5: {  	[sflag:s4] =	ssyncset.done $0x0  }
0xb6: {  	s19 =	sadd.s32 $0x100, s18;
	[sflag:s4] =	ssyncadd.s32 $0xFFFFD800  }
0xb7: {  	[tilespmem:s3], [sflag:$0x1] =	stream.indirect.gather [hbm4b:s1+s6], $0x80, s19, s6, $0xb8;
	[tilespmem:$0x1B000] =	vst v63  }
0xb8: {  	_ =	swait.ge [sflag:s10], $0x2800  }
0xb9: {  	[sflag:s10] =	ssyncset.done $0x0  }
.Ltmp2:
0xba: {  	s19 =	sadd.s32 $0x1080, s18;
	[sflag:s10] =	ssyncadd.s32 $0xFFFFD800;
	(pc) =	sbr.rel @p0 .LBB2_6-.Ltmp2, $4  }
0xbb: {  	[spmem:s2] =	stream.indirect.scatter.add.f32 [tilespmem:s8], [sflag:$0x3], $0x80, s19, s6, $0xb8;
	[tilespmem:$0x1B000] =	vst v63  }
0xbc: {  	_ =	swait.ge [sflag:s4], $0x2800  }
0xbd: {  	[sflag:s4] =	ssyncset.done $0x0  }
0xbe: {  	s18 =	sadd.s32 $0x180, s18;
	[sflag:s4] =	ssyncadd.s32 $0xFFFFD800  }
0xbf: {  	[tilespmem:s8], [sflag:$0x2] =	stream.indirect.gather [hbm4b:s1+s6], $0x80, s18, s6, $0xb8;
	[tilespmem:$0x1B000] =	vst v63  }
0xc0: {  	_ =	swait.ge [sflag:s9], $0x2800  }
0xc1: {  	[sflag:s9] =	ssyncset.done $0x0  }
0xc2: {  	[sflag:s9] =	ssyncadd.s32 $0xFFFFD800  }
0xc3: {  	[spmem:s2] =	stream.indirect.scatter.add.f32 [tilespmem:s3], [sflag:$0x3], $0x80, s11, s6, $0xb8;
	[tilespmem:$0x1B000] =	vst v63  }
0xc4: {  	_ =	swait.ge [sflag:s4], $0x2800  }
0xc5: {  	[sflag:s4] =	ssyncset.done $0x0  }
0xc6: {  	[sflag:s4] =	ssyncadd.s32 $0xFFFFD800  }
0xc7: {  	[tilespmem:s3], [sflag:$0x1] =	stream.indirect.gather [hbm4b:s1+s6], $0x80, s12, s6, $0xb8;
	[tilespmem:$0x1B000] =	vst v63  }
0xc8: {  	_ =	swait.ge [sflag:s10], $0x2800  }
0xc9: {  	[sflag:s10] =	ssyncset.done $0x0  }
0xca: {  	[sflag:s10] =	ssyncadd.s32 $0xFFFFD800  }
0xcb: {  	[spmem:s2] =	stream.indirect.scatter.add.f32 [tilespmem:s8], [sflag:$0x3], $0x80, s13, s6, $0xb8;
	[tilespmem:$0x1B000] =	vst v63  }
0xcc: {  	_ =	swait.ge [sflag:s4], $0x2800  }
0xcd: {  	[sflag:s4] =	ssyncset.done $0x0  }
0xce: {  	[sflag:s4] =	ssyncadd.s32 $0xFFFFD800  }
0xcf: {  	_ =	swait.ge [sflag:s9], $0x2800  }
0xd0: {  	[sflag:s9] =	ssyncset.done $0x0  }
0xd1: {  	[sflag:s9] =	ssyncadd.s32 $0xFFFFD800  }
0xd2: {  	[spmem:s2] =	stream.indirect.scatter.add.f32 [tilespmem:s3], [sflag:$0x3], $0x80, s14, s6, $0xb8;
	[tilespmem:$0x1B000] =	vst v63  }
0xd3: {  	_ =	swait.ge [sflag:s4], $0x2800  }
0xd4: {  	[sflag:s4] =	ssyncset.done $0x0  }
0xd5: {  	s17 =	simm.s32 $0x0;
	s19 =	rddreg [dreg:$0x8];
	[sflag:s4] =	ssyncadd.s32 $0xFFFFD800  }
0xd6: {  	[tilespmem:s17], [sflag:$0x3] =	stream.linear.gather [hbm4b:s19+s17], $0xC80, $0x38;
	[tilespmem:$0x1B000] =	vst v63  }
0xd7: {  	_ =	swait.ge [sflag:s4], $0xC80  }
0xd8: {  	[sflag:s4] =	ssyncset.done $0x0  }
0xd9: {  	s21 =	rddreg [dreg:$0x9];
	[sflag:s4] =	ssyncadd.s32 $0xFFFFF380  }
0xda: {  	[tilespmem:s5], [sflag:$0x3] =	stream.linear.gather [hbm4b:s21+s17], $0xC80, $0x38;
	[tilespmem:$0x1B000] =	vst v63  }
0xdb: {  	_ =	swait.ge [sflag:s4], $0xC80  }
0xdc: {  	[sflag:s4] =	ssyncset.done $0x0  }
0xdd: {  	[sflag:s4] =	ssyncadd.s32 $0xFFFFF380  }
0xde: {  	[tilespmem:s3], [sflag:$0x1] =	stream.indirect.gather [hbm4b:s1+s6], $0x80, s17, s6, $0xb8;
	[tilespmem:$0x1B000] =	vst v63  }
0xdf: {  	_ = 	snop  }
0xe0: {  	[tilespmem:s8], [sflag:$0x2] =	stream.indirect.gather [hbm4b:s1+s6], $0x80, s7, s6, $0xb8;
	[tilespmem:$0x1B000] =	vst v63  }
0xe1: {  	_ =	swait.ge [sflag:s9], $0x2800  }
0xe2: {  	[sflag:s9] =	ssyncset.done $0x0  }
0xe3: {  	s18 =	simm.s32 $0x1000;
	[sflag:s9] =	ssyncadd.s32 $0xFFFFD800  }
0xe4: {  	[spmem:s2] =	stream.indirect.scatter.add.f32 [tilespmem:s3], [sflag:$0x3], $0x80, s18, s6, $0xb8;
	[tilespmem:$0x1B000] =	vst v63  }
0xe5: {  	_ =	swait.ge [sflag:s4], $0x2800  }
0xe6: {  	[sflag:s4] =	ssyncset.done $0x0  }
0xe7: {  	s19 =	simm.s32 $0x100;
	[sflag:s4] =	ssyncadd.s32 $0xFFFFD800  }
0xe8: {  	[tilespmem:s3], [sflag:$0x1] =	stream.indirect.gather [hbm4b:s1+s6], $0x80, s19, s6, $0xb8;
	[tilespmem:$0x1B000] =	vst v63  }
0xe9: {  	_ =	swait.ge [sflag:s10], $0x2800  }
0xea: {  	[sflag:s10] =	ssyncset.done $0x0  }
0xeb: {  	s21 =	simm.s32 $0x1080;
	[sflag:s10] =	ssyncadd.s32 $0xFFFFD800  }
0xec: {  	[spmem:s2] =	stream.indirect.scatter.add.f32 [tilespmem:s8], [sflag:$0x3], $0x80, s21, s6, $0xb8;
	[tilespmem:$0x1B000] =	vst v63  }
0xed: {  	_ =	swait.ge [sflag:s4], $0x2800  }
0xee: {  	[sflag:s4] =	ssyncset.done $0x0  }
0xef: {  	s17 =	simm.s32 $0x400;
	s18 =	simm.s32 $0x180;
	[sflag:s4] =	ssyncadd.s32 $0xFFFFD800  }
.LBB2_8:
0xf0: {  	[tilespmem:s8], [sflag:$0x2] =	stream.indirect.gather [hbm4b:s1+s6], $0x80, s18, s6, $0xb8;
	[tilespmem:$0x1B000] =	vst v63  }
0xf1: {  	s18 =	smov.u32 s17  }
0xf2: {  	p0 =	sne.s32 s17, $0x2800;
	s17 =	sadd.s32 $0x400, s17;
	_ =	swait.ge [sflag:s9], $0x2800  }
0xf3: {  	s18 =	sshra.s32 s18, $0x2;
	[sflag:s9] =	ssyncset.done $0x0  }
0xf4: {  	s19 =	sadd.s32 $0x1000, s18;
	[sflag:s9] =	ssyncadd.s32 $0xFFFFD800  }
0xf5: {  	[spmem:s2] =	stream.indirect.scatter.add.f32 [tilespmem:s3], [sflag:$0x3], $0x80, s19, s6, $0xb8;
	[tilespmem:$0x1B000] =	vst v63  }
0xf6: {  	_ =	swait.ge [sflag:s4], $0x2800  }
0xf7: {  	[sflag:s4] =	ssyncset.done $0x0  }
0xf8: {  	s19 =	sadd.s32 $0x100, s18;
	[sflag:s4] =	ssyncadd.s32 $0xFFFFD800  }
0xf9: {  	[tilespmem:s3], [sflag:$0x1] =	stream.indirect.gather [hbm4b:s1+s6], $0x80, s19, s6, $0xb8;
	[tilespmem:$0x1B000] =	vst v63  }
0xfa: {  	_ =	swait.ge [sflag:s10], $0x2800  }
0xfb: {  	[sflag:s10] =	ssyncset.done $0x0  }
.Ltmp3:
0xfc: {  	s19 =	sadd.s32 $0x1080, s18;
	[sflag:s10] =	ssyncadd.s32 $0xFFFFD800;
	(pc) =	sbr.rel @p0 .LBB2_8-.Ltmp3, $4  }
0xfd: {  	[spmem:s2] =	stream.indirect.scatter.add.f32 [tilespmem:s8], [sflag:$0x3], $0x80, s19, s6, $0xb8;
	[tilespmem:$0x1B000] =	vst v63  }
0xfe: {  	_ =	swait.ge [sflag:s4], $0x2800  }
0xff: {  	[sflag:s4] =	ssyncset.done $0x0  }
0x100: {  	s18 =	sadd.s32 $0x180, s18;
	[sflag:s4] =	ssyncadd.s32 $0xFFFFD800  }
0x101: {  	[tilespmem:s8], [sflag:$0x2] =	stream.indirect.gather [hbm4b:s1+s6], $0x80, s18, s6, $0xb8;
	[tilespmem:$0x1B000] =	vst v63  }
0x102: {  	_ =	swait.ge [sflag:s9], $0x2800  }
0x103: {  	[sflag:s9] =	ssyncset.done $0x0  }
0x104: {  	[sflag:s9] =	ssyncadd.s32 $0xFFFFD800  }
0x105: {  	[spmem:s2] =	stream.indirect.scatter.add.f32 [tilespmem:s3], [sflag:$0x3], $0x80, s11, s6, $0xb8;
	[tilespmem:$0x1B000] =	vst v63  }
0x106: {  	_ =	swait.ge [sflag:s4], $0x2800  }
0x107: {  	[sflag:s4] =	ssyncset.done $0x0  }
0x108: {  	[sflag:s4] =	ssyncadd.s32 $0xFFFFD800  }
0x109: {  	[tilespmem:s3], [sflag:$0x1] =	stream.indirect.gather [hbm4b:s1+s6], $0x80, s12, s6, $0xb8;
	[tilespmem:$0x1B000] =	vst v63  }
0x10a: {  	_ =	swait.ge [sflag:s10], $0x2800  }
0x10b: {  	[sflag:s10] =	ssyncset.done $0x0  }
0x10c: {  	[sflag:s10] =	ssyncadd.s32 $0xFFFFD800  }
0x10d: {  	[spmem:s2] =	stream.indirect.scatter.add.f32 [tilespmem:s8], [sflag:$0x3], $0x80, s13, s6, $0xb8;
	[tilespmem:$0x1B000] =	vst v63  }
0x10e: {  	_ =	swait.ge [sflag:s4], $0x2800  }
0x10f: {  	[sflag:s4] =	ssyncset.done $0x0  }
0x110: {  	[sflag:s4] =	ssyncadd.s32 $0xFFFFD800  }
0x111: {  	_ =	swait.ge [sflag:s9], $0x2800  }
0x112: {  	[sflag:s9] =	ssyncset.done $0x0  }
0x113: {  	[sflag:s9] =	ssyncadd.s32 $0xFFFFD800  }
0x114: {  	[spmem:s2] =	stream.indirect.scatter.add.f32 [tilespmem:s3], [sflag:$0x3], $0x80, s14, s6, $0xb8;
	[tilespmem:$0x1B000] =	vst v63  }
0x115: {  	_ =	swait.ge [sflag:s4], $0x2800  }
0x116: {  	[sflag:s4] =	ssyncset.done $0x0  }
0x117: {  	s17 =	simm.s32 $0x0;
	s19 =	rddreg [dreg:$0xa];
	[sflag:s4] =	ssyncadd.s32 $0xFFFFD800  }
0x118: {  	[tilespmem:s17], [sflag:$0x3] =	stream.linear.gather [hbm4b:s19+s17], $0xC80, $0x38;
	[tilespmem:$0x1B000] =	vst v63  }
0x119: {  	_ =	swait.ge [sflag:s4], $0xC80  }
0x11a: {  	[sflag:s4] =	ssyncset.done $0x0  }
0x11b: {  	s21 =	rddreg [dreg:$0xb];
	[sflag:s4] =	ssyncadd.s32 $0xFFFFF380  }
0x11c: {  	[tilespmem:s5], [sflag:$0x3] =	stream.linear.gather [hbm4b:s21+s17], $0xC80, $0x38;
	[tilespmem:$0x1B000] =	vst v63  }
0x11d: {  	_ =	swait.ge [sflag:s4], $0xC80  }
0x11e: {  	[sflag:s4] =	ssyncset.done $0x0  }
0x11f: {  	[sflag:s4] =	ssyncadd.s32 $0xFFFFF380  }
0x120: {  	[tilespmem:s3], [sflag:$0x1] =	stream.indirect.gather [hbm4b:s1+s6], $0x80, s17, s6, $0xb8;
	[tilespmem:$0x1B000] =	vst v63  }
0x121: {  	_ = 	snop  }
0x122: {  	[tilespmem:s8], [sflag:$0x2] =	stream.indirect.gather [hbm4b:s1+s6], $0x80, s7, s6, $0xb8;
	[tilespmem:$0x1B000] =	vst v63  }
0x123: {  	_ =	swait.ge [sflag:s9], $0x2800  }
0x124: {  	[sflag:s9] =	ssyncset.done $0x0  }
0x125: {  	s18 =	simm.s32 $0x1000;
	[sflag:s9] =	ssyncadd.s32 $0xFFFFD800  }
0x126: {  	[spmem:s2] =	stream.indirect.scatter.add.f32 [tilespmem:s3], [sflag:$0x3], $0x80, s18, s6, $0xb8;
	[tilespmem:$0x1B000] =	vst v63  }
0x127: {  	_ =	swait.ge [sflag:s4], $0x2800  }
0x128: {  	[sflag:s4] =	ssyncset.done $0x0  }
0x129: {  	s19 =	simm.s32 $0x100;
	[sflag:s4] =	ssyncadd.s32 $0xFFFFD800  }
0x12a: {  	[tilespmem:s3], [sflag:$0x1] =	stream.indirect.gather [hbm4b:s1+s6], $0x80, s19, s6, $0xb8;
	[tilespmem:$0x1B000] =	vst v63  }
0x12b: {  	_ =	swait.ge [sflag:s10], $0x2800  }
0x12c: {  	[sflag:s10] =	ssyncset.done $0x0  }
0x12d: {  	s21 =	simm.s32 $0x1080;
	[sflag:s10] =	ssyncadd.s32 $0xFFFFD800  }
0x12e: {  	[spmem:s2] =	stream.indirect.scatter.add.f32 [tilespmem:s8], [sflag:$0x3], $0x80, s21, s6, $0xb8;
	[tilespmem:$0x1B000] =	vst v63  }
0x12f: {  	_ =	swait.ge [sflag:s4], $0x2800  }
0x130: {  	[sflag:s4] =	ssyncset.done $0x0  }
0x131: {  	s17 =	simm.s32 $0x400;
	s18 =	simm.s32 $0x180;
	[sflag:s4] =	ssyncadd.s32 $0xFFFFD800  }
.LBB2_10:
0x132: {  	[tilespmem:s8], [sflag:$0x2] =	stream.indirect.gather [hbm4b:s1+s6], $0x80, s18, s6, $0xb8;
	[tilespmem:$0x1B000] =	vst v63  }
0x133: {  	s18 =	smov.u32 s17  }
0x134: {  	p0 =	sne.s32 s17, $0x2800;
	s17 =	sadd.s32 $0x400, s17;
	_ =	swait.ge [sflag:s9], $0x2800  }
0x135: {  	s18 =	sshra.s32 s18, $0x2;
	[sflag:s9] =	ssyncset.done $0x0  }
0x136: {  	s19 =	sadd.s32 $0x1000, s18;
	[sflag:s9] =	ssyncadd.s32 $0xFFFFD800  }
0x137: {  	[spmem:s2] =	stream.indirect.scatter.add.f32 [tilespmem:s3], [sflag:$0x3], $0x80, s19, s6, $0xb8;
	[tilespmem:$0x1B000] =	vst v63  }
0x138: {  	_ =	swait.ge [sflag:s4], $0x2800  }
0x139: {  	[sflag:s4] =	ssyncset.done $0x0  }
0x13a: {  	s19 =	sadd.s32 $0x100, s18;
	[sflag:s4] =	ssyncadd.s32 $0xFFFFD800  }
0x13b: {  	[tilespmem:s3], [sflag:$0x1] =	stream.indirect.gather [hbm4b:s1+s6], $0x80, s19, s6, $0xb8;
	[tilespmem:$0x1B000] =	vst v63  }
0x13c: {  	_ =	swait.ge [sflag:s10], $0x2800  }
0x13d: {  	[sflag:s10] =	ssyncset.done $0x0  }
.Ltmp4:
0x13e: {  	s19 =	sadd.s32 $0x1080, s18;
	[sflag:s10] =	ssyncadd.s32 $0xFFFFD800;
	(pc) =	sbr.rel @p0 .LBB2_10-.Ltmp4, $4  }
0x13f: {  	[spmem:s2] =	stream.indirect.scatter.add.f32 [tilespmem:s8], [sflag:$0x3], $0x80, s19, s6, $0xb8;
	[tilespmem:$0x1B000] =	vst v63  }
0x140: {  	_ =	swait.ge [sflag:s4], $0x2800  }
0x141: {  	[sflag:s4] =	ssyncset.done $0x0  }
0x142: {  	s18 =	sadd.s32 $0x180, s18;
	[sflag:s4] =	ssyncadd.s32 $0xFFFFD800  }
0x143: {  	[tilespmem:s8], [sflag:$0x2] =	stream.indirect.gather [hbm4b:s1+s6], $0x80, s18, s6, $0xb8;
	[tilespmem:$0x1B000] =	vst v63  }
0x144: {  	_ =	swait.ge [sflag:s9], $0x2800  }
0x145: {  	[sflag:s9] =	ssyncset.done $0x0  }
0x146: {  	[sflag:s9] =	ssyncadd.s32 $0xFFFFD800  }
0x147: {  	[spmem:s2] =	stream.indirect.scatter.add.f32 [tilespmem:s3], [sflag:$0x3], $0x80, s11, s6, $0xb8;
	[tilespmem:$0x1B000] =	vst v63  }
0x148: {  	_ =	swait.ge [sflag:s4], $0x2800  }
0x149: {  	[sflag:s4] =	ssyncset.done $0x0  }
0x14a: {  	[sflag:s4] =	ssyncadd.s32 $0xFFFFD800  }
0x14b: {  	[tilespmem:s3], [sflag:$0x1] =	stream.indirect.gather [hbm4b:s1+s6], $0x80, s12, s6, $0xb8;
	[tilespmem:$0x1B000] =	vst v63  }
0x14c: {  	_ =	swait.ge [sflag:s10], $0x2800  }
0x14d: {  	[sflag:s10] =	ssyncset.done $0x0  }
0x14e: {  	[sflag:s10] =	ssyncadd.s32 $0xFFFFD800  }
0x14f: {  	[spmem:s2] =	stream.indirect.scatter.add.f32 [tilespmem:s8], [sflag:$0x3], $0x80, s13, s6, $0xb8;
	[tilespmem:$0x1B000] =	vst v63  }
0x150: {  	_ =	swait.ge [sflag:s4], $0x2800  }
0x151: {  	[sflag:s4] =	ssyncset.done $0x0  }
0x152: {  	[sflag:s4] =	ssyncadd.s32 $0xFFFFD800  }
0x153: {  	_ =	swait.ge [sflag:s9], $0x2800  }
0x154: {  	[sflag:s9] =	ssyncset.done $0x0  }
0x155: {  	[sflag:s9] =	ssyncadd.s32 $0xFFFFD800  }
0x156: {  	[spmem:s2] =	stream.indirect.scatter.add.f32 [tilespmem:s3], [sflag:$0x3], $0x80, s14, s6, $0xb8;
	[tilespmem:$0x1B000] =	vst v63  }
0x157: {  	_ =	swait.ge [sflag:s4], $0x2800  }
0x158: {  	[sflag:s4] =	ssyncset.done $0x0  }
0x159: {  	s17 =	simm.s32 $0x0;
	s19 =	rddreg [dreg:$0xc];
	[sflag:s4] =	ssyncadd.s32 $0xFFFFD800  }
0x15a: {  	[tilespmem:s17], [sflag:$0x3] =	stream.linear.gather [hbm4b:s19+s17], $0xC80, $0x38;
	[tilespmem:$0x1B000] =	vst v63  }
0x15b: {  	_ =	swait.ge [sflag:s4], $0xC80  }
0x15c: {  	[sflag:s4] =	ssyncset.done $0x0  }
0x15d: {  	s21 =	rddreg [dreg:$0xd];
	[sflag:s4] =	ssyncadd.s32 $0xFFFFF380  }
0x15e: {  	[tilespmem:s5], [sflag:$0x3] =	stream.linear.gather [hbm4b:s21+s17], $0xC80, $0x38;
	[tilespmem:$0x1B000] =	vst v63  }
0x15f: {  	_ =	swait.ge [sflag:s4], $0xC80  }
0x160: {  	[sflag:s4] =	ssyncset.done $0x0  }
0x161: {  	[sflag:s4] =	ssyncadd.s32 $0xFFFFF380  }
0x162: {  	[tilespmem:s3], [sflag:$0x1] =	stream.indirect.gather [hbm4b:s1+s6], $0x80, s17, s6, $0xb8;
	[tilespmem:$0x1B000] =	vst v63  }
0x163: {  	_ = 	snop  }
0x164: {  	[tilespmem:s8], [sflag:$0x2] =	stream.indirect.gather [hbm4b:s1+s6], $0x80, s7, s6, $0xb8;
	[tilespmem:$0x1B000] =	vst v63  }
0x165: {  	_ =	swait.ge [sflag:s9], $0x2800  }
0x166: {  	[sflag:s9] =	ssyncset.done $0x0  }
0x167: {  	s18 =	simm.s32 $0x1000;
	[sflag:s9] =	ssyncadd.s32 $0xFFFFD800  }
0x168: {  	[spmem:s2] =	stream.indirect.scatter.add.f32 [tilespmem:s3], [sflag:$0x3], $0x80, s18, s6, $0xb8;
	[tilespmem:$0x1B000] =	vst v63  }
0x169: {  	_ =	swait.ge [sflag:s4], $0x2800  }
0x16a: {  	[sflag:s4] =	ssyncset.done $0x0  }
0x16b: {  	s19 =	simm.s32 $0x100;
	[sflag:s4] =	ssyncadd.s32 $0xFFFFD800  }
0x16c: {  	[tilespmem:s3], [sflag:$0x1] =	stream.indirect.gather [hbm4b:s1+s6], $0x80, s19, s6, $0xb8;
	[tilespmem:$0x1B000] =	vst v63  }
0x16d: {  	_ =	swait.ge [sflag:s10], $0x2800  }
0x16e: {  	[sflag:s10] =	ssyncset.done $0x0  }
0x16f: {  	s21 =	simm.s32 $0x1080;
	[sflag:s10] =	ssyncadd.s32 $0xFFFFD800  }
0x170: {  	[spmem:s2] =	stream.indirect.scatter.add.f32 [tilespmem:s8], [sflag:$0x3], $0x80, s21, s6, $0xb8;
	[tilespmem:$0x1B000] =	vst v63  }
0x171: {  	_ =	swait.ge [sflag:s4], $0x2800  }
0x172: {  	[sflag:s4] =	ssyncset.done $0x0  }
0x173: {  	s17 =	simm.s32 $0x400;
	s18 =	simm.s32 $0x180;
	[sflag:s4] =	ssyncadd.s32 $0xFFFFD800  }
.LBB2_12:
0x174: {  	[tilespmem:s8], [sflag:$0x2] =	stream.indirect.gather [hbm4b:s1+s6], $0x80, s18, s6, $0xb8;
	[tilespmem:$0x1B000] =	vst v63  }
0x175: {  	s18 =	smov.u32 s17  }
0x176: {  	p0 =	sne.s32 s17, $0x2800;
	s17 =	sadd.s32 $0x400, s17;
	_ =	swait.ge [sflag:s9], $0x2800  }
0x177: {  	s18 =	sshra.s32 s18, $0x2;
	[sflag:s9] =	ssyncset.done $0x0  }
0x178: {  	s19 =	sadd.s32 $0x1000, s18;
	[sflag:s9] =	ssyncadd.s32 $0xFFFFD800  }
0x179: {  	[spmem:s2] =	stream.indirect.scatter.add.f32 [tilespmem:s3], [sflag:$0x3], $0x80, s19, s6, $0xb8;
	[tilespmem:$0x1B000] =	vst v63  }
0x17a: {  	_ =	swait.ge [sflag:s4], $0x2800  }
0x17b: {  	[sflag:s4] =	ssyncset.done $0x0  }
0x17c: {  	s19 =	sadd.s32 $0x100, s18;
	[sflag:s4] =	ssyncadd.s32 $0xFFFFD800  }
0x17d: {  	[tilespmem:s3], [sflag:$0x1] =	stream.indirect.gather [hbm4b:s1+s6], $0x80, s19, s6, $0xb8;
	[tilespmem:$0x1B000] =	vst v63  }
0x17e: {  	_ =	swait.ge [sflag:s10], $0x2800  }
0x17f: {  	[sflag:s10] =	ssyncset.done $0x0  }
.Ltmp5:
0x180: {  	s19 =	sadd.s32 $0x1080, s18;
	[sflag:s10] =	ssyncadd.s32 $0xFFFFD800;
	(pc) =	sbr.rel @p0 .LBB2_12-.Ltmp5, $4  }
0x181: {  	[spmem:s2] =	stream.indirect.scatter.add.f32 [tilespmem:s8], [sflag:$0x3], $0x80, s19, s6, $0xb8;
	[tilespmem:$0x1B000] =	vst v63  }
0x182: {  	_ =	swait.ge [sflag:s4], $0x2800  }
0x183: {  	[sflag:s4] =	ssyncset.done $0x0  }
0x184: {  	s18 =	sadd.s32 $0x180, s18;
	[sflag:s4] =	ssyncadd.s32 $0xFFFFD800  }
0x185: {  	[tilespmem:s8], [sflag:$0x2] =	stream.indirect.gather [hbm4b:s1+s6], $0x80, s18, s6, $0xb8;
	[tilespmem:$0x1B000] =	vst v63  }
0x186: {  	_ =	swait.ge [sflag:s9], $0x2800  }
0x187: {  	[sflag:s9] =	ssyncset.done $0x0  }
0x188: {  	[sflag:s9] =	ssyncadd.s32 $0xFFFFD800  }
0x189: {  	[spmem:s2] =	stream.indirect.scatter.add.f32 [tilespmem:s3], [sflag:$0x3], $0x80, s11, s6, $0xb8;
	[tilespmem:$0x1B000] =	vst v63  }
0x18a: {  	_ =	swait.ge [sflag:s4], $0x2800  }
0x18b: {  	[sflag:s4] =	ssyncset.done $0x0  }
0x18c: {  	[sflag:s4] =	ssyncadd.s32 $0xFFFFD800  }
0x18d: {  	[tilespmem:s3], [sflag:$0x1] =	stream.indirect.gather [hbm4b:s1+s6], $0x80, s12, s6, $0xb8;
	[tilespmem:$0x1B000] =	vst v63  }
0x18e: {  	_ =	swait.ge [sflag:s10], $0x2800  }
0x18f: {  	[sflag:s10] =	ssyncset.done $0x0  }
0x190: {  	[sflag:s10] =	ssyncadd.s32 $0xFFFFD800  }
0x191: {  	[spmem:s2] =	stream.indirect.scatter.add.f32 [tilespmem:s8], [sflag:$0x3], $0x80, s13, s6, $0xb8;
	[tilespmem:$0x1B000] =	vst v63  }
0x192: {  	_ =	swait.ge [sflag:s4], $0x2800  }
0x193: {  	[sflag:s4] =	ssyncset.done $0x0  }
0x194: {  	[sflag:s4] =	ssyncadd.s32 $0xFFFFD800  }
0x195: {  	_ =	swait.ge [sflag:s9], $0x2800  }
0x196: {  	[sflag:s9] =	ssyncset.done $0x0  }
0x197: {  	[sflag:s9] =	ssyncadd.s32 $0xFFFFD800  }
0x198: {  	[spmem:s2] =	stream.indirect.scatter.add.f32 [tilespmem:s3], [sflag:$0x3], $0x80, s14, s6, $0xb8;
	[tilespmem:$0x1B000] =	vst v63  }
0x199: {  	_ =	swait.ge [sflag:s4], $0x2800  }
0x19a: {  	[sflag:s4] =	ssyncset.done $0x0  }
0x19b: {  	s17 =	stileid.u32;
	[sflag:s4] =	ssyncadd.s32 $0xFFFFD800  }
0x19c: {  	s17 =	sshll.u32 s17, $0x6;
	[bflag:$0x0] =	sbarrier.arrive $0xFFFF  }
0x19d: {  	s21 =	sshrl.u32 s20, $0x3;
	s17 =	sor.u32 $0x1C03, s17;
	s19 =	rddreg [dreg:$0xe]  }
0x19e: {  	[hbm:s19], [sflag:s17] =	dma.local [spmem:s21], $0x800  }
0x19f: {  	_ =	swait.ge [sflag:s4], $0x800  }
0x1a0: {  	[sflag:s4] =	ssyncset.done $0x0  }
0x1a1: {  	s21 =	rddreg [dreg:$0xf];
	[sflag:s4] =	ssyncadd.s32 $0xFFFFF800  }
0x1a2: {  	[hbm:s21], [sflag:s17] =	dma.local [spmem:s22], $0x800  }
0x1a3: {  	_ =	swait.ge [sflag:s4], $0x800  }
0x1a4: {  	[sflag:s4] =	ssyncset.done $0x0  }
0x1a5: {  	s19 =	rddreg [dreg:$0x10];
	[sflag:s4] =	ssyncadd.s32 $0xFFFFF800  }
0x1a6: {  	[hbm:s19], [sflag:s17] =	dma.local [spmem:s23], $0x800  }
0x1a7: {  	_ =	swait.ge [sflag:s4], $0x800  }
0x1a8: {  	[sflag:s4] =	ssyncset.done $0x0  }
0x1a9: {  	s21 =	rddreg [dreg:$0x11];
	[sflag:s4] =	ssyncadd.s32 $0xFFFFF800  }
0x1aa: {  	[hbm:s21], [sflag:s17] =	dma.local [spmem:s24], $0x800  }
0x1ab: {  	_ =	swait.ge [sflag:s4], $0x800  }
0x1ac: {  	[sflag:s4] =	ssyncset.done $0x0  }
0x1ad: {  	s19 =	rddreg [dreg:$0x12];
	[sflag:s4] =	ssyncadd.s32 $0xFFFFF800  }
0x1ae: {  	[hbm:s19], [sflag:s17] =	dma.local [spmem:s25], $0x800  }
0x1af: {  	_ =	swait.ge [sflag:s4], $0x800  }
0x1b0: {  	s15 =	sadd.s32 $0x1, s15;
	s21 =	rddreg [dreg:$0x13]  }
0x1b1: {  	p0 =	sne.s32 s15, s21  }
.Ltmp6:
0x1b2: {  	_ = 	snop;
	(pc) =	sbr.rel @p0 .LBB2_1-.Ltmp6, $3  }
0x1b3: {  	_ =	sdelay $0x1  }
0x1b4: {  	[sflag:s4] =	ssyncset.done $0x0  }
0x1b5: {  	[sflag:s4] =	ssyncadd.s32 $0xFFFFF800  }
0x1b6: {  	_ =	sfence.sel $0x180000  }
0x1b7: {  	[bflag:$0x0] =	sbarrier.arrive $0xFFFF  }
0x1b8: {  	_ =	strace $0x9000004A  }
0x1b9: {  	s0 =	stileid.u32;
	[bflag:$0x2] =	sbarrier.arrive $0xFFFF  }
0x1ba: {  	p0 =	sne.s32 s0, $0x0;
	s0 =	rddreg [dreg:$0x3]  }
0x1bb: {  	s0 =	sadd.s32 @!p0 $0x100000, s0  }
0x1bc: {  	[sflag:s0] =	ssyncadd.tile.s32 @!p0 $0x1;
	_ =	shalt  }
.Lfunc_end2:
_tile_overlayer_lowered:
.L_overlay_start_2:
0x1bd: {  	(tag) =	ssettag $0x2  }
0x1be: {  	s0 =	rddreg [dreg:$0x0];
	s2 =	stileid.u32  }
0x1bf: {  	s1 =	rddreg [dreg:$0x1];
	p0 =	sne.s32 s2, $0x0  }
0x1c0: {  	s3 =	rddreg [dreg:$0x2];
	[bflag:$0x3] =	sbarrier.arrive $0xFFFF;
	s2 =	simm.s32 @!p0 $0x1C03  }
0x1c1: {  	[timem:s3], [sflag:s2] =	dma.local @!p0 [hbm:s0], s1  }
0x1c2: {  	s0 =	simm.s32 @!p0 $0x3  }
0x1c3: {  	_ =	swait.ge @!p0 [sflag:s0], s1  }
0x1c4: {  	s1 =	ssub.s32 @!p0 $0x0, s1;
	[sflag:s0] =	ssyncset.done @!p0 $0x0  }
0x1c5: {  	[sflag:s0] =	ssyncadd.s32 @!p0 s1  }
0x1c6: {  	[bflag:$0x3] =	sbarrier.arrive $0xFFFF  }
0x1c7: {  	_ =	shalt  }

</sc_bundles>
